<compile_context>
chip_gen: v7x
topology: tpu7x:2x2x1
jax: 0.10.2.dev20260603
libtpu: 0.0.44.dev20260713+nightly
codegen_flags: <defaults>
</compile_context>

<pallas_src>
import functools

import jax
import jax.numpy as jnp
from jax import lax
from jax.experimental import pallas as pl
from jax.experimental.pallas import tpu as pltpu
from jax.experimental.pallas import tpu_sc as plsc

_B, _N = 8, 262144
_LANES = 128
_NH = _N // _LANES
_CH = 64

_NH_SC = 512
_TECS = 32
_SC_NH_PER = _NH_SC // _TECS if _NH_SC else 0
_SC_IT = _SC_NH_PER // 8 if _NH_SC else 0

_P6 = (-0.017414077524383682, 0.08269123711190571, -0.1903543367337465,
       0.3157473167583923, -0.4973732161580652, 0.9998476974962458,
       1.472065011022741e-06)



def _tc_body(lab_ref, lg_ref, w_ref, out_ref, acc_ref):
    i = pl.program_id(0)

    @pl.when(i == 0)
    def _():
        acc_ref[...] = jnp.zeros_like(acc_ref)

    for s in range(_CH // 8):
        l0 = lg_ref[:, pl.Slice(16 * s, 8, 2), :]
        l1 = lg_ref[:, pl.Slice(16 * s + 1, 8, 2), :]
        lab = lab_ref[:, pl.ds(1024 * s, 1024)].reshape(_B, 8, _LANES)
        w = w_ref[:, pl.ds(1024 * s, 1024)].reshape(_B, 8, _LANES)
        d = l1 - l0
        sp = jnp.log1p(jnp.exp(-jnp.abs(d)))
        ce = jnp.maximum(d, 0.0) - lab.astype(jnp.float32) * d + sp
        wm = jnp.where(lab != -1, w, 0.0)
        acc_ref[...] += jnp.sum(ce * wm, axis=1)

    @pl.when(i == pl.num_programs(0) - 1)
    def _():
        out_ref[0, 0] = jnp.sum(acc_ref[...])


def _tc_part(rpn_labels, lg_v, rpn_label_weights):
    off = _NH_SC // _CH
    grid = ((_NH - _NH_SC) // _CH,)
    out = pl.pallas_call(
        _tc_body,
        grid=grid,
        in_specs=[
            pl.BlockSpec((_B, _CH * _LANES), lambda i: (0, i + off)),
            pl.BlockSpec((_B, 2 * _CH, _LANES), lambda i: (0, i + off, 0)),
            pl.BlockSpec((_B, _CH * _LANES), lambda i: (0, i + off)),
        ],
        out_specs=pl.BlockSpec(memory_space=pltpu.SMEM),
        out_shape=jax.ShapeDtypeStruct((1, 1), jnp.float32),
        scratch_shapes=[pltpu.VMEM((_B, _LANES), jnp.float32)],
    )(rpn_labels, lg_v, rpn_label_weights)
    return out[0, 0]



def _sc_fire(lab_hbm, lg_hbm, w_hbm, labd, lgd, wd, sem, nh0):
    hs = [pltpu.async_copy(lab_hbm.at[pl.ds(nh0 * 8, 64)], labd, sem),
          pltpu.async_copy(w_hbm.at[pl.ds(nh0 * 8, 64)], wd, sem)]
    for b in range(8):
        hs.append(pltpu.async_copy(lg_hbm.at[b, pl.ds(nh0 * 2, 16)],
                                   lgd.at[b], sem))
    return hs


def _sc_body(lab_hbm, lg_hbm, w_hbm, out_hbm,
             labb, lgb, wb, acc, sem0, sem1, osem):
    wid = lax.axis_index("c") * 16 + lax.axis_index("s")
    nh_base = wid * _SC_NH_PER
    sems = (sem0, sem1)

    def compute(labB, lgB, wB, accs):
        def trip(i, accs):
            nh = lax.shift_right_logical(i, 3)
            b = lax.bitwise_and(i, 7)
            row = i
            outs = []
            for k in range(8):
                lo = lgB[b, 2 * nh, pl.ds(k * 16, 16)]
                l1 = lgB[b, 2 * nh + 1, pl.ds(k * 16, 16)]
                lv = labB[row, pl.ds(k * 16, 16)]
                wv = wB[row, pl.ds(k * 16, 16)]
                d = l1 - lo
                nd = -d
                y = jnp.exp(jnp.minimum(d, nd))
                sp = jnp.float32(_P6[0])
                for c in _P6[1:]:
                    sp = sp * y + jnp.float32(c)
                s = jnp.where(lv == 1, nd, d)
                ce = jnp.maximum(s, 0.0) + sp
                wm = jnp.where(lv != -1, wv, 0.0)
                outs.append(accs[k] + ce * wm)
            return tuple(outs)
        return lax.fori_loop(0, 64, trip, accs)

    accs = tuple(jnp.zeros((16,), jnp.float32) for _ in range(8))
    handles = _sc_fire(lab_hbm, lg_hbm, w_hbm,
                       labb.at[0], lgb.at[0], wb.at[0], sems[0], nh_base)
    for it in range(_SC_IT):
        cur = it % 2
        nxt = None
        if it + 1 < _SC_IT:
            nb = (it + 1) % 2
            nxt = _sc_fire(lab_hbm, lg_hbm, w_hbm,
                           labb.at[nb], lgb.at[nb], wb.at[nb], sems[nb],
                           nh_base + (it + 1) * 8)
        for h in handles:
            h.wait()
        accs = compute(labb.at[cur], lgb.at[cur], wb.at[cur], accs)
        handles = nxt

    t01 = accs[0] + accs[1]
    t23 = accs[2] + accs[3]
    t45 = accs[4] + accs[5]
    t67 = accs[6] + accs[7]
    acc[...] = (t01 + t23) + (t45 + t67)
    pltpu.async_copy(acc, out_hbm.at[pl.ds(wid * 16, 16)], osem).wait()


def _sc_part(lab_sc, lg_sc, w_sc):
    kern = pl.kernel(
        _sc_body,
        out_type=jax.ShapeDtypeStruct((_TECS * 16,), jnp.float32),
        mesh=plsc.VectorSubcoreMesh(core_axis_name="c", subcore_axis_name="s"),
        scratch_types=[
            pltpu.VMEM((2, 64, 128), jnp.int32),
            pltpu.VMEM((2, 8, 16, 128), jnp.float32),
            pltpu.VMEM((2, 64, 128), jnp.float32),
            pltpu.VMEM((16,), jnp.float32),
            pltpu.SemaphoreType.DMA,
            pltpu.SemaphoreType.DMA,
            pltpu.SemaphoreType.DMA,
        ],
    )
    return jnp.sum(kern(lab_sc, lg_sc, w_sc))



def kernel(rpn_labels, rpn_class_logits, rpn_label_weights):
    lg_v = rpn_class_logits.reshape(_B, _NH, _LANES, 2)
    lg_v = lg_v.transpose(0, 1, 3, 2).reshape(_B, 2 * _NH, _LANES)

    parts = []
    if _NH_SC > 0:
        lab_sc = rpn_labels.reshape(_B, _NH, _LANES)
        lab_sc = lab_sc.transpose(1, 0, 2).reshape(_NH * _B, _LANES)
        w_sc = rpn_label_weights.reshape(_B, _NH, _LANES)
        w_sc = w_sc.transpose(1, 0, 2).reshape(_NH * _B, _LANES)
        parts.append(_sc_part(lab_sc, lg_v, w_sc))
    if _NH_SC < _NH:
        parts.append(_tc_part(rpn_labels, lg_v, rpn_label_weights))
    return functools.reduce(jnp.add, parts)

# --- scband reference (transcript-rebuilt; emitter-appended) ---
"""Pipeline reference for scband-rpnclass-loss-30992484008087 (READ-ONLY COPY).

The authoritative reference and input builder live on the scoring server;
editing this copy changes nothing except your own understanding.
"""

import jax, jax.numpy as jnp
import numpy as np


def setup_inputs(seed: int = 0) -> dict:
    key = jax.random.key(seed)
    k1, k2, k3 = jax.random.split(key, 3)
    B, N, C = 8, 262144, 2
    rpn_labels = jax.random.randint(k1, (B, N), 0, 2, dtype=jnp.int32)
    rpn_class_logits = jax.random.normal(k2, (B, N, C), dtype=jnp.float32)
    rpn_label_weights = jax.random.uniform(k3, (B, N), dtype=jnp.float32)
    return {
        "rpn_labels": rpn_labels,
        "rpn_class_logits": rpn_class_logits,
        "rpn_label_weights": rpn_label_weights,
    }


def reference(rpn_labels, rpn_class_logits, rpn_label_weights):
    # tf.where(labels != -1) + gather_nd selects valid anchors; equivalent to a
    # fixed-shape masked reduction (mask zeroes out ignored anchors).
    mask = (rpn_labels != -1)
    labels_safe = jnp.where(mask, rpn_labels, 0)
    # SparseCategoricalCrossentropy(from_logits=True): ce = -log_softmax(logits)[label]
    logp = jax.nn.log_softmax(rpn_class_logits, axis=-1)
    ce = -jnp.take_along_axis(logp, labels_safe[..., None].astype(jnp.int32), axis=-1)[..., 0]
    # sample_weight multiplies per-element loss; Reduction.NONE then reduce_sum
    loss = jnp.sum(ce * rpn_label_weights * mask.astype(ce.dtype))
    return loss

if __name__ == "__main__":
    import jax
    _d = setup_inputs()
    print(jax.jit(kernel)(*tuple(_d.values())))

</pallas_src>

<mosaic_0001>
#map = affine_map<(d0, d1) -> (0, 0)>
#map1 = affine_map<(d0, d1) -> (0, 0, 0)>
#map2 = affine_map<(d0, d1) -> (0)>
module attributes {stable_mosaic.version = 14 : i64} {
  func.func @_sc_body(%arg0: i32, %arg1: i32, %arg2: memref<16384x128xi32, #tpu.memory_space<hbm>>, %arg3: memref<8x4096x128xf32, #tpu.memory_space<hbm>>, %arg4: memref<16384x128xf32, #tpu.memory_space<hbm>>, %arg5: memref<512xf32, #tpu.memory_space<hbm>>, %arg6: memref<2x64x128xi32, #tpu.memory_space<vmem>>, %arg7: memref<2x8x16x128xf32, #tpu.memory_space<vmem>>, %arg8: memref<2x64x128xf32, #tpu.memory_space<vmem>>, %arg9: memref<16xf32, #tpu.memory_space<vmem>>, %arg10: memref<!tpu.dma_semaphore, #tpu.memory_space<semaphore_mem>>, %arg11: memref<!tpu.dma_semaphore, #tpu.memory_space<semaphore_mem>>, %arg12: memref<!tpu.dma_semaphore, #tpu.memory_space<semaphore_mem>>) attributes {dimension_semantics = [#tpu.dimension_semantics<core_parallel>, #tpu.dimension_semantics<subcore_parallel>], iteration_bounds = array<i64: 2, 16>, scalar_prefetch = 0 : i64, scratch_operands = 7 : i64, tpu.core_type = #tpu.core_type<sc_vector_subcore>, window_params = [{transform_indices = #map}, {transform_indices = #map1}, {transform_indices = #map}, {transform_indices = #map2}]} {
    %mul3A = arith.constant 16 : i32
    %mul3A_0 = arith.muli %arg0, %mul3A : i32
    %add3A = arith.addi %mul3A_0, %arg1 : i32
    %mul3A_1 = arith.constant 16 : i32
    %mul3A_2 = arith.muli %add3A, %mul3A_1 : i32
    %broadcast_in_dim3A = arith.constant 0.000000e+00 : f32
    %broadcast_in_dim3A_3 = vector.broadcast %broadcast_in_dim3A : f32 to vector<16xf32>
    %broadcast_in_dim3A_4 = arith.constant 0.000000e+00 : f32
    %broadcast_in_dim3A_5 = vector.broadcast %broadcast_in_dim3A_4 : f32 to vector<16xf32>
    %broadcast_in_dim3A_6 = arith.constant 0.000000e+00 : f32
    %broadcast_in_dim3A_7 = vector.broadcast %broadcast_in_dim3A_6 : f32 to vector<16xf32>
    %broadcast_in_dim3A_8 = arith.constant 0.000000e+00 : f32
    %broadcast_in_dim3A_9 = vector.broadcast %broadcast_in_dim3A_8 : f32 to vector<16xf32>
    %broadcast_in_dim3A_10 = arith.constant 0.000000e+00 : f32
    %broadcast_in_dim3A_11 = vector.broadcast %broadcast_in_dim3A_10 : f32 to vector<16xf32>
    %broadcast_in_dim3A_12 = arith.constant 0.000000e+00 : f32
    %broadcast_in_dim3A_13 = vector.broadcast %broadcast_in_dim3A_12 : f32 to vector<16xf32>
    %broadcast_in_dim3A_14 = arith.constant 0.000000e+00 : f32
    %broadcast_in_dim3A_15 = vector.broadcast %broadcast_in_dim3A_14 : f32 to vector<16xf32>
    %broadcast_in_dim3A_16 = arith.constant 0.000000e+00 : f32
    %broadcast_in_dim3A_17 = vector.broadcast %broadcast_in_dim3A_16 : f32 to vector<16xf32>
    %mul3A_18 = arith.constant 8 : i32
    %mul3A_19 = arith.muli %mul3A_2, %mul3A_18 : i32
    %dma_start3A = arith.constant 0 : i32
    %dma_start3A_20 = arith.constant 0 : i32
    %dma_start3A_21 = arith.constant 0 : i32
    %dma_start3A_22 = tpu.memref_slice %arg6[%dma_start3A, %dma_start3A_20, %dma_start3A_21] : memref<2x64x128xi32, #tpu.memory_space<vmem>> -> memref<1x64x128xi32, #tpu.memory_space<vmem>>
    %dma_start3A_23 = tpu.memref_squeeze %dma_start3A_22 : memref<1x64x128xi32, #tpu.memory_space<vmem>> -> memref<64x128xi32, #tpu.memory_space<vmem>>
    %dma_start3A_24 = arith.constant 0 : i32
    %dma_start3A_25 = tpu.memref_slice %arg2[%mul3A_19, %dma_start3A_24] : memref<16384x128xi32, #tpu.memory_space<hbm>> -> memref<64x128xi32, #tpu.memory_space<hbm>>
    %dma_start3A_26 = arith.constant 0 : i32
    %dma_start3A_27 = arith.constant 0 : i32
    %dma_start3A_28 = tpu.memref_slice %arg6[%dma_start3A, %dma_start3A_26, %dma_start3A_27] : memref<2x64x128xi32, #tpu.memory_space<vmem>> -> memref<1x64x128xi32, #tpu.memory_space<vmem>>
    %dma_start3A_29 = tpu.memref_squeeze %dma_start3A_28 : memref<1x64x128xi32, #tpu.memory_space<vmem>> -> memref<64x128xi32, #tpu.memory_space<vmem>>
    %dma_start3A_30 = arith.constant 0 : i32
    %dma_start3A_31 = tpu.memref_slice %arg2[%mul3A_19, %dma_start3A_30] : memref<16384x128xi32, #tpu.memory_space<hbm>> -> memref<64x128xi32, #tpu.memory_space<hbm>>
    tpu.enqueue_dma source(%dma_start3A_31 : memref<64x128xi32, #tpu.memory_space<hbm>>) target(%dma_start3A_29 : memref<64x128xi32, #tpu.memory_space<vmem>>) target_semaphore(%arg10 : memref<!tpu.dma_semaphore, #tpu.memory_space<semaphore_mem>>)
    %mul3A_32 = arith.constant 8 : i32
    %mul3A_33 = arith.muli %mul3A_2, %mul3A_32 : i32
    %dma_start3A_34 = arith.constant 0 : i32
    %dma_start3A_35 = arith.constant 0 : i32
    %dma_start3A_36 = arith.constant 0 : i32
    %dma_start3A_37 = tpu.memref_slice %arg8[%dma_start3A_34, %dma_start3A_35, %dma_start3A_36] : memref<2x64x128xf32, #tpu.memory_space<vmem>> -> memref<1x64x128xf32, #tpu.memory_space<vmem>>
    %dma_start3A_38 = tpu.memref_squeeze %dma_start3A_37 : memref<1x64x128xf32, #tpu.memory_space<vmem>> -> memref<64x128xf32, #tpu.memory_space<vmem>>
    %dma_start3A_39 = arith.constant 0 : i32
    %dma_start3A_40 = tpu.memref_slice %arg4[%mul3A_33, %dma_start3A_39] : memref<16384x128xf32, #tpu.memory_space<hbm>> -> memref<64x128xf32, #tpu.memory_space<hbm>>
    %dma_start3A_41 = arith.constant 0 : i32
    %dma_start3A_42 = arith.constant 0 : i32
    %dma_start3A_43 = tpu.memref_slice %arg8[%dma_start3A_34, %dma_start3A_41, %dma_start3A_42] : memref<2x64x128xf32, #tpu.memory_space<vmem>> -> memref<1x64x128xf32, #tpu.memory_space<vmem>>
    %dma_start3A_44 = tpu.memref_squeeze %dma_start3A_43 : memref<1x64x128xf32, #tpu.memory_space<vmem>> -> memref<64x128xf32, #tpu.memory_space<vmem>>
    %dma_start3A_45 = arith.constant 0 : i32
    %dma_start3A_46 = tpu.memref_slice %arg4[%mul3A_33, %dma_start3A_45] : memref<16384x128xf32, #tpu.memory_space<hbm>> -> memref<64x128xf32, #tpu.memory_space<hbm>>
    tpu.enqueue_dma source(%dma_start3A_46 : memref<64x128xf32, #tpu.memory_space<hbm>>) target(%dma_start3A_44 : memref<64x128xf32, #tpu.memory_space<vmem>>) target_semaphore(%arg10 : memref<!tpu.dma_semaphore, #tpu.memory_space<semaphore_mem>>)
    %mul3A_47 = arith.constant 2 : i32
    %mul3A_48 = arith.muli %mul3A_2, %mul3A_47 : i32
    %dma_start3A_49 = arith.constant 0 : i32
    %dma_start3A_50 = arith.constant 0 : i32
    %dma_start3A_51 = arith.constant 0 : i32
    %dma_start3A_52 = arith.constant 0 : i32
    %dma_start3A_53 = arith.constant 0 : i32
    %dma_start3A_54 = arith.constant 0 : i32
    %dma_start3A_55 = tpu.memref_slice %arg7[%dma_start3A_50, %dma_start3A_52, %dma_start3A_53, %dma_start3A_54] : memref<2x8x16x128xf32, #tpu.memory_space<vmem>> -> memref<1x8x16x128xf32, #tpu.memory_space<vmem>>
    %dma_start3A_56 = tpu.memref_squeeze %dma_start3A_55 : memref<1x8x16x128xf32, #tpu.memory_space<vmem>> -> memref<8x16x128xf32, #tpu.memory_space<vmem>>
    %dma_start3A_57 = arith.constant 0 : i32
    %dma_start3A_58 = arith.constant 0 : i32
    %dma_start3A_59 = tpu.memref_slice %dma_start3A_56[%dma_start3A_51, %dma_start3A_57, %dma_start3A_58] : memref<8x16x128xf32, #tpu.memory_space<vmem>> -> memref<1x16x128xf32, #tpu.memory_space<vmem>>
    %dma_start3A_60 = tpu.memref_squeeze %dma_start3A_59 : memref<1x16x128xf32, #tpu.memory_space<vmem>> -> memref<16x128xf32, #tpu.memory_space<vmem>>
    %dma_start3A_61 = arith.constant 0 : i32
    %dma_start3A_62 = tpu.memref_slice %arg3[%dma_start3A_49, %mul3A_48, %dma_start3A_61] : memref<8x4096x128xf32, #tpu.memory_space<hbm>> -> memref<1x16x128xf32, #tpu.memory_space<hbm>>
    %dma_start3A_63 = tpu.memref_squeeze %dma_start3A_62 : memref<1x16x128xf32, #tpu.memory_space<hbm>> -> memref<16x128xf32, #tpu.memory_space<hbm>>
    %dma_start3A_64 = arith.constant 0 : i32
    %dma_start3A_65 = arith.constant 0 : i32
    %dma_start3A_66 = arith.constant 0 : i32
    %dma_start3A_67 = tpu.memref_slice %arg7[%dma_start3A_50, %dma_start3A_64, %dma_start3A_65, %dma_start3A_66] : memref<2x8x16x128xf32, #tpu.memory_space<vmem>> -> memref<1x8x16x128xf32, #tpu.memory_space<vmem>>
    %dma_start3A_68 = tpu.memref_squeeze %dma_start3A_67 : memref<1x8x16x128xf32, #tpu.memory_space<vmem>> -> memref<8x16x128xf32, #tpu.memory_space<vmem>>
    %dma_start3A_69 = arith.constant 0 : i32
    %dma_start3A_70 = arith.constant 0 : i32
    %dma_start3A_71 = tpu.memref_slice %dma_start3A_68[%dma_start3A_51, %dma_start3A_69, %dma_start3A_70] : memref<8x16x128xf32, #tpu.memory_space<vmem>> -> memref<1x16x128xf32, #tpu.memory_space<vmem>>
    %dma_start3A_72 = tpu.memref_squeeze %dma_start3A_71 : memref<1x16x128xf32, #tpu.memory_space<vmem>> -> memref<16x128xf32, #tpu.memory_space<vmem>>
    %dma_start3A_73 = arith.constant 0 : i32
    %dma_start3A_74 = tpu.memref_slice %arg3[%dma_start3A_49, %mul3A_48, %dma_start3A_73] : memref<8x4096x128xf32, #tpu.memory_space<hbm>> -> memref<1x16x128xf32, #tpu.memory_space<hbm>>
    %dma_start3A_75 = tpu.memref_squeeze %dma_start3A_74 : memref<1x16x128xf32, #tpu.memory_space<hbm>> -> memref<16x128xf32, #tpu.memory_space<hbm>>
    tpu.enqueue_dma source(%dma_start3A_75 : memref<16x128xf32, #tpu.memory_space<hbm>>) target(%dma_start3A_72 : memref<16x128xf32, #tpu.memory_space<vmem>>) target_semaphore(%arg10 : memref<!tpu.dma_semaphore, #tpu.memory_space<semaphore_mem>>)
    %mul3A_76 = arith.constant 2 : i32
    %mul3A_77 = arith.muli %mul3A_2, %mul3A_76 : i32
    %dma_start3A_78 = arith.constant 1 : i32
    %dma_start3A_79 = arith.constant 0 : i32
    %dma_start3A_80 = arith.constant 1 : i32
    %dma_start3A_81 = arith.constant 0 : i32
    %dma_start3A_82 = arith.constant 0 : i32
    %dma_start3A_83 = arith.constant 0 : i32
    %dma_start3A_84 = tpu.memref_slice %arg7[%dma_start3A_79, %dma_start3A_81, %dma_start3A_82, %dma_start3A_83] : memref<2x8x16x128xf32, #tpu.memory_space<vmem>> -> memref<1x8x16x128xf32, #tpu.memory_space<vmem>>
    %dma_start3A_85 = tpu.memref_squeeze %dma_start3A_84 : memref<1x8x16x128xf32, #tpu.memory_space<vmem>> -> memref<8x16x128xf32, #tpu.memory_space<vmem>>
    %dma_start3A_86 = arith.constant 0 : i32
    %dma_start3A_87 = arith.constant 0 : i32
    %dma_start3A_88 = tpu.memref_slice %dma_start3A_85[%dma_start3A_80, %dma_start3A_86, %dma_start3A_87] : memref<8x16x128xf32, #tpu.memory_space<vmem>> -> memref<1x16x128xf32, #tpu.memory_space<vmem>>
    %dma_start3A_89 = tpu.memref_squeeze %dma_start3A_88 : memref<1x16x128xf32, #tpu.memory_space<vmem>> -> memref<16x128xf32, #tpu.memory_space<vmem>>
    %dma_start3A_90 = arith.constant 0 : i32
    %dma_start3A_91 = tpu.memref_slice %arg3[%dma_start3A_78, %mul3A_77, %dma_start3A_90] : memref<8x4096x128xf32, #tpu.memory_space<hbm>> -> memref<1x16x128xf32, #tpu.memory_space<hbm>>
    %dma_start3A_92 = tpu.memref_squeeze %dma_start3A_91 : memref<1x16x128xf32, #tpu.memory_space<hbm>> -> memref<16x128xf32, #tpu.memory_space<hbm>>
    %dma_start3A_93 = arith.constant 0 : i32
    %dma_start3A_94 = arith.constant 0 : i32
    %dma_start3A_95 = arith.constant 0 : i32
    %dma_start3A_96 = tpu.memref_slice %arg7[%dma_start3A_79, %dma_start3A_93, %dma_start3A_94, %dma_start3A_95] : memref<2x8x16x128xf32, #tpu.memory_space<vmem>> -> memref<1x8x16x128xf32, #tpu.memory_space<vmem>>
    %dma_start3A_97 = tpu.memref_squeeze %dma_start3A_96 : memref<1x8x16x128xf32, #tpu.memory_space<vmem>> -> memref<8x16x128xf32, #tpu.memory_space<vmem>>
    %dma_start3A_98 = arith.constant 0 : i32
    %dma_start3A_99 = arith.constant 0 : i32
    %dma_start3A_100 = tpu.memref_slice %dma_start3A_97[%dma_start3A_80, %dma_start3A_98, %dma_start3A_99] : memref<8x16x128xf32, #tpu.memory_space<vmem>> -> memref<1x16x128xf32, #tpu.memory_space<vmem>>
    %dma_start3A_101 = tpu.memref_squeeze %dma_start3A_100 : memref<1x16x128xf32, #tpu.memory_space<vmem>> -> memref<16x128xf32, #tpu.memory_space<vmem>>
    %dma_start3A_102 = arith.constant 0 : i32
    %dma_start3A_103 = tpu.memref_slice %arg3[%dma_start3A_78, %mul3A_77, %dma_start3A_102] : memref<8x4096x128xf32, #tpu.memory_space<hbm>> -> memref<1x16x128xf32, #tpu.memory_space<hbm>>
    %dma_start3A_104 = tpu.memref_squeeze %dma_start3A_103 : memref<1x16x128xf32, #tpu.memory_space<hbm>> -> memref<16x128xf32, #tpu.memory_space<hbm>>
    tpu.enqueue_dma source(%dma_start3A_104 : memref<16x128xf32, #tpu.memory_space<hbm>>) target(%dma_start3A_101 : memref<16x128xf32, #tpu.memory_space<vmem>>) target_semaphore(%arg10 : memref<!tpu.dma_semaphore, #tpu.memory_space<semaphore_mem>>)
    %mul3A_105 = arith.constant 2 : i32
    %mul3A_106 = arith.muli %mul3A_2, %mul3A_105 : i32
    %dma_start3A_107 = arith.constant 2 : i32
    %dma_start3A_108 = arith.constant 0 : i32
    %dma_start3A_109 = arith.constant 2 : i32
    %dma_start3A_110 = arith.constant 0 : i32
    %dma_start3A_111 = arith.constant 0 : i32
    %dma_start3A_112 = arith.constant 0 : i32
    %dma_start3A_113 = tpu.memref_slice %arg7[%dma_start3A_108, %dma_start3A_110, %dma_start3A_111, %dma_start3A_112] : memref<2x8x16x128xf32, #tpu.memory_space<vmem>> -> memref<1x8x16x128xf32, #tpu.memory_space<vmem>>
    %dma_start3A_114 = tpu.memref_squeeze %dma_start3A_113 : memref<1x8x16x128xf32, #tpu.memory_space<vmem>> -> memref<8x16x128xf32, #tpu.memory_space<vmem>>
    %dma_start3A_115 = arith.constant 0 : i32
    %dma_start3A_116 = arith.constant 0 : i32
    %dma_start3A_117 = tpu.memref_slice %dma_start3A_114[%dma_start3A_109, %dma_start3A_115, %dma_start3A_116] : memref<8x16x128xf32, #tpu.memory_space<vmem>> -> memref<1x16x128xf32, #tpu.memory_space<vmem>>
    %dma_start3A_118 = tpu.memref_squeeze %dma_start3A_117 : memref<1x16x128xf32, #tpu.memory_space<vmem>> -> memref<16x128xf32, #tpu.memory_space<vmem>>
    %dma_start3A_119 = arith.constant 0 : i32
    %dma_start3A_120 = tpu.memref_slice %arg3[%dma_start3A_107, %mul3A_106, %dma_start3A_119] : memref<8x4096x128xf32, #tpu.memory_space<hbm>> -> memref<1x16x128xf32, #tpu.memory_space<hbm>>
    %dma_start3A_121 = tpu.memref_squeeze %dma_start3A_120 : memref<1x16x128xf32, #tpu.memory_space<hbm>> -> memref<16x128xf32, #tpu.memory_space<hbm>>
    %dma_start3A_122 = arith.constant 0 : i32
    %dma_start3A_123 = arith.constant 0 : i32
    %dma_start3A_124 = arith.constant 0 : i32
    %dma_start3A_125 = tpu.memref_slice %arg7[%dma_start3A_108, %dma_start3A_122, %dma_start3A_123, %dma_start3A_124] : memref<2x8x16x128xf32, #tpu.memory_space<vmem>> -> memref<1x8x16x128xf32, #tpu.memory_space<vmem>>
    %dma_start3A_126 = tpu.memref_squeeze %dma_start3A_125 : memref<1x8x16x128xf32, #tpu.memory_space<vmem>> -> memref<8x16x128xf32, #tpu.memory_space<vmem>>
    %dma_start3A_127 = arith.constant 0 : i32
    %dma_start3A_128 = arith.constant 0 : i32
    %dma_start3A_129 = tpu.memref_slice %dma_start3A_126[%dma_start3A_109, %dma_start3A_127, %dma_start3A_128] : memref<8x16x128xf32, #tpu.memory_space<vmem>> -> memref<1x16x128xf32, #tpu.memory_space<vmem>>
    %dma_start3A_130 = tpu.memref_squeeze %dma_start3A_129 : memref<1x16x128xf32, #tpu.memory_space<vmem>> -> memref<16x128xf32, #tpu.memory_space<vmem>>
    %dma_start3A_131 = arith.constant 0 : i32
    %dma_start3A_132 = tpu.memref_slice %arg3[%dma_start3A_107, %mul3A_106, %dma_start3A_131] : memref<8x4096x128xf32, #tpu.memory_space<hbm>> -> memref<1x16x128xf32, #tpu.memory_space<hbm>>
    %dma_start3A_133 = tpu.memref_squeeze %dma_start3A_132 : memref<1x16x128xf32, #tpu.memory_space<hbm>> -> memref<16x128xf32, #tpu.memory_space<hbm>>
    tpu.enqueue_dma source(%dma_start3A_133 : memref<16x128xf32, #tpu.memory_space<hbm>>) target(%dma_start3A_130 : memref<16x128xf32, #tpu.memory_space<vmem>>) target_semaphore(%arg10 : memref<!tpu.dma_semaphore, #tpu.memory_space<semaphore_mem>>)
    %mul3A_134 = arith.constant 2 : i32
    %mul3A_135 = arith.muli %mul3A_2, %mul3A_134 : i32
    %dma_start3A_136 = arith.constant 3 : i32
    %dma_start3A_137 = arith.constant 0 : i32
    %dma_start3A_138 = arith.constant 3 : i32
    %dma_start3A_139 = arith.constant 0 : i32
    %dma_start3A_140 = arith.constant 0 : i32
    %dma_start3A_141 = arith.constant 0 : i32
    %dma_start3A_142 = tpu.memref_slice %arg7[%dma_start3A_137, %dma_start3A_139, %dma_start3A_140, %dma_start3A_141] : memref<2x8x16x128xf32, #tpu.memory_space<vmem>> -> memref<1x8x16x128xf32, #tpu.memory_space<vmem>>
    %dma_start3A_143 = tpu.memref_squeeze %dma_start3A_142 : memref<1x8x16x128xf32, #tpu.memory_space<vmem>> -> memref<8x16x128xf32, #tpu.memory_space<vmem>>
    %dma_start3A_144 = arith.constant 0 : i32
    %dma_start3A_145 = arith.constant 0 : i32
    %dma_start3A_146 = tpu.memref_slice %dma_start3A_143[%dma_start3A_138, %dma_start3A_144, %dma_start3A_145] : memref<8x16x128xf32, #tpu.memory_space<vmem>> -> memref<1x16x128xf32, #tpu.memory_space<vmem>>
    %dma_start3A_147 = tpu.memref_squeeze %dma_start3A_146 : memref<1x16x128xf32, #tpu.memory_space<vmem>> -> memref<16x128xf32, #tpu.memory_space<vmem>>
    %dma_start3A_148 = arith.constant 0 : i32
    %dma_start3A_149 = tpu.memref_slice %arg3[%dma_start3A_136, %mul3A_135, %dma_start3A_148] : memref<8x4096x128xf32, #tpu.memory_space<hbm>> -> memref<1x16x128xf32, #tpu.memory_space<hbm>>
    %dma_start3A_150 = tpu.memref_squeeze %dma_start3A_149 : memref<1x16x128xf32, #tpu.memory_space<hbm>> -> memref<16x128xf32, #tpu.memory_space<hbm>>
    %dma_start3A_151 = arith.constant 0 : i32
    %dma_start3A_152 = arith.constant 0 : i32
    %dma_start3A_153 = arith.constant 0 : i32
    %dma_start3A_154 = tpu.memref_slice %arg7[%dma_start3A_137, %dma_start3A_151, %dma_start3A_152, %dma_start3A_153] : memref<2x8x16x128xf32, #tpu.memory_space<vmem>> -> memref<1x8x16x128xf32, #tpu.memory_space<vmem>>
    %dma_start3A_155 = tpu.memref_squeeze %dma_start3A_154 : memref<1x8x16x128xf32, #tpu.memory_space<vmem>> -> memref<8x16x128xf32, #tpu.memory_space<vmem>>
    %dma_start3A_156 = arith.constant 0 : i32
    %dma_start3A_157 = arith.constant 0 : i32
    %dma_start3A_158 = tpu.memref_slice %dma_start3A_155[%dma_start3A_138, %dma_start3A_156, %dma_start3A_157] : memref<8x16x128xf32, #tpu.memory_space<vmem>> -> memref<1x16x128xf32, #tpu.memory_space<vmem>>
    %dma_start3A_159 = tpu.memref_squeeze %dma_start3A_158 : memref<1x16x128xf32, #tpu.memory_space<vmem>> -> memref<16x128xf32, #tpu.memory_space<vmem>>
    %dma_start3A_160 = arith.constant 0 : i32
    %dma_start3A_161 = tpu.memref_slice %arg3[%dma_start3A_136, %mul3A_135, %dma_start3A_160] : memref<8x4096x128xf32, #tpu.memory_space<hbm>> -> memref<1x16x128xf32, #tpu.memory_space<hbm>>
    %dma_start3A_162 = tpu.memref_squeeze %dma_start3A_161 : memref<1x16x128xf32, #tpu.memory_space<hbm>> -> memref<16x128xf32, #tpu.memory_space<hbm>>
    tpu.enqueue_dma source(%dma_start3A_162 : memref<16x128xf32, #tpu.memory_space<hbm>>) target(%dma_start3A_159 : memref<16x128xf32, #tpu.memory_space<vmem>>) target_semaphore(%arg10 : memref<!tpu.dma_semaphore, #tpu.memory_space<semaphore_mem>>)
    %mul3A_163 = arith.constant 2 : i32
    %mul3A_164 = arith.muli %mul3A_2, %mul3A_163 : i32
    %dma_start3A_165 = arith.constant 4 : i32
    %dma_start3A_166 = arith.constant 0 : i32
    %dma_start3A_167 = arith.constant 4 : i32
    %dma_start3A_168 = arith.constant 0 : i32
    %dma_start3A_169 = arith.constant 0 : i32
    %dma_start3A_170 = arith.constant 0 : i32
    %dma_start3A_171 = tpu.memref_slice %arg7[%dma_start3A_166, %dma_start3A_168, %dma_start3A_169, %dma_start3A_170] : memref<2x8x16x128xf32, #tpu.memory_space<vmem>> -> memref<1x8x16x128xf32, #tpu.memory_space<vmem>>
    %dma_start3A_172 = tpu.memref_squeeze %dma_start3A_171 : memref<1x8x16x128xf32, #tpu.memory_space<vmem>> -> memref<8x16x128xf32, #tpu.memory_space<vmem>>
    %dma_start3A_173 = arith.constant 0 : i32
    %dma_start3A_174 = arith.constant 0 : i32
    %dma_start3A_175 = tpu.memref_slice %dma_start3A_172[%dma_start3A_167, %dma_start3A_173, %dma_start3A_174] : memref<8x16x128xf32, #tpu.memory_space<vmem>> -> memref<1x16x128xf32, #tpu.memory_space<vmem>>
    %dma_start3A_176 = tpu.memref_squeeze %dma_start3A_175 : memref<1x16x128xf32, #tpu.memory_space<vmem>> -> memref<16x128xf32, #tpu.memory_space<vmem>>
    %dma_start3A_177 = arith.constant 0 : i32
    %dma_start3A_178 = tpu.memref_slice %arg3[%dma_start3A_165, %mul3A_164, %dma_start3A_177] : memref<8x4096x128xf32, #tpu.memory_space<hbm>> -> memref<1x16x128xf32, #tpu.memory_space<hbm>>
    %dma_start3A_179 = tpu.memref_squeeze %dma_start3A_178 : memref<1x16x128xf32, #tpu.memory_space<hbm>> -> memref<16x128xf32, #tpu.memory_space<hbm>>
    %dma_start3A_180 = arith.constant 0 : i32
    %dma_start3A_181 = arith.constant 0 : i32
    %dma_start3A_182 = arith.constant 0 : i32
    %dma_start3A_183 = tpu.memref_slice %arg7[%dma_start3A_166, %dma_start3A_180, %dma_start3A_181, %dma_start3A_182] : memref<2x8x16x128xf32, #tpu.memory_space<vmem>> -> memref<1x8x16x128xf32, #tpu.memory_space<vmem>>
    %dma_start3A_184 = tpu.memref_squeeze %dma_start3A_183 : memref<1x8x16x128xf32, #tpu.memory_space<vmem>> -> memref<8x16x128xf32, #tpu.memory_space<vmem>>
    %dma_start3A_185 = arith.constant 0 : i32
    %dma_start3A_186 = arith.constant 0 : i32
    %dma_start3A_187 = tpu.memref_slice %dma_start3A_184[%dma_start3A_167, %dma_start3A_185, %dma_start3A_186] : memref<8x16x128xf32, #tpu.memory_space<vmem>> -> memref<1x16x128xf32, #tpu.memory_space<vmem>>
    %dma_start3A_188 = tpu.memref_squeeze %dma_start3A_187 : memref<1x16x128xf32, #tpu.memory_space<vmem>> -> memref<16x128xf32, #tpu.memory_space<vmem>>
    %dma_start3A_189 = arith.constant 0 : i32
    %dma_start3A_190 = tpu.memref_slice %arg3[%dma_start3A_165, %mul3A_164, %dma_start3A_189] : memref<8x4096x128xf32, #tpu.memory_space<hbm>> -> memref<1x16x128xf32, #tpu.memory_space<hbm>>
    %dma_start3A_191 = tpu.memref_squeeze %dma_start3A_190 : memref<1x16x128xf32, #tpu.memory_space<hbm>> -> memref<16x128xf32, #tpu.memory_space<hbm>>
    tpu.enqueue_dma source(%dma_start3A_191 : memref<16x128xf32, #tpu.memory_space<hbm>>) target(%dma_start3A_188 : memref<16x128xf32, #tpu.memory_space<vmem>>) target_semaphore(%arg10 : memref<!tpu.dma_semaphore, #tpu.memory_space<semaphore_mem>>)
    %mul3A_192 = arith.constant 2 : i32
    %mul3A_193 = arith.muli %mul3A_2, %mul3A_192 : i32
    %dma_start3A_194 = arith.constant 5 : i32
    %dma_start3A_195 = arith.constant 0 : i32
    %dma_start3A_196 = arith.constant 5 : i32
    %dma_start3A_197 = arith.constant 0 : i32
    %dma_start3A_198 = arith.constant 0 : i32
    %dma_start3A_199 = arith.constant 0 : i32
    %dma_start3A_200 = tpu.memref_slice %arg7[%dma_start3A_195, %dma_start3A_197, %dma_start3A_198, %dma_start3A_199] : memref<2x8x16x128xf32, #tpu.memory_space<vmem>> -> memref<1x8x16x128xf32, #tpu.memory_space<vmem>>
    %dma_start3A_201 = tpu.memref_squeeze %dma_start3A_200 : memref<1x8x16x128xf32, #tpu.memory_space<vmem>> -> memref<8x16x128xf32, #tpu.memory_space<vmem>>
    %dma_start3A_202 = arith.constant 0 : i32
    %dma_start3A_203 = arith.constant 0 : i32
    %dma_start3A_204 = tpu.memref_slice %dma_start3A_201[%dma_start3A_196, %dma_start3A_202, %dma_start3A_203] : memref<8x16x128xf32, #tpu.memory_space<vmem>> -> memref<1x16x128xf32, #tpu.memory_space<vmem>>
    %dma_start3A_205 = tpu.memref_squeeze %dma_start3A_204 : memref<1x16x128xf32, #tpu.memory_space<vmem>> -> memref<16x128xf32, #tpu.memory_space<vmem>>
    %dma_start3A_206 = arith.constant 0 : i32
    %dma_start3A_207 = tpu.memref_slice %arg3[%dma_start3A_194, %mul3A_193, %dma_start3A_206] : memref<8x4096x128xf32, #tpu.memory_space<hbm>> -> memref<1x16x128xf32, #tpu.memory_space<hbm>>
    %dma_start3A_208 = tpu.memref_squeeze %dma_start3A_207 : memref<1x16x128xf32, #tpu.memory_space<hbm>> -> memref<16x128xf32, #tpu.memory_space<hbm>>
    %dma_start3A_209 = arith.constant 0 : i32
    %dma_start3A_210 = arith.constant 0 : i32
    %dma_start3A_211 = arith.constant 0 : i32
    %dma_start3A_212 = tpu.memref_slice %arg7[%dma_start3A_195, %dma_start3A_209, %dma_start3A_210, %dma_start3A_211] : memref<2x8x16x128xf32, #tpu.memory_space<vmem>> -> memref<1x8x16x128xf32, #tpu.memory_space<vmem>>
    %dma_start3A_213 = tpu.memref_squeeze %dma_start3A_212 : memref<1x8x16x128xf32, #tpu.memory_space<vmem>> -> memref<8x16x128xf32, #tpu.memory_space<vmem>>
    %dma_start3A_214 = arith.constant 0 : i32
    %dma_start3A_215 = arith.constant 0 : i32
    %dma_start3A_216 = tpu.memref_slice %dma_start3A_213[%dma_start3A_196, %dma_start3A_214, %dma_start3A_215] : memref<8x16x128xf32, #tpu.memory_space<vmem>> -> memref<1x16x128xf32, #tpu.memory_space<vmem>>
    %dma_start3A_217 = tpu.memref_squeeze %dma_start3A_216 : memref<1x16x128xf32, #tpu.memory_space<vmem>> -> memref<16x128xf32, #tpu.memory_space<vmem>>
    %dma_start3A_218 = arith.constant 0 : i32
    %dma_start3A_219 = tpu.memref_slice %arg3[%dma_start3A_194, %mul3A_193, %dma_start3A_218] : memref<8x4096x128xf32, #tpu.memory_space<hbm>> -> memref<1x16x128xf32, #tpu.memory_space<hbm>>
    %dma_start3A_220 = tpu.memref_squeeze %dma_start3A_219 : memref<1x16x128xf32, #tpu.memory_space<hbm>> -> memref<16x128xf32, #tpu.memory_space<hbm>>
    tpu.enqueue_dma source(%dma_start3A_220 : memref<16x128xf32, #tpu.memory_space<hbm>>) target(%dma_start3A_217 : memref<16x128xf32, #tpu.memory_space<vmem>>) target_semaphore(%arg10 : memref<!tpu.dma_semaphore, #tpu.memory_space<semaphore_mem>>)
    %mul3A_221 = arith.constant 2 : i32
    %mul3A_222 = arith.muli %mul3A_2, %mul3A_221 : i32
    %dma_start3A_223 = arith.constant 6 : i32
    %dma_start3A_224 = arith.constant 0 : i32
    %dma_start3A_225 = arith.constant 6 : i32
    %dma_start3A_226 = arith.constant 0 : i32
    %dma_start3A_227 = arith.constant 0 : i32
    %dma_start3A_228 = arith.constant 0 : i32
    %dma_start3A_229 = tpu.memref_slice %arg7[%dma_start3A_224, %dma_start3A_226, %dma_start3A_227, %dma_start3A_228] : memref<2x8x16x128xf32, #tpu.memory_space<vmem>> -> memref<1x8x16x128xf32, #tpu.memory_space<vmem>>
    %dma_start3A_230 = tpu.memref_squeeze %dma_start3A_229 : memref<1x8x16x128xf32, #tpu.memory_space<vmem>> -> memref<8x16x128xf32, #tpu.memory_space<vmem>>
    %dma_start3A_231 = arith.constant 0 : i32
    %dma_start3A_232 = arith.constant 0 : i32
    %dma_start3A_233 = tpu.memref_slice %dma_start3A_230[%dma_start3A_225, %dma_start3A_231, %dma_start3A_232] : memref<8x16x128xf32, #tpu.memory_space<vmem>> -> memref<1x16x128xf32, #tpu.memory_space<vmem>>
    %dma_start3A_234 = tpu.memref_squeeze %dma_start3A_233 : memref<1x16x128xf32, #tpu.memory_space<vmem>> -> memref<16x128xf32, #tpu.memory_space<vmem>>
    %dma_start3A_235 = arith.constant 0 : i32
    %dma_start3A_236 = tpu.memref_slice %arg3[%dma_start3A_223, %mul3A_222, %dma_start3A_235] : memref<8x4096x128xf32, #tpu.memory_space<hbm>> -> memref<1x16x128xf32, #tpu.memory_space<hbm>>
    %dma_start3A_237 = tpu.memref_squeeze %dma_start3A_236 : memref<1x16x128xf32, #tpu.memory_space<hbm>> -> memref<16x128xf32, #tpu.memory_space<hbm>>
    %dma_start3A_238 = arith.constant 0 : i32
    %dma_start3A_239 = arith.constant 0 : i32
    %dma_start3A_240 = arith.constant 0 : i32
    %dma_start3A_241 = tpu.memref_slice %arg7[%dma_start3A_224, %dma_start3A_238, %dma_start3A_239, %dma_start3A_240] : memref<2x8x16x128xf32, #tpu.memory_space<vmem>> -> memref<1x8x16x128xf32, #tpu.memory_space<vmem>>
    %dma_start3A_242 = tpu.memref_squeeze %dma_start3A_241 : memref<1x8x16x128xf32, #tpu.memory_space<vmem>> -> memref<8x16x128xf32, #tpu.memory_space<vmem>>
    %dma_start3A_243 = arith.constant 0 : i32
    %dma_start3A_244 = arith.constant 0 : i32
    %dma_start3A_245 = tpu.memref_slice %dma_start3A_242[%dma_start3A_225, %dma_start3A_243, %dma_start3A_244] : memref<8x16x128xf32, #tpu.memory_space<vmem>> -> memref<1x16x128xf32, #tpu.memory_space<vmem>>
    %dma_start3A_246 = tpu.memref_squeeze %dma_start3A_245 : memref<1x16x128xf32, #tpu.memory_space<vmem>> -> memref<16x128xf32, #tpu.memory_space<vmem>>
    %dma_start3A_247 = arith.constant 0 : i32
    %dma_start3A_248 = tpu.memref_slice %arg3[%dma_start3A_223, %mul3A_222, %dma_start3A_247] : memref<8x4096x128xf32, #tpu.memory_space<hbm>> -> memref<1x16x128xf32, #tpu.memory_space<hbm>>
    %dma_start3A_249 = tpu.memref_squeeze %dma_start3A_248 : memref<1x16x128xf32, #tpu.memory_space<hbm>> -> memref<16x128xf32, #tpu.memory_space<hbm>>
    tpu.enqueue_dma source(%dma_start3A_249 : memref<16x128xf32, #tpu.memory_space<hbm>>) target(%dma_start3A_246 : memref<16x128xf32, #tpu.memory_space<vmem>>) target_semaphore(%arg10 : memref<!tpu.dma_semaphore, #tpu.memory_space<semaphore_mem>>)
    %mul3A_250 = arith.constant 2 : i32
    %mul3A_251 = arith.muli %mul3A_2, %mul3A_250 : i32
    %dma_start3A_252 = arith.constant 7 : i32
    %dma_start3A_253 = arith.constant 0 : i32
    %dma_start3A_254 = arith.constant 7 : i32
    %dma_start3A_255 = arith.constant 0 : i32
    %dma_start3A_256 = arith.constant 0 : i32
    %dma_start3A_257 = arith.constant 0 : i32
    %dma_start3A_258 = tpu.memref_slice %arg7[%dma_start3A_253, %dma_start3A_255, %dma_start3A_256, %dma_start3A_257] : memref<2x8x16x128xf32, #tpu.memory_space<vmem>> -> memref<1x8x16x128xf32, #tpu.memory_space<vmem>>
    %dma_start3A_259 = tpu.memref_squeeze %dma_start3A_258 : memref<1x8x16x128xf32, #tpu.memory_space<vmem>> -> memref<8x16x128xf32, #tpu.memory_space<vmem>>
    %dma_start3A_260 = arith.constant 0 : i32
    %dma_start3A_261 = arith.constant 0 : i32
    %dma_start3A_262 = tpu.memref_slice %dma_start3A_259[%dma_start3A_254, %dma_start3A_260, %dma_start3A_261] : memref<8x16x128xf32, #tpu.memory_space<vmem>> -> memref<1x16x128xf32, #tpu.memory_space<vmem>>
    %dma_start3A_263 = tpu.memref_squeeze %dma_start3A_262 : memref<1x16x128xf32, #tpu.memory_space<vmem>> -> memref<16x128xf32, #tpu.memory_space<vmem>>
    %dma_start3A_264 = arith.constant 0 : i32
    %dma_start3A_265 = tpu.memref_slice %arg3[%dma_start3A_252, %mul3A_251, %dma_start3A_264] : memref<8x4096x128xf32, #tpu.memory_space<hbm>> -> memref<1x16x128xf32, #tpu.memory_space<hbm>>
    %dma_start3A_266 = tpu.memref_squeeze %dma_start3A_265 : memref<1x16x128xf32, #tpu.memory_space<hbm>> -> memref<16x128xf32, #tpu.memory_space<hbm>>
    %dma_start3A_267 = arith.constant 0 : i32
    %dma_start3A_268 = arith.constant 0 : i32
    %dma_start3A_269 = arith.constant 0 : i32
    %dma_start3A_270 = tpu.memref_slice %arg7[%dma_start3A_253, %dma_start3A_267, %dma_start3A_268, %dma_start3A_269] : memref<2x8x16x128xf32, #tpu.memory_space<vmem>> -> memref<1x8x16x128xf32, #tpu.memory_space<vmem>>
    %dma_start3A_271 = tpu.memref_squeeze %dma_start3A_270 : memref<1x8x16x128xf32, #tpu.memory_space<vmem>> -> memref<8x16x128xf32, #tpu.memory_space<vmem>>
    %dma_start3A_272 = arith.constant 0 : i32
    %dma_start3A_273 = arith.constant 0 : i32
    %dma_start3A_274 = tpu.memref_slice %dma_start3A_271[%dma_start3A_254, %dma_start3A_272, %dma_start3A_273] : memref<8x16x128xf32, #tpu.memory_space<vmem>> -> memref<1x16x128xf32, #tpu.memory_space<vmem>>
    %dma_start3A_275 = tpu.memref_squeeze %dma_start3A_274 : memref<1x16x128xf32, #tpu.memory_space<vmem>> -> memref<16x128xf32, #tpu.memory_space<vmem>>
    %dma_start3A_276 = arith.constant 0 : i32
    %dma_start3A_277 = tpu.memref_slice %arg3[%dma_start3A_252, %mul3A_251, %dma_start3A_276] : memref<8x4096x128xf32, #tpu.memory_space<hbm>> -> memref<1x16x128xf32, #tpu.memory_space<hbm>>
    %dma_start3A_278 = tpu.memref_squeeze %dma_start3A_277 : memref<1x16x128xf32, #tpu.memory_space<hbm>> -> memref<16x128xf32, #tpu.memory_space<hbm>>
    tpu.enqueue_dma source(%dma_start3A_278 : memref<16x128xf32, #tpu.memory_space<hbm>>) target(%dma_start3A_275 : memref<16x128xf32, #tpu.memory_space<vmem>>) target_semaphore(%arg10 : memref<!tpu.dma_semaphore, #tpu.memory_space<semaphore_mem>>)
    %add3A_279 = arith.constant 8 : i32
    %add3A_280 = arith.addi %mul3A_2, %add3A_279 : i32
    %mul3A_281 = arith.constant 8 : i32
    %mul3A_282 = arith.muli %add3A_280, %mul3A_281 : i32
    %dma_start3A_283 = arith.constant 1 : i32
    %dma_start3A_284 = arith.constant 0 : i32
    %dma_start3A_285 = arith.constant 0 : i32
    %dma_start3A_286 = tpu.memref_slice %arg6[%dma_start3A_283, %dma_start3A_284, %dma_start3A_285] : memref<2x64x128xi32, #tpu.memory_space<vmem>> -> memref<1x64x128xi32, #tpu.memory_space<vmem>>
    %dma_start3A_287 = tpu.memref_squeeze %dma_start3A_286 : memref<1x64x128xi32, #tpu.memory_space<vmem>> -> memref<64x128xi32, #tpu.memory_space<vmem>>
    %dma_start3A_288 = arith.constant 0 : i32
    %dma_start3A_289 = tpu.memref_slice %arg2[%mul3A_282, %dma_start3A_288] : memref<16384x128xi32, #tpu.memory_space<hbm>> -> memref<64x128xi32, #tpu.memory_space<hbm>>
    %dma_start3A_290 = arith.constant 0 : i32
    %dma_start3A_291 = arith.constant 0 : i32
    %dma_start3A_292 = tpu.memref_slice %arg6[%dma_start3A_283, %dma_start3A_290, %dma_start3A_291] : memref<2x64x128xi32, #tpu.memory_space<vmem>> -> memref<1x64x128xi32, #tpu.memory_space<vmem>>
    %dma_start3A_293 = tpu.memref_squeeze %dma_start3A_292 : memref<1x64x128xi32, #tpu.memory_space<vmem>> -> memref<64x128xi32, #tpu.memory_space<vmem>>
    %dma_start3A_294 = arith.constant 0 : i32
    %dma_start3A_295 = tpu.memref_slice %arg2[%mul3A_282, %dma_start3A_294] : memref<16384x128xi32, #tpu.memory_space<hbm>> -> memref<64x128xi32, #tpu.memory_space<hbm>>
    tpu.enqueue_dma source(%dma_start3A_295 : memref<64x128xi32, #tpu.memory_space<hbm>>) target(%dma_start3A_293 : memref<64x128xi32, #tpu.memory_space<vmem>>) target_semaphore(%arg11 : memref<!tpu.dma_semaphore, #tpu.memory_space<semaphore_mem>>)
    %mul3A_296 = arith.constant 8 : i32
    %mul3A_297 = arith.muli %add3A_280, %mul3A_296 : i32
    %dma_start3A_298 = arith.constant 1 : i32
    %dma_start3A_299 = arith.constant 0 : i32
    %dma_start3A_300 = arith.constant 0 : i32
    %dma_start3A_301 = tpu.memref_slice %arg8[%dma_start3A_298, %dma_start3A_299, %dma_start3A_300] : memref<2x64x128xf32, #tpu.memory_space<vmem>> -> memref<1x64x128xf32, #tpu.memory_space<vmem>>
    %dma_start3A_302 = tpu.memref_squeeze %dma_start3A_301 : memref<1x64x128xf32, #tpu.memory_space<vmem>> -> memref<64x128xf32, #tpu.memory_space<vmem>>
    %dma_start3A_303 = arith.constant 0 : i32
    %dma_start3A_304 = tpu.memref_slice %arg4[%mul3A_297, %dma_start3A_303] : memref<16384x128xf32, #tpu.memory_space<hbm>> -> memref<64x128xf32, #tpu.memory_space<hbm>>
    %dma_start3A_305 = arith.constant 0 : i32
    %dma_start3A_306 = arith.constant 0 : i32
    %dma_start3A_307 = tpu.memref_slice %arg8[%dma_start3A_298, %dma_start3A_305, %dma_start3A_306] : memref<2x64x128xf32, #tpu.memory_space<vmem>> -> memref<1x64x128xf32, #tpu.memory_space<vmem>>
    %dma_start3A_308 = tpu.memref_squeeze %dma_start3A_307 : memref<1x64x128xf32, #tpu.memory_space<vmem>> -> memref<64x128xf32, #tpu.memory_space<vmem>>
    %dma_start3A_309 = arith.constant 0 : i32
    %dma_start3A_310 = tpu.memref_slice %arg4[%mul3A_297, %dma_start3A_309] : memref<16384x128xf32, #tpu.memory_space<hbm>> -> memref<64x128xf32, #tpu.memory_space<hbm>>
    tpu.enqueue_dma source(%dma_start3A_310 : memref<64x128xf32, #tpu.memory_space<hbm>>) target(%dma_start3A_308 : memref<64x128xf32, #tpu.memory_space<vmem>>) target_semaphore(%arg11 : memref<!tpu.dma_semaphore, #tpu.memory_space<semaphore_mem>>)
    %mul3A_311 = arith.constant 2 : i32
    %mul3A_312 = arith.muli %add3A_280, %mul3A_311 : i32
    %dma_start3A_313 = arith.constant 0 : i32
    %dma_start3A_314 = arith.constant 1 : i32
    %dma_start3A_315 = arith.constant 0 : i32
    %dma_start3A_316 = arith.constant 0 : i32
    %dma_start3A_317 = arith.constant 0 : i32
    %dma_start3A_318 = arith.constant 0 : i32
    %dma_start3A_319 = tpu.memref_slice %arg7[%dma_start3A_314, %dma_start3A_316, %dma_start3A_317, %dma_start3A_318] : memref<2x8x16x128xf32, #tpu.memory_space<vmem>> -> memref<1x8x16x128xf32, #tpu.memory_space<vmem>>
    %dma_start3A_320 = tpu.memref_squeeze %dma_start3A_319 : memref<1x8x16x128xf32, #tpu.memory_space<vmem>> -> memref<8x16x128xf32, #tpu.memory_space<vmem>>
    %dma_start3A_321 = arith.constant 0 : i32
    %dma_start3A_322 = arith.constant 0 : i32
    %dma_start3A_323 = tpu.memref_slice %dma_start3A_320[%dma_start3A_315, %dma_start3A_321, %dma_start3A_322] : memref<8x16x128xf32, #tpu.memory_space<vmem>> -> memref<1x16x128xf32, #tpu.memory_space<vmem>>
    %dma_start3A_324 = tpu.memref_squeeze %dma_start3A_323 : memref<1x16x128xf32, #tpu.memory_space<vmem>> -> memref<16x128xf32, #tpu.memory_space<vmem>>
    %dma_start3A_325 = arith.constant 0 : i32
    %dma_start3A_326 = tpu.memref_slice %arg3[%dma_start3A_313, %mul3A_312, %dma_start3A_325] : memref<8x4096x128xf32, #tpu.memory_space<hbm>> -> memref<1x16x128xf32, #tpu.memory_space<hbm>>
    %dma_start3A_327 = tpu.memref_squeeze %dma_start3A_326 : memref<1x16x128xf32, #tpu.memory_space<hbm>> -> memref<16x128xf32, #tpu.memory_space<hbm>>
    %dma_start3A_328 = arith.constant 0 : i32
    %dma_start3A_329 = arith.constant 0 : i32
    %dma_start3A_330 = arith.constant 0 : i32
    %dma_start3A_331 = tpu.memref_slice %arg7[%dma_start3A_314, %dma_start3A_328, %dma_start3A_329, %dma_start3A_330] : memref<2x8x16x128xf32, #tpu.memory_space<vmem>> -> memref<1x8x16x128xf32, #tpu.memory_space<vmem>>
    %dma_start3A_332 = tpu.memref_squeeze %dma_start3A_331 : memref<1x8x16x128xf32, #tpu.memory_space<vmem>> -> memref<8x16x128xf32, #tpu.memory_space<vmem>>
    %dma_start3A_333 = arith.constant 0 : i32
    %dma_start3A_334 = arith.constant 0 : i32
    %dma_start3A_335 = tpu.memref_slice %dma_start3A_332[%dma_start3A_315, %dma_start3A_333, %dma_start3A_334] : memref<8x16x128xf32, #tpu.memory_space<vmem>> -> memref<1x16x128xf32, #tpu.memory_space<vmem>>
    %dma_start3A_336 = tpu.memref_squeeze %dma_start3A_335 : memref<1x16x128xf32, #tpu.memory_space<vmem>> -> memref<16x128xf32, #tpu.memory_space<vmem>>
    %dma_start3A_337 = arith.constant 0 : i32
    %dma_start3A_338 = tpu.memref_slice %arg3[%dma_start3A_313, %mul3A_312, %dma_start3A_337] : memref<8x4096x128xf32, #tpu.memory_space<hbm>> -> memref<1x16x128xf32, #tpu.memory_space<hbm>>
    %dma_start3A_339 = tpu.memref_squeeze %dma_start3A_338 : memref<1x16x128xf32, #tpu.memory_space<hbm>> -> memref<16x128xf32, #tpu.memory_space<hbm>>
    tpu.enqueue_dma source(%dma_start3A_339 : memref<16x128xf32, #tpu.memory_space<hbm>>) target(%dma_start3A_336 : memref<16x128xf32, #tpu.memory_space<vmem>>) target_semaphore(%arg11 : memref<!tpu.dma_semaphore, #tpu.memory_space<semaphore_mem>>)
    %mul3A_340 = arith.constant 2 : i32
    %mul3A_341 = arith.muli %add3A_280, %mul3A_340 : i32
    %dma_start3A_342 = arith.constant 1 : i32
    %dma_start3A_343 = arith.constant 1 : i32
    %dma_start3A_344 = arith.constant 1 : i32
    %dma_start3A_345 = arith.constant 0 : i32
    %dma_start3A_346 = arith.constant 0 : i32
    %dma_start3A_347 = arith.constant 0 : i32
    %dma_start3A_348 = tpu.memref_slice %arg7[%dma_start3A_343, %dma_start3A_345, %dma_start3A_346, %dma_start3A_347] : memref<2x8x16x128xf32, #tpu.memory_space<vmem>> -> memref<1x8x16x128xf32, #tpu.memory_space<vmem>>
    %dma_start3A_349 = tpu.memref_squeeze %dma_start3A_348 : memref<1x8x16x128xf32, #tpu.memory_space<vmem>> -> memref<8x16x128xf32, #tpu.memory_space<vmem>>
    %dma_start3A_350 = arith.constant 0 : i32
    %dma_start3A_351 = arith.constant 0 : i32
    %dma_start3A_352 = tpu.memref_slice %dma_start3A_349[%dma_start3A_344, %dma_start3A_350, %dma_start3A_351] : memref<8x16x128xf32, #tpu.memory_space<vmem>> -> memref<1x16x128xf32, #tpu.memory_space<vmem>>
    %dma_start3A_353 = tpu.memref_squeeze %dma_start3A_352 : memref<1x16x128xf32, #tpu.memory_space<vmem>> -> memref<16x128xf32, #tpu.memory_space<vmem>>
    %dma_start3A_354 = arith.constant 0 : i32
    %dma_start3A_355 = tpu.memref_slice %arg3[%dma_start3A_342, %mul3A_341, %dma_start3A_354] : memref<8x4096x128xf32, #tpu.memory_space<hbm>> -> memref<1x16x128xf32, #tpu.memory_space<hbm>>
    %dma_start3A_356 = tpu.memref_squeeze %dma_start3A_355 : memref<1x16x128xf32, #tpu.memory_space<hbm>> -> memref<16x128xf32, #tpu.memory_space<hbm>>
    %dma_start3A_357 = arith.constant 0 : i32
    %dma_start3A_358 = arith.constant 0 : i32
    %dma_start3A_359 = arith.constant 0 : i32
    %dma_start3A_360 = tpu.memref_slice %arg7[%dma_start3A_343, %dma_start3A_357, %dma_start3A_358, %dma_start3A_359] : memref<2x8x16x128xf32, #tpu.memory_space<vmem>> -> memref<1x8x16x128xf32, #tpu.memory_space<vmem>>
    %dma_start3A_361 = tpu.memref_squeeze %dma_start3A_360 : memref<1x8x16x128xf32, #tpu.memory_space<vmem>> -> memref<8x16x128xf32, #tpu.memory_space<vmem>>
    %dma_start3A_362 = arith.constant 0 : i32
    %dma_start3A_363 = arith.constant 0 : i32
    %dma_start3A_364 = tpu.memref_slice %dma_start3A_361[%dma_start3A_344, %dma_start3A_362, %dma_start3A_363] : memref<8x16x128xf32, #tpu.memory_space<vmem>> -> memref<1x16x128xf32, #tpu.memory_space<vmem>>
    %dma_start3A_365 = tpu.memref_squeeze %dma_start3A_364 : memref<1x16x128xf32, #tpu.memory_space<vmem>> -> memref<16x128xf32, #tpu.memory_space<vmem>>
    %dma_start3A_366 = arith.constant 0 : i32
    %dma_start3A_367 = tpu.memref_slice %arg3[%dma_start3A_342, %mul3A_341, %dma_start3A_366] : memref<8x4096x128xf32, #tpu.memory_space<hbm>> -> memref<1x16x128xf32, #tpu.memory_space<hbm>>
    %dma_start3A_368 = tpu.memref_squeeze %dma_start3A_367 : memref<1x16x128xf32, #tpu.memory_space<hbm>> -> memref<16x128xf32, #tpu.memory_space<hbm>>
    tpu.enqueue_dma source(%dma_start3A_368 : memref<16x128xf32, #tpu.memory_space<hbm>>) target(%dma_start3A_365 : memref<16x128xf32, #tpu.memory_space<vmem>>) target_semaphore(%arg11 : memref<!tpu.dma_semaphore, #tpu.memory_space<semaphore_mem>>)
    %mul3A_369 = arith.constant 2 : i32
    %mul3A_370 = arith.muli %add3A_280, %mul3A_369 : i32
    %dma_start3A_371 = arith.constant 2 : i32
    %dma_start3A_372 = arith.constant 1 : i32
    %dma_start3A_373 = arith.constant 2 : i32
    %dma_start3A_374 = arith.constant 0 : i32
    %dma_start3A_375 = arith.constant 0 : i32
    %dma_start3A_376 = arith.constant 0 : i32
    %dma_start3A_377 = tpu.memref_slice %arg7[%dma_start3A_372, %dma_start3A_374, %dma_start3A_375, %dma_start3A_376] : memref<2x8x16x128xf32, #tpu.memory_space<vmem>> -> memref<1x8x16x128xf32, #tpu.memory_space<vmem>>
    %dma_start3A_378 = tpu.memref_squeeze %dma_start3A_377 : memref<1x8x16x128xf32, #tpu.memory_space<vmem>> -> memref<8x16x128xf32, #tpu.memory_space<vmem>>
    %dma_start3A_379 = arith.constant 0 : i32
    %dma_start3A_380 = arith.constant 0 : i32
    %dma_start3A_381 = tpu.memref_slice %dma_start3A_378[%dma_start3A_373, %dma_start3A_379, %dma_start3A_380] : memref<8x16x128xf32, #tpu.memory_space<vmem>> -> memref<1x16x128xf32, #tpu.memory_space<vmem>>
    %dma_start3A_382 = tpu.memref_squeeze %dma_start3A_381 : memref<1x16x128xf32, #tpu.memory_space<vmem>> -> memref<16x128xf32, #tpu.memory_space<vmem>>
    %dma_start3A_383 = arith.constant 0 : i32
    %dma_start3A_384 = tpu.memref_slice %arg3[%dma_start3A_371, %mul3A_370, %dma_start3A_383] : memref<8x4096x128xf32, #tpu.memory_space<hbm>> -> memref<1x16x128xf32, #tpu.memory_space<hbm>>
    %dma_start3A_385 = tpu.memref_squeeze %dma_start3A_384 : memref<1x16x128xf32, #tpu.memory_space<hbm>> -> memref<16x128xf32, #tpu.memory_space<hbm>>
    %dma_start3A_386 = arith.constant 0 : i32
    %dma_start3A_387 = arith.constant 0 : i32
    %dma_start3A_388 = arith.constant 0 : i32
    %dma_start3A_389 = tpu.memref_slice %arg7[%dma_start3A_372, %dma_start3A_386, %dma_start3A_387, %dma_start3A_388] : memref<2x8x16x128xf32, #tpu.memory_space<vmem>> -> memref<1x8x16x128xf32, #tpu.memory_space<vmem>>
    %dma_start3A_390 = tpu.memref_squeeze %dma_start3A_389 : memref<1x8x16x128xf32, #tpu.memory_space<vmem>> -> memref<8x16x128xf32, #tpu.memory_space<vmem>>
    %dma_start3A_391 = arith.constant 0 : i32
    %dma_start3A_392 = arith.constant 0 : i32
    %dma_start3A_393 = tpu.memref_slice %dma_start3A_390[%dma_start3A_373, %dma_start3A_391, %dma_start3A_392] : memref<8x16x128xf32, #tpu.memory_space<vmem>> -> memref<1x16x128xf32, #tpu.memory_space<vmem>>
    %dma_start3A_394 = tpu.memref_squeeze %dma_start3A_393 : memref<1x16x128xf32, #tpu.memory_space<vmem>> -> memref<16x128xf32, #tpu.memory_space<vmem>>
    %dma_start3A_395 = arith.constant 0 : i32
    %dma_start3A_396 = tpu.memref_slice %arg3[%dma_start3A_371, %mul3A_370, %dma_start3A_395] : memref<8x4096x128xf32, #tpu.memory_space<hbm>> -> memref<1x16x128xf32, #tpu.memory_space<hbm>>
    %dma_start3A_397 = tpu.memref_squeeze %dma_start3A_396 : memref<1x16x128xf32, #tpu.memory_space<hbm>> -> memref<16x128xf32, #tpu.memory_space<hbm>>
    tpu.enqueue_dma source(%dma_start3A_397 : memref<16x128xf32, #tpu.memory_space<hbm>>) target(%dma_start3A_394 : memref<16x128xf32, #tpu.memory_space<vmem>>) target_semaphore(%arg11 : memref<!tpu.dma_semaphore, #tpu.memory_space<semaphore_mem>>)
    %mul3A_398 = arith.constant 2 : i32
    %mul3A_399 = arith.muli %add3A_280, %mul3A_398 : i32
    %dma_start3A_400 = arith.constant 3 : i32
    %dma_start3A_401 = arith.constant 1 : i32
    %dma_start3A_402 = arith.constant 3 : i32
    %dma_start3A_403 = arith.constant 0 : i32
    %dma_start3A_404 = arith.constant 0 : i32
    %dma_start3A_405 = arith.constant 0 : i32
    %dma_start3A_406 = tpu.memref_slice %arg7[%dma_start3A_401, %dma_start3A_403, %dma_start3A_404, %dma_start3A_405] : memref<2x8x16x128xf32, #tpu.memory_space<vmem>> -> memref<1x8x16x128xf32, #tpu.memory_space<vmem>>
    %dma_start3A_407 = tpu.memref_squeeze %dma_start3A_406 : memref<1x8x16x128xf32, #tpu.memory_space<vmem>> -> memref<8x16x128xf32, #tpu.memory_space<vmem>>
    %dma_start3A_408 = arith.constant 0 : i32
    %dma_start3A_409 = arith.constant 0 : i32
    %dma_start3A_410 = tpu.memref_slice %dma_start3A_407[%dma_start3A_402, %dma_start3A_408, %dma_start3A_409] : memref<8x16x128xf32, #tpu.memory_space<vmem>> -> memref<1x16x128xf32, #tpu.memory_space<vmem>>
    %dma_start3A_411 = tpu.memref_squeeze %dma_start3A_410 : memref<1x16x128xf32, #tpu.memory_space<vmem>> -> memref<16x128xf32, #tpu.memory_space<vmem>>
    %dma_start3A_412 = arith.constant 0 : i32
    %dma_start3A_413 = tpu.memref_slice %arg3[%dma_start3A_400, %mul3A_399, %dma_start3A_412] : memref<8x4096x128xf32, #tpu.memory_space<hbm>> -> memref<1x16x128xf32, #tpu.memory_space<hbm>>
    %dma_start3A_414 = tpu.memref_squeeze %dma_start3A_413 : memref<1x16x128xf32, #tpu.memory_space<hbm>> -> memref<16x128xf32, #tpu.memory_space<hbm>>
    %dma_start3A_415 = arith.constant 0 : i32
    %dma_start3A_416 = arith.constant 0 : i32
    %dma_start3A_417 = arith.constant 0 : i32
    %dma_start3A_418 = tpu.memref_slice %arg7[%dma_start3A_401, %dma_start3A_415, %dma_start3A_416, %dma_start3A_417] : memref<2x8x16x128xf32, #tpu.memory_space<vmem>> -> memref<1x8x16x128xf32, #tpu.memory_space<vmem>>
    %dma_start3A_419 = tpu.memref_squeeze %dma_start3A_418 : memref<1x8x16x128xf32, #tpu.memory_space<vmem>> -> memref<8x16x128xf32, #tpu.memory_space<vmem>>
    %dma_start3A_420 = arith.constant 0 : i32
    %dma_start3A_421 = arith.constant 0 : i32
    %dma_start3A_422 = tpu.memref_slice %dma_start3A_419[%dma_start3A_402, %dma_start3A_420, %dma_start3A_421] : memref<8x16x128xf32, #tpu.memory_space<vmem>> -> memref<1x16x128xf32, #tpu.memory_space<vmem>>
    %dma_start3A_423 = tpu.memref_squeeze %dma_start3A_422 : memref<1x16x128xf32, #tpu.memory_space<vmem>> -> memref<16x128xf32, #tpu.memory_space<vmem>>
    %dma_start3A_424 = arith.constant 0 : i32
    %dma_start3A_425 = tpu.memref_slice %arg3[%dma_start3A_400, %mul3A_399, %dma_start3A_424] : memref<8x4096x128xf32, #tpu.memory_space<hbm>> -> memref<1x16x128xf32, #tpu.memory_space<hbm>>
    %dma_start3A_426 = tpu.memref_squeeze %dma_start3A_425 : memref<1x16x128xf32, #tpu.memory_space<hbm>> -> memref<16x128xf32, #tpu.memory_space<hbm>>
    tpu.enqueue_dma source(%dma_start3A_426 : memref<16x128xf32, #tpu.memory_space<hbm>>) target(%dma_start3A_423 : memref<16x128xf32, #tpu.memory_space<vmem>>) target_semaphore(%arg11 : memref<!tpu.dma_semaphore, #tpu.memory_space<semaphore_mem>>)
    %mul3A_427 = arith.constant 2 : i32
    %mul3A_428 = arith.muli %add3A_280, %mul3A_427 : i32
    %dma_start3A_429 = arith.constant 4 : i32
    %dma_start3A_430 = arith.constant 1 : i32
    %dma_start3A_431 = arith.constant 4 : i32
    %dma_start3A_432 = arith.constant 0 : i32
    %dma_start3A_433 = arith.constant 0 : i32
    %dma_start3A_434 = arith.constant 0 : i32
    %dma_start3A_435 = tpu.memref_slice %arg7[%dma_start3A_430, %dma_start3A_432, %dma_start3A_433, %dma_start3A_434] : memref<2x8x16x128xf32, #tpu.memory_space<vmem>> -> memref<1x8x16x128xf32, #tpu.memory_space<vmem>>
    %dma_start3A_436 = tpu.memref_squeeze %dma_start3A_435 : memref<1x8x16x128xf32, #tpu.memory_space<vmem>> -> memref<8x16x128xf32, #tpu.memory_space<vmem>>
    %dma_start3A_437 = arith.constant 0 : i32
    %dma_start3A_438 = arith.constant 0 : i32
    %dma_start3A_439 = tpu.memref_slice %dma_start3A_436[%dma_start3A_431, %dma_start3A_437, %dma_start3A_438] : memref<8x16x128xf32, #tpu.memory_space<vmem>> -> memref<1x16x128xf32, #tpu.memory_space<vmem>>
    %dma_start3A_440 = tpu.memref_squeeze %dma_start3A_439 : memref<1x16x128xf32, #tpu.memory_space<vmem>> -> memref<16x128xf32, #tpu.memory_space<vmem>>
    %dma_start3A_441 = arith.constant 0 : i32
    %dma_start3A_442 = tpu.memref_slice %arg3[%dma_start3A_429, %mul3A_428, %dma_start3A_441] : memref<8x4096x128xf32, #tpu.memory_space<hbm>> -> memref<1x16x128xf32, #tpu.memory_space<hbm>>
    %dma_start3A_443 = tpu.memref_squeeze %dma_start3A_442 : memref<1x16x128xf32, #tpu.memory_space<hbm>> -> memref<16x128xf32, #tpu.memory_space<hbm>>
    %dma_start3A_444 = arith.constant 0 : i32
    %dma_start3A_445 = arith.constant 0 : i32
    %dma_start3A_446 = arith.constant 0 : i32
    %dma_start3A_447 = tpu.memref_slice %arg7[%dma_start3A_430, %dma_start3A_444, %dma_start3A_445, %dma_start3A_446] : memref<2x8x16x128xf32, #tpu.memory_space<vmem>> -> memref<1x8x16x128xf32, #tpu.memory_space<vmem>>
    %dma_start3A_448 = tpu.memref_squeeze %dma_start3A_447 : memref<1x8x16x128xf32, #tpu.memory_space<vmem>> -> memref<8x16x128xf32, #tpu.memory_space<vmem>>
    %dma_start3A_449 = arith.constant 0 : i32
    %dma_start3A_450 = arith.constant 0 : i32
    %dma_start3A_451 = tpu.memref_slice %dma_start3A_448[%dma_start3A_431, %dma_start3A_449, %dma_start3A_450] : memref<8x16x128xf32, #tpu.memory_space<vmem>> -> memref<1x16x128xf32, #tpu.memory_space<vmem>>
    %dma_start3A_452 = tpu.memref_squeeze %dma_start3A_451 : memref<1x16x128xf32, #tpu.memory_space<vmem>> -> memref<16x128xf32, #tpu.memory_space<vmem>>
    %dma_start3A_453 = arith.constant 0 : i32
    %dma_start3A_454 = tpu.memref_slice %arg3[%dma_start3A_429, %mul3A_428, %dma_start3A_453] : memref<8x4096x128xf32, #tpu.memory_space<hbm>> -> memref<1x16x128xf32, #tpu.memory_space<hbm>>
    %dma_start3A_455 = tpu.memref_squeeze %dma_start3A_454 : memref<1x16x128xf32, #tpu.memory_space<hbm>> -> memref<16x128xf32, #tpu.memory_space<hbm>>
    tpu.enqueue_dma source(%dma_start3A_455 : memref<16x128xf32, #tpu.memory_space<hbm>>) target(%dma_start3A_452 : memref<16x128xf32, #tpu.memory_space<vmem>>) target_semaphore(%arg11 : memref<!tpu.dma_semaphore, #tpu.memory_space<semaphore_mem>>)
    %mul3A_456 = arith.constant 2 : i32
    %mul3A_457 = arith.muli %add3A_280, %mul3A_456 : i32
    %dma_start3A_458 = arith.constant 5 : i32
    %dma_start3A_459 = arith.constant 1 : i32
    %dma_start3A_460 = arith.constant 5 : i32
    %dma_start3A_461 = arith.constant 0 : i32
    %dma_start3A_462 = arith.constant 0 : i32
    %dma_start3A_463 = arith.constant 0 : i32
    %dma_start3A_464 = tpu.memref_slice %arg7[%dma_start3A_459, %dma_start3A_461, %dma_start3A_462, %dma_start3A_463] : memref<2x8x16x128xf32, #tpu.memory_space<vmem>> -> memref<1x8x16x128xf32, #tpu.memory_space<vmem>>
    %dma_start3A_465 = tpu.memref_squeeze %dma_start3A_464 : memref<1x8x16x128xf32, #tpu.memory_space<vmem>> -> memref<8x16x128xf32, #tpu.memory_space<vmem>>
    %dma_start3A_466 = arith.constant 0 : i32
    %dma_start3A_467 = arith.constant 0 : i32
    %dma_start3A_468 = tpu.memref_slice %dma_start3A_465[%dma_start3A_460, %dma_start3A_466, %dma_start3A_467] : memref<8x16x128xf32, #tpu.memory_space<vmem>> -> memref<1x16x128xf32, #tpu.memory_space<vmem>>
    %dma_start3A_469 = tpu.memref_squeeze %dma_start3A_468 : memref<1x16x128xf32, #tpu.memory_space<vmem>> -> memref<16x128xf32, #tpu.memory_space<vmem>>
    %dma_start3A_470 = arith.constant 0 : i32
    %dma_start3A_471 = tpu.memref_slice %arg3[%dma_start3A_458, %mul3A_457, %dma_start3A_470] : memref<8x4096x128xf32, #tpu.memory_space<hbm>> -> memref<1x16x128xf32, #tpu.memory_space<hbm>>
    %dma_start3A_472 = tpu.memref_squeeze %dma_start3A_471 : memref<1x16x128xf32, #tpu.memory_space<hbm>> -> memref<16x128xf32, #tpu.memory_space<hbm>>
    %dma_start3A_473 = arith.constant 0 : i32
    %dma_start3A_474 = arith.constant 0 : i32
    %dma_start3A_475 = arith.constant 0 : i32
    %dma_start3A_476 = tpu.memref_slice %arg7[%dma_start3A_459, %dma_start3A_473, %dma_start3A_474, %dma_start3A_475] : memref<2x8x16x128xf32, #tpu.memory_space<vmem>> -> memref<1x8x16x128xf32, #tpu.memory_space<vmem>>
    %dma_start3A_477 = tpu.memref_squeeze %dma_start3A_476 : memref<1x8x16x128xf32, #tpu.memory_space<vmem>> -> memref<8x16x128xf32, #tpu.memory_space<vmem>>
    %dma_start3A_478 = arith.constant 0 : i32
    %dma_start3A_479 = arith.constant 0 : i32
    %dma_start3A_480 = tpu.memref_slice %dma_start3A_477[%dma_start3A_460, %dma_start3A_478, %dma_start3A_479] : memref<8x16x128xf32, #tpu.memory_space<vmem>> -> memref<1x16x128xf32, #tpu.memory_space<vmem>>
    %dma_start3A_481 = tpu.memref_squeeze %dma_start3A_480 : memref<1x16x128xf32, #tpu.memory_space<vmem>> -> memref<16x128xf32, #tpu.memory_space<vmem>>
    %dma_start3A_482 = arith.constant 0 : i32
    %dma_start3A_483 = tpu.memref_slice %arg3[%dma_start3A_458, %mul3A_457, %dma_start3A_482] : memref<8x4096x128xf32, #tpu.memory_space<hbm>> -> memref<1x16x128xf32, #tpu.memory_space<hbm>>
    %dma_start3A_484 = tpu.memref_squeeze %dma_start3A_483 : memref<1x16x128xf32, #tpu.memory_space<hbm>> -> memref<16x128xf32, #tpu.memory_space<hbm>>
    tpu.enqueue_dma source(%dma_start3A_484 : memref<16x128xf32, #tpu.memory_space<hbm>>) target(%dma_start3A_481 : memref<16x128xf32, #tpu.memory_space<vmem>>) target_semaphore(%arg11 : memref<!tpu.dma_semaphore, #tpu.memory_space<semaphore_mem>>)
    %mul3A_485 = arith.constant 2 : i32
    %mul3A_486 = arith.muli %add3A_280, %mul3A_485 : i32
    %dma_start3A_487 = arith.constant 6 : i32
    %dma_start3A_488 = arith.constant 1 : i32
    %dma_start3A_489 = arith.constant 6 : i32
    %dma_start3A_490 = arith.constant 0 : i32
    %dma_start3A_491 = arith.constant 0 : i32
    %dma_start3A_492 = arith.constant 0 : i32
    %dma_start3A_493 = tpu.memref_slice %arg7[%dma_start3A_488, %dma_start3A_490, %dma_start3A_491, %dma_start3A_492] : memref<2x8x16x128xf32, #tpu.memory_space<vmem>> -> memref<1x8x16x128xf32, #tpu.memory_space<vmem>>
    %dma_start3A_494 = tpu.memref_squeeze %dma_start3A_493 : memref<1x8x16x128xf32, #tpu.memory_space<vmem>> -> memref<8x16x128xf32, #tpu.memory_space<vmem>>
    %dma_start3A_495 = arith.constant 0 : i32
    %dma_start3A_496 = arith.constant 0 : i32
    %dma_start3A_497 = tpu.memref_slice %dma_start3A_494[%dma_start3A_489, %dma_start3A_495, %dma_start3A_496] : memref<8x16x128xf32, #tpu.memory_space<vmem>> -> memref<1x16x128xf32, #tpu.memory_space<vmem>>
    %dma_start3A_498 = tpu.memref_squeeze %dma_start3A_497 : memref<1x16x128xf32, #tpu.memory_space<vmem>> -> memref<16x128xf32, #tpu.memory_space<vmem>>
    %dma_start3A_499 = arith.constant 0 : i32
    %dma_start3A_500 = tpu.memref_slice %arg3[%dma_start3A_487, %mul3A_486, %dma_start3A_499] : memref<8x4096x128xf32, #tpu.memory_space<hbm>> -> memref<1x16x128xf32, #tpu.memory_space<hbm>>
    %dma_start3A_501 = tpu.memref_squeeze %dma_start3A_500 : memref<1x16x128xf32, #tpu.memory_space<hbm>> -> memref<16x128xf32, #tpu.memory_space<hbm>>
    %dma_start3A_502 = arith.constant 0 : i32
    %dma_start3A_503 = arith.constant 0 : i32
    %dma_start3A_504 = arith.constant 0 : i32
    %dma_start3A_505 = tpu.memref_slice %arg7[%dma_start3A_488, %dma_start3A_502, %dma_start3A_503, %dma_start3A_504] : memref<2x8x16x128xf32, #tpu.memory_space<vmem>> -> memref<1x8x16x128xf32, #tpu.memory_space<vmem>>
    %dma_start3A_506 = tpu.memref_squeeze %dma_start3A_505 : memref<1x8x16x128xf32, #tpu.memory_space<vmem>> -> memref<8x16x128xf32, #tpu.memory_space<vmem>>
    %dma_start3A_507 = arith.constant 0 : i32
    %dma_start3A_508 = arith.constant 0 : i32
    %dma_start3A_509 = tpu.memref_slice %dma_start3A_506[%dma_start3A_489, %dma_start3A_507, %dma_start3A_508] : memref<8x16x128xf32, #tpu.memory_space<vmem>> -> memref<1x16x128xf32, #tpu.memory_space<vmem>>
    %dma_start3A_510 = tpu.memref_squeeze %dma_start3A_509 : memref<1x16x128xf32, #tpu.memory_space<vmem>> -> memref<16x128xf32, #tpu.memory_space<vmem>>
    %dma_start3A_511 = arith.constant 0 : i32
    %dma_start3A_512 = tpu.memref_slice %arg3[%dma_start3A_487, %mul3A_486, %dma_start3A_511] : memref<8x4096x128xf32, #tpu.memory_space<hbm>> -> memref<1x16x128xf32, #tpu.memory_space<hbm>>
    %dma_start3A_513 = tpu.memref_squeeze %dma_start3A_512 : memref<1x16x128xf32, #tpu.memory_space<hbm>> -> memref<16x128xf32, #tpu.memory_space<hbm>>
    tpu.enqueue_dma source(%dma_start3A_513 : memref<16x128xf32, #tpu.memory_space<hbm>>) target(%dma_start3A_510 : memref<16x128xf32, #tpu.memory_space<vmem>>) target_semaphore(%arg11 : memref<!tpu.dma_semaphore, #tpu.memory_space<semaphore_mem>>)
    %mul3A_514 = arith.constant 2 : i32
    %mul3A_515 = arith.muli %add3A_280, %mul3A_514 : i32
    %dma_start3A_516 = arith.constant 7 : i32
    %dma_start3A_517 = arith.constant 1 : i32
    %dma_start3A_518 = arith.constant 7 : i32
    %dma_start3A_519 = arith.constant 0 : i32
    %dma_start3A_520 = arith.constant 0 : i32
    %dma_start3A_521 = arith.constant 0 : i32
    %dma_start3A_522 = tpu.memref_slice %arg7[%dma_start3A_517, %dma_start3A_519, %dma_start3A_520, %dma_start3A_521] : memref<2x8x16x128xf32, #tpu.memory_space<vmem>> -> memref<1x8x16x128xf32, #tpu.memory_space<vmem>>
    %dma_start3A_523 = tpu.memref_squeeze %dma_start3A_522 : memref<1x8x16x128xf32, #tpu.memory_space<vmem>> -> memref<8x16x128xf32, #tpu.memory_space<vmem>>
    %dma_start3A_524 = arith.constant 0 : i32
    %dma_start3A_525 = arith.constant 0 : i32
    %dma_start3A_526 = tpu.memref_slice %dma_start3A_523[%dma_start3A_518, %dma_start3A_524, %dma_start3A_525] : memref<8x16x128xf32, #tpu.memory_space<vmem>> -> memref<1x16x128xf32, #tpu.memory_space<vmem>>
    %dma_start3A_527 = tpu.memref_squeeze %dma_start3A_526 : memref<1x16x128xf32, #tpu.memory_space<vmem>> -> memref<16x128xf32, #tpu.memory_space<vmem>>
    %dma_start3A_528 = arith.constant 0 : i32
    %dma_start3A_529 = tpu.memref_slice %arg3[%dma_start3A_516, %mul3A_515, %dma_start3A_528] : memref<8x4096x128xf32, #tpu.memory_space<hbm>> -> memref<1x16x128xf32, #tpu.memory_space<hbm>>
    %dma_start3A_530 = tpu.memref_squeeze %dma_start3A_529 : memref<1x16x128xf32, #tpu.memory_space<hbm>> -> memref<16x128xf32, #tpu.memory_space<hbm>>
    %dma_start3A_531 = arith.constant 0 : i32
    %dma_start3A_532 = arith.constant 0 : i32
    %dma_start3A_533 = arith.constant 0 : i32
    %dma_start3A_534 = tpu.memref_slice %arg7[%dma_start3A_517, %dma_start3A_531, %dma_start3A_532, %dma_start3A_533] : memref<2x8x16x128xf32, #tpu.memory_space<vmem>> -> memref<1x8x16x128xf32, #tpu.memory_space<vmem>>
    %dma_start3A_535 = tpu.memref_squeeze %dma_start3A_534 : memref<1x8x16x128xf32, #tpu.memory_space<vmem>> -> memref<8x16x128xf32, #tpu.memory_space<vmem>>
    %dma_start3A_536 = arith.constant 0 : i32
    %dma_start3A_537 = arith.constant 0 : i32
    %dma_start3A_538 = tpu.memref_slice %dma_start3A_535[%dma_start3A_518, %dma_start3A_536, %dma_start3A_537] : memref<8x16x128xf32, #tpu.memory_space<vmem>> -> memref<1x16x128xf32, #tpu.memory_space<vmem>>
    %dma_start3A_539 = tpu.memref_squeeze %dma_start3A_538 : memref<1x16x128xf32, #tpu.memory_space<vmem>> -> memref<16x128xf32, #tpu.memory_space<vmem>>
    %dma_start3A_540 = arith.constant 0 : i32
    %dma_start3A_541 = tpu.memref_slice %arg3[%dma_start3A_516, %mul3A_515, %dma_start3A_540] : memref<8x4096x128xf32, #tpu.memory_space<hbm>> -> memref<1x16x128xf32, #tpu.memory_space<hbm>>
    %dma_start3A_542 = tpu.memref_squeeze %dma_start3A_541 : memref<1x16x128xf32, #tpu.memory_space<hbm>> -> memref<16x128xf32, #tpu.memory_space<hbm>>
    tpu.enqueue_dma source(%dma_start3A_542 : memref<16x128xf32, #tpu.memory_space<hbm>>) target(%dma_start3A_539 : memref<16x128xf32, #tpu.memory_space<vmem>>) target_semaphore(%arg11 : memref<!tpu.dma_semaphore, #tpu.memory_space<semaphore_mem>>)
    %dma_wait3A = arith.constant 0 : i32
    %dma_wait3A_543 = arith.constant 0 : i32
    %dma_wait3A_544 = arith.constant 0 : i32
    %dma_wait3A_545 = tpu.memref_slice %arg6[%dma_wait3A, %dma_wait3A_543, %dma_wait3A_544] : memref<2x64x128xi32, #tpu.memory_space<vmem>> -> memref<1x64x128xi32, #tpu.memory_space<vmem>>
    %dma_wait3A_546 = tpu.memref_squeeze %dma_wait3A_545 : memref<1x64x128xi32, #tpu.memory_space<vmem>> -> memref<64x128xi32, #tpu.memory_space<vmem>>
    %dma_wait3A_547 = arith.constant 0 : i32
    %dma_wait3A_548 = tpu.memref_slice %arg2[%mul3A_19, %dma_wait3A_547] : memref<16384x128xi32, #tpu.memory_space<hbm>> -> memref<64x128xi32, #tpu.memory_space<hbm>>
    %dma_wait3A_549 = arith.constant 0 : i32
    %dma_wait3A_550 = arith.constant 0 : i32
    %dma_wait3A_551 = tpu.memref_slice %arg6[%dma_wait3A, %dma_wait3A_549, %dma_wait3A_550] : memref<2x64x128xi32, #tpu.memory_space<vmem>> -> memref<1x64x128xi32, #tpu.memory_space<vmem>>
    %dma_wait3A_552 = tpu.memref_squeeze %dma_wait3A_551 : memref<1x64x128xi32, #tpu.memory_space<vmem>> -> memref<64x128xi32, #tpu.memory_space<vmem>>
    %dma_wait3A_553 = arith.constant 0 : i32
    %dma_wait3A_554 = tpu.memref_slice %arg2[%mul3A_19, %dma_wait3A_553] : memref<16384x128xi32, #tpu.memory_space<hbm>> -> memref<64x128xi32, #tpu.memory_space<hbm>>
    tpu.wait_dma2 semaphore(%arg10 : memref<!tpu.dma_semaphore, #tpu.memory_space<semaphore_mem>>) src(%dma_wait3A_554 : memref<64x128xi32, #tpu.memory_space<hbm>>) dst(%dma_wait3A_552 : memref<64x128xi32, #tpu.memory_space<vmem>>)
    %dma_wait3A_555 = arith.constant 0 : i32
    %dma_wait3A_556 = arith.constant 0 : i32
    %dma_wait3A_557 = arith.constant 0 : i32
    %dma_wait3A_558 = tpu.memref_slice %arg8[%dma_wait3A_555, %dma_wait3A_556, %dma_wait3A_557] : memref<2x64x128xf32, #tpu.memory_space<vmem>> -> memref<1x64x128xf32, #tpu.memory_space<vmem>>
    %dma_wait3A_559 = tpu.memref_squeeze %dma_wait3A_558 : memref<1x64x128xf32, #tpu.memory_space<vmem>> -> memref<64x128xf32, #tpu.memory_space<vmem>>
    %dma_wait3A_560 = arith.constant 0 : i32
    %dma_wait3A_561 = tpu.memref_slice %arg4[%mul3A_33, %dma_wait3A_560] : memref<16384x128xf32, #tpu.memory_space<hbm>> -> memref<64x128xf32, #tpu.memory_space<hbm>>
    %dma_wait3A_562 = arith.constant 0 : i32
    %dma_wait3A_563 = arith.constant 0 : i32
    %dma_wait3A_564 = tpu.memref_slice %arg8[%dma_wait3A_555, %dma_wait3A_562, %dma_wait3A_563] : memref<2x64x128xf32, #tpu.memory_space<vmem>> -> memref<1x64x128xf32, #tpu.memory_space<vmem>>
    %dma_wait3A_565 = tpu.memref_squeeze %dma_wait3A_564 : memref<1x64x128xf32, #tpu.memory_space<vmem>> -> memref<64x128xf32, #tpu.memory_space<vmem>>
    %dma_wait3A_566 = arith.constant 0 : i32
    %dma_wait3A_567 = tpu.memref_slice %arg4[%mul3A_33, %dma_wait3A_566] : memref<16384x128xf32, #tpu.memory_space<hbm>> -> memref<64x128xf32, #tpu.memory_space<hbm>>
    tpu.wait_dma2 semaphore(%arg10 : memref<!tpu.dma_semaphore, #tpu.memory_space<semaphore_mem>>) src(%dma_wait3A_567 : memref<64x128xf32, #tpu.memory_space<hbm>>) dst(%dma_wait3A_565 : memref<64x128xf32, #tpu.memory_space<vmem>>)
    %dma_wait3A_568 = arith.constant 0 : i32
    %dma_wait3A_569 = arith.constant 0 : i32
    %dma_wait3A_570 = arith.constant 0 : i32
    %dma_wait3A_571 = arith.constant 0 : i32
    %dma_wait3A_572 = arith.constant 0 : i32
    %dma_wait3A_573 = arith.constant 0 : i32
    %dma_wait3A_574 = tpu.memref_slice %arg7[%dma_wait3A_569, %dma_wait3A_571, %dma_wait3A_572, %dma_wait3A_573] : memref<2x8x16x128xf32, #tpu.memory_space<vmem>> -> memref<1x8x16x128xf32, #tpu.memory_space<vmem>>
    %dma_wait3A_575 = tpu.memref_squeeze %dma_wait3A_574 : memref<1x8x16x128xf32, #tpu.memory_space<vmem>> -> memref<8x16x128xf32, #tpu.memory_space<vmem>>
    %dma_wait3A_576 = arith.constant 0 : i32
    %dma_wait3A_577 = arith.constant 0 : i32
    %dma_wait3A_578 = tpu.memref_slice %dma_wait3A_575[%dma_wait3A_570, %dma_wait3A_576, %dma_wait3A_577] : memref<8x16x128xf32, #tpu.memory_space<vmem>> -> memref<1x16x128xf32, #tpu.memory_space<vmem>>
    %dma_wait3A_579 = tpu.memref_squeeze %dma_wait3A_578 : memref<1x16x128xf32, #tpu.memory_space<vmem>> -> memref<16x128xf32, #tpu.memory_space<vmem>>
    %dma_wait3A_580 = arith.constant 0 : i32
    %dma_wait3A_581 = tpu.memref_slice %arg3[%dma_wait3A_568, %mul3A_48, %dma_wait3A_580] : memref<8x4096x128xf32, #tpu.memory_space<hbm>> -> memref<1x16x128xf32, #tpu.memory_space<hbm>>
    %dma_wait3A_582 = tpu.memref_squeeze %dma_wait3A_581 : memref<1x16x128xf32, #tpu.memory_space<hbm>> -> memref<16x128xf32, #tpu.memory_space<hbm>>
    %dma_wait3A_583 = arith.constant 0 : i32
    %dma_wait3A_584 = arith.constant 0 : i32
    %dma_wait3A_585 = arith.constant 0 : i32
    %dma_wait3A_586 = tpu.memref_slice %arg7[%dma_wait3A_569, %dma_wait3A_583, %dma_wait3A_584, %dma_wait3A_585] : memref<2x8x16x128xf32, #tpu.memory_space<vmem>> -> memref<1x8x16x128xf32, #tpu.memory_space<vmem>>
    %dma_wait3A_587 = tpu.memref_squeeze %dma_wait3A_586 : memref<1x8x16x128xf32, #tpu.memory_space<vmem>> -> memref<8x16x128xf32, #tpu.memory_space<vmem>>
    %dma_wait3A_588 = arith.constant 0 : i32
    %dma_wait3A_589 = arith.constant 0 : i32
    %dma_wait3A_590 = tpu.memref_slice %dma_wait3A_587[%dma_wait3A_570, %dma_wait3A_588, %dma_wait3A_589] : memref<8x16x128xf32, #tpu.memory_space<vmem>> -> memref<1x16x128xf32, #tpu.memory_space<vmem>>
    %dma_wait3A_591 = tpu.memref_squeeze %dma_wait3A_590 : memref<1x16x128xf32, #tpu.memory_space<vmem>> -> memref<16x128xf32, #tpu.memory_space<vmem>>
    %dma_wait3A_592 = arith.constant 0 : i32
    %dma_wait3A_593 = tpu.memref_slice %arg3[%dma_wait3A_568, %mul3A_48, %dma_wait3A_592] : memref<8x4096x128xf32, #tpu.memory_space<hbm>> -> memref<1x16x128xf32, #tpu.memory_space<hbm>>
    %dma_wait3A_594 = tpu.memref_squeeze %dma_wait3A_593 : memref<1x16x128xf32, #tpu.memory_space<hbm>> -> memref<16x128xf32, #tpu.memory_space<hbm>>
    tpu.wait_dma2 semaphore(%arg10 : memref<!tpu.dma_semaphore, #tpu.memory_space<semaphore_mem>>) src(%dma_wait3A_594 : memref<16x128xf32, #tpu.memory_space<hbm>>) dst(%dma_wait3A_591 : memref<16x128xf32, #tpu.memory_space<vmem>>)
    %dma_wait3A_595 = arith.constant 1 : i32
    %dma_wait3A_596 = arith.constant 0 : i32
    %dma_wait3A_597 = arith.constant 1 : i32
    %dma_wait3A_598 = arith.constant 0 : i32
    %dma_wait3A_599 = arith.constant 0 : i32
    %dma_wait3A_600 = arith.constant 0 : i32
    %dma_wait3A_601 = tpu.memref_slice %arg7[%dma_wait3A_596, %dma_wait3A_598, %dma_wait3A_599, %dma_wait3A_600] : memref<2x8x16x128xf32, #tpu.memory_space<vmem>> -> memref<1x8x16x128xf32, #tpu.memory_space<vmem>>
    %dma_wait3A_602 = tpu.memref_squeeze %dma_wait3A_601 : memref<1x8x16x128xf32, #tpu.memory_space<vmem>> -> memref<8x16x128xf32, #tpu.memory_space<vmem>>
    %dma_wait3A_603 = arith.constant 0 : i32
    %dma_wait3A_604 = arith.constant 0 : i32
    %dma_wait3A_605 = tpu.memref_slice %dma_wait3A_602[%dma_wait3A_597, %dma_wait3A_603, %dma_wait3A_604] : memref<8x16x128xf32, #tpu.memory_space<vmem>> -> memref<1x16x128xf32, #tpu.memory_space<vmem>>
    %dma_wait3A_606 = tpu.memref_squeeze %dma_wait3A_605 : memref<1x16x128xf32, #tpu.memory_space<vmem>> -> memref<16x128xf32, #tpu.memory_space<vmem>>
    %dma_wait3A_607 = arith.constant 0 : i32
    %dma_wait3A_608 = tpu.memref_slice %arg3[%dma_wait3A_595, %mul3A_77, %dma_wait3A_607] : memref<8x4096x128xf32, #tpu.memory_space<hbm>> -> memref<1x16x128xf32, #tpu.memory_space<hbm>>
    %dma_wait3A_609 = tpu.memref_squeeze %dma_wait3A_608 : memref<1x16x128xf32, #tpu.memory_space<hbm>> -> memref<16x128xf32, #tpu.memory_space<hbm>>
    %dma_wait3A_610 = arith.constant 0 : i32
    %dma_wait3A_611 = arith.constant 0 : i32
    %dma_wait3A_612 = arith.constant 0 : i32
    %dma_wait3A_613 = tpu.memref_slice %arg7[%dma_wait3A_596, %dma_wait3A_610, %dma_wait3A_611, %dma_wait3A_612] : memref<2x8x16x128xf32, #tpu.memory_space<vmem>> -> memref<1x8x16x128xf32, #tpu.memory_space<vmem>>
    %dma_wait3A_614 = tpu.memref_squeeze %dma_wait3A_613 : memref<1x8x16x128xf32, #tpu.memory_space<vmem>> -> memref<8x16x128xf32, #tpu.memory_space<vmem>>
    %dma_wait3A_615 = arith.constant 0 : i32
    %dma_wait3A_616 = arith.constant 0 : i32
    %dma_wait3A_617 = tpu.memref_slice %dma_wait3A_614[%dma_wait3A_597, %dma_wait3A_615, %dma_wait3A_616] : memref<8x16x128xf32, #tpu.memory_space<vmem>> -> memref<1x16x128xf32, #tpu.memory_space<vmem>>
    %dma_wait3A_618 = tpu.memref_squeeze %dma_wait3A_617 : memref<1x16x128xf32, #tpu.memory_space<vmem>> -> memref<16x128xf32, #tpu.memory_space<vmem>>
    %dma_wait3A_619 = arith.constant 0 : i32
    %dma_wait3A_620 = tpu.memref_slice %arg3[%dma_wait3A_595, %mul3A_77, %dma_wait3A_619] : memref<8x4096x128xf32, #tpu.memory_space<hbm>> -> memref<1x16x128xf32, #tpu.memory_space<hbm>>
    %dma_wait3A_621 = tpu.memref_squeeze %dma_wait3A_620 : memref<1x16x128xf32, #tpu.memory_space<hbm>> -> memref<16x128xf32, #tpu.memory_space<hbm>>
    tpu.wait_dma2 semaphore(%arg10 : memref<!tpu.dma_semaphore, #tpu.memory_space<semaphore_mem>>) src(%dma_wait3A_621 : memref<16x128xf32, #tpu.memory_space<hbm>>) dst(%dma_wait3A_618 : memref<16x128xf32, #tpu.memory_space<vmem>>)
    %dma_wait3A_622 = arith.constant 2 : i32
    %dma_wait3A_623 = arith.constant 0 : i32
    %dma_wait3A_624 = arith.constant 2 : i32
    %dma_wait3A_625 = arith.constant 0 : i32
    %dma_wait3A_626 = arith.constant 0 : i32
    %dma_wait3A_627 = arith.constant 0 : i32
    %dma_wait3A_628 = tpu.memref_slice %arg7[%dma_wait3A_623, %dma_wait3A_625, %dma_wait3A_626, %dma_wait3A_627] : memref<2x8x16x128xf32, #tpu.memory_space<vmem>> -> memref<1x8x16x128xf32, #tpu.memory_space<vmem>>
    %dma_wait3A_629 = tpu.memref_squeeze %dma_wait3A_628 : memref<1x8x16x128xf32, #tpu.memory_space<vmem>> -> memref<8x16x128xf32, #tpu.memory_space<vmem>>
    %dma_wait3A_630 = arith.constant 0 : i32
    %dma_wait3A_631 = arith.constant 0 : i32
    %dma_wait3A_632 = tpu.memref_slice %dma_wait3A_629[%dma_wait3A_624, %dma_wait3A_630, %dma_wait3A_631] : memref<8x16x128xf32, #tpu.memory_space<vmem>> -> memref<1x16x128xf32, #tpu.memory_space<vmem>>
    %dma_wait3A_633 = tpu.memref_squeeze %dma_wait3A_632 : memref<1x16x128xf32, #tpu.memory_space<vmem>> -> memref<16x128xf32, #tpu.memory_space<vmem>>
    %dma_wait3A_634 = arith.constant 0 : i32
    %dma_wait3A_635 = tpu.memref_slice %arg3[%dma_wait3A_622, %mul3A_106, %dma_wait3A_634] : memref<8x4096x128xf32, #tpu.memory_space<hbm>> -> memref<1x16x128xf32, #tpu.memory_space<hbm>>
    %dma_wait3A_636 = tpu.memref_squeeze %dma_wait3A_635 : memref<1x16x128xf32, #tpu.memory_space<hbm>> -> memref<16x128xf32, #tpu.memory_space<hbm>>
    %dma_wait3A_637 = arith.constant 0 : i32
    %dma_wait3A_638 = arith.constant 0 : i32
    %dma_wait3A_639 = arith.constant 0 : i32
    %dma_wait3A_640 = tpu.memref_slice %arg7[%dma_wait3A_623, %dma_wait3A_637, %dma_wait3A_638, %dma_wait3A_639] : memref<2x8x16x128xf32, #tpu.memory_space<vmem>> -> memref<1x8x16x128xf32, #tpu.memory_space<vmem>>
    %dma_wait3A_641 = tpu.memref_squeeze %dma_wait3A_640 : memref<1x8x16x128xf32, #tpu.memory_space<vmem>> -> memref<8x16x128xf32, #tpu.memory_space<vmem>>
    %dma_wait3A_642 = arith.constant 0 : i32
    %dma_wait3A_643 = arith.constant 0 : i32
    %dma_wait3A_644 = tpu.memref_slice %dma_wait3A_641[%dma_wait3A_624, %dma_wait3A_642, %dma_wait3A_643] : memref<8x16x128xf32, #tpu.memory_space<vmem>> -> memref<1x16x128xf32, #tpu.memory_space<vmem>>
    %dma_wait3A_645 = tpu.memref_squeeze %dma_wait3A_644 : memref<1x16x128xf32, #tpu.memory_space<vmem>> -> memref<16x128xf32, #tpu.memory_space<vmem>>
    %dma_wait3A_646 = arith.constant 0 : i32
    %dma_wait3A_647 = tpu.memref_slice %arg3[%dma_wait3A_622, %mul3A_106, %dma_wait3A_646] : memref<8x4096x128xf32, #tpu.memory_space<hbm>> -> memref<1x16x128xf32, #tpu.memory_space<hbm>>
    %dma_wait3A_648 = tpu.memref_squeeze %dma_wait3A_647 : memref<1x16x128xf32, #tpu.memory_space<hbm>> -> memref<16x128xf32, #tpu.memory_space<hbm>>
    tpu.wait_dma2 semaphore(%arg10 : memref<!tpu.dma_semaphore, #tpu.memory_space<semaphore_mem>>) src(%dma_wait3A_648 : memref<16x128xf32, #tpu.memory_space<hbm>>) dst(%dma_wait3A_645 : memref<16x128xf32, #tpu.memory_space<vmem>>)
    %dma_wait3A_649 = arith.constant 3 : i32
    %dma_wait3A_650 = arith.constant 0 : i32
    %dma_wait3A_651 = arith.constant 3 : i32
    %dma_wait3A_652 = arith.constant 0 : i32
    %dma_wait3A_653 = arith.constant 0 : i32
    %dma_wait3A_654 = arith.constant 0 : i32
    %dma_wait3A_655 = tpu.memref_slice %arg7[%dma_wait3A_650, %dma_wait3A_652, %dma_wait3A_653, %dma_wait3A_654] : memref<2x8x16x128xf32, #tpu.memory_space<vmem>> -> memref<1x8x16x128xf32, #tpu.memory_space<vmem>>
    %dma_wait3A_656 = tpu.memref_squeeze %dma_wait3A_655 : memref<1x8x16x128xf32, #tpu.memory_space<vmem>> -> memref<8x16x128xf32, #tpu.memory_space<vmem>>
    %dma_wait3A_657 = arith.constant 0 : i32
    %dma_wait3A_658 = arith.constant 0 : i32
    %dma_wait3A_659 = tpu.memref_slice %dma_wait3A_656[%dma_wait3A_651, %dma_wait3A_657, %dma_wait3A_658] : memref<8x16x128xf32, #tpu.memory_space<vmem>> -> memref<1x16x128xf32, #tpu.memory_space<vmem>>
    %dma_wait3A_660 = tpu.memref_squeeze %dma_wait3A_659 : memref<1x16x128xf32, #tpu.memory_space<vmem>> -> memref<16x128xf32, #tpu.memory_space<vmem>>
    %dma_wait3A_661 = arith.constant 0 : i32
    %dma_wait3A_662 = tpu.memref_slice %arg3[%dma_wait3A_649, %mul3A_135, %dma_wait3A_661] : memref<8x4096x128xf32, #tpu.memory_space<hbm>> -> memref<1x16x128xf32, #tpu.memory_space<hbm>>
    %dma_wait3A_663 = tpu.memref_squeeze %dma_wait3A_662 : memref<1x16x128xf32, #tpu.memory_space<hbm>> -> memref<16x128xf32, #tpu.memory_space<hbm>>
    %dma_wait3A_664 = arith.constant 0 : i32
    %dma_wait3A_665 = arith.constant 0 : i32
    %dma_wait3A_666 = arith.constant 0 : i32
    %dma_wait3A_667 = tpu.memref_slice %arg7[%dma_wait3A_650, %dma_wait3A_664, %dma_wait3A_665, %dma_wait3A_666] : memref<2x8x16x128xf32, #tpu.memory_space<vmem>> -> memref<1x8x16x128xf32, #tpu.memory_space<vmem>>
    %dma_wait3A_668 = tpu.memref_squeeze %dma_wait3A_667 : memref<1x8x16x128xf32, #tpu.memory_space<vmem>> -> memref<8x16x128xf32, #tpu.memory_space<vmem>>
    %dma_wait3A_669 = arith.constant 0 : i32
    %dma_wait3A_670 = arith.constant 0 : i32
    %dma_wait3A_671 = tpu.memref_slice %dma_wait3A_668[%dma_wait3A_651, %dma_wait3A_669, %dma_wait3A_670] : memref<8x16x128xf32, #tpu.memory_space<vmem>> -> memref<1x16x128xf32, #tpu.memory_space<vmem>>
    %dma_wait3A_672 = tpu.memref_squeeze %dma_wait3A_671 : memref<1x16x128xf32, #tpu.memory_space<vmem>> -> memref<16x128xf32, #tpu.memory_space<vmem>>
    %dma_wait3A_673 = arith.constant 0 : i32
    %dma_wait3A_674 = tpu.memref_slice %arg3[%dma_wait3A_649, %mul3A_135, %dma_wait3A_673] : memref<8x4096x128xf32, #tpu.memory_space<hbm>> -> memref<1x16x128xf32, #tpu.memory_space<hbm>>
    %dma_wait3A_675 = tpu.memref_squeeze %dma_wait3A_674 : memref<1x16x128xf32, #tpu.memory_space<hbm>> -> memref<16x128xf32, #tpu.memory_space<hbm>>
    tpu.wait_dma2 semaphore(%arg10 : memref<!tpu.dma_semaphore, #tpu.memory_space<semaphore_mem>>) src(%dma_wait3A_675 : memref<16x128xf32, #tpu.memory_space<hbm>>) dst(%dma_wait3A_672 : memref<16x128xf32, #tpu.memory_space<vmem>>)
    %dma_wait3A_676 = arith.constant 4 : i32
    %dma_wait3A_677 = arith.constant 0 : i32
    %dma_wait3A_678 = arith.constant 4 : i32
    %dma_wait3A_679 = arith.constant 0 : i32
    %dma_wait3A_680 = arith.constant 0 : i32
    %dma_wait3A_681 = arith.constant 0 : i32
    %dma_wait3A_682 = tpu.memref_slice %arg7[%dma_wait3A_677, %dma_wait3A_679, %dma_wait3A_680, %dma_wait3A_681] : memref<2x8x16x128xf32, #tpu.memory_space<vmem>> -> memref<1x8x16x128xf32, #tpu.memory_space<vmem>>
    %dma_wait3A_683 = tpu.memref_squeeze %dma_wait3A_682 : memref<1x8x16x128xf32, #tpu.memory_space<vmem>> -> memref<8x16x128xf32, #tpu.memory_space<vmem>>
    %dma_wait3A_684 = arith.constant 0 : i32
    %dma_wait3A_685 = arith.constant 0 : i32
    %dma_wait3A_686 = tpu.memref_slice %dma_wait3A_683[%dma_wait3A_678, %dma_wait3A_684, %dma_wait3A_685] : memref<8x16x128xf32, #tpu.memory_space<vmem>> -> memref<1x16x128xf32, #tpu.memory_space<vmem>>
    %dma_wait3A_687 = tpu.memref_squeeze %dma_wait3A_686 : memref<1x16x128xf32, #tpu.memory_space<vmem>> -> memref<16x128xf32, #tpu.memory_space<vmem>>
    %dma_wait3A_688 = arith.constant 0 : i32
    %dma_wait3A_689 = tpu.memref_slice %arg3[%dma_wait3A_676, %mul3A_164, %dma_wait3A_688] : memref<8x4096x128xf32, #tpu.memory_space<hbm>> -> memref<1x16x128xf32, #tpu.memory_space<hbm>>
    %dma_wait3A_690 = tpu.memref_squeeze %dma_wait3A_689 : memref<1x16x128xf32, #tpu.memory_space<hbm>> -> memref<16x128xf32, #tpu.memory_space<hbm>>
    %dma_wait3A_691 = arith.constant 0 : i32
    %dma_wait3A_692 = arith.constant 0 : i32
    %dma_wait3A_693 = arith.constant 0 : i32
    %dma_wait3A_694 = tpu.memref_slice %arg7[%dma_wait3A_677, %dma_wait3A_691, %dma_wait3A_692, %dma_wait3A_693] : memref<2x8x16x128xf32, #tpu.memory_space<vmem>> -> memref<1x8x16x128xf32, #tpu.memory_space<vmem>>
    %dma_wait3A_695 = tpu.memref_squeeze %dma_wait3A_694 : memref<1x8x16x128xf32, #tpu.memory_space<vmem>> -> memref<8x16x128xf32, #tpu.memory_space<vmem>>
    %dma_wait3A_696 = arith.constant 0 : i32
    %dma_wait3A_697 = arith.constant 0 : i32
    %dma_wait3A_698 = tpu.memref_slice %dma_wait3A_695[%dma_wait3A_678, %dma_wait3A_696, %dma_wait3A_697] : memref<8x16x128xf32, #tpu.memory_space<vmem>> -> memref<1x16x128xf32, #tpu.memory_space<vmem>>
    %dma_wait3A_699 = tpu.memref_squeeze %dma_wait3A_698 : memref<1x16x128xf32, #tpu.memory_space<vmem>> -> memref<16x128xf32, #tpu.memory_space<vmem>>
    %dma_wait3A_700 = arith.constant 0 : i32
    %dma_wait3A_701 = tpu.memref_slice %arg3[%dma_wait3A_676, %mul3A_164, %dma_wait3A_700] : memref<8x4096x128xf32, #tpu.memory_space<hbm>> -> memref<1x16x128xf32, #tpu.memory_space<hbm>>
    %dma_wait3A_702 = tpu.memref_squeeze %dma_wait3A_701 : memref<1x16x128xf32, #tpu.memory_space<hbm>> -> memref<16x128xf32, #tpu.memory_space<hbm>>
    tpu.wait_dma2 semaphore(%arg10 : memref<!tpu.dma_semaphore, #tpu.memory_space<semaphore_mem>>) src(%dma_wait3A_702 : memref<16x128xf32, #tpu.memory_space<hbm>>) dst(%dma_wait3A_699 : memref<16x128xf32, #tpu.memory_space<vmem>>)
    %dma_wait3A_703 = arith.constant 5 : i32
    %dma_wait3A_704 = arith.constant 0 : i32
    %dma_wait3A_705 = arith.constant 5 : i32
    %dma_wait3A_706 = arith.constant 0 : i32
    %dma_wait3A_707 = arith.constant 0 : i32
    %dma_wait3A_708 = arith.constant 0 : i32
    %dma_wait3A_709 = tpu.memref_slice %arg7[%dma_wait3A_704, %dma_wait3A_706, %dma_wait3A_707, %dma_wait3A_708] : memref<2x8x16x128xf32, #tpu.memory_space<vmem>> -> memref<1x8x16x128xf32, #tpu.memory_space<vmem>>
    %dma_wait3A_710 = tpu.memref_squeeze %dma_wait3A_709 : memref<1x8x16x128xf32, #tpu.memory_space<vmem>> -> memref<8x16x128xf32, #tpu.memory_space<vmem>>
    %dma_wait3A_711 = arith.constant 0 : i32
    %dma_wait3A_712 = arith.constant 0 : i32
    %dma_wait3A_713 = tpu.memref_slice %dma_wait3A_710[%dma_wait3A_705, %dma_wait3A_711, %dma_wait3A_712] : memref<8x16x128xf32, #tpu.memory_space<vmem>> -> memref<1x16x128xf32, #tpu.memory_space<vmem>>
    %dma_wait3A_714 = tpu.memref_squeeze %dma_wait3A_713 : memref<1x16x128xf32, #tpu.memory_space<vmem>> -> memref<16x128xf32, #tpu.memory_space<vmem>>
    %dma_wait3A_715 = arith.constant 0 : i32
    %dma_wait3A_716 = tpu.memref_slice %arg3[%dma_wait3A_703, %mul3A_193, %dma_wait3A_715] : memref<8x4096x128xf32, #tpu.memory_space<hbm>> -> memref<1x16x128xf32, #tpu.memory_space<hbm>>
    %dma_wait3A_717 = tpu.memref_squeeze %dma_wait3A_716 : memref<1x16x128xf32, #tpu.memory_space<hbm>> -> memref<16x128xf32, #tpu.memory_space<hbm>>
    %dma_wait3A_718 = arith.constant 0 : i32
    %dma_wait3A_719 = arith.constant 0 : i32
    %dma_wait3A_720 = arith.constant 0 : i32
    %dma_wait3A_721 = tpu.memref_slice %arg7[%dma_wait3A_704, %dma_wait3A_718, %dma_wait3A_719, %dma_wait3A_720] : memref<2x8x16x128xf32, #tpu.memory_space<vmem>> -> memref<1x8x16x128xf32, #tpu.memory_space<vmem>>
    %dma_wait3A_722 = tpu.memref_squeeze %dma_wait3A_721 : memref<1x8x16x128xf32, #tpu.memory_space<vmem>> -> memref<8x16x128xf32, #tpu.memory_space<vmem>>
    %dma_wait3A_723 = arith.constant 0 : i32
    %dma_wait3A_724 = arith.constant 0 : i32
    %dma_wait3A_725 = tpu.memref_slice %dma_wait3A_722[%dma_wait3A_705, %dma_wait3A_723, %dma_wait3A_724] : memref<8x16x128xf32, #tpu.memory_space<vmem>> -> memref<1x16x128xf32, #tpu.memory_space<vmem>>
    %dma_wait3A_726 = tpu.memref_squeeze %dma_wait3A_725 : memref<1x16x128xf32, #tpu.memory_space<vmem>> -> memref<16x128xf32, #tpu.memory_space<vmem>>
    %dma_wait3A_727 = arith.constant 0 : i32
    %dma_wait3A_728 = tpu.memref_slice %arg3[%dma_wait3A_703, %mul3A_193, %dma_wait3A_727] : memref<8x4096x128xf32, #tpu.memory_space<hbm>> -> memref<1x16x128xf32, #tpu.memory_space<hbm>>
    %dma_wait3A_729 = tpu.memref_squeeze %dma_wait3A_728 : memref<1x16x128xf32, #tpu.memory_space<hbm>> -> memref<16x128xf32, #tpu.memory_space<hbm>>
    tpu.wait_dma2 semaphore(%arg10 : memref<!tpu.dma_semaphore, #tpu.memory_space<semaphore_mem>>) src(%dma_wait3A_729 : memref<16x128xf32, #tpu.memory_space<hbm>>) dst(%dma_wait3A_726 : memref<16x128xf32, #tpu.memory_space<vmem>>)
    %dma_wait3A_730 = arith.constant 6 : i32
    %dma_wait3A_731 = arith.constant 0 : i32
    %dma_wait3A_732 = arith.constant 6 : i32
    %dma_wait3A_733 = arith.constant 0 : i32
    %dma_wait3A_734 = arith.constant 0 : i32
    %dma_wait3A_735 = arith.constant 0 : i32
    %dma_wait3A_736 = tpu.memref_slice %arg7[%dma_wait3A_731, %dma_wait3A_733, %dma_wait3A_734, %dma_wait3A_735] : memref<2x8x16x128xf32, #tpu.memory_space<vmem>> -> memref<1x8x16x128xf32, #tpu.memory_space<vmem>>
    %dma_wait3A_737 = tpu.memref_squeeze %dma_wait3A_736 : memref<1x8x16x128xf32, #tpu.memory_space<vmem>> -> memref<8x16x128xf32, #tpu.memory_space<vmem>>
    %dma_wait3A_738 = arith.constant 0 : i32
    %dma_wait3A_739 = arith.constant 0 : i32
    %dma_wait3A_740 = tpu.memref_slice %dma_wait3A_737[%dma_wait3A_732, %dma_wait3A_738, %dma_wait3A_739] : memref<8x16x128xf32, #tpu.memory_space<vmem>> -> memref<1x16x128xf32, #tpu.memory_space<vmem>>
    %dma_wait3A_741 = tpu.memref_squeeze %dma_wait3A_740 : memref<1x16x128xf32, #tpu.memory_space<vmem>> -> memref<16x128xf32, #tpu.memory_space<vmem>>
    %dma_wait3A_742 = arith.constant 0 : i32
    %dma_wait3A_743 = tpu.memref_slice %arg3[%dma_wait3A_730, %mul3A_222, %dma_wait3A_742] : memref<8x4096x128xf32, #tpu.memory_space<hbm>> -> memref<1x16x128xf32, #tpu.memory_space<hbm>>
    %dma_wait3A_744 = tpu.memref_squeeze %dma_wait3A_743 : memref<1x16x128xf32, #tpu.memory_space<hbm>> -> memref<16x128xf32, #tpu.memory_space<hbm>>
    %dma_wait3A_745 = arith.constant 0 : i32
    %dma_wait3A_746 = arith.constant 0 : i32
    %dma_wait3A_747 = arith.constant 0 : i32
    %dma_wait3A_748 = tpu.memref_slice %arg7[%dma_wait3A_731, %dma_wait3A_745, %dma_wait3A_746, %dma_wait3A_747] : memref<2x8x16x128xf32, #tpu.memory_space<vmem>> -> memref<1x8x16x128xf32, #tpu.memory_space<vmem>>
    %dma_wait3A_749 = tpu.memref_squeeze %dma_wait3A_748 : memref<1x8x16x128xf32, #tpu.memory_space<vmem>> -> memref<8x16x128xf32, #tpu.memory_space<vmem>>
    %dma_wait3A_750 = arith.constant 0 : i32
    %dma_wait3A_751 = arith.constant 0 : i32
    %dma_wait3A_752 = tpu.memref_slice %dma_wait3A_749[%dma_wait3A_732, %dma_wait3A_750, %dma_wait3A_751] : memref<8x16x128xf32, #tpu.memory_space<vmem>> -> memref<1x16x128xf32, #tpu.memory_space<vmem>>
    %dma_wait3A_753 = tpu.memref_squeeze %dma_wait3A_752 : memref<1x16x128xf32, #tpu.memory_space<vmem>> -> memref<16x128xf32, #tpu.memory_space<vmem>>
    %dma_wait3A_754 = arith.constant 0 : i32
    %dma_wait3A_755 = tpu.memref_slice %arg3[%dma_wait3A_730, %mul3A_222, %dma_wait3A_754] : memref<8x4096x128xf32, #tpu.memory_space<hbm>> -> memref<1x16x128xf32, #tpu.memory_space<hbm>>
    %dma_wait3A_756 = tpu.memref_squeeze %dma_wait3A_755 : memref<1x16x128xf32, #tpu.memory_space<hbm>> -> memref<16x128xf32, #tpu.memory_space<hbm>>
    tpu.wait_dma2 semaphore(%arg10 : memref<!tpu.dma_semaphore, #tpu.memory_space<semaphore_mem>>) src(%dma_wait3A_756 : memref<16x128xf32, #tpu.memory_space<hbm>>) dst(%dma_wait3A_753 : memref<16x128xf32, #tpu.memory_space<vmem>>)
    %dma_wait3A_757 = arith.constant 7 : i32
    %dma_wait3A_758 = arith.constant 0 : i32
    %dma_wait3A_759 = arith.constant 7 : i32
    %dma_wait3A_760 = arith.constant 0 : i32
    %dma_wait3A_761 = arith.constant 0 : i32
    %dma_wait3A_762 = arith.constant 0 : i32
    %dma_wait3A_763 = tpu.memref_slice %arg7[%dma_wait3A_758, %dma_wait3A_760, %dma_wait3A_761, %dma_wait3A_762] : memref<2x8x16x128xf32, #tpu.memory_space<vmem>> -> memref<1x8x16x128xf32, #tpu.memory_space<vmem>>
    %dma_wait3A_764 = tpu.memref_squeeze %dma_wait3A_763 : memref<1x8x16x128xf32, #tpu.memory_space<vmem>> -> memref<8x16x128xf32, #tpu.memory_space<vmem>>
    %dma_wait3A_765 = arith.constant 0 : i32
    %dma_wait3A_766 = arith.constant 0 : i32
    %dma_wait3A_767 = tpu.memref_slice %dma_wait3A_764[%dma_wait3A_759, %dma_wait3A_765, %dma_wait3A_766] : memref<8x16x128xf32, #tpu.memory_space<vmem>> -> memref<1x16x128xf32, #tpu.memory_space<vmem>>
    %dma_wait3A_768 = tpu.memref_squeeze %dma_wait3A_767 : memref<1x16x128xf32, #tpu.memory_space<vmem>> -> memref<16x128xf32, #tpu.memory_space<vmem>>
    %dma_wait3A_769 = arith.constant 0 : i32
    %dma_wait3A_770 = tpu.memref_slice %arg3[%dma_wait3A_757, %mul3A_251, %dma_wait3A_769] : memref<8x4096x128xf32, #tpu.memory_space<hbm>> -> memref<1x16x128xf32, #tpu.memory_space<hbm>>
    %dma_wait3A_771 = tpu.memref_squeeze %dma_wait3A_770 : memref<1x16x128xf32, #tpu.memory_space<hbm>> -> memref<16x128xf32, #tpu.memory_space<hbm>>
    %dma_wait3A_772 = arith.constant 0 : i32
    %dma_wait3A_773 = arith.constant 0 : i32
    %dma_wait3A_774 = arith.constant 0 : i32
    %dma_wait3A_775 = tpu.memref_slice %arg7[%dma_wait3A_758, %dma_wait3A_772, %dma_wait3A_773, %dma_wait3A_774] : memref<2x8x16x128xf32, #tpu.memory_space<vmem>> -> memref<1x8x16x128xf32, #tpu.memory_space<vmem>>
    %dma_wait3A_776 = tpu.memref_squeeze %dma_wait3A_775 : memref<1x8x16x128xf32, #tpu.memory_space<vmem>> -> memref<8x16x128xf32, #tpu.memory_space<vmem>>
    %dma_wait3A_777 = arith.constant 0 : i32
    %dma_wait3A_778 = arith.constant 0 : i32
    %dma_wait3A_779 = tpu.memref_slice %dma_wait3A_776[%dma_wait3A_759, %dma_wait3A_777, %dma_wait3A_778] : memref<8x16x128xf32, #tpu.memory_space<vmem>> -> memref<1x16x128xf32, #tpu.memory_space<vmem>>
    %dma_wait3A_780 = tpu.memref_squeeze %dma_wait3A_779 : memref<1x16x128xf32, #tpu.memory_space<vmem>> -> memref<16x128xf32, #tpu.memory_space<vmem>>
    %dma_wait3A_781 = arith.constant 0 : i32
    %dma_wait3A_782 = tpu.memref_slice %arg3[%dma_wait3A_757, %mul3A_251, %dma_wait3A_781] : memref<8x4096x128xf32, #tpu.memory_space<hbm>> -> memref<1x16x128xf32, #tpu.memory_space<hbm>>
    %dma_wait3A_783 = tpu.memref_squeeze %dma_wait3A_782 : memref<1x16x128xf32, #tpu.memory_space<hbm>> -> memref<16x128xf32, #tpu.memory_space<hbm>>
    tpu.wait_dma2 semaphore(%arg10 : memref<!tpu.dma_semaphore, #tpu.memory_space<semaphore_mem>>) src(%dma_wait3A_783 : memref<16x128xf32, #tpu.memory_space<hbm>>) dst(%dma_wait3A_780 : memref<16x128xf32, #tpu.memory_space<vmem>>)
    %scan3A = arith.constant 0 : i32
    %scan3A_784 = arith.constant 0 : i32
    %scan3A_785 = arith.constant 0 : i32
    %scan3A_786 = arith.constant 0 : i32
    %scan3A_787 = arith.constant 64 : i32
    %scan3A_788 = arith.addi %scan3A_786, %scan3A_787 : i32
    %scan3A_789 = arith.constant 1 : i32
    %scan3A_790:8 = scf.for %scan3A_1059 = %scan3A_786 to %scan3A_788 step %scan3A_789 iter_args(%scan3A_1060 = %broadcast_in_dim3A_3, %scan3A_1061 = %broadcast_in_dim3A_5, %scan3A_1062 = %broadcast_in_dim3A_7, %scan3A_1063 = %broadcast_in_dim3A_9, %scan3A_1064 = %broadcast_in_dim3A_11, %scan3A_1065 = %broadcast_in_dim3A_13, %scan3A_1066 = %broadcast_in_dim3A_15, %scan3A_1067 = %broadcast_in_dim3A_17) -> (vector<16xf32>, vector<16xf32>, vector<16xf32>, vector<16xf32>, vector<16xf32>, vector<16xf32>, vector<16xf32>, vector<16xf32>)  : i32 {
      %shift_right_logical3A = arith.constant 3 : i32
      %shift_right_logical3A_1068 = arith.shrui %scan3A_1059, %shift_right_logical3A : i32
      %and3A = arith.constant 7 : i32
      %and3A_1069 = arith.andi %scan3A_1059, %and3A : i32
      %mul3A_1070 = arith.constant 2 : i32
      %mul3A_1071 = arith.muli %mul3A_1070, %shift_right_logical3A_1068 : i32
      %get3A = arith.constant 0 : i32
      %get3A_1072 = arith.constant 0 : i32
      %get3A_1073 = arith.constant 0 : i32
      %get3A_1074 = tpu.memref_slice %arg7[%scan3A, %get3A, %get3A_1072, %get3A_1073] : memref<2x8x16x128xf32, #tpu.memory_space<vmem>> -> memref<1x8x16x128xf32, #tpu.memory_space<vmem>>
      %get3A_1075 = tpu.memref_squeeze %get3A_1074 : memref<1x8x16x128xf32, #tpu.memory_space<vmem>> -> memref<8x16x128xf32, #tpu.memory_space<vmem>>
      %get3A_1076 = arith.index_cast %and3A_1069 : i32 to index
      %get3A_1077 = arith.index_cast %mul3A_1071 : i32 to index
      %get3A_1078 = arith.constant 0 : index
      %get3A_1079 = tpu.vector_load %get3A_1075[%get3A_1076, %get3A_1077, %get3A_1078] {strides = array<i32>} : memref<8x16x128xf32, #tpu.memory_space<vmem>>, vector<1x1x16xf32>,
      %get3A_1080 = vector.shape_cast %get3A_1079 : vector<1x1x16xf32> to vector<16xf32>
      %mul3A_1081 = arith.constant 2 : i32
      %mul3A_1082 = arith.muli %mul3A_1081, %shift_right_logical3A_1068 : i32
      %add3A_1083 = arith.constant 1 : i32
      %add3A_1084 = arith.addi %mul3A_1082, %add3A_1083 : i32
      %get3A_1085 = arith.constant 0 : i32
      %get3A_1086 = arith.constant 0 : i32
      %get3A_1087 = arith.constant 0 : i32
      %get3A_1088 = tpu.memref_slice %arg7[%scan3A, %get3A_1085, %get3A_1086, %get3A_1087] : memref<2x8x16x128xf32, #tpu.memory_space<vmem>> -> memref<1x8x16x128xf32, #tpu.memory_space<vmem>>
      %get3A_1089 = tpu.memref_squeeze %get3A_1088 : memref<1x8x16x128xf32, #tpu.memory_space<vmem>> -> memref<8x16x128xf32, #tpu.memory_space<vmem>>
      %get3A_1090 = arith.index_cast %and3A_1069 : i32 to index
      %get3A_1091 = arith.index_cast %add3A_1084 : i32 to index
      %get3A_1092 = arith.constant 0 : index
      %get3A_1093 = tpu.vector_load %get3A_1089[%get3A_1090, %get3A_1091, %get3A_1092] {strides = array<i32>} : memref<8x16x128xf32, #tpu.memory_space<vmem>>, vector<1x1x16xf32>,
      %get3A_1094 = vector.shape_cast %get3A_1093 : vector<1x1x16xf32> to vector<16xf32>
      %get3A_1095 = arith.constant 0 : i32
      %get3A_1096 = arith.constant 0 : i32
      %get3A_1097 = tpu.memref_slice %arg6[%scan3A_784, %get3A_1095, %get3A_1096] : memref<2x64x128xi32, #tpu.memory_space<vmem>> -> memref<1x64x128xi32, #tpu.memory_space<vmem>>
      %get3A_1098 = tpu.memref_squeeze %get3A_1097 : memref<1x64x128xi32, #tpu.memory_space<vmem>> -> memref<64x128xi32, #tpu.memory_space<vmem>>
      %get3A_1099 = arith.index_cast %scan3A_1059 : i32 to index
      %get3A_1100 = arith.constant 0 : index
      %get3A_1101 = tpu.vector_load %get3A_1098[%get3A_1099, %get3A_1100] {strides = array<i32>} : memref<64x128xi32, #tpu.memory_space<vmem>>, vector<1x16xi32>,
      %get3A_1102 = vector.shape_cast %get3A_1101 : vector<1x16xi32> to vector<16xi32>
      %get3A_1103 = arith.constant 0 : i32
      %get3A_1104 = arith.constant 0 : i32
      %get3A_1105 = tpu.memref_slice %arg8[%scan3A_785, %get3A_1103, %get3A_1104] : memref<2x64x128xf32, #tpu.memory_space<vmem>> -> memref<1x64x128xf32, #tpu.memory_space<vmem>>
      %get3A_1106 = tpu.memref_squeeze %get3A_1105 : memref<1x64x128xf32, #tpu.memory_space<vmem>> -> memref<64x128xf32, #tpu.memory_space<vmem>>
      %get3A_1107 = arith.index_cast %scan3A_1059 : i32 to index
      %get3A_1108 = arith.constant 0 : index
      %get3A_1109 = tpu.vector_load %get3A_1106[%get3A_1107, %get3A_1108] {strides = array<i32>} : memref<64x128xf32, #tpu.memory_space<vmem>>, vector<1x16xf32>,
      %get3A_1110 = vector.shape_cast %get3A_1109 : vector<1x16xf32> to vector<16xf32>
      %sub3A = arith.subf %get3A_1094, %get3A_1080 : vector<16xf32>
      %neg3A = arith.constant 0.000000e+00 : f32
      %neg3A_1111 = vector.broadcast %neg3A : f32 to vector<16xf32>
      %neg3A_1112 = arith.subf %neg3A_1111, %sub3A : vector<16xf32>
      %min3A = arith.minimumf %sub3A, %neg3A_1112 : vector<16xf32>
      %exp3A = math.exp %min3A : vector<16xf32>
      %mul3A_1113 = arith.constant -0.0174140781 : f32
      %mul3A_1114 = vector.broadcast %mul3A_1113 : f32 to vector<16xf32>
      %mul3A_1115 = arith.mulf %mul3A_1114, %exp3A : vector<16xf32>
      %add3A_1116 = arith.constant 0.0826912373 : f32
      %add3A_1117 = vector.broadcast %add3A_1116 : f32 to vector<16xf32>
      %add3A_1118 = arith.addf %mul3A_1115, %add3A_1117 : vector<16xf32>
      %mul3A_1119 = arith.mulf %add3A_1118, %exp3A : vector<16xf32>
      %add3A_1120 = arith.constant -0.190354332 : f32
      %add3A_1121 = vector.broadcast %add3A_1120 : f32 to vector<16xf32>
      %add3A_1122 = arith.addf %mul3A_1119, %add3A_1121 : vector<16xf32>
      %mul3A_1123 = arith.mulf %add3A_1122, %exp3A : vector<16xf32>
      %add3A_1124 = arith.constant 0.315747321 : f32
      %add3A_1125 = vector.broadcast %add3A_1124 : f32 to vector<16xf32>
      %add3A_1126 = arith.addf %mul3A_1123, %add3A_1125 : vector<16xf32>
      %mul3A_1127 = arith.mulf %add3A_1126, %exp3A : vector<16xf32>
      %add3A_1128 = arith.constant -0.497373223 : f32
      %add3A_1129 = vector.broadcast %add3A_1128 : f32 to vector<16xf32>
      %add3A_1130 = arith.addf %mul3A_1127, %add3A_1129 : vector<16xf32>
      %mul3A_1131 = arith.mulf %add3A_1130, %exp3A : vector<16xf32>
      %add3A_1132 = arith.constant 0.99984771 : f32
      %add3A_1133 = vector.broadcast %add3A_1132 : f32 to vector<16xf32>
      %add3A_1134 = arith.addf %mul3A_1131, %add3A_1133 : vector<16xf32>
      %mul3A_1135 = arith.mulf %add3A_1134, %exp3A : vector<16xf32>
      %add3A_1136 = arith.constant 1.47206504E-6 : f32
      %add3A_1137 = vector.broadcast %add3A_1136 : f32 to vector<16xf32>
      %add3A_1138 = arith.addf %mul3A_1135, %add3A_1137 : vector<16xf32>
      %eq3A = arith.constant 1 : i32
      %eq3A_1139 = vector.broadcast %eq3A : i32 to vector<16xi32>
      %eq3A_1140 = arith.cmpi eq, %get3A_1102, %eq3A_1139 : vector<16xi32>
      %select_n3A = arith.select %eq3A_1140, %neg3A_1112, %sub3A : vector<16xi1>, vector<16xf32>
      %max3A = arith.constant 0.000000e+00 : f32
      %max3A_1141 = vector.broadcast %max3A : f32 to vector<16xf32>
      %max3A_1142 = arith.maximumf %select_n3A, %max3A_1141 : vector<16xf32>
      %add3A_1143 = arith.addf %max3A_1142, %add3A_1138 : vector<16xf32>
      %ne3A = arith.constant -1 : i32
      %ne3A_1144 = vector.broadcast %ne3A : i32 to vector<16xi32>
      %ne3A_1145 = arith.cmpi ne, %get3A_1102, %ne3A_1144 : vector<16xi32>
      %jit3A = arith.constant 0.000000e+00 : f32
      %broadcast_in_dim3A_1146 = vector.broadcast %jit3A : f32 to vector<16xf32>
      %select_n3A_1147 = arith.select %ne3A_1145, %get3A_1110, %broadcast_in_dim3A_1146 : vector<16xi1>, vector<16xf32>
      %mul3A_1148 = arith.mulf %add3A_1143, %select_n3A_1147 : vector<16xf32>
      %add3A_1149 = arith.addf %scan3A_1060, %mul3A_1148 : vector<16xf32>
      %mul3A_1150 = arith.constant 2 : i32
      %mul3A_1151 = arith.muli %mul3A_1150, %shift_right_logical3A_1068 : i32
      %get3A_1152 = arith.constant 0 : i32
      %get3A_1153 = arith.constant 0 : i32
      %get3A_1154 = arith.constant 0 : i32
      %get3A_1155 = tpu.memref_slice %arg7[%scan3A, %get3A_1152, %get3A_1153, %get3A_1154] : memref<2x8x16x128xf32, #tpu.memory_space<vmem>> -> memref<1x8x16x128xf32, #tpu.memory_space<vmem>>
      %get3A_1156 = tpu.memref_squeeze %get3A_1155 : memref<1x8x16x128xf32, #tpu.memory_space<vmem>> -> memref<8x16x128xf32, #tpu.memory_space<vmem>>
      %get3A_1157 = arith.index_cast %and3A_1069 : i32 to index
      %get3A_1158 = arith.index_cast %mul3A_1151 : i32 to index
      %get3A_1159 = arith.constant 16 : index
      %get3A_1160 = tpu.vector_load %get3A_1156[%get3A_1157, %get3A_1158, %get3A_1159] {strides = array<i32>} : memref<8x16x128xf32, #tpu.memory_space<vmem>>, vector<1x1x16xf32>,
      %get3A_1161 = vector.shape_cast %get3A_1160 : vector<1x1x16xf32> to vector<16xf32>
      %mul3A_1162 = arith.constant 2 : i32
      %mul3A_1163 = arith.muli %mul3A_1162, %shift_right_logical3A_1068 : i32
      %add3A_1164 = arith.constant 1 : i32
      %add3A_1165 = arith.addi %mul3A_1163, %add3A_1164 : i32
      %get3A_1166 = arith.constant 0 : i32
      %get3A_1167 = arith.constant 0 : i32
      %get3A_1168 = arith.constant 0 : i32
      %get3A_1169 = tpu.memref_slice %arg7[%scan3A, %get3A_1166, %get3A_1167, %get3A_1168] : memref<2x8x16x128xf32, #tpu.memory_space<vmem>> -> memref<1x8x16x128xf32, #tpu.memory_space<vmem>>
      %get3A_1170 = tpu.memref_squeeze %get3A_1169 : memref<1x8x16x128xf32, #tpu.memory_space<vmem>> -> memref<8x16x128xf32, #tpu.memory_space<vmem>>
      %get3A_1171 = arith.index_cast %and3A_1069 : i32 to index
      %get3A_1172 = arith.index_cast %add3A_1165 : i32 to index
      %get3A_1173 = arith.constant 16 : index
      %get3A_1174 = tpu.vector_load %get3A_1170[%get3A_1171, %get3A_1172, %get3A_1173] {strides = array<i32>} : memref<8x16x128xf32, #tpu.memory_space<vmem>>, vector<1x1x16xf32>,
      %get3A_1175 = vector.shape_cast %get3A_1174 : vector<1x1x16xf32> to vector<16xf32>
      %get3A_1176 = arith.constant 0 : i32
      %get3A_1177 = arith.constant 0 : i32
      %get3A_1178 = tpu.memref_slice %arg6[%scan3A_784, %get3A_1176, %get3A_1177] : memref<2x64x128xi32, #tpu.memory_space<vmem>> -> memref<1x64x128xi32, #tpu.memory_space<vmem>>
      %get3A_1179 = tpu.memref_squeeze %get3A_1178 : memref<1x64x128xi32, #tpu.memory_space<vmem>> -> memref<64x128xi32, #tpu.memory_space<vmem>>
      %get3A_1180 = arith.index_cast %scan3A_1059 : i32 to index
      %get3A_1181 = arith.constant 16 : index
      %get3A_1182 = tpu.vector_load %get3A_1179[%get3A_1180, %get3A_1181] {strides = array<i32>} : memref<64x128xi32, #tpu.memory_space<vmem>>, vector<1x16xi32>,
      %get3A_1183 = vector.shape_cast %get3A_1182 : vector<1x16xi32> to vector<16xi32>
      %get3A_1184 = arith.constant 0 : i32
      %get3A_1185 = arith.constant 0 : i32
      %get3A_1186 = tpu.memref_slice %arg8[%scan3A_785, %get3A_1184, %get3A_1185] : memref<2x64x128xf32, #tpu.memory_space<vmem>> -> memref<1x64x128xf32, #tpu.memory_space<vmem>>
      %get3A_1187 = tpu.memref_squeeze %get3A_1186 : memref<1x64x128xf32, #tpu.memory_space<vmem>> -> memref<64x128xf32, #tpu.memory_space<vmem>>
      %get3A_1188 = arith.index_cast %scan3A_1059 : i32 to index
      %get3A_1189 = arith.constant 16 : index
      %get3A_1190 = tpu.vector_load %get3A_1187[%get3A_1188, %get3A_1189] {strides = array<i32>} : memref<64x128xf32, #tpu.memory_space<vmem>>, vector<1x16xf32>,
      %get3A_1191 = vector.shape_cast %get3A_1190 : vector<1x16xf32> to vector<16xf32>
      %sub3A_1192 = arith.subf %get3A_1175, %get3A_1161 : vector<16xf32>
      %neg3A_1193 = arith.constant 0.000000e+00 : f32
      %neg3A_1194 = vector.broadcast %neg3A_1193 : f32 to vector<16xf32>
      %neg3A_1195 = arith.subf %neg3A_1194, %sub3A_1192 : vector<16xf32>
      %min3A_1196 = arith.minimumf %sub3A_1192, %neg3A_1195 : vector<16xf32>
      %exp3A_1197 = math.exp %min3A_1196 : vector<16xf32>
      %mul3A_1198 = arith.constant -0.0174140781 : f32
      %mul3A_1199 = vector.broadcast %mul3A_1198 : f32 to vector<16xf32>
      %mul3A_1200 = arith.mulf %mul3A_1199, %exp3A_1197 : vector<16xf32>
      %add3A_1201 = arith.constant 0.0826912373 : f32
      %add3A_1202 = vector.broadcast %add3A_1201 : f32 to vector<16xf32>
      %add3A_1203 = arith.addf %mul3A_1200, %add3A_1202 : vector<16xf32>
      %mul3A_1204 = arith.mulf %add3A_1203, %exp3A_1197 : vector<16xf32>
      %add3A_1205 = arith.constant -0.190354332 : f32
      %add3A_1206 = vector.broadcast %add3A_1205 : f32 to vector<16xf32>
      %add3A_1207 = arith.addf %mul3A_1204, %add3A_1206 : vector<16xf32>
      %mul3A_1208 = arith.mulf %add3A_1207, %exp3A_1197 : vector<16xf32>
      %add3A_1209 = arith.constant 0.315747321 : f32
      %add3A_1210 = vector.broadcast %add3A_1209 : f32 to vector<16xf32>
      %add3A_1211 = arith.addf %mul3A_1208, %add3A_1210 : vector<16xf32>
      %mul3A_1212 = arith.mulf %add3A_1211, %exp3A_1197 : vector<16xf32>
      %add3A_1213 = arith.constant -0.497373223 : f32
      %add3A_1214 = vector.broadcast %add3A_1213 : f32 to vector<16xf32>
      %add3A_1215 = arith.addf %mul3A_1212, %add3A_1214 : vector<16xf32>
      %mul3A_1216 = arith.mulf %add3A_1215, %exp3A_1197 : vector<16xf32>
      %add3A_1217 = arith.constant 0.99984771 : f32
      %add3A_1218 = vector.broadcast %add3A_1217 : f32 to vector<16xf32>
      %add3A_1219 = arith.addf %mul3A_1216, %add3A_1218 : vector<16xf32>
      %mul3A_1220 = arith.mulf %add3A_1219, %exp3A_1197 : vector<16xf32>
      %add3A_1221 = arith.constant 1.47206504E-6 : f32
      %add3A_1222 = vector.broadcast %add3A_1221 : f32 to vector<16xf32>
      %add3A_1223 = arith.addf %mul3A_1220, %add3A_1222 : vector<16xf32>
      %eq3A_1224 = arith.constant 1 : i32
      %eq3A_1225 = vector.broadcast %eq3A_1224 : i32 to vector<16xi32>
      %eq3A_1226 = arith.cmpi eq, %get3A_1183, %eq3A_1225 : vector<16xi32>
      %select_n3A_1227 = arith.select %eq3A_1226, %neg3A_1195, %sub3A_1192 : vector<16xi1>, vector<16xf32>
      %max3A_1228 = arith.constant 0.000000e+00 : f32
      %max3A_1229 = vector.broadcast %max3A_1228 : f32 to vector<16xf32>
      %max3A_1230 = arith.maximumf %select_n3A_1227, %max3A_1229 : vector<16xf32>
      %add3A_1231 = arith.addf %max3A_1230, %add3A_1223 : vector<16xf32>
      %ne3A_1232 = arith.constant -1 : i32
      %ne3A_1233 = vector.broadcast %ne3A_1232 : i32 to vector<16xi32>
      %ne3A_1234 = arith.cmpi ne, %get3A_1183, %ne3A_1233 : vector<16xi32>
      %jit3A_1235 = arith.constant 0.000000e+00 : f32
      %broadcast_in_dim3A_1236 = vector.broadcast %jit3A_1235 : f32 to vector<16xf32>
      %select_n3A_1237 = arith.select %ne3A_1234, %get3A_1191, %broadcast_in_dim3A_1236 : vector<16xi1>, vector<16xf32>
      %mul3A_1238 = arith.mulf %add3A_1231, %select_n3A_1237 : vector<16xf32>
      %add3A_1239 = arith.addf %scan3A_1061, %mul3A_1238 : vector<16xf32>
      %mul3A_1240 = arith.constant 2 : i32
      %mul3A_1241 = arith.muli %mul3A_1240, %shift_right_logical3A_1068 : i32
      %get3A_1242 = arith.constant 0 : i32
      %get3A_1243 = arith.constant 0 : i32
      %get3A_1244 = arith.constant 0 : i32
      %get3A_1245 = tpu.memref_slice %arg7[%scan3A, %get3A_1242, %get3A_1243, %get3A_1244] : memref<2x8x16x128xf32, #tpu.memory_space<vmem>> -> memref<1x8x16x128xf32, #tpu.memory_space<vmem>>
      %get3A_1246 = tpu.memref_squeeze %get3A_1245 : memref<1x8x16x128xf32, #tpu.memory_space<vmem>> -> memref<8x16x128xf32, #tpu.memory_space<vmem>>
      %get3A_1247 = arith.index_cast %and3A_1069 : i32 to index
      %get3A_1248 = arith.index_cast %mul3A_1241 : i32 to index
      %get3A_1249 = arith.constant 32 : index
      %get3A_1250 = tpu.vector_load %get3A_1246[%get3A_1247, %get3A_1248, %get3A_1249] {strides = array<i32>} : memref<8x16x128xf32, #tpu.memory_space<vmem>>, vector<1x1x16xf32>,
      %get3A_1251 = vector.shape_cast %get3A_1250 : vector<1x1x16xf32> to vector<16xf32>
      %mul3A_1252 = arith.constant 2 : i32
      %mul3A_1253 = arith.muli %mul3A_1252, %shift_right_logical3A_1068 : i32
      %add3A_1254 = arith.constant 1 : i32
      %add3A_1255 = arith.addi %mul3A_1253, %add3A_1254 : i32
      %get3A_1256 = arith.constant 0 : i32
      %get3A_1257 = arith.constant 0 : i32
      %get3A_1258 = arith.constant 0 : i32
      %get3A_1259 = tpu.memref_slice %arg7[%scan3A, %get3A_1256, %get3A_1257, %get3A_1258] : memref<2x8x16x128xf32, #tpu.memory_space<vmem>> -> memref<1x8x16x128xf32, #tpu.memory_space<vmem>>
      %get3A_1260 = tpu.memref_squeeze %get3A_1259 : memref<1x8x16x128xf32, #tpu.memory_space<vmem>> -> memref<8x16x128xf32, #tpu.memory_space<vmem>>
      %get3A_1261 = arith.index_cast %and3A_1069 : i32 to index
      %get3A_1262 = arith.index_cast %add3A_1255 : i32 to index
      %get3A_1263 = arith.constant 32 : index
      %get3A_1264 = tpu.vector_load %get3A_1260[%get3A_1261, %get3A_1262, %get3A_1263] {strides = array<i32>} : memref<8x16x128xf32, #tpu.memory_space<vmem>>, vector<1x1x16xf32>,
      %get3A_1265 = vector.shape_cast %get3A_1264 : vector<1x1x16xf32> to vector<16xf32>
      %get3A_1266 = arith.constant 0 : i32
      %get3A_1267 = arith.constant 0 : i32
      %get3A_1268 = tpu.memref_slice %arg6[%scan3A_784, %get3A_1266, %get3A_1267] : memref<2x64x128xi32, #tpu.memory_space<vmem>> -> memref<1x64x128xi32, #tpu.memory_space<vmem>>
      %get3A_1269 = tpu.memref_squeeze %get3A_1268 : memref<1x64x128xi32, #tpu.memory_space<vmem>> -> memref<64x128xi32, #tpu.memory_space<vmem>>
      %get3A_1270 = arith.index_cast %scan3A_1059 : i32 to index
      %get3A_1271 = arith.constant 32 : index
      %get3A_1272 = tpu.vector_load %get3A_1269[%get3A_1270, %get3A_1271] {strides = array<i32>} : memref<64x128xi32, #tpu.memory_space<vmem>>, vector<1x16xi32>,
      %get3A_1273 = vector.shape_cast %get3A_1272 : vector<1x16xi32> to vector<16xi32>
      %get3A_1274 = arith.constant 0 : i32
      %get3A_1275 = arith.constant 0 : i32
      %get3A_1276 = tpu.memref_slice %arg8[%scan3A_785, %get3A_1274, %get3A_1275] : memref<2x64x128xf32, #tpu.memory_space<vmem>> -> memref<1x64x128xf32, #tpu.memory_space<vmem>>
      %get3A_1277 = tpu.memref_squeeze %get3A_1276 : memref<1x64x128xf32, #tpu.memory_space<vmem>> -> memref<64x128xf32, #tpu.memory_space<vmem>>
      %get3A_1278 = arith.index_cast %scan3A_1059 : i32 to index
      %get3A_1279 = arith.constant 32 : index
      %get3A_1280 = tpu.vector_load %get3A_1277[%get3A_1278, %get3A_1279] {strides = array<i32>} : memref<64x128xf32, #tpu.memory_space<vmem>>, vector<1x16xf32>,
      %get3A_1281 = vector.shape_cast %get3A_1280 : vector<1x16xf32> to vector<16xf32>
      %sub3A_1282 = arith.subf %get3A_1265, %get3A_1251 : vector<16xf32>
      %neg3A_1283 = arith.constant 0.000000e+00 : f32
      %neg3A_1284 = vector.broadcast %neg3A_1283 : f32 to vector<16xf32>
      %neg3A_1285 = arith.subf %neg3A_1284, %sub3A_1282 : vector<16xf32>
      %min3A_1286 = arith.minimumf %sub3A_1282, %neg3A_1285 : vector<16xf32>
      %exp3A_1287 = math.exp %min3A_1286 : vector<16xf32>
      %mul3A_1288 = arith.constant -0.0174140781 : f32
      %mul3A_1289 = vector.broadcast %mul3A_1288 : f32 to vector<16xf32>
      %mul3A_1290 = arith.mulf %mul3A_1289, %exp3A_1287 : vector<16xf32>
      %add3A_1291 = arith.constant 0.0826912373 : f32
      %add3A_1292 = vector.broadcast %add3A_1291 : f32 to vector<16xf32>
      %add3A_1293 = arith.addf %mul3A_1290, %add3A_1292 : vector<16xf32>
      %mul3A_1294 = arith.mulf %add3A_1293, %exp3A_1287 : vector<16xf32>
      %add3A_1295 = arith.constant -0.190354332 : f32
      %add3A_1296 = vector.broadcast %add3A_1295 : f32 to vector<16xf32>
      %add3A_1297 = arith.addf %mul3A_1294, %add3A_1296 : vector<16xf32>
      %mul3A_1298 = arith.mulf %add3A_1297, %exp3A_1287 : vector<16xf32>
      %add3A_1299 = arith.constant 0.315747321 : f32
      %add3A_1300 = vector.broadcast %add3A_1299 : f32 to vector<16xf32>
      %add3A_1301 = arith.addf %mul3A_1298, %add3A_1300 : vector<16xf32>
      %mul3A_1302 = arith.mulf %add3A_1301, %exp3A_1287 : vector<16xf32>
      %add3A_1303 = arith.constant -0.497373223 : f32
      %add3A_1304 = vector.broadcast %add3A_1303 : f32 to vector<16xf32>
      %add3A_1305 = arith.addf %mul3A_1302, %add3A_1304 : vector<16xf32>
      %mul3A_1306 = arith.mulf %add3A_1305, %exp3A_1287 : vector<16xf32>
      %add3A_1307 = arith.constant 0.99984771 : f32
      %add3A_1308 = vector.broadcast %add3A_1307 : f32 to vector<16xf32>
      %add3A_1309 = arith.addf %mul3A_1306, %add3A_1308 : vector<16xf32>
      %mul3A_1310 = arith.mulf %add3A_1309, %exp3A_1287 : vector<16xf32>
      %add3A_1311 = arith.constant 1.47206504E-6 : f32
      %add3A_1312 = vector.broadcast %add3A_1311 : f32 to vector<16xf32>
      %add3A_1313 = arith.addf %mul3A_1310, %add3A_1312 : vector<16xf32>
      %eq3A_1314 = arith.constant 1 : i32
      %eq3A_1315 = vector.broadcast %eq3A_1314 : i32 to vector<16xi32>
      %eq3A_1316 = arith.cmpi eq, %get3A_1273, %eq3A_1315 : vector<16xi32>
      %select_n3A_1317 = arith.select %eq3A_1316, %neg3A_1285, %sub3A_1282 : vector<16xi1>, vector<16xf32>
      %max3A_1318 = arith.constant 0.000000e+00 : f32
      %max3A_1319 = vector.broadcast %max3A_1318 : f32 to vector<16xf32>
      %max3A_1320 = arith.maximumf %select_n3A_1317, %max3A_1319 : vector<16xf32>
      %add3A_1321 = arith.addf %max3A_1320, %add3A_1313 : vector<16xf32>
      %ne3A_1322 = arith.constant -1 : i32
      %ne3A_1323 = vector.broadcast %ne3A_1322 : i32 to vector<16xi32>
      %ne3A_1324 = arith.cmpi ne, %get3A_1273, %ne3A_1323 : vector<16xi32>
      %jit3A_1325 = arith.constant 0.000000e+00 : f32
      %broadcast_in_dim3A_1326 = vector.broadcast %jit3A_1325 : f32 to vector<16xf32>
      %select_n3A_1327 = arith.select %ne3A_1324, %get3A_1281, %broadcast_in_dim3A_1326 : vector<16xi1>, vector<16xf32>
      %mul3A_1328 = arith.mulf %add3A_1321, %select_n3A_1327 : vector<16xf32>
      %add3A_1329 = arith.addf %scan3A_1062, %mul3A_1328 : vector<16xf32>
      %mul3A_1330 = arith.constant 2 : i32
      %mul3A_1331 = arith.muli %mul3A_1330, %shift_right_logical3A_1068 : i32
      %get3A_1332 = arith.constant 0 : i32
      %get3A_1333 = arith.constant 0 : i32
      %get3A_1334 = arith.constant 0 : i32
      %get3A_1335 = tpu.memref_slice %arg7[%scan3A, %get3A_1332, %get3A_1333, %get3A_1334] : memref<2x8x16x128xf32, #tpu.memory_space<vmem>> -> memref<1x8x16x128xf32, #tpu.memory_space<vmem>>
      %get3A_1336 = tpu.memref_squeeze %get3A_1335 : memref<1x8x16x128xf32, #tpu.memory_space<vmem>> -> memref<8x16x128xf32, #tpu.memory_space<vmem>>
      %get3A_1337 = arith.index_cast %and3A_1069 : i32 to index
      %get3A_1338 = arith.index_cast %mul3A_1331 : i32 to index
      %get3A_1339 = arith.constant 48 : index
      %get3A_1340 = tpu.vector_load %get3A_1336[%get3A_1337, %get3A_1338, %get3A_1339] {strides = array<i32>} : memref<8x16x128xf32, #tpu.memory_space<vmem>>, vector<1x1x16xf32>,
      %get3A_1341 = vector.shape_cast %get3A_1340 : vector<1x1x16xf32> to vector<16xf32>
      %mul3A_1342 = arith.constant 2 : i32
      %mul3A_1343 = arith.muli %mul3A_1342, %shift_right_logical3A_1068 : i32
      %add3A_1344 = arith.constant 1 : i32
      %add3A_1345 = arith.addi %mul3A_1343, %add3A_1344 : i32
      %get3A_1346 = arith.constant 0 : i32
      %get3A_1347 = arith.constant 0 : i32
      %get3A_1348 = arith.constant 0 : i32
      %get3A_1349 = tpu.memref_slice %arg7[%scan3A, %get3A_1346, %get3A_1347, %get3A_1348] : memref<2x8x16x128xf32, #tpu.memory_space<vmem>> -> memref<1x8x16x128xf32, #tpu.memory_space<vmem>>
      %get3A_1350 = tpu.memref_squeeze %get3A_1349 : memref<1x8x16x128xf32, #tpu.memory_space<vmem>> -> memref<8x16x128xf32, #tpu.memory_space<vmem>>
      %get3A_1351 = arith.index_cast %and3A_1069 : i32 to index
      %get3A_1352 = arith.index_cast %add3A_1345 : i32 to index
      %get3A_1353 = arith.constant 48 : index
      %get3A_1354 = tpu.vector_load %get3A_1350[%get3A_1351, %get3A_1352, %get3A_1353] {strides = array<i32>} : memref<8x16x128xf32, #tpu.memory_space<vmem>>, vector<1x1x16xf32>,
      %get3A_1355 = vector.shape_cast %get3A_1354 : vector<1x1x16xf32> to vector<16xf32>
      %get3A_1356 = arith.constant 0 : i32
      %get3A_1357 = arith.constant 0 : i32
      %get3A_1358 = tpu.memref_slice %arg6[%scan3A_784, %get3A_1356, %get3A_1357] : memref<2x64x128xi32, #tpu.memory_space<vmem>> -> memref<1x64x128xi32, #tpu.memory_space<vmem>>
      %get3A_1359 = tpu.memref_squeeze %get3A_1358 : memref<1x64x128xi32, #tpu.memory_space<vmem>> -> memref<64x128xi32, #tpu.memory_space<vmem>>
      %get3A_1360 = arith.index_cast %scan3A_1059 : i32 to index
      %get3A_1361 = arith.constant 48 : index
      %get3A_1362 = tpu.vector_load %get3A_1359[%get3A_1360, %get3A_1361] {strides = array<i32>} : memref<64x128xi32, #tpu.memory_space<vmem>>, vector<1x16xi32>,
      %get3A_1363 = vector.shape_cast %get3A_1362 : vector<1x16xi32> to vector<16xi32>
      %get3A_1364 = arith.constant 0 : i32
      %get3A_1365 = arith.constant 0 : i32
      %get3A_1366 = tpu.memref_slice %arg8[%scan3A_785, %get3A_1364, %get3A_1365] : memref<2x64x128xf32, #tpu.memory_space<vmem>> -> memref<1x64x128xf32, #tpu.memory_space<vmem>>
      %get3A_1367 = tpu.memref_squeeze %get3A_1366 : memref<1x64x128xf32, #tpu.memory_space<vmem>> -> memref<64x128xf32, #tpu.memory_space<vmem>>
      %get3A_1368 = arith.index_cast %scan3A_1059 : i32 to index
      %get3A_1369 = arith.constant 48 : index
      %get3A_1370 = tpu.vector_load %get3A_1367[%get3A_1368, %get3A_1369] {strides = array<i32>} : memref<64x128xf32, #tpu.memory_space<vmem>>, vector<1x16xf32>,
      %get3A_1371 = vector.shape_cast %get3A_1370 : vector<1x16xf32> to vector<16xf32>
      %sub3A_1372 = arith.subf %get3A_1355, %get3A_1341 : vector<16xf32>
      %neg3A_1373 = arith.constant 0.000000e+00 : f32
      %neg3A_1374 = vector.broadcast %neg3A_1373 : f32 to vector<16xf32>
      %neg3A_1375 = arith.subf %neg3A_1374, %sub3A_1372 : vector<16xf32>
      %min3A_1376 = arith.minimumf %sub3A_1372, %neg3A_1375 : vector<16xf32>
      %exp3A_1377 = math.exp %min3A_1376 : vector<16xf32>
      %mul3A_1378 = arith.constant -0.0174140781 : f32
      %mul3A_1379 = vector.broadcast %mul3A_1378 : f32 to vector<16xf32>
      %mul3A_1380 = arith.mulf %mul3A_1379, %exp3A_1377 : vector<16xf32>
      %add3A_1381 = arith.constant 0.0826912373 : f32
      %add3A_1382 = vector.broadcast %add3A_1381 : f32 to vector<16xf32>
      %add3A_1383 = arith.addf %mul3A_1380, %add3A_1382 : vector<16xf32>
      %mul3A_1384 = arith.mulf %add3A_1383, %exp3A_1377 : vector<16xf32>
      %add3A_1385 = arith.constant -0.190354332 : f32
      %add3A_1386 = vector.broadcast %add3A_1385 : f32 to vector<16xf32>
      %add3A_1387 = arith.addf %mul3A_1384, %add3A_1386 : vector<16xf32>
      %mul3A_1388 = arith.mulf %add3A_1387, %exp3A_1377 : vector<16xf32>
      %add3A_1389 = arith.constant 0.315747321 : f32
      %add3A_1390 = vector.broadcast %add3A_1389 : f32 to vector<16xf32>
      %add3A_1391 = arith.addf %mul3A_1388, %add3A_1390 : vector<16xf32>
      %mul3A_1392 = arith.mulf %add3A_1391, %exp3A_1377 : vector<16xf32>
      %add3A_1393 = arith.constant -0.497373223 : f32
      %add3A_1394 = vector.broadcast %add3A_1393 : f32 to vector<16xf32>
      %add3A_1395 = arith.addf %mul3A_1392, %add3A_1394 : vector<16xf32>
      %mul3A_1396 = arith.mulf %add3A_1395, %exp3A_1377 : vector<16xf32>
      %add3A_1397 = arith.constant 0.99984771 : f32
      %add3A_1398 = vector.broadcast %add3A_1397 : f32 to vector<16xf32>
      %add3A_1399 = arith.addf %mul3A_1396, %add3A_1398 : vector<16xf32>
      %mul3A_1400 = arith.mulf %add3A_1399, %exp3A_1377 : vector<16xf32>
      %add3A_1401 = arith.constant 1.47206504E-6 : f32
      %add3A_1402 = vector.broadcast %add3A_1401 : f32 to vector<16xf32>
      %add3A_1403 = arith.addf %mul3A_1400, %add3A_1402 : vector<16xf32>
      %eq3A_1404 = arith.constant 1 : i32
      %eq3A_1405 = vector.broadcast %eq3A_1404 : i32 to vector<16xi32>
      %eq3A_1406 = arith.cmpi eq, %get3A_1363, %eq3A_1405 : vector<16xi32>
      %select_n3A_1407 = arith.select %eq3A_1406, %neg3A_1375, %sub3A_1372 : vector<16xi1>, vector<16xf32>
      %max3A_1408 = arith.constant 0.000000e+00 : f32
      %max3A_1409 = vector.broadcast %max3A_1408 : f32 to vector<16xf32>
      %max3A_1410 = arith.maximumf %select_n3A_1407, %max3A_1409 : vector<16xf32>
      %add3A_1411 = arith.addf %max3A_1410, %add3A_1403 : vector<16xf32>
      %ne3A_1412 = arith.constant -1 : i32
      %ne3A_1413 = vector.broadcast %ne3A_1412 : i32 to vector<16xi32>
      %ne3A_1414 = arith.cmpi ne, %get3A_1363, %ne3A_1413 : vector<16xi32>
      %jit3A_1415 = arith.constant 0.000000e+00 : f32
      %broadcast_in_dim3A_1416 = vector.broadcast %jit3A_1415 : f32 to vector<16xf32>
      %select_n3A_1417 = arith.select %ne3A_1414, %get3A_1371, %broadcast_in_dim3A_1416 : vector<16xi1>, vector<16xf32>
      %mul3A_1418 = arith.mulf %add3A_1411, %select_n3A_1417 : vector<16xf32>
      %add3A_1419 = arith.addf %scan3A_1063, %mul3A_1418 : vector<16xf32>
      %mul3A_1420 = arith.constant 2 : i32
      %mul3A_1421 = arith.muli %mul3A_1420, %shift_right_logical3A_1068 : i32
      %get3A_1422 = arith.constant 0 : i32
      %get3A_1423 = arith.constant 0 : i32
      %get3A_1424 = arith.constant 0 : i32
      %get3A_1425 = tpu.memref_slice %arg7[%scan3A, %get3A_1422, %get3A_1423, %get3A_1424] : memref<2x8x16x128xf32, #tpu.memory_space<vmem>> -> memref<1x8x16x128xf32, #tpu.memory_space<vmem>>
      %get3A_1426 = tpu.memref_squeeze %get3A_1425 : memref<1x8x16x128xf32, #tpu.memory_space<vmem>> -> memref<8x16x128xf32, #tpu.memory_space<vmem>>
      %get3A_1427 = arith.index_cast %and3A_1069 : i32 to index
      %get3A_1428 = arith.index_cast %mul3A_1421 : i32 to index
      %get3A_1429 = arith.constant 64 : index
      %get3A_1430 = tpu.vector_load %get3A_1426[%get3A_1427, %get3A_1428, %get3A_1429] {strides = array<i32>} : memref<8x16x128xf32, #tpu.memory_space<vmem>>, vector<1x1x16xf32>,
      %get3A_1431 = vector.shape_cast %get3A_1430 : vector<1x1x16xf32> to vector<16xf32>
      %mul3A_1432 = arith.constant 2 : i32
      %mul3A_1433 = arith.muli %mul3A_1432, %shift_right_logical3A_1068 : i32
      %add3A_1434 = arith.constant 1 : i32
      %add3A_1435 = arith.addi %mul3A_1433, %add3A_1434 : i32
      %get3A_1436 = arith.constant 0 : i32
      %get3A_1437 = arith.constant 0 : i32
      %get3A_1438 = arith.constant 0 : i32
      %get3A_1439 = tpu.memref_slice %arg7[%scan3A, %get3A_1436, %get3A_1437, %get3A_1438] : memref<2x8x16x128xf32, #tpu.memory_space<vmem>> -> memref<1x8x16x128xf32, #tpu.memory_space<vmem>>
      %get3A_1440 = tpu.memref_squeeze %get3A_1439 : memref<1x8x16x128xf32, #tpu.memory_space<vmem>> -> memref<8x16x128xf32, #tpu.memory_space<vmem>>
      %get3A_1441 = arith.index_cast %and3A_1069 : i32 to index
      %get3A_1442 = arith.index_cast %add3A_1435 : i32 to index
      %get3A_1443 = arith.constant 64 : index
      %get3A_1444 = tpu.vector_load %get3A_1440[%get3A_1441, %get3A_1442, %get3A_1443] {strides = array<i32>} : memref<8x16x128xf32, #tpu.memory_space<vmem>>, vector<1x1x16xf32>,
      %get3A_1445 = vector.shape_cast %get3A_1444 : vector<1x1x16xf32> to vector<16xf32>
      %get3A_1446 = arith.constant 0 : i32
      %get3A_1447 = arith.constant 0 : i32
      %get3A_1448 = tpu.memref_slice %arg6[%scan3A_784, %get3A_1446, %get3A_1447] : memref<2x64x128xi32, #tpu.memory_space<vmem>> -> memref<1x64x128xi32, #tpu.memory_space<vmem>>
      %get3A_1449 = tpu.memref_squeeze %get3A_1448 : memref<1x64x128xi32, #tpu.memory_space<vmem>> -> memref<64x128xi32, #tpu.memory_space<vmem>>
      %get3A_1450 = arith.index_cast %scan3A_1059 : i32 to index
      %get3A_1451 = arith.constant 64 : index
      %get3A_1452 = tpu.vector_load %get3A_1449[%get3A_1450, %get3A_1451] {strides = array<i32>} : memref<64x128xi32, #tpu.memory_space<vmem>>, vector<1x16xi32>,
      %get3A_1453 = vector.shape_cast %get3A_1452 : vector<1x16xi32> to vector<16xi32>
      %get3A_1454 = arith.constant 0 : i32
      %get3A_1455 = arith.constant 0 : i32
      %get3A_1456 = tpu.memref_slice %arg8[%scan3A_785, %get3A_1454, %get3A_1455] : memref<2x64x128xf32, #tpu.memory_space<vmem>> -> memref<1x64x128xf32, #tpu.memory_space<vmem>>
      %get3A_1457 = tpu.memref_squeeze %get3A_1456 : memref<1x64x128xf32, #tpu.memory_space<vmem>> -> memref<64x128xf32, #tpu.memory_space<vmem>>
      %get3A_1458 = arith.index_cast %scan3A_1059 : i32 to index
      %get3A_1459 = arith.constant 64 : index
      %get3A_1460 = tpu.vector_load %get3A_1457[%get3A_1458, %get3A_1459] {strides = array<i32>} : memref<64x128xf32, #tpu.memory_space<vmem>>, vector<1x16xf32>,
      %get3A_1461 = vector.shape_cast %get3A_1460 : vector<1x16xf32> to vector<16xf32>
      %sub3A_1462 = arith.subf %get3A_1445, %get3A_1431 : vector<16xf32>
      %neg3A_1463 = arith.constant 0.000000e+00 : f32
      %neg3A_1464 = vector.broadcast %neg3A_1463 : f32 to vector<16xf32>
      %neg3A_1465 = arith.subf %neg3A_1464, %sub3A_1462 : vector<16xf32>
      %min3A_1466 = arith.minimumf %sub3A_1462, %neg3A_1465 : vector<16xf32>
      %exp3A_1467 = math.exp %min3A_1466 : vector<16xf32>
      %mul3A_1468 = arith.constant -0.0174140781 : f32
      %mul3A_1469 = vector.broadcast %mul3A_1468 : f32 to vector<16xf32>
      %mul3A_1470 = arith.mulf %mul3A_1469, %exp3A_1467 : vector<16xf32>
      %add3A_1471 = arith.constant 0.0826912373 : f32
      %add3A_1472 = vector.broadcast %add3A_1471 : f32 to vector<16xf32>
      %add3A_1473 = arith.addf %mul3A_1470, %add3A_1472 : vector<16xf32>
      %mul3A_1474 = arith.mulf %add3A_1473, %exp3A_1467 : vector<16xf32>
      %add3A_1475 = arith.constant -0.190354332 : f32
      %add3A_1476 = vector.broadcast %add3A_1475 : f32 to vector<16xf32>
      %add3A_1477 = arith.addf %mul3A_1474, %add3A_1476 : vector<16xf32>
      %mul3A_1478 = arith.mulf %add3A_1477, %exp3A_1467 : vector<16xf32>
      %add3A_1479 = arith.constant 0.315747321 : f32
      %add3A_1480 = vector.broadcast %add3A_1479 : f32 to vector<16xf32>
      %add3A_1481 = arith.addf %mul3A_1478, %add3A_1480 : vector<16xf32>
      %mul3A_1482 = arith.mulf %add3A_1481, %exp3A_1467 : vector<16xf32>
      %add3A_1483 = arith.constant -0.497373223 : f32
      %add3A_1484 = vector.broadcast %add3A_1483 : f32 to vector<16xf32>
      %add3A_1485 = arith.addf %mul3A_1482, %add3A_1484 : vector<16xf32>
      %mul3A_1486 = arith.mulf %add3A_1485, %exp3A_1467 : vector<16xf32>
      %add3A_1487 = arith.constant 0.99984771 : f32
      %add3A_1488 = vector.broadcast %add3A_1487 : f32 to vector<16xf32>
      %add3A_1489 = arith.addf %mul3A_1486, %add3A_1488 : vector<16xf32>
      %mul3A_1490 = arith.mulf %add3A_1489, %exp3A_1467 : vector<16xf32>
      %add3A_1491 = arith.constant 1.47206504E-6 : f32
      %add3A_1492 = vector.broadcast %add3A_1491 : f32 to vector<16xf32>
      %add3A_1493 = arith.addf %mul3A_1490, %add3A_1492 : vector<16xf32>
      %eq3A_1494 = arith.constant 1 : i32
      %eq3A_1495 = vector.broadcast %eq3A_1494 : i32 to vector<16xi32>
      %eq3A_1496 = arith.cmpi eq, %get3A_1453, %eq3A_1495 : vector<16xi32>
      %select_n3A_1497 = arith.select %eq3A_1496, %neg3A_1465, %sub3A_1462 : vector<16xi1>, vector<16xf32>
      %max3A_1498 = arith.constant 0.000000e+00 : f32
      %max3A_1499 = vector.broadcast %max3A_1498 : f32 to vector<16xf32>
      %max3A_1500 = arith.maximumf %select_n3A_1497, %max3A_1499 : vector<16xf32>
      %add3A_1501 = arith.addf %max3A_1500, %add3A_1493 : vector<16xf32>
      %ne3A_1502 = arith.constant -1 : i32
      %ne3A_1503 = vector.broadcast %ne3A_1502 : i32 to vector<16xi32>
      %ne3A_1504 = arith.cmpi ne, %get3A_1453, %ne3A_1503 : vector<16xi32>
      %jit3A_1505 = arith.constant 0.000000e+00 : f32
      %broadcast_in_dim3A_1506 = vector.broadcast %jit3A_1505 : f32 to vector<16xf32>
      %select_n3A_1507 = arith.select %ne3A_1504, %get3A_1461, %broadcast_in_dim3A_1506 : vector<16xi1>, vector<16xf32>
      %mul3A_1508 = arith.mulf %add3A_1501, %select_n3A_1507 : vector<16xf32>
      %add3A_1509 = arith.addf %scan3A_1064, %mul3A_1508 : vector<16xf32>
      %mul3A_1510 = arith.constant 2 : i32
      %mul3A_1511 = arith.muli %mul3A_1510, %shift_right_logical3A_1068 : i32
      %get3A_1512 = arith.constant 0 : i32
      %get3A_1513 = arith.constant 0 : i32
      %get3A_1514 = arith.constant 0 : i32
      %get3A_1515 = tpu.memref_slice %arg7[%scan3A, %get3A_1512, %get3A_1513, %get3A_1514] : memref<2x8x16x128xf32, #tpu.memory_space<vmem>> -> memref<1x8x16x128xf32, #tpu.memory_space<vmem>>
      %get3A_1516 = tpu.memref_squeeze %get3A_1515 : memref<1x8x16x128xf32, #tpu.memory_space<vmem>> -> memref<8x16x128xf32, #tpu.memory_space<vmem>>
      %get3A_1517 = arith.index_cast %and3A_1069 : i32 to index
      %get3A_1518 = arith.index_cast %mul3A_1511 : i32 to index
      %get3A_1519 = arith.constant 80 : index
      %get3A_1520 = tpu.vector_load %get3A_1516[%get3A_1517, %get3A_1518, %get3A_1519] {strides = array<i32>} : memref<8x16x128xf32, #tpu.memory_space<vmem>>, vector<1x1x16xf32>,
      %get3A_1521 = vector.shape_cast %get3A_1520 : vector<1x1x16xf32> to vector<16xf32>
      %mul3A_1522 = arith.constant 2 : i32
      %mul3A_1523 = arith.muli %mul3A_1522, %shift_right_logical3A_1068 : i32
      %add3A_1524 = arith.constant 1 : i32
      %add3A_1525 = arith.addi %mul3A_1523, %add3A_1524 : i32
      %get3A_1526 = arith.constant 0 : i32
      %get3A_1527 = arith.constant 0 : i32
      %get3A_1528 = arith.constant 0 : i32
      %get3A_1529 = tpu.memref_slice %arg7[%scan3A, %get3A_1526, %get3A_1527, %get3A_1528] : memref<2x8x16x128xf32, #tpu.memory_space<vmem>> -> memref<1x8x16x128xf32, #tpu.memory_space<vmem>>
      %get3A_1530 = tpu.memref_squeeze %get3A_1529 : memref<1x8x16x128xf32, #tpu.memory_space<vmem>> -> memref<8x16x128xf32, #tpu.memory_space<vmem>>
      %get3A_1531 = arith.index_cast %and3A_1069 : i32 to index
      %get3A_1532 = arith.index_cast %add3A_1525 : i32 to index
      %get3A_1533 = arith.constant 80 : index
      %get3A_1534 = tpu.vector_load %get3A_1530[%get3A_1531, %get3A_1532, %get3A_1533] {strides = array<i32>} : memref<8x16x128xf32, #tpu.memory_space<vmem>>, vector<1x1x16xf32>,
      %get3A_1535 = vector.shape_cast %get3A_1534 : vector<1x1x16xf32> to vector<16xf32>
      %get3A_1536 = arith.constant 0 : i32
      %get3A_1537 = arith.constant 0 : i32
      %get3A_1538 = tpu.memref_slice %arg6[%scan3A_784, %get3A_1536, %get3A_1537] : memref<2x64x128xi32, #tpu.memory_space<vmem>> -> memref<1x64x128xi32, #tpu.memory_space<vmem>>
      %get3A_1539 = tpu.memref_squeeze %get3A_1538 : memref<1x64x128xi32, #tpu.memory_space<vmem>> -> memref<64x128xi32, #tpu.memory_space<vmem>>
      %get3A_1540 = arith.index_cast %scan3A_1059 : i32 to index
      %get3A_1541 = arith.constant 80 : index
      %get3A_1542 = tpu.vector_load %get3A_1539[%get3A_1540, %get3A_1541] {strides = array<i32>} : memref<64x128xi32, #tpu.memory_space<vmem>>, vector<1x16xi32>,
      %get3A_1543 = vector.shape_cast %get3A_1542 : vector<1x16xi32> to vector<16xi32>
      %get3A_1544 = arith.constant 0 : i32
      %get3A_1545 = arith.constant 0 : i32
      %get3A_1546 = tpu.memref_slice %arg8[%scan3A_785, %get3A_1544, %get3A_1545] : memref<2x64x128xf32, #tpu.memory_space<vmem>> -> memref<1x64x128xf32, #tpu.memory_space<vmem>>
      %get3A_1547 = tpu.memref_squeeze %get3A_1546 : memref<1x64x128xf32, #tpu.memory_space<vmem>> -> memref<64x128xf32, #tpu.memory_space<vmem>>
      %get3A_1548 = arith.index_cast %scan3A_1059 : i32 to index
      %get3A_1549 = arith.constant 80 : index
      %get3A_1550 = tpu.vector_load %get3A_1547[%get3A_1548, %get3A_1549] {strides = array<i32>} : memref<64x128xf32, #tpu.memory_space<vmem>>, vector<1x16xf32>,
      %get3A_1551 = vector.shape_cast %get3A_1550 : vector<1x16xf32> to vector<16xf32>
      %sub3A_1552 = arith.subf %get3A_1535, %get3A_1521 : vector<16xf32>
      %neg3A_1553 = arith.constant 0.000000e+00 : f32
      %neg3A_1554 = vector.broadcast %neg3A_1553 : f32 to vector<16xf32>
      %neg3A_1555 = arith.subf %neg3A_1554, %sub3A_1552 : vector<16xf32>
      %min3A_1556 = arith.minimumf %sub3A_1552, %neg3A_1555 : vector<16xf32>
      %exp3A_1557 = math.exp %min3A_1556 : vector<16xf32>
      %mul3A_1558 = arith.constant -0.0174140781 : f32
      %mul3A_1559 = vector.broadcast %mul3A_1558 : f32 to vector<16xf32>
      %mul3A_1560 = arith.mulf %mul3A_1559, %exp3A_1557 : vector<16xf32>
      %add3A_1561 = arith.constant 0.0826912373 : f32
      %add3A_1562 = vector.broadcast %add3A_1561 : f32 to vector<16xf32>
      %add3A_1563 = arith.addf %mul3A_1560, %add3A_1562 : vector<16xf32>
      %mul3A_1564 = arith.mulf %add3A_1563, %exp3A_1557 : vector<16xf32>
      %add3A_1565 = arith.constant -0.190354332 : f32
      %add3A_1566 = vector.broadcast %add3A_1565 : f32 to vector<16xf32>
      %add3A_1567 = arith.addf %mul3A_1564, %add3A_1566 : vector<16xf32>
      %mul3A_1568 = arith.mulf %add3A_1567, %exp3A_1557 : vector<16xf32>
      %add3A_1569 = arith.constant 0.315747321 : f32
      %add3A_1570 = vector.broadcast %add3A_1569 : f32 to vector<16xf32>
      %add3A_1571 = arith.addf %mul3A_1568, %add3A_1570 : vector<16xf32>
      %mul3A_1572 = arith.mulf %add3A_1571, %exp3A_1557 : vector<16xf32>
      %add3A_1573 = arith.constant -0.497373223 : f32
      %add3A_1574 = vector.broadcast %add3A_1573 : f32 to vector<16xf32>
      %add3A_1575 = arith.addf %mul3A_1572, %add3A_1574 : vector<16xf32>
      %mul3A_1576 = arith.mulf %add3A_1575, %exp3A_1557 : vector<16xf32>
      %add3A_1577 = arith.constant 0.99984771 : f32
      %add3A_1578 = vector.broadcast %add3A_1577 : f32 to vector<16xf32>
      %add3A_1579 = arith.addf %mul3A_1576, %add3A_1578 : vector<16xf32>
      %mul3A_1580 = arith.mulf %add3A_1579, %exp3A_1557 : vector<16xf32>
      %add3A_1581 = arith.constant 1.47206504E-6 : f32
      %add3A_1582 = vector.broadcast %add3A_1581 : f32 to vector<16xf32>
      %add3A_1583 = arith.addf %mul3A_1580, %add3A_1582 : vector<16xf32>
      %eq3A_1584 = arith.constant 1 : i32
      %eq3A_1585 = vector.broadcast %eq3A_1584 : i32 to vector<16xi32>
      %eq3A_1586 = arith.cmpi eq, %get3A_1543, %eq3A_1585 : vector<16xi32>
      %select_n3A_1587 = arith.select %eq3A_1586, %neg3A_1555, %sub3A_1552 : vector<16xi1>, vector<16xf32>
      %max3A_1588 = arith.constant 0.000000e+00 : f32
      %max3A_1589 = vector.broadcast %max3A_1588 : f32 to vector<16xf32>
      %max3A_1590 = arith.maximumf %select_n3A_1587, %max3A_1589 : vector<16xf32>
      %add3A_1591 = arith.addf %max3A_1590, %add3A_1583 : vector<16xf32>
      %ne3A_1592 = arith.constant -1 : i32
      %ne3A_1593 = vector.broadcast %ne3A_1592 : i32 to vector<16xi32>
      %ne3A_1594 = arith.cmpi ne, %get3A_1543, %ne3A_1593 : vector<16xi32>
      %jit3A_1595 = arith.constant 0.000000e+00 : f32
      %broadcast_in_dim3A_1596 = vector.broadcast %jit3A_1595 : f32 to vector<16xf32>
      %select_n3A_1597 = arith.select %ne3A_1594, %get3A_1551, %broadcast_in_dim3A_1596 : vector<16xi1>, vector<16xf32>
      %mul3A_1598 = arith.mulf %add3A_1591, %select_n3A_1597 : vector<16xf32>
      %add3A_1599 = arith.addf %scan3A_1065, %mul3A_1598 : vector<16xf32>
      %mul3A_1600 = arith.constant 2 : i32
      %mul3A_1601 = arith.muli %mul3A_1600, %shift_right_logical3A_1068 : i32
      %get3A_1602 = arith.constant 0 : i32
      %get3A_1603 = arith.constant 0 : i32
      %get3A_1604 = arith.constant 0 : i32
      %get3A_1605 = tpu.memref_slice %arg7[%scan3A, %get3A_1602, %get3A_1603, %get3A_1604] : memref<2x8x16x128xf32, #tpu.memory_space<vmem>> -> memref<1x8x16x128xf32, #tpu.memory_space<vmem>>
      %get3A_1606 = tpu.memref_squeeze %get3A_1605 : memref<1x8x16x128xf32, #tpu.memory_space<vmem>> -> memref<8x16x128xf32, #tpu.memory_space<vmem>>
      %get3A_1607 = arith.index_cast %and3A_1069 : i32 to index
      %get3A_1608 = arith.index_cast %mul3A_1601 : i32 to index
      %get3A_1609 = arith.constant 96 : index
      %get3A_1610 = tpu.vector_load %get3A_1606[%get3A_1607, %get3A_1608, %get3A_1609] {strides = array<i32>} : memref<8x16x128xf32, #tpu.memory_space<vmem>>, vector<1x1x16xf32>,
      %get3A_1611 = vector.shape_cast %get3A_1610 : vector<1x1x16xf32> to vector<16xf32>
      %mul3A_1612 = arith.constant 2 : i32
      %mul3A_1613 = arith.muli %mul3A_1612, %shift_right_logical3A_1068 : i32
      %add3A_1614 = arith.constant 1 : i32
      %add3A_1615 = arith.addi %mul3A_1613, %add3A_1614 : i32
      %get3A_1616 = arith.constant 0 : i32
      %get3A_1617 = arith.constant 0 : i32
      %get3A_1618 = arith.constant 0 : i32
      %get3A_1619 = tpu.memref_slice %arg7[%scan3A, %get3A_1616, %get3A_1617, %get3A_1618] : memref<2x8x16x128xf32, #tpu.memory_space<vmem>> -> memref<1x8x16x128xf32, #tpu.memory_space<vmem>>
      %get3A_1620 = tpu.memref_squeeze %get3A_1619 : memref<1x8x16x128xf32, #tpu.memory_space<vmem>> -> memref<8x16x128xf32, #tpu.memory_space<vmem>>
      %get3A_1621 = arith.index_cast %and3A_1069 : i32 to index
      %get3A_1622 = arith.index_cast %add3A_1615 : i32 to index
      %get3A_1623 = arith.constant 96 : index
      %get3A_1624 = tpu.vector_load %get3A_1620[%get3A_1621, %get3A_1622, %get3A_1623] {strides = array<i32>} : memref<8x16x128xf32, #tpu.memory_space<vmem>>, vector<1x1x16xf32>,
      %get3A_1625 = vector.shape_cast %get3A_1624 : vector<1x1x16xf32> to vector<16xf32>
      %get3A_1626 = arith.constant 0 : i32
      %get3A_1627 = arith.constant 0 : i32
      %get3A_1628 = tpu.memref_slice %arg6[%scan3A_784, %get3A_1626, %get3A_1627] : memref<2x64x128xi32, #tpu.memory_space<vmem>> -> memref<1x64x128xi32, #tpu.memory_space<vmem>>
      %get3A_1629 = tpu.memref_squeeze %get3A_1628 : memref<1x64x128xi32, #tpu.memory_space<vmem>> -> memref<64x128xi32, #tpu.memory_space<vmem>>
      %get3A_1630 = arith.index_cast %scan3A_1059 : i32 to index
      %get3A_1631 = arith.constant 96 : index
      %get3A_1632 = tpu.vector_load %get3A_1629[%get3A_1630, %get3A_1631] {strides = array<i32>} : memref<64x128xi32, #tpu.memory_space<vmem>>, vector<1x16xi32>,
      %get3A_1633 = vector.shape_cast %get3A_1632 : vector<1x16xi32> to vector<16xi32>
      %get3A_1634 = arith.constant 0 : i32
      %get3A_1635 = arith.constant 0 : i32
      %get3A_1636 = tpu.memref_slice %arg8[%scan3A_785, %get3A_1634, %get3A_1635] : memref<2x64x128xf32, #tpu.memory_space<vmem>> -> memref<1x64x128xf32, #tpu.memory_space<vmem>>
      %get3A_1637 = tpu.memref_squeeze %get3A_1636 : memref<1x64x128xf32, #tpu.memory_space<vmem>> -> memref<64x128xf32, #tpu.memory_space<vmem>>
      %get3A_1638 = arith.index_cast %scan3A_1059 : i32 to index
      %get3A_1639 = arith.constant 96 : index
      %get3A_1640 = tpu.vector_load %get3A_1637[%get3A_1638, %get3A_1639] {strides = array<i32>} : memref<64x128xf32, #tpu.memory_space<vmem>>, vector<1x16xf32>,
      %get3A_1641 = vector.shape_cast %get3A_1640 : vector<1x16xf32> to vector<16xf32>
      %sub3A_1642 = arith.subf %get3A_1625, %get3A_1611 : vector<16xf32>
      %neg3A_1643 = arith.constant 0.000000e+00 : f32
      %neg3A_1644 = vector.broadcast %neg3A_1643 : f32 to vector<16xf32>
      %neg3A_1645 = arith.subf %neg3A_1644, %sub3A_1642 : vector<16xf32>
      %min3A_1646 = arith.minimumf %sub3A_1642, %neg3A_1645 : vector<16xf32>
      %exp3A_1647 = math.exp %min3A_1646 : vector<16xf32>
      %mul3A_1648 = arith.constant -0.0174140781 : f32
      %mul3A_1649 = vector.broadcast %mul3A_1648 : f32 to vector<16xf32>
      %mul3A_1650 = arith.mulf %mul3A_1649, %exp3A_1647 : vector<16xf32>
      %add3A_1651 = arith.constant 0.0826912373 : f32
      %add3A_1652 = vector.broadcast %add3A_1651 : f32 to vector<16xf32>
      %add3A_1653 = arith.addf %mul3A_1650, %add3A_1652 : vector<16xf32>
      %mul3A_1654 = arith.mulf %add3A_1653, %exp3A_1647 : vector<16xf32>
      %add3A_1655 = arith.constant -0.190354332 : f32
      %add3A_1656 = vector.broadcast %add3A_1655 : f32 to vector<16xf32>
      %add3A_1657 = arith.addf %mul3A_1654, %add3A_1656 : vector<16xf32>
      %mul3A_1658 = arith.mulf %add3A_1657, %exp3A_1647 : vector<16xf32>
      %add3A_1659 = arith.constant 0.315747321 : f32
      %add3A_1660 = vector.broadcast %add3A_1659 : f32 to vector<16xf32>
      %add3A_1661 = arith.addf %mul3A_1658, %add3A_1660 : vector<16xf32>
      %mul3A_1662 = arith.mulf %add3A_1661, %exp3A_1647 : vector<16xf32>
      %add3A_1663 = arith.constant -0.497373223 : f32
      %add3A_1664 = vector.broadcast %add3A_1663 : f32 to vector<16xf32>
      %add3A_1665 = arith.addf %mul3A_1662, %add3A_1664 : vector<16xf32>
      %mul3A_1666 = arith.mulf %add3A_1665, %exp3A_1647 : vector<16xf32>
      %add3A_1667 = arith.constant 0.99984771 : f32
      %add3A_1668 = vector.broadcast %add3A_1667 : f32 to vector<16xf32>
      %add3A_1669 = arith.addf %mul3A_1666, %add3A_1668 : vector<16xf32>
      %mul3A_1670 = arith.mulf %add3A_1669, %exp3A_1647 : vector<16xf32>
      %add3A_1671 = arith.constant 1.47206504E-6 : f32
      %add3A_1672 = vector.broadcast %add3A_1671 : f32 to vector<16xf32>
      %add3A_1673 = arith.addf %mul3A_1670, %add3A_1672 : vector<16xf32>
      %eq3A_1674 = arith.constant 1 : i32
      %eq3A_1675 = vector.broadcast %eq3A_1674 : i32 to vector<16xi32>
      %eq3A_1676 = arith.cmpi eq, %get3A_1633, %eq3A_1675 : vector<16xi32>
      %select_n3A_1677 = arith.select %eq3A_1676, %neg3A_1645, %sub3A_1642 : vector<16xi1>, vector<16xf32>
      %max3A_1678 = arith.constant 0.000000e+00 : f32
      %max3A_1679 = vector.broadcast %max3A_1678 : f32 to vector<16xf32>
      %max3A_1680 = arith.maximumf %select_n3A_1677, %max3A_1679 : vector<16xf32>
      %add3A_1681 = arith.addf %max3A_1680, %add3A_1673 : vector<16xf32>
      %ne3A_1682 = arith.constant -1 : i32
      %ne3A_1683 = vector.broadcast %ne3A_1682 : i32 to vector<16xi32>
      %ne3A_1684 = arith.cmpi ne, %get3A_1633, %ne3A_1683 : vector<16xi32>
      %jit3A_1685 = arith.constant 0.000000e+00 : f32
      %broadcast_in_dim3A_1686 = vector.broadcast %jit3A_1685 : f32 to vector<16xf32>
      %select_n3A_1687 = arith.select %ne3A_1684, %get3A_1641, %broadcast_in_dim3A_1686 : vector<16xi1>, vector<16xf32>
      %mul3A_1688 = arith.mulf %add3A_1681, %select_n3A_1687 : vector<16xf32>
      %add3A_1689 = arith.addf %scan3A_1066, %mul3A_1688 : vector<16xf32>
      %mul3A_1690 = arith.constant 2 : i32
      %mul3A_1691 = arith.muli %mul3A_1690, %shift_right_logical3A_1068 : i32
      %get3A_1692 = arith.constant 0 : i32
      %get3A_1693 = arith.constant 0 : i32
      %get3A_1694 = arith.constant 0 : i32
      %get3A_1695 = tpu.memref_slice %arg7[%scan3A, %get3A_1692, %get3A_1693, %get3A_1694] : memref<2x8x16x128xf32, #tpu.memory_space<vmem>> -> memref<1x8x16x128xf32, #tpu.memory_space<vmem>>
      %get3A_1696 = tpu.memref_squeeze %get3A_1695 : memref<1x8x16x128xf32, #tpu.memory_space<vmem>> -> memref<8x16x128xf32, #tpu.memory_space<vmem>>
      %get3A_1697 = arith.index_cast %and3A_1069 : i32 to index
      %get3A_1698 = arith.index_cast %mul3A_1691 : i32 to index
      %get3A_1699 = arith.constant 112 : index
      %get3A_1700 = tpu.vector_load %get3A_1696[%get3A_1697, %get3A_1698, %get3A_1699] {strides = array<i32>} : memref<8x16x128xf32, #tpu.memory_space<vmem>>, vector<1x1x16xf32>,
      %get3A_1701 = vector.shape_cast %get3A_1700 : vector<1x1x16xf32> to vector<16xf32>
      %mul3A_1702 = arith.constant 2 : i32
      %mul3A_1703 = arith.muli %mul3A_1702, %shift_right_logical3A_1068 : i32
      %add3A_1704 = arith.constant 1 : i32
      %add3A_1705 = arith.addi %mul3A_1703, %add3A_1704 : i32
      %get3A_1706 = arith.constant 0 : i32
      %get3A_1707 = arith.constant 0 : i32
      %get3A_1708 = arith.constant 0 : i32
      %get3A_1709 = tpu.memref_slice %arg7[%scan3A, %get3A_1706, %get3A_1707, %get3A_1708] : memref<2x8x16x128xf32, #tpu.memory_space<vmem>> -> memref<1x8x16x128xf32, #tpu.memory_space<vmem>>
      %get3A_1710 = tpu.memref_squeeze %get3A_1709 : memref<1x8x16x128xf32, #tpu.memory_space<vmem>> -> memref<8x16x128xf32, #tpu.memory_space<vmem>>
      %get3A_1711 = arith.index_cast %and3A_1069 : i32 to index
      %get3A_1712 = arith.index_cast %add3A_1705 : i32 to index
      %get3A_1713 = arith.constant 112 : index
      %get3A_1714 = tpu.vector_load %get3A_1710[%get3A_1711, %get3A_1712, %get3A_1713] {strides = array<i32>} : memref<8x16x128xf32, #tpu.memory_space<vmem>>, vector<1x1x16xf32>,
      %get3A_1715 = vector.shape_cast %get3A_1714 : vector<1x1x16xf32> to vector<16xf32>
      %get3A_1716 = arith.constant 0 : i32
      %get3A_1717 = arith.constant 0 : i32
      %get3A_1718 = tpu.memref_slice %arg6[%scan3A_784, %get3A_1716, %get3A_1717] : memref<2x64x128xi32, #tpu.memory_space<vmem>> -> memref<1x64x128xi32, #tpu.memory_space<vmem>>
      %get3A_1719 = tpu.memref_squeeze %get3A_1718 : memref<1x64x128xi32, #tpu.memory_space<vmem>> -> memref<64x128xi32, #tpu.memory_space<vmem>>
      %get3A_1720 = arith.index_cast %scan3A_1059 : i32 to index
      %get3A_1721 = arith.constant 112 : index
      %get3A_1722 = tpu.vector_load %get3A_1719[%get3A_1720, %get3A_1721] {strides = array<i32>} : memref<64x128xi32, #tpu.memory_space<vmem>>, vector<1x16xi32>,
      %get3A_1723 = vector.shape_cast %get3A_1722 : vector<1x16xi32> to vector<16xi32>
      %get3A_1724 = arith.constant 0 : i32
      %get3A_1725 = arith.constant 0 : i32
      %get3A_1726 = tpu.memref_slice %arg8[%scan3A_785, %get3A_1724, %get3A_1725] : memref<2x64x128xf32, #tpu.memory_space<vmem>> -> memref<1x64x128xf32, #tpu.memory_space<vmem>>
      %get3A_1727 = tpu.memref_squeeze %get3A_1726 : memref<1x64x128xf32, #tpu.memory_space<vmem>> -> memref<64x128xf32, #tpu.memory_space<vmem>>
      %get3A_1728 = arith.index_cast %scan3A_1059 : i32 to index
      %get3A_1729 = arith.constant 112 : index
      %get3A_1730 = tpu.vector_load %get3A_1727[%get3A_1728, %get3A_1729] {strides = array<i32>} : memref<64x128xf32, #tpu.memory_space<vmem>>, vector<1x16xf32>,
      %get3A_1731 = vector.shape_cast %get3A_1730 : vector<1x16xf32> to vector<16xf32>
      %sub3A_1732 = arith.subf %get3A_1715, %get3A_1701 : vector<16xf32>
      %neg3A_1733 = arith.constant 0.000000e+00 : f32
      %neg3A_1734 = vector.broadcast %neg3A_1733 : f32 to vector<16xf32>
      %neg3A_1735 = arith.subf %neg3A_1734, %sub3A_1732 : vector<16xf32>
      %min3A_1736 = arith.minimumf %sub3A_1732, %neg3A_1735 : vector<16xf32>
      %exp3A_1737 = math.exp %min3A_1736 : vector<16xf32>
      %mul3A_1738 = arith.constant -0.0174140781 : f32
      %mul3A_1739 = vector.broadcast %mul3A_1738 : f32 to vector<16xf32>
      %mul3A_1740 = arith.mulf %mul3A_1739, %exp3A_1737 : vector<16xf32>
      %add3A_1741 = arith.constant 0.0826912373 : f32
      %add3A_1742 = vector.broadcast %add3A_1741 : f32 to vector<16xf32>
      %add3A_1743 = arith.addf %mul3A_1740, %add3A_1742 : vector<16xf32>
      %mul3A_1744 = arith.mulf %add3A_1743, %exp3A_1737 : vector<16xf32>
      %add3A_1745 = arith.constant -0.190354332 : f32
      %add3A_1746 = vector.broadcast %add3A_1745 : f32 to vector<16xf32>
      %add3A_1747 = arith.addf %mul3A_1744, %add3A_1746 : vector<16xf32>
      %mul3A_1748 = arith.mulf %add3A_1747, %exp3A_1737 : vector<16xf32>
      %add3A_1749 = arith.constant 0.315747321 : f32
      %add3A_1750 = vector.broadcast %add3A_1749 : f32 to vector<16xf32>
      %add3A_1751 = arith.addf %mul3A_1748, %add3A_1750 : vector<16xf32>
      %mul3A_1752 = arith.mulf %add3A_1751, %exp3A_1737 : vector<16xf32>
      %add3A_1753 = arith.constant -0.497373223 : f32
      %add3A_1754 = vector.broadcast %add3A_1753 : f32 to vector<16xf32>
      %add3A_1755 = arith.addf %mul3A_1752, %add3A_1754 : vector<16xf32>
      %mul3A_1756 = arith.mulf %add3A_1755, %exp3A_1737 : vector<16xf32>
      %add3A_1757 = arith.constant 0.99984771 : f32
      %add3A_1758 = vector.broadcast %add3A_1757 : f32 to vector<16xf32>
      %add3A_1759 = arith.addf %mul3A_1756, %add3A_1758 : vector<16xf32>
      %mul3A_1760 = arith.mulf %add3A_1759, %exp3A_1737 : vector<16xf32>
      %add3A_1761 = arith.constant 1.47206504E-6 : f32
      %add3A_1762 = vector.broadcast %add3A_1761 : f32 to vector<16xf32>
      %add3A_1763 = arith.addf %mul3A_1760, %add3A_1762 : vector<16xf32>
      %eq3A_1764 = arith.constant 1 : i32
      %eq3A_1765 = vector.broadcast %eq3A_1764 : i32 to vector<16xi32>
      %eq3A_1766 = arith.cmpi eq, %get3A_1723, %eq3A_1765 : vector<16xi32>
      %select_n3A_1767 = arith.select %eq3A_1766, %neg3A_1735, %sub3A_1732 : vector<16xi1>, vector<16xf32>
      %max3A_1768 = arith.constant 0.000000e+00 : f32
      %max3A_1769 = vector.broadcast %max3A_1768 : f32 to vector<16xf32>
      %max3A_1770 = arith.maximumf %select_n3A_1767, %max3A_1769 : vector<16xf32>
      %add3A_1771 = arith.addf %max3A_1770, %add3A_1763 : vector<16xf32>
      %ne3A_1772 = arith.constant -1 : i32
      %ne3A_1773 = vector.broadcast %ne3A_1772 : i32 to vector<16xi32>
      %ne3A_1774 = arith.cmpi ne, %get3A_1723, %ne3A_1773 : vector<16xi32>
      %jit3A_1775 = arith.constant 0.000000e+00 : f32
      %broadcast_in_dim3A_1776 = vector.broadcast %jit3A_1775 : f32 to vector<16xf32>
      %select_n3A_1777 = arith.select %ne3A_1774, %get3A_1731, %broadcast_in_dim3A_1776 : vector<16xi1>, vector<16xf32>
      %mul3A_1778 = arith.mulf %add3A_1771, %select_n3A_1777 : vector<16xf32>
      %add3A_1779 = arith.addf %scan3A_1067, %mul3A_1778 : vector<16xf32>
      scf.yield %add3A_1149, %add3A_1239, %add3A_1329, %add3A_1419, %add3A_1509, %add3A_1599, %add3A_1689, %add3A_1779 : vector<16xf32>, vector<16xf32>, vector<16xf32>, vector<16xf32>, vector<16xf32>, vector<16xf32>, vector<16xf32>, vector<16xf32>
    }
    %scan3A_791 = arith.constant 64 : i32
    %dma_wait3A_792 = arith.constant 1 : i32
    %dma_wait3A_793 = arith.constant 0 : i32
    %dma_wait3A_794 = arith.constant 0 : i32
    %dma_wait3A_795 = tpu.memref_slice %arg6[%dma_wait3A_792, %dma_wait3A_793, %dma_wait3A_794] : memref<2x64x128xi32, #tpu.memory_space<vmem>> -> memref<1x64x128xi32, #tpu.memory_space<vmem>>
    %dma_wait3A_796 = tpu.memref_squeeze %dma_wait3A_795 : memref<1x64x128xi32, #tpu.memory_space<vmem>> -> memref<64x128xi32, #tpu.memory_space<vmem>>
    %dma_wait3A_797 = arith.constant 0 : i32
    %dma_wait3A_798 = tpu.memref_slice %arg2[%mul3A_282, %dma_wait3A_797] : memref<16384x128xi32, #tpu.memory_space<hbm>> -> memref<64x128xi32, #tpu.memory_space<hbm>>
    %dma_wait3A_799 = arith.constant 0 : i32
    %dma_wait3A_800 = arith.constant 0 : i32
    %dma_wait3A_801 = tpu.memref_slice %arg6[%dma_wait3A_792, %dma_wait3A_799, %dma_wait3A_800] : memref<2x64x128xi32, #tpu.memory_space<vmem>> -> memref<1x64x128xi32, #tpu.memory_space<vmem>>
    %dma_wait3A_802 = tpu.memref_squeeze %dma_wait3A_801 : memref<1x64x128xi32, #tpu.memory_space<vmem>> -> memref<64x128xi32, #tpu.memory_space<vmem>>
    %dma_wait3A_803 = arith.constant 0 : i32
    %dma_wait3A_804 = tpu.memref_slice %arg2[%mul3A_282, %dma_wait3A_803] : memref<16384x128xi32, #tpu.memory_space<hbm>> -> memref<64x128xi32, #tpu.memory_space<hbm>>
    tpu.wait_dma2 semaphore(%arg11 : memref<!tpu.dma_semaphore, #tpu.memory_space<semaphore_mem>>) src(%dma_wait3A_804 : memref<64x128xi32, #tpu.memory_space<hbm>>) dst(%dma_wait3A_802 : memref<64x128xi32, #tpu.memory_space<vmem>>)
    %dma_wait3A_805 = arith.constant 1 : i32
    %dma_wait3A_806 = arith.constant 0 : i32
    %dma_wait3A_807 = arith.constant 0 : i32
    %dma_wait3A_808 = tpu.memref_slice %arg8[%dma_wait3A_805, %dma_wait3A_806, %dma_wait3A_807] : memref<2x64x128xf32, #tpu.memory_space<vmem>> -> memref<1x64x128xf32, #tpu.memory_space<vmem>>
    %dma_wait3A_809 = tpu.memref_squeeze %dma_wait3A_808 : memref<1x64x128xf32, #tpu.memory_space<vmem>> -> memref<64x128xf32, #tpu.memory_space<vmem>>
    %dma_wait3A_810 = arith.constant 0 : i32
    %dma_wait3A_811 = tpu.memref_slice %arg4[%mul3A_297, %dma_wait3A_810] : memref<16384x128xf32, #tpu.memory_space<hbm>> -> memref<64x128xf32, #tpu.memory_space<hbm>>
    %dma_wait3A_812 = arith.constant 0 : i32
    %dma_wait3A_813 = arith.constant 0 : i32
    %dma_wait3A_814 = tpu.memref_slice %arg8[%dma_wait3A_805, %dma_wait3A_812, %dma_wait3A_813] : memref<2x64x128xf32, #tpu.memory_space<vmem>> -> memref<1x64x128xf32, #tpu.memory_space<vmem>>
    %dma_wait3A_815 = tpu.memref_squeeze %dma_wait3A_814 : memref<1x64x128xf32, #tpu.memory_space<vmem>> -> memref<64x128xf32, #tpu.memory_space<vmem>>
    %dma_wait3A_816 = arith.constant 0 : i32
    %dma_wait3A_817 = tpu.memref_slice %arg4[%mul3A_297, %dma_wait3A_816] : memref<16384x128xf32, #tpu.memory_space<hbm>> -> memref<64x128xf32, #tpu.memory_space<hbm>>
    tpu.wait_dma2 semaphore(%arg11 : memref<!tpu.dma_semaphore, #tpu.memory_space<semaphore_mem>>) src(%dma_wait3A_817 : memref<64x128xf32, #tpu.memory_space<hbm>>) dst(%dma_wait3A_815 : memref<64x128xf32, #tpu.memory_space<vmem>>)
    %dma_wait3A_818 = arith.constant 0 : i32
    %dma_wait3A_819 = arith.constant 1 : i32
    %dma_wait3A_820 = arith.constant 0 : i32
    %dma_wait3A_821 = arith.constant 0 : i32
    %dma_wait3A_822 = arith.constant 0 : i32
    %dma_wait3A_823 = arith.constant 0 : i32
    %dma_wait3A_824 = tpu.memref_slice %arg7[%dma_wait3A_819, %dma_wait3A_821, %dma_wait3A_822, %dma_wait3A_823] : memref<2x8x16x128xf32, #tpu.memory_space<vmem>> -> memref<1x8x16x128xf32, #tpu.memory_space<vmem>>
    %dma_wait3A_825 = tpu.memref_squeeze %dma_wait3A_824 : memref<1x8x16x128xf32, #tpu.memory_space<vmem>> -> memref<8x16x128xf32, #tpu.memory_space<vmem>>
    %dma_wait3A_826 = arith.constant 0 : i32
    %dma_wait3A_827 = arith.constant 0 : i32
    %dma_wait3A_828 = tpu.memref_slice %dma_wait3A_825[%dma_wait3A_820, %dma_wait3A_826, %dma_wait3A_827] : memref<8x16x128xf32, #tpu.memory_space<vmem>> -> memref<1x16x128xf32, #tpu.memory_space<vmem>>
    %dma_wait3A_829 = tpu.memref_squeeze %dma_wait3A_828 : memref<1x16x128xf32, #tpu.memory_space<vmem>> -> memref<16x128xf32, #tpu.memory_space<vmem>>
    %dma_wait3A_830 = arith.constant 0 : i32
    %dma_wait3A_831 = tpu.memref_slice %arg3[%dma_wait3A_818, %mul3A_312, %dma_wait3A_830] : memref<8x4096x128xf32, #tpu.memory_space<hbm>> -> memref<1x16x128xf32, #tpu.memory_space<hbm>>
    %dma_wait3A_832 = tpu.memref_squeeze %dma_wait3A_831 : memref<1x16x128xf32, #tpu.memory_space<hbm>> -> memref<16x128xf32, #tpu.memory_space<hbm>>
    %dma_wait3A_833 = arith.constant 0 : i32
    %dma_wait3A_834 = arith.constant 0 : i32
    %dma_wait3A_835 = arith.constant 0 : i32
    %dma_wait3A_836 = tpu.memref_slice %arg7[%dma_wait3A_819, %dma_wait3A_833, %dma_wait3A_834, %dma_wait3A_835] : memref<2x8x16x128xf32, #tpu.memory_space<vmem>> -> memref<1x8x16x128xf32, #tpu.memory_space<vmem>>
    %dma_wait3A_837 = tpu.memref_squeeze %dma_wait3A_836 : memref<1x8x16x128xf32, #tpu.memory_space<vmem>> -> memref<8x16x128xf32, #tpu.memory_space<vmem>>
    %dma_wait3A_838 = arith.constant 0 : i32
    %dma_wait3A_839 = arith.constant 0 : i32
    %dma_wait3A_840 = tpu.memref_slice %dma_wait3A_837[%dma_wait3A_820, %dma_wait3A_838, %dma_wait3A_839] : memref<8x16x128xf32, #tpu.memory_space<vmem>> -> memref<1x16x128xf32, #tpu.memory_space<vmem>>
    %dma_wait3A_841 = tpu.memref_squeeze %dma_wait3A_840 : memref<1x16x128xf32, #tpu.memory_space<vmem>> -> memref<16x128xf32, #tpu.memory_space<vmem>>
    %dma_wait3A_842 = arith.constant 0 : i32
    %dma_wait3A_843 = tpu.memref_slice %arg3[%dma_wait3A_818, %mul3A_312, %dma_wait3A_842] : memref<8x4096x128xf32, #tpu.memory_space<hbm>> -> memref<1x16x128xf32, #tpu.memory_space<hbm>>
    %dma_wait3A_844 = tpu.memref_squeeze %dma_wait3A_843 : memref<1x16x128xf32, #tpu.memory_space<hbm>> -> memref<16x128xf32, #tpu.memory_space<hbm>>
    tpu.wait_dma2 semaphore(%arg11 : memref<!tpu.dma_semaphore, #tpu.memory_space<semaphore_mem>>) src(%dma_wait3A_844 : memref<16x128xf32, #tpu.memory_space<hbm>>) dst(%dma_wait3A_841 : memref<16x128xf32, #tpu.memory_space<vmem>>)
    %dma_wait3A_845 = arith.constant 1 : i32
    %dma_wait3A_846 = arith.constant 1 : i32
    %dma_wait3A_847 = arith.constant 1 : i32
    %dma_wait3A_848 = arith.constant 0 : i32
    %dma_wait3A_849 = arith.constant 0 : i32
    %dma_wait3A_850 = arith.constant 0 : i32
    %dma_wait3A_851 = tpu.memref_slice %arg7[%dma_wait3A_846, %dma_wait3A_848, %dma_wait3A_849, %dma_wait3A_850] : memref<2x8x16x128xf32, #tpu.memory_space<vmem>> -> memref<1x8x16x128xf32, #tpu.memory_space<vmem>>
    %dma_wait3A_852 = tpu.memref_squeeze %dma_wait3A_851 : memref<1x8x16x128xf32, #tpu.memory_space<vmem>> -> memref<8x16x128xf32, #tpu.memory_space<vmem>>
    %dma_wait3A_853 = arith.constant 0 : i32
    %dma_wait3A_854 = arith.constant 0 : i32
    %dma_wait3A_855 = tpu.memref_slice %dma_wait3A_852[%dma_wait3A_847, %dma_wait3A_853, %dma_wait3A_854] : memref<8x16x128xf32, #tpu.memory_space<vmem>> -> memref<1x16x128xf32, #tpu.memory_space<vmem>>
    %dma_wait3A_856 = tpu.memref_squeeze %dma_wait3A_855 : memref<1x16x128xf32, #tpu.memory_space<vmem>> -> memref<16x128xf32, #tpu.memory_space<vmem>>
    %dma_wait3A_857 = arith.constant 0 : i32
    %dma_wait3A_858 = tpu.memref_slice %arg3[%dma_wait3A_845, %mul3A_341, %dma_wait3A_857] : memref<8x4096x128xf32, #tpu.memory_space<hbm>> -> memref<1x16x128xf32, #tpu.memory_space<hbm>>
    %dma_wait3A_859 = tpu.memref_squeeze %dma_wait3A_858 : memref<1x16x128xf32, #tpu.memory_space<hbm>> -> memref<16x128xf32, #tpu.memory_space<hbm>>
    %dma_wait3A_860 = arith.constant 0 : i32
    %dma_wait3A_861 = arith.constant 0 : i32
    %dma_wait3A_862 = arith.constant 0 : i32
    %dma_wait3A_863 = tpu.memref_slice %arg7[%dma_wait3A_846, %dma_wait3A_860, %dma_wait3A_861, %dma_wait3A_862] : memref<2x8x16x128xf32, #tpu.memory_space<vmem>> -> memref<1x8x16x128xf32, #tpu.memory_space<vmem>>
    %dma_wait3A_864 = tpu.memref_squeeze %dma_wait3A_863 : memref<1x8x16x128xf32, #tpu.memory_space<vmem>> -> memref<8x16x128xf32, #tpu.memory_space<vmem>>
    %dma_wait3A_865 = arith.constant 0 : i32
    %dma_wait3A_866 = arith.constant 0 : i32
    %dma_wait3A_867 = tpu.memref_slice %dma_wait3A_864[%dma_wait3A_847, %dma_wait3A_865, %dma_wait3A_866] : memref<8x16x128xf32, #tpu.memory_space<vmem>> -> memref<1x16x128xf32, #tpu.memory_space<vmem>>
    %dma_wait3A_868 = tpu.memref_squeeze %dma_wait3A_867 : memref<1x16x128xf32, #tpu.memory_space<vmem>> -> memref<16x128xf32, #tpu.memory_space<vmem>>
    %dma_wait3A_869 = arith.constant 0 : i32
    %dma_wait3A_870 = tpu.memref_slice %arg3[%dma_wait3A_845, %mul3A_341, %dma_wait3A_869] : memref<8x4096x128xf32, #tpu.memory_space<hbm>> -> memref<1x16x128xf32, #tpu.memory_space<hbm>>
    %dma_wait3A_871 = tpu.memref_squeeze %dma_wait3A_870 : memref<1x16x128xf32, #tpu.memory_space<hbm>> -> memref<16x128xf32, #tpu.memory_space<hbm>>
    tpu.wait_dma2 semaphore(%arg11 : memref<!tpu.dma_semaphore, #tpu.memory_space<semaphore_mem>>) src(%dma_wait3A_871 : memref<16x128xf32, #tpu.memory_space<hbm>>) dst(%dma_wait3A_868 : memref<16x128xf32, #tpu.memory_space<vmem>>)
    %dma_wait3A_872 = arith.constant 2 : i32
    %dma_wait3A_873 = arith.constant 1 : i32
    %dma_wait3A_874 = arith.constant 2 : i32
    %dma_wait3A_875 = arith.constant 0 : i32
    %dma_wait3A_876 = arith.constant 0 : i32
    %dma_wait3A_877 = arith.constant 0 : i32
    %dma_wait3A_878 = tpu.memref_slice %arg7[%dma_wait3A_873, %dma_wait3A_875, %dma_wait3A_876, %dma_wait3A_877] : memref<2x8x16x128xf32, #tpu.memory_space<vmem>> -> memref<1x8x16x128xf32, #tpu.memory_space<vmem>>
    %dma_wait3A_879 = tpu.memref_squeeze %dma_wait3A_878 : memref<1x8x16x128xf32, #tpu.memory_space<vmem>> -> memref<8x16x128xf32, #tpu.memory_space<vmem>>
    %dma_wait3A_880 = arith.constant 0 : i32
    %dma_wait3A_881 = arith.constant 0 : i32
    %dma_wait3A_882 = tpu.memref_slice %dma_wait3A_879[%dma_wait3A_874, %dma_wait3A_880, %dma_wait3A_881] : memref<8x16x128xf32, #tpu.memory_space<vmem>> -> memref<1x16x128xf32, #tpu.memory_space<vmem>>
    %dma_wait3A_883 = tpu.memref_squeeze %dma_wait3A_882 : memref<1x16x128xf32, #tpu.memory_space<vmem>> -> memref<16x128xf32, #tpu.memory_space<vmem>>
    %dma_wait3A_884 = arith.constant 0 : i32
    %dma_wait3A_885 = tpu.memref_slice %arg3[%dma_wait3A_872, %mul3A_370, %dma_wait3A_884] : memref<8x4096x128xf32, #tpu.memory_space<hbm>> -> memref<1x16x128xf32, #tpu.memory_space<hbm>>
    %dma_wait3A_886 = tpu.memref_squeeze %dma_wait3A_885 : memref<1x16x128xf32, #tpu.memory_space<hbm>> -> memref<16x128xf32, #tpu.memory_space<hbm>>
    %dma_wait3A_887 = arith.constant 0 : i32
    %dma_wait3A_888 = arith.constant 0 : i32
    %dma_wait3A_889 = arith.constant 0 : i32
    %dma_wait3A_890 = tpu.memref_slice %arg7[%dma_wait3A_873, %dma_wait3A_887, %dma_wait3A_888, %dma_wait3A_889] : memref<2x8x16x128xf32, #tpu.memory_space<vmem>> -> memref<1x8x16x128xf32, #tpu.memory_space<vmem>>
    %dma_wait3A_891 = tpu.memref_squeeze %dma_wait3A_890 : memref<1x8x16x128xf32, #tpu.memory_space<vmem>> -> memref<8x16x128xf32, #tpu.memory_space<vmem>>
    %dma_wait3A_892 = arith.constant 0 : i32
    %dma_wait3A_893 = arith.constant 0 : i32
    %dma_wait3A_894 = tpu.memref_slice %dma_wait3A_891[%dma_wait3A_874, %dma_wait3A_892, %dma_wait3A_893] : memref<8x16x128xf32, #tpu.memory_space<vmem>> -> memref<1x16x128xf32, #tpu.memory_space<vmem>>
    %dma_wait3A_895 = tpu.memref_squeeze %dma_wait3A_894 : memref<1x16x128xf32, #tpu.memory_space<vmem>> -> memref<16x128xf32, #tpu.memory_space<vmem>>
    %dma_wait3A_896 = arith.constant 0 : i32
    %dma_wait3A_897 = tpu.memref_slice %arg3[%dma_wait3A_872, %mul3A_370, %dma_wait3A_896] : memref<8x4096x128xf32, #tpu.memory_space<hbm>> -> memref<1x16x128xf32, #tpu.memory_space<hbm>>
    %dma_wait3A_898 = tpu.memref_squeeze %dma_wait3A_897 : memref<1x16x128xf32, #tpu.memory_space<hbm>> -> memref<16x128xf32, #tpu.memory_space<hbm>>
    tpu.wait_dma2 semaphore(%arg11 : memref<!tpu.dma_semaphore, #tpu.memory_space<semaphore_mem>>) src(%dma_wait3A_898 : memref<16x128xf32, #tpu.memory_space<hbm>>) dst(%dma_wait3A_895 : memref<16x128xf32, #tpu.memory_space<vmem>>)
    %dma_wait3A_899 = arith.constant 3 : i32
    %dma_wait3A_900 = arith.constant 1 : i32
    %dma_wait3A_901 = arith.constant 3 : i32
    %dma_wait3A_902 = arith.constant 0 : i32
    %dma_wait3A_903 = arith.constant 0 : i32
    %dma_wait3A_904 = arith.constant 0 : i32
    %dma_wait3A_905 = tpu.memref_slice %arg7[%dma_wait3A_900, %dma_wait3A_902, %dma_wait3A_903, %dma_wait3A_904] : memref<2x8x16x128xf32, #tpu.memory_space<vmem>> -> memref<1x8x16x128xf32, #tpu.memory_space<vmem>>
    %dma_wait3A_906 = tpu.memref_squeeze %dma_wait3A_905 : memref<1x8x16x128xf32, #tpu.memory_space<vmem>> -> memref<8x16x128xf32, #tpu.memory_space<vmem>>
    %dma_wait3A_907 = arith.constant 0 : i32
    %dma_wait3A_908 = arith.constant 0 : i32
    %dma_wait3A_909 = tpu.memref_slice %dma_wait3A_906[%dma_wait3A_901, %dma_wait3A_907, %dma_wait3A_908] : memref<8x16x128xf32, #tpu.memory_space<vmem>> -> memref<1x16x128xf32, #tpu.memory_space<vmem>>
    %dma_wait3A_910 = tpu.memref_squeeze %dma_wait3A_909 : memref<1x16x128xf32, #tpu.memory_space<vmem>> -> memref<16x128xf32, #tpu.memory_space<vmem>>
    %dma_wait3A_911 = arith.constant 0 : i32
    %dma_wait3A_912 = tpu.memref_slice %arg3[%dma_wait3A_899, %mul3A_399, %dma_wait3A_911] : memref<8x4096x128xf32, #tpu.memory_space<hbm>> -> memref<1x16x128xf32, #tpu.memory_space<hbm>>
    %dma_wait3A_913 = tpu.memref_squeeze %dma_wait3A_912 : memref<1x16x128xf32, #tpu.memory_space<hbm>> -> memref<16x128xf32, #tpu.memory_space<hbm>>
    %dma_wait3A_914 = arith.constant 0 : i32
    %dma_wait3A_915 = arith.constant 0 : i32
    %dma_wait3A_916 = arith.constant 0 : i32
    %dma_wait3A_917 = tpu.memref_slice %arg7[%dma_wait3A_900, %dma_wait3A_914, %dma_wait3A_915, %dma_wait3A_916] : memref<2x8x16x128xf32, #tpu.memory_space<vmem>> -> memref<1x8x16x128xf32, #tpu.memory_space<vmem>>
    %dma_wait3A_918 = tpu.memref_squeeze %dma_wait3A_917 : memref<1x8x16x128xf32, #tpu.memory_space<vmem>> -> memref<8x16x128xf32, #tpu.memory_space<vmem>>
    %dma_wait3A_919 = arith.constant 0 : i32
    %dma_wait3A_920 = arith.constant 0 : i32
    %dma_wait3A_921 = tpu.memref_slice %dma_wait3A_918[%dma_wait3A_901, %dma_wait3A_919, %dma_wait3A_920] : memref<8x16x128xf32, #tpu.memory_space<vmem>> -> memref<1x16x128xf32, #tpu.memory_space<vmem>>
    %dma_wait3A_922 = tpu.memref_squeeze %dma_wait3A_921 : memref<1x16x128xf32, #tpu.memory_space<vmem>> -> memref<16x128xf32, #tpu.memory_space<vmem>>
    %dma_wait3A_923 = arith.constant 0 : i32
    %dma_wait3A_924 = tpu.memref_slice %arg3[%dma_wait3A_899, %mul3A_399, %dma_wait3A_923] : memref<8x4096x128xf32, #tpu.memory_space<hbm>> -> memref<1x16x128xf32, #tpu.memory_space<hbm>>
    %dma_wait3A_925 = tpu.memref_squeeze %dma_wait3A_924 : memref<1x16x128xf32, #tpu.memory_space<hbm>> -> memref<16x128xf32, #tpu.memory_space<hbm>>
    tpu.wait_dma2 semaphore(%arg11 : memref<!tpu.dma_semaphore, #tpu.memory_space<semaphore_mem>>) src(%dma_wait3A_925 : memref<16x128xf32, #tpu.memory_space<hbm>>) dst(%dma_wait3A_922 : memref<16x128xf32, #tpu.memory_space<vmem>>)
    %dma_wait3A_926 = arith.constant 4 : i32
    %dma_wait3A_927 = arith.constant 1 : i32
    %dma_wait3A_928 = arith.constant 4 : i32
    %dma_wait3A_929 = arith.constant 0 : i32
    %dma_wait3A_930 = arith.constant 0 : i32
    %dma_wait3A_931 = arith.constant 0 : i32
    %dma_wait3A_932 = tpu.memref_slice %arg7[%dma_wait3A_927, %dma_wait3A_929, %dma_wait3A_930, %dma_wait3A_931] : memref<2x8x16x128xf32, #tpu.memory_space<vmem>> -> memref<1x8x16x128xf32, #tpu.memory_space<vmem>>
    %dma_wait3A_933 = tpu.memref_squeeze %dma_wait3A_932 : memref<1x8x16x128xf32, #tpu.memory_space<vmem>> -> memref<8x16x128xf32, #tpu.memory_space<vmem>>
    %dma_wait3A_934 = arith.constant 0 : i32
    %dma_wait3A_935 = arith.constant 0 : i32
    %dma_wait3A_936 = tpu.memref_slice %dma_wait3A_933[%dma_wait3A_928, %dma_wait3A_934, %dma_wait3A_935] : memref<8x16x128xf32, #tpu.memory_space<vmem>> -> memref<1x16x128xf32, #tpu.memory_space<vmem>>
    %dma_wait3A_937 = tpu.memref_squeeze %dma_wait3A_936 : memref<1x16x128xf32, #tpu.memory_space<vmem>> -> memref<16x128xf32, #tpu.memory_space<vmem>>
    %dma_wait3A_938 = arith.constant 0 : i32
    %dma_wait3A_939 = tpu.memref_slice %arg3[%dma_wait3A_926, %mul3A_428, %dma_wait3A_938] : memref<8x4096x128xf32, #tpu.memory_space<hbm>> -> memref<1x16x128xf32, #tpu.memory_space<hbm>>
    %dma_wait3A_940 = tpu.memref_squeeze %dma_wait3A_939 : memref<1x16x128xf32, #tpu.memory_space<hbm>> -> memref<16x128xf32, #tpu.memory_space<hbm>>
    %dma_wait3A_941 = arith.constant 0 : i32
    %dma_wait3A_942 = arith.constant 0 : i32
    %dma_wait3A_943 = arith.constant 0 : i32
    %dma_wait3A_944 = tpu.memref_slice %arg7[%dma_wait3A_927, %dma_wait3A_941, %dma_wait3A_942, %dma_wait3A_943] : memref<2x8x16x128xf32, #tpu.memory_space<vmem>> -> memref<1x8x16x128xf32, #tpu.memory_space<vmem>>
    %dma_wait3A_945 = tpu.memref_squeeze %dma_wait3A_944 : memref<1x8x16x128xf32, #tpu.memory_space<vmem>> -> memref<8x16x128xf32, #tpu.memory_space<vmem>>
    %dma_wait3A_946 = arith.constant 0 : i32
    %dma_wait3A_947 = arith.constant 0 : i32
    %dma_wait3A_948 = tpu.memref_slice %dma_wait3A_945[%dma_wait3A_928, %dma_wait3A_946, %dma_wait3A_947] : memref<8x16x128xf32, #tpu.memory_space<vmem>> -> memref<1x16x128xf32, #tpu.memory_space<vmem>>
    %dma_wait3A_949 = tpu.memref_squeeze %dma_wait3A_948 : memref<1x16x128xf32, #tpu.memory_space<vmem>> -> memref<16x128xf32, #tpu.memory_space<vmem>>
    %dma_wait3A_950 = arith.constant 0 : i32
    %dma_wait3A_951 = tpu.memref_slice %arg3[%dma_wait3A_926, %mul3A_428, %dma_wait3A_950] : memref<8x4096x128xf32, #tpu.memory_space<hbm>> -> memref<1x16x128xf32, #tpu.memory_space<hbm>>
    %dma_wait3A_952 = tpu.memref_squeeze %dma_wait3A_951 : memref<1x16x128xf32, #tpu.memory_space<hbm>> -> memref<16x128xf32, #tpu.memory_space<hbm>>
    tpu.wait_dma2 semaphore(%arg11 : memref<!tpu.dma_semaphore, #tpu.memory_space<semaphore_mem>>) src(%dma_wait3A_952 : memref<16x128xf32, #tpu.memory_space<hbm>>) dst(%dma_wait3A_949 : memref<16x128xf32, #tpu.memory_space<vmem>>)
    %dma_wait3A_953 = arith.constant 5 : i32
    %dma_wait3A_954 = arith.constant 1 : i32
    %dma_wait3A_955 = arith.constant 5 : i32
    %dma_wait3A_956 = arith.constant 0 : i32
    %dma_wait3A_957 = arith.constant 0 : i32
    %dma_wait3A_958 = arith.constant 0 : i32
    %dma_wait3A_959 = tpu.memref_slice %arg7[%dma_wait3A_954, %dma_wait3A_956, %dma_wait3A_957, %dma_wait3A_958] : memref<2x8x16x128xf32, #tpu.memory_space<vmem>> -> memref<1x8x16x128xf32, #tpu.memory_space<vmem>>
    %dma_wait3A_960 = tpu.memref_squeeze %dma_wait3A_959 : memref<1x8x16x128xf32, #tpu.memory_space<vmem>> -> memref<8x16x128xf32, #tpu.memory_space<vmem>>
    %dma_wait3A_961 = arith.constant 0 : i32
    %dma_wait3A_962 = arith.constant 0 : i32
    %dma_wait3A_963 = tpu.memref_slice %dma_wait3A_960[%dma_wait3A_955, %dma_wait3A_961, %dma_wait3A_962] : memref<8x16x128xf32, #tpu.memory_space<vmem>> -> memref<1x16x128xf32, #tpu.memory_space<vmem>>
    %dma_wait3A_964 = tpu.memref_squeeze %dma_wait3A_963 : memref<1x16x128xf32, #tpu.memory_space<vmem>> -> memref<16x128xf32, #tpu.memory_space<vmem>>
    %dma_wait3A_965 = arith.constant 0 : i32
    %dma_wait3A_966 = tpu.memref_slice %arg3[%dma_wait3A_953, %mul3A_457, %dma_wait3A_965] : memref<8x4096x128xf32, #tpu.memory_space<hbm>> -> memref<1x16x128xf32, #tpu.memory_space<hbm>>
    %dma_wait3A_967 = tpu.memref_squeeze %dma_wait3A_966 : memref<1x16x128xf32, #tpu.memory_space<hbm>> -> memref<16x128xf32, #tpu.memory_space<hbm>>
    %dma_wait3A_968 = arith.constant 0 : i32
    %dma_wait3A_969 = arith.constant 0 : i32
    %dma_wait3A_970 = arith.constant 0 : i32
    %dma_wait3A_971 = tpu.memref_slice %arg7[%dma_wait3A_954, %dma_wait3A_968, %dma_wait3A_969, %dma_wait3A_970] : memref<2x8x16x128xf32, #tpu.memory_space<vmem>> -> memref<1x8x16x128xf32, #tpu.memory_space<vmem>>
    %dma_wait3A_972 = tpu.memref_squeeze %dma_wait3A_971 : memref<1x8x16x128xf32, #tpu.memory_space<vmem>> -> memref<8x16x128xf32, #tpu.memory_space<vmem>>
    %dma_wait3A_973 = arith.constant 0 : i32
    %dma_wait3A_974 = arith.constant 0 : i32
    %dma_wait3A_975 = tpu.memref_slice %dma_wait3A_972[%dma_wait3A_955, %dma_wait3A_973, %dma_wait3A_974] : memref<8x16x128xf32, #tpu.memory_space<vmem>> -> memref<1x16x128xf32, #tpu.memory_space<vmem>>
    %dma_wait3A_976 = tpu.memref_squeeze %dma_wait3A_975 : memref<1x16x128xf32, #tpu.memory_space<vmem>> -> memref<16x128xf32, #tpu.memory_space<vmem>>
    %dma_wait3A_977 = arith.constant 0 : i32
    %dma_wait3A_978 = tpu.memref_slice %arg3[%dma_wait3A_953, %mul3A_457, %dma_wait3A_977] : memref<8x4096x128xf32, #tpu.memory_space<hbm>> -> memref<1x16x128xf32, #tpu.memory_space<hbm>>
    %dma_wait3A_979 = tpu.memref_squeeze %dma_wait3A_978 : memref<1x16x128xf32, #tpu.memory_space<hbm>> -> memref<16x128xf32, #tpu.memory_space<hbm>>
    tpu.wait_dma2 semaphore(%arg11 : memref<!tpu.dma_semaphore, #tpu.memory_space<semaphore_mem>>) src(%dma_wait3A_979 : memref<16x128xf32, #tpu.memory_space<hbm>>) dst(%dma_wait3A_976 : memref<16x128xf32, #tpu.memory_space<vmem>>)
    %dma_wait3A_980 = arith.constant 6 : i32
    %dma_wait3A_981 = arith.constant 1 : i32
    %dma_wait3A_982 = arith.constant 6 : i32
    %dma_wait3A_983 = arith.constant 0 : i32
    %dma_wait3A_984 = arith.constant 0 : i32
    %dma_wait3A_985 = arith.constant 0 : i32
    %dma_wait3A_986 = tpu.memref_slice %arg7[%dma_wait3A_981, %dma_wait3A_983, %dma_wait3A_984, %dma_wait3A_985] : memref<2x8x16x128xf32, #tpu.memory_space<vmem>> -> memref<1x8x16x128xf32, #tpu.memory_space<vmem>>
    %dma_wait3A_987 = tpu.memref_squeeze %dma_wait3A_986 : memref<1x8x16x128xf32, #tpu.memory_space<vmem>> -> memref<8x16x128xf32, #tpu.memory_space<vmem>>
    %dma_wait3A_988 = arith.constant 0 : i32
    %dma_wait3A_989 = arith.constant 0 : i32
    %dma_wait3A_990 = tpu.memref_slice %dma_wait3A_987[%dma_wait3A_982, %dma_wait3A_988, %dma_wait3A_989] : memref<8x16x128xf32, #tpu.memory_space<vmem>> -> memref<1x16x128xf32, #tpu.memory_space<vmem>>
    %dma_wait3A_991 = tpu.memref_squeeze %dma_wait3A_990 : memref<1x16x128xf32, #tpu.memory_space<vmem>> -> memref<16x128xf32, #tpu.memory_space<vmem>>
    %dma_wait3A_992 = arith.constant 0 : i32
    %dma_wait3A_993 = tpu.memref_slice %arg3[%dma_wait3A_980, %mul3A_486, %dma_wait3A_992] : memref<8x4096x128xf32, #tpu.memory_space<hbm>> -> memref<1x16x128xf32, #tpu.memory_space<hbm>>
    %dma_wait3A_994 = tpu.memref_squeeze %dma_wait3A_993 : memref<1x16x128xf32, #tpu.memory_space<hbm>> -> memref<16x128xf32, #tpu.memory_space<hbm>>
    %dma_wait3A_995 = arith.constant 0 : i32
    %dma_wait3A_996 = arith.constant 0 : i32
    %dma_wait3A_997 = arith.constant 0 : i32
    %dma_wait3A_998 = tpu.memref_slice %arg7[%dma_wait3A_981, %dma_wait3A_995, %dma_wait3A_996, %dma_wait3A_997] : memref<2x8x16x128xf32, #tpu.memory_space<vmem>> -> memref<1x8x16x128xf32, #tpu.memory_space<vmem>>
    %dma_wait3A_999 = tpu.memref_squeeze %dma_wait3A_998 : memref<1x8x16x128xf32, #tpu.memory_space<vmem>> -> memref<8x16x128xf32, #tpu.memory_space<vmem>>
    %dma_wait3A_1000 = arith.constant 0 : i32
    %dma_wait3A_1001 = arith.constant 0 : i32
    %dma_wait3A_1002 = tpu.memref_slice %dma_wait3A_999[%dma_wait3A_982, %dma_wait3A_1000, %dma_wait3A_1001] : memref<8x16x128xf32, #tpu.memory_space<vmem>> -> memref<1x16x128xf32, #tpu.memory_space<vmem>>
    %dma_wait3A_1003 = tpu.memref_squeeze %dma_wait3A_1002 : memref<1x16x128xf32, #tpu.memory_space<vmem>> -> memref<16x128xf32, #tpu.memory_space<vmem>>
    %dma_wait3A_1004 = arith.constant 0 : i32
    %dma_wait3A_1005 = tpu.memref_slice %arg3[%dma_wait3A_980, %mul3A_486, %dma_wait3A_1004] : memref<8x4096x128xf32, #tpu.memory_space<hbm>> -> memref<1x16x128xf32, #tpu.memory_space<hbm>>
    %dma_wait3A_1006 = tpu.memref_squeeze %dma_wait3A_1005 : memref<1x16x128xf32, #tpu.memory_space<hbm>> -> memref<16x128xf32, #tpu.memory_space<hbm>>
    tpu.wait_dma2 semaphore(%arg11 : memref<!tpu.dma_semaphore, #tpu.memory_space<semaphore_mem>>) src(%dma_wait3A_1006 : memref<16x128xf32, #tpu.memory_space<hbm>>) dst(%dma_wait3A_1003 : memref<16x128xf32, #tpu.memory_space<vmem>>)
    %dma_wait3A_1007 = arith.constant 7 : i32
    %dma_wait3A_1008 = arith.constant 1 : i32
    %dma_wait3A_1009 = arith.constant 7 : i32
    %dma_wait3A_1010 = arith.constant 0 : i32
    %dma_wait3A_1011 = arith.constant 0 : i32
    %dma_wait3A_1012 = arith.constant 0 : i32
    %dma_wait3A_1013 = tpu.memref_slice %arg7[%dma_wait3A_1008, %dma_wait3A_1010, %dma_wait3A_1011, %dma_wait3A_1012] : memref<2x8x16x128xf32, #tpu.memory_space<vmem>> -> memref<1x8x16x128xf32, #tpu.memory_space<vmem>>
    %dma_wait3A_1014 = tpu.memref_squeeze %dma_wait3A_1013 : memref<1x8x16x128xf32, #tpu.memory_space<vmem>> -> memref<8x16x128xf32, #tpu.memory_space<vmem>>
    %dma_wait3A_1015 = arith.constant 0 : i32
    %dma_wait3A_1016 = arith.constant 0 : i32
    %dma_wait3A_1017 = tpu.memref_slice %dma_wait3A_1014[%dma_wait3A_1009, %dma_wait3A_1015, %dma_wait3A_1016] : memref<8x16x128xf32, #tpu.memory_space<vmem>> -> memref<1x16x128xf32, #tpu.memory_space<vmem>>
    %dma_wait3A_1018 = tpu.memref_squeeze %dma_wait3A_1017 : memref<1x16x128xf32, #tpu.memory_space<vmem>> -> memref<16x128xf32, #tpu.memory_space<vmem>>
    %dma_wait3A_1019 = arith.constant 0 : i32
    %dma_wait3A_1020 = tpu.memref_slice %arg3[%dma_wait3A_1007, %mul3A_515, %dma_wait3A_1019] : memref<8x4096x128xf32, #tpu.memory_space<hbm>> -> memref<1x16x128xf32, #tpu.memory_space<hbm>>
    %dma_wait3A_1021 = tpu.memref_squeeze %dma_wait3A_1020 : memref<1x16x128xf32, #tpu.memory_space<hbm>> -> memref<16x128xf32, #tpu.memory_space<hbm>>
    %dma_wait3A_1022 = arith.constant 0 : i32
    %dma_wait3A_1023 = arith.constant 0 : i32
    %dma_wait3A_1024 = arith.constant 0 : i32
    %dma_wait3A_1025 = tpu.memref_slice %arg7[%dma_wait3A_1008, %dma_wait3A_1022, %dma_wait3A_1023, %dma_wait3A_1024] : memref<2x8x16x128xf32, #tpu.memory_space<vmem>> -> memref<1x8x16x128xf32, #tpu.memory_space<vmem>>
    %dma_wait3A_1026 = tpu.memref_squeeze %dma_wait3A_1025 : memref<1x8x16x128xf32, #tpu.memory_space<vmem>> -> memref<8x16x128xf32, #tpu.memory_space<vmem>>
    %dma_wait3A_1027 = arith.constant 0 : i32
    %dma_wait3A_1028 = arith.constant 0 : i32
    %dma_wait3A_1029 = tpu.memref_slice %dma_wait3A_1026[%dma_wait3A_1009, %dma_wait3A_1027, %dma_wait3A_1028] : memref<8x16x128xf32, #tpu.memory_space<vmem>> -> memref<1x16x128xf32, #tpu.memory_space<vmem>>
    %dma_wait3A_1030 = tpu.memref_squeeze %dma_wait3A_1029 : memref<1x16x128xf32, #tpu.memory_space<vmem>> -> memref<16x128xf32, #tpu.memory_space<vmem>>
    %dma_wait3A_1031 = arith.constant 0 : i32
    %dma_wait3A_1032 = tpu.memref_slice %arg3[%dma_wait3A_1007, %mul3A_515, %dma_wait3A_1031] : memref<8x4096x128xf32, #tpu.memory_space<hbm>> -> memref<1x16x128xf32, #tpu.memory_space<hbm>>
    %dma_wait3A_1033 = tpu.memref_squeeze %dma_wait3A_1032 : memref<1x16x128xf32, #tpu.memory_space<hbm>> -> memref<16x128xf32, #tpu.memory_space<hbm>>
    tpu.wait_dma2 semaphore(%arg11 : memref<!tpu.dma_semaphore, #tpu.memory_space<semaphore_mem>>) src(%dma_wait3A_1033 : memref<16x128xf32, #tpu.memory_space<hbm>>) dst(%dma_wait3A_1030 : memref<16x128xf32, #tpu.memory_space<vmem>>)
    %scan3A_1034 = arith.constant 1 : i32
    %scan3A_1035 = arith.constant 1 : i32
    %scan3A_1036 = arith.constant 1 : i32
    %scan3A_1037 = arith.constant 0 : i32
    %scan3A_1038 = arith.constant 64 : i32
    %scan3A_1039 = arith.addi %scan3A_1037, %scan3A_1038 : i32
    %scan3A_1040 = arith.constant 1 : i32
    %scan3A_1041:8 = scf.for %scan3A_1059 = %scan3A_1037 to %scan3A_1039 step %scan3A_1040 iter_args(%scan3A_1060 = %scan3A_790#0, %scan3A_1061 = %scan3A_790#1, %scan3A_1062 = %scan3A_790#2, %scan3A_1063 = %scan3A_790#3, %scan3A_1064 = %scan3A_790#4, %scan3A_1065 = %scan3A_790#5, %scan3A_1066 = %scan3A_790#6, %scan3A_1067 = %scan3A_790#7) -> (vector<16xf32>, vector<16xf32>, vector<16xf32>, vector<16xf32>, vector<16xf32>, vector<16xf32>, vector<16xf32>, vector<16xf32>)  : i32 {
      %shift_right_logical3A = arith.constant 3 : i32
      %shift_right_logical3A_1068 = arith.shrui %scan3A_1059, %shift_right_logical3A : i32
      %and3A = arith.constant 7 : i32
      %and3A_1069 = arith.andi %scan3A_1059, %and3A : i32
      %mul3A_1070 = arith.constant 2 : i32
      %mul3A_1071 = arith.muli %mul3A_1070, %shift_right_logical3A_1068 : i32
      %get3A = arith.constant 0 : i32
      %get3A_1072 = arith.constant 0 : i32
      %get3A_1073 = arith.constant 0 : i32
      %get3A_1074 = tpu.memref_slice %arg7[%scan3A_1034, %get3A, %get3A_1072, %get3A_1073] : memref<2x8x16x128xf32, #tpu.memory_space<vmem>> -> memref<1x8x16x128xf32, #tpu.memory_space<vmem>>
      %get3A_1075 = tpu.memref_squeeze %get3A_1074 : memref<1x8x16x128xf32, #tpu.memory_space<vmem>> -> memref<8x16x128xf32, #tpu.memory_space<vmem>>
      %get3A_1076 = arith.index_cast %and3A_1069 : i32 to index
      %get3A_1077 = arith.index_cast %mul3A_1071 : i32 to index
      %get3A_1078 = arith.constant 0 : index
      %get3A_1079 = tpu.vector_load %get3A_1075[%get3A_1076, %get3A_1077, %get3A_1078] {strides = array<i32>} : memref<8x16x128xf32, #tpu.memory_space<vmem>>, vector<1x1x16xf32>,
      %get3A_1080 = vector.shape_cast %get3A_1079 : vector<1x1x16xf32> to vector<16xf32>
      %mul3A_1081 = arith.constant 2 : i32
      %mul3A_1082 = arith.muli %mul3A_1081, %shift_right_logical3A_1068 : i32
      %add3A_1083 = arith.constant 1 : i32
      %add3A_1084 = arith.addi %mul3A_1082, %add3A_1083 : i32
      %get3A_1085 = arith.constant 0 : i32
      %get3A_1086 = arith.constant 0 : i32
      %get3A_1087 = arith.constant 0 : i32
      %get3A_1088 = tpu.memref_slice %arg7[%scan3A_1034, %get3A_1085, %get3A_1086, %get3A_1087] : memref<2x8x16x128xf32, #tpu.memory_space<vmem>> -> memref<1x8x16x128xf32, #tpu.memory_space<vmem>>
      %get3A_1089 = tpu.memref_squeeze %get3A_1088 : memref<1x8x16x128xf32, #tpu.memory_space<vmem>> -> memref<8x16x128xf32, #tpu.memory_space<vmem>>
      %get3A_1090 = arith.index_cast %and3A_1069 : i32 to index
      %get3A_1091 = arith.index_cast %add3A_1084 : i32 to index
      %get3A_1092 = arith.constant 0 : index
      %get3A_1093 = tpu.vector_load %get3A_1089[%get3A_1090, %get3A_1091, %get3A_1092] {strides = array<i32>} : memref<8x16x128xf32, #tpu.memory_space<vmem>>, vector<1x1x16xf32>,
      %get3A_1094 = vector.shape_cast %get3A_1093 : vector<1x1x16xf32> to vector<16xf32>
      %get3A_1095 = arith.constant 0 : i32
      %get3A_1096 = arith.constant 0 : i32
      %get3A_1097 = tpu.memref_slice %arg6[%scan3A_1035, %get3A_1095, %get3A_1096] : memref<2x64x128xi32, #tpu.memory_space<vmem>> -> memref<1x64x128xi32, #tpu.memory_space<vmem>>
      %get3A_1098 = tpu.memref_squeeze %get3A_1097 : memref<1x64x128xi32, #tpu.memory_space<vmem>> -> memref<64x128xi32, #tpu.memory_space<vmem>>
      %get3A_1099 = arith.index_cast %scan3A_1059 : i32 to index
      %get3A_1100 = arith.constant 0 : index
      %get3A_1101 = tpu.vector_load %get3A_1098[%get3A_1099, %get3A_1100] {strides = array<i32>} : memref<64x128xi32, #tpu.memory_space<vmem>>, vector<1x16xi32>,
      %get3A_1102 = vector.shape_cast %get3A_1101 : vector<1x16xi32> to vector<16xi32>
      %get3A_1103 = arith.constant 0 : i32
      %get3A_1104 = arith.constant 0 : i32
      %get3A_1105 = tpu.memref_slice %arg8[%scan3A_1036, %get3A_1103, %get3A_1104] : memref<2x64x128xf32, #tpu.memory_space<vmem>> -> memref<1x64x128xf32, #tpu.memory_space<vmem>>
      %get3A_1106 = tpu.memref_squeeze %get3A_1105 : memref<1x64x128xf32, #tpu.memory_space<vmem>> -> memref<64x128xf32, #tpu.memory_space<vmem>>
      %get3A_1107 = arith.index_cast %scan3A_1059 : i32 to index
      %get3A_1108 = arith.constant 0 : index
      %get3A_1109 = tpu.vector_load %get3A_1106[%get3A_1107, %get3A_1108] {strides = array<i32>} : memref<64x128xf32, #tpu.memory_space<vmem>>, vector<1x16xf32>,
      %get3A_1110 = vector.shape_cast %get3A_1109 : vector<1x16xf32> to vector<16xf32>
      %sub3A = arith.subf %get3A_1094, %get3A_1080 : vector<16xf32>
      %neg3A = arith.constant 0.000000e+00 : f32
      %neg3A_1111 = vector.broadcast %neg3A : f32 to vector<16xf32>
      %neg3A_1112 = arith.subf %neg3A_1111, %sub3A : vector<16xf32>
      %min3A = arith.minimumf %sub3A, %neg3A_1112 : vector<16xf32>
      %exp3A = math.exp %min3A : vector<16xf32>
      %mul3A_1113 = arith.constant -0.0174140781 : f32
      %mul3A_1114 = vector.broadcast %mul3A_1113 : f32 to vector<16xf32>
      %mul3A_1115 = arith.mulf %mul3A_1114, %exp3A : vector<16xf32>
      %add3A_1116 = arith.constant 0.0826912373 : f32
      %add3A_1117 = vector.broadcast %add3A_1116 : f32 to vector<16xf32>
      %add3A_1118 = arith.addf %mul3A_1115, %add3A_1117 : vector<16xf32>
      %mul3A_1119 = arith.mulf %add3A_1118, %exp3A : vector<16xf32>
      %add3A_1120 = arith.constant -0.190354332 : f32
      %add3A_1121 = vector.broadcast %add3A_1120 : f32 to vector<16xf32>
      %add3A_1122 = arith.addf %mul3A_1119, %add3A_1121 : vector<16xf32>
      %mul3A_1123 = arith.mulf %add3A_1122, %exp3A : vector<16xf32>
      %add3A_1124 = arith.constant 0.315747321 : f32
      %add3A_1125 = vector.broadcast %add3A_1124 : f32 to vector<16xf32>
      %add3A_1126 = arith.addf %mul3A_1123, %add3A_1125 : vector<16xf32>
      %mul3A_1127 = arith.mulf %add3A_1126, %exp3A : vector<16xf32>
      %add3A_1128 = arith.constant -0.497373223 : f32
      %add3A_1129 = vector.broadcast %add3A_1128 : f32 to vector<16xf32>
      %add3A_1130 = arith.addf %mul3A_1127, %add3A_1129 : vector<16xf32>
      %mul3A_1131 = arith.mulf %add3A_1130, %exp3A : vector<16xf32>
      %add3A_1132 = arith.constant 0.99984771 : f32
      %add3A_1133 = vector.broadcast %add3A_1132 : f32 to vector<16xf32>
      %add3A_1134 = arith.addf %mul3A_1131, %add3A_1133 : vector<16xf32>
      %mul3A_1135 = arith.mulf %add3A_1134, %exp3A : vector<16xf32>
      %add3A_1136 = arith.constant 1.47206504E-6 : f32
      %add3A_1137 = vector.broadcast %add3A_1136 : f32 to vector<16xf32>
      %add3A_1138 = arith.addf %mul3A_1135, %add3A_1137 : vector<16xf32>
      %eq3A = arith.constant 1 : i32
      %eq3A_1139 = vector.broadcast %eq3A : i32 to vector<16xi32>
      %eq3A_1140 = arith.cmpi eq, %get3A_1102, %eq3A_1139 : vector<16xi32>
      %select_n3A = arith.select %eq3A_1140, %neg3A_1112, %sub3A : vector<16xi1>, vector<16xf32>
      %max3A = arith.constant 0.000000e+00 : f32
      %max3A_1141 = vector.broadcast %max3A : f32 to vector<16xf32>
      %max3A_1142 = arith.maximumf %select_n3A, %max3A_1141 : vector<16xf32>
      %add3A_1143 = arith.addf %max3A_1142, %add3A_1138 : vector<16xf32>
      %ne3A = arith.constant -1 : i32
      %ne3A_1144 = vector.broadcast %ne3A : i32 to vector<16xi32>
      %ne3A_1145 = arith.cmpi ne, %get3A_1102, %ne3A_1144 : vector<16xi32>
      %jit3A = arith.constant 0.000000e+00 : f32
      %broadcast_in_dim3A_1146 = vector.broadcast %jit3A : f32 to vector<16xf32>
      %select_n3A_1147 = arith.select %ne3A_1145, %get3A_1110, %broadcast_in_dim3A_1146 : vector<16xi1>, vector<16xf32>
      %mul3A_1148 = arith.mulf %add3A_1143, %select_n3A_1147 : vector<16xf32>
      %add3A_1149 = arith.addf %scan3A_1060, %mul3A_1148 : vector<16xf32>
      %mul3A_1150 = arith.constant 2 : i32
      %mul3A_1151 = arith.muli %mul3A_1150, %shift_right_logical3A_1068 : i32
      %get3A_1152 = arith.constant 0 : i32
      %get3A_1153 = arith.constant 0 : i32
      %get3A_1154 = arith.constant 0 : i32
      %get3A_1155 = tpu.memref_slice %arg7[%scan3A_1034, %get3A_1152, %get3A_1153, %get3A_1154] : memref<2x8x16x128xf32, #tpu.memory_space<vmem>> -> memref<1x8x16x128xf32, #tpu.memory_space<vmem>>
      %get3A_1156 = tpu.memref_squeeze %get3A_1155 : memref<1x8x16x128xf32, #tpu.memory_space<vmem>> -> memref<8x16x128xf32, #tpu.memory_space<vmem>>
      %get3A_1157 = arith.index_cast %and3A_1069 : i32 to index
      %get3A_1158 = arith.index_cast %mul3A_1151 : i32 to index
      %get3A_1159 = arith.constant 16 : index
      %get3A_1160 = tpu.vector_load %get3A_1156[%get3A_1157, %get3A_1158, %get3A_1159] {strides = array<i32>} : memref<8x16x128xf32, #tpu.memory_space<vmem>>, vector<1x1x16xf32>,
      %get3A_1161 = vector.shape_cast %get3A_1160 : vector<1x1x16xf32> to vector<16xf32>
      %mul3A_1162 = arith.constant 2 : i32
      %mul3A_1163 = arith.muli %mul3A_1162, %shift_right_logical3A_1068 : i32
      %add3A_1164 = arith.constant 1 : i32
      %add3A_1165 = arith.addi %mul3A_1163, %add3A_1164 : i32
      %get3A_1166 = arith.constant 0 : i32
      %get3A_1167 = arith.constant 0 : i32
      %get3A_1168 = arith.constant 0 : i32
      %get3A_1169 = tpu.memref_slice %arg7[%scan3A_1034, %get3A_1166, %get3A_1167, %get3A_1168] : memref<2x8x16x128xf32, #tpu.memory_space<vmem>> -> memref<1x8x16x128xf32, #tpu.memory_space<vmem>>
      %get3A_1170 = tpu.memref_squeeze %get3A_1169 : memref<1x8x16x128xf32, #tpu.memory_space<vmem>> -> memref<8x16x128xf32, #tpu.memory_space<vmem>>
      %get3A_1171 = arith.index_cast %and3A_1069 : i32 to index
      %get3A_1172 = arith.index_cast %add3A_1165 : i32 to index
      %get3A_1173 = arith.constant 16 : index
      %get3A_1174 = tpu.vector_load %get3A_1170[%get3A_1171, %get3A_1172, %get3A_1173] {strides = array<i32>} : memref<8x16x128xf32, #tpu.memory_space<vmem>>, vector<1x1x16xf32>,
      %get3A_1175 = vector.shape_cast %get3A_1174 : vector<1x1x16xf32> to vector<16xf32>
      %get3A_1176 = arith.constant 0 : i32
      %get3A_1177 = arith.constant 0 : i32
      %get3A_1178 = tpu.memref_slice %arg6[%scan3A_1035, %get3A_1176, %get3A_1177] : memref<2x64x128xi32, #tpu.memory_space<vmem>> -> memref<1x64x128xi32, #tpu.memory_space<vmem>>
      %get3A_1179 = tpu.memref_squeeze %get3A_1178 : memref<1x64x128xi32, #tpu.memory_space<vmem>> -> memref<64x128xi32, #tpu.memory_space<vmem>>
      %get3A_1180 = arith.index_cast %scan3A_1059 : i32 to index
      %get3A_1181 = arith.constant 16 : index
      %get3A_1182 = tpu.vector_load %get3A_1179[%get3A_1180, %get3A_1181] {strides = array<i32>} : memref<64x128xi32, #tpu.memory_space<vmem>>, vector<1x16xi32>,
      %get3A_1183 = vector.shape_cast %get3A_1182 : vector<1x16xi32> to vector<16xi32>
      %get3A_1184 = arith.constant 0 : i32
      %get3A_1185 = arith.constant 0 : i32
      %get3A_1186 = tpu.memref_slice %arg8[%scan3A_1036, %get3A_1184, %get3A_1185] : memref<2x64x128xf32, #tpu.memory_space<vmem>> -> memref<1x64x128xf32, #tpu.memory_space<vmem>>
      %get3A_1187 = tpu.memref_squeeze %get3A_1186 : memref<1x64x128xf32, #tpu.memory_space<vmem>> -> memref<64x128xf32, #tpu.memory_space<vmem>>
      %get3A_1188 = arith.index_cast %scan3A_1059 : i32 to index
      %get3A_1189 = arith.constant 16 : index
      %get3A_1190 = tpu.vector_load %get3A_1187[%get3A_1188, %get3A_1189] {strides = array<i32>} : memref<64x128xf32, #tpu.memory_space<vmem>>, vector<1x16xf32>,
      %get3A_1191 = vector.shape_cast %get3A_1190 : vector<1x16xf32> to vector<16xf32>
      %sub3A_1192 = arith.subf %get3A_1175, %get3A_1161 : vector<16xf32>
      %neg3A_1193 = arith.constant 0.000000e+00 : f32
      %neg3A_1194 = vector.broadcast %neg3A_1193 : f32 to vector<16xf32>
      %neg3A_1195 = arith.subf %neg3A_1194, %sub3A_1192 : vector<16xf32>
      %min3A_1196 = arith.minimumf %sub3A_1192, %neg3A_1195 : vector<16xf32>
      %exp3A_1197 = math.exp %min3A_1196 : vector<16xf32>
      %mul3A_1198 = arith.constant -0.0174140781 : f32
      %mul3A_1199 = vector.broadcast %mul3A_1198 : f32 to vector<16xf32>
      %mul3A_1200 = arith.mulf %mul3A_1199, %exp3A_1197 : vector<16xf32>
      %add3A_1201 = arith.constant 0.0826912373 : f32
      %add3A_1202 = vector.broadcast %add3A_1201 : f32 to vector<16xf32>
      %add3A_1203 = arith.addf %mul3A_1200, %add3A_1202 : vector<16xf32>
      %mul3A_1204 = arith.mulf %add3A_1203, %exp3A_1197 : vector<16xf32>
      %add3A_1205 = arith.constant -0.190354332 : f32
      %add3A_1206 = vector.broadcast %add3A_1205 : f32 to vector<16xf32>
      %add3A_1207 = arith.addf %mul3A_1204, %add3A_1206 : vector<16xf32>
      %mul3A_1208 = arith.mulf %add3A_1207, %exp3A_1197 : vector<16xf32>
      %add3A_1209 = arith.constant 0.315747321 : f32
      %add3A_1210 = vector.broadcast %add3A_1209 : f32 to vector<16xf32>
      %add3A_1211 = arith.addf %mul3A_1208, %add3A_1210 : vector<16xf32>
      %mul3A_1212 = arith.mulf %add3A_1211, %exp3A_1197 : vector<16xf32>
      %add3A_1213 = arith.constant -0.497373223 : f32
      %add3A_1214 = vector.broadcast %add3A_1213 : f32 to vector<16xf32>
      %add3A_1215 = arith.addf %mul3A_1212, %add3A_1214 : vector<16xf32>
      %mul3A_1216 = arith.mulf %add3A_1215, %exp3A_1197 : vector<16xf32>
      %add3A_1217 = arith.constant 0.99984771 : f32
      %add3A_1218 = vector.broadcast %add3A_1217 : f32 to vector<16xf32>
      %add3A_1219 = arith.addf %mul3A_1216, %add3A_1218 : vector<16xf32>
      %mul3A_1220 = arith.mulf %add3A_1219, %exp3A_1197 : vector<16xf32>
      %add3A_1221 = arith.constant 1.47206504E-6 : f32
      %add3A_1222 = vector.broadcast %add3A_1221 : f32 to vector<16xf32>
      %add3A_1223 = arith.addf %mul3A_1220, %add3A_1222 : vector<16xf32>
      %eq3A_1224 = arith.constant 1 : i32
      %eq3A_1225 = vector.broadcast %eq3A_1224 : i32 to vector<16xi32>
      %eq3A_1226 = arith.cmpi eq, %get3A_1183, %eq3A_1225 : vector<16xi32>
      %select_n3A_1227 = arith.select %eq3A_1226, %neg3A_1195, %sub3A_1192 : vector<16xi1>, vector<16xf32>
      %max3A_1228 = arith.constant 0.000000e+00 : f32
      %max3A_1229 = vector.broadcast %max3A_1228 : f32 to vector<16xf32>
      %max3A_1230 = arith.maximumf %select_n3A_1227, %max3A_1229 : vector<16xf32>
      %add3A_1231 = arith.addf %max3A_1230, %add3A_1223 : vector<16xf32>
      %ne3A_1232 = arith.constant -1 : i32
      %ne3A_1233 = vector.broadcast %ne3A_1232 : i32 to vector<16xi32>
      %ne3A_1234 = arith.cmpi ne, %get3A_1183, %ne3A_1233 : vector<16xi32>
      %jit3A_1235 = arith.constant 0.000000e+00 : f32
      %broadcast_in_dim3A_1236 = vector.broadcast %jit3A_1235 : f32 to vector<16xf32>
      %select_n3A_1237 = arith.select %ne3A_1234, %get3A_1191, %broadcast_in_dim3A_1236 : vector<16xi1>, vector<16xf32>
      %mul3A_1238 = arith.mulf %add3A_1231, %select_n3A_1237 : vector<16xf32>
      %add3A_1239 = arith.addf %scan3A_1061, %mul3A_1238 : vector<16xf32>
      %mul3A_1240 = arith.constant 2 : i32
      %mul3A_1241 = arith.muli %mul3A_1240, %shift_right_logical3A_1068 : i32
      %get3A_1242 = arith.constant 0 : i32
      %get3A_1243 = arith.constant 0 : i32
      %get3A_1244 = arith.constant 0 : i32
      %get3A_1245 = tpu.memref_slice %arg7[%scan3A_1034, %get3A_1242, %get3A_1243, %get3A_1244] : memref<2x8x16x128xf32, #tpu.memory_space<vmem>> -> memref<1x8x16x128xf32, #tpu.memory_space<vmem>>
      %get3A_1246 = tpu.memref_squeeze %get3A_1245 : memref<1x8x16x128xf32, #tpu.memory_space<vmem>> -> memref<8x16x128xf32, #tpu.memory_space<vmem>>
      %get3A_1247 = arith.index_cast %and3A_1069 : i32 to index
      %get3A_1248 = arith.index_cast %mul3A_1241 : i32 to index
      %get3A_1249 = arith.constant 32 : index
      %get3A_1250 = tpu.vector_load %get3A_1246[%get3A_1247, %get3A_1248, %get3A_1249] {strides = array<i32>} : memref<8x16x128xf32, #tpu.memory_space<vmem>>, vector<1x1x16xf32>,
      %get3A_1251 = vector.shape_cast %get3A_1250 : vector<1x1x16xf32> to vector<16xf32>
      %mul3A_1252 = arith.constant 2 : i32
      %mul3A_1253 = arith.muli %mul3A_1252, %shift_right_logical3A_1068 : i32
      %add3A_1254 = arith.constant 1 : i32
      %add3A_1255 = arith.addi %mul3A_1253, %add3A_1254 : i32
      %get3A_1256 = arith.constant 0 : i32
      %get3A_1257 = arith.constant 0 : i32
      %get3A_1258 = arith.constant 0 : i32
      %get3A_1259 = tpu.memref_slice %arg7[%scan3A_1034, %get3A_1256, %get3A_1257, %get3A_1258] : memref<2x8x16x128xf32, #tpu.memory_space<vmem>> -> memref<1x8x16x128xf32, #tpu.memory_space<vmem>>
      %get3A_1260 = tpu.memref_squeeze %get3A_1259 : memref<1x8x16x128xf32, #tpu.memory_space<vmem>> -> memref<8x16x128xf32, #tpu.memory_space<vmem>>
      %get3A_1261 = arith.index_cast %and3A_1069 : i32 to index
      %get3A_1262 = arith.index_cast %add3A_1255 : i32 to index
      %get3A_1263 = arith.constant 32 : index
      %get3A_1264 = tpu.vector_load %get3A_1260[%get3A_1261, %get3A_1262, %get3A_1263] {strides = array<i32>} : memref<8x16x128xf32, #tpu.memory_space<vmem>>, vector<1x1x16xf32>,
      %get3A_1265 = vector.shape_cast %get3A_1264 : vector<1x1x16xf32> to vector<16xf32>
      %get3A_1266 = arith.constant 0 : i32
      %get3A_1267 = arith.constant 0 : i32
      %get3A_1268 = tpu.memref_slice %arg6[%scan3A_1035, %get3A_1266, %get3A_1267] : memref<2x64x128xi32, #tpu.memory_space<vmem>> -> memref<1x64x128xi32, #tpu.memory_space<vmem>>
      %get3A_1269 = tpu.memref_squeeze %get3A_1268 : memref<1x64x128xi32, #tpu.memory_space<vmem>> -> memref<64x128xi32, #tpu.memory_space<vmem>>
      %get3A_1270 = arith.index_cast %scan3A_1059 : i32 to index
      %get3A_1271 = arith.constant 32 : index
      %get3A_1272 = tpu.vector_load %get3A_1269[%get3A_1270, %get3A_1271] {strides = array<i32>} : memref<64x128xi32, #tpu.memory_space<vmem>>, vector<1x16xi32>,
      %get3A_1273 = vector.shape_cast %get3A_1272 : vector<1x16xi32> to vector<16xi32>
      %get3A_1274 = arith.constant 0 : i32
      %get3A_1275 = arith.constant 0 : i32
      %get3A_1276 = tpu.memref_slice %arg8[%scan3A_1036, %get3A_1274, %get3A_1275] : memref<2x64x128xf32, #tpu.memory_space<vmem>> -> memref<1x64x128xf32, #tpu.memory_space<vmem>>
      %get3A_1277 = tpu.memref_squeeze %get3A_1276 : memref<1x64x128xf32, #tpu.memory_space<vmem>> -> memref<64x128xf32, #tpu.memory_space<vmem>>
      %get3A_1278 = arith.index_cast %scan3A_1059 : i32 to index
      %get3A_1279 = arith.constant 32 : index
      %get3A_1280 = tpu.vector_load %get3A_1277[%get3A_1278, %get3A_1279] {strides = array<i32>} : memref<64x128xf32, #tpu.memory_space<vmem>>, vector<1x16xf32>,
      %get3A_1281 = vector.shape_cast %get3A_1280 : vector<1x16xf32> to vector<16xf32>
      %sub3A_1282 = arith.subf %get3A_1265, %get3A_1251 : vector<16xf32>
      %neg3A_1283 = arith.constant 0.000000e+00 : f32
      %neg3A_1284 = vector.broadcast %neg3A_1283 : f32 to vector<16xf32>
      %neg3A_1285 = arith.subf %neg3A_1284, %sub3A_1282 : vector<16xf32>
      %min3A_1286 = arith.minimumf %sub3A_1282, %neg3A_1285 : vector<16xf32>
      %exp3A_1287 = math.exp %min3A_1286 : vector<16xf32>
      %mul3A_1288 = arith.constant -0.0174140781 : f32
      %mul3A_1289 = vector.broadcast %mul3A_1288 : f32 to vector<16xf32>
      %mul3A_1290 = arith.mulf %mul3A_1289, %exp3A_1287 : vector<16xf32>
      %add3A_1291 = arith.constant 0.0826912373 : f32
      %add3A_1292 = vector.broadcast %add3A_1291 : f32 to vector<16xf32>
      %add3A_1293 = arith.addf %mul3A_1290, %add3A_1292 : vector<16xf32>
      %mul3A_1294 = arith.mulf %add3A_1293, %exp3A_1287 : vector<16xf32>
      %add3A_1295 = arith.constant -0.190354332 : f32
      %add3A_1296 = vector.broadcast %add3A_1295 : f32 to vector<16xf32>
      %add3A_1297 = arith.addf %mul3A_1294, %add3A_1296 : vector<16xf32>
      %mul3A_1298 = arith.mulf %add3A_1297, %exp3A_1287 : vector<16xf32>
      %add3A_1299 = arith.constant 0.315747321 : f32
      %add3A_1300 = vector.broadcast %add3A_1299 : f32 to vector<16xf32>
      %add3A_1301 = arith.addf %mul3A_1298, %add3A_1300 : vector<16xf32>
      %mul3A_1302 = arith.mulf %add3A_1301, %exp3A_1287 : vector<16xf32>
      %add3A_1303 = arith.constant -0.497373223 : f32
      %add3A_1304 = vector.broadcast %add3A_1303 : f32 to vector<16xf32>
      %add3A_1305 = arith.addf %mul3A_1302, %add3A_1304 : vector<16xf32>
      %mul3A_1306 = arith.mulf %add3A_1305, %exp3A_1287 : vector<16xf32>
      %add3A_1307 = arith.constant 0.99984771 : f32
      %add3A_1308 = vector.broadcast %add3A_1307 : f32 to vector<16xf32>
      %add3A_1309 = arith.addf %mul3A_1306, %add3A_1308 : vector<16xf32>
      %mul3A_1310 = arith.mulf %add3A_1309, %exp3A_1287 : vector<16xf32>
      %add3A_1311 = arith.constant 1.47206504E-6 : f32
      %add3A_1312 = vector.broadcast %add3A_1311 : f32 to vector<16xf32>
      %add3A_1313 = arith.addf %mul3A_1310, %add3A_1312 : vector<16xf32>
      %eq3A_1314 = arith.constant 1 : i32
      %eq3A_1315 = vector.broadcast %eq3A_1314 : i32 to vector<16xi32>
      %eq3A_1316 = arith.cmpi eq, %get3A_1273, %eq3A_1315 : vector<16xi32>
      %select_n3A_1317 = arith.select %eq3A_1316, %neg3A_1285, %sub3A_1282 : vector<16xi1>, vector<16xf32>
      %max3A_1318 = arith.constant 0.000000e+00 : f32
      %max3A_1319 = vector.broadcast %max3A_1318 : f32 to vector<16xf32>
      %max3A_1320 = arith.maximumf %select_n3A_1317, %max3A_1319 : vector<16xf32>
      %add3A_1321 = arith.addf %max3A_1320, %add3A_1313 : vector<16xf32>
      %ne3A_1322 = arith.constant -1 : i32
      %ne3A_1323 = vector.broadcast %ne3A_1322 : i32 to vector<16xi32>
      %ne3A_1324 = arith.cmpi ne, %get3A_1273, %ne3A_1323 : vector<16xi32>
      %jit3A_1325 = arith.constant 0.000000e+00 : f32
      %broadcast_in_dim3A_1326 = vector.broadcast %jit3A_1325 : f32 to vector<16xf32>
      %select_n3A_1327 = arith.select %ne3A_1324, %get3A_1281, %broadcast_in_dim3A_1326 : vector<16xi1>, vector<16xf32>
      %mul3A_1328 = arith.mulf %add3A_1321, %select_n3A_1327 : vector<16xf32>
      %add3A_1329 = arith.addf %scan3A_1062, %mul3A_1328 : vector<16xf32>
      %mul3A_1330 = arith.constant 2 : i32
      %mul3A_1331 = arith.muli %mul3A_1330, %shift_right_logical3A_1068 : i32
      %get3A_1332 = arith.constant 0 : i32
      %get3A_1333 = arith.constant 0 : i32
      %get3A_1334 = arith.constant 0 : i32
      %get3A_1335 = tpu.memref_slice %arg7[%scan3A_1034, %get3A_1332, %get3A_1333, %get3A_1334] : memref<2x8x16x128xf32, #tpu.memory_space<vmem>> -> memref<1x8x16x128xf32, #tpu.memory_space<vmem>>
      %get3A_1336 = tpu.memref_squeeze %get3A_1335 : memref<1x8x16x128xf32, #tpu.memory_space<vmem>> -> memref<8x16x128xf32, #tpu.memory_space<vmem>>
      %get3A_1337 = arith.index_cast %and3A_1069 : i32 to index
      %get3A_1338 = arith.index_cast %mul3A_1331 : i32 to index
      %get3A_1339 = arith.constant 48 : index
      %get3A_1340 = tpu.vector_load %get3A_1336[%get3A_1337, %get3A_1338, %get3A_1339] {strides = array<i32>} : memref<8x16x128xf32, #tpu.memory_space<vmem>>, vector<1x1x16xf32>,
      %get3A_1341 = vector.shape_cast %get3A_1340 : vector<1x1x16xf32> to vector<16xf32>
      %mul3A_1342 = arith.constant 2 : i32
      %mul3A_1343 = arith.muli %mul3A_1342, %shift_right_logical3A_1068 : i32
      %add3A_1344 = arith.constant 1 : i32
      %add3A_1345 = arith.addi %mul3A_1343, %add3A_1344 : i32
      %get3A_1346 = arith.constant 0 : i32
      %get3A_1347 = arith.constant 0 : i32
      %get3A_1348 = arith.constant 0 : i32
      %get3A_1349 = tpu.memref_slice %arg7[%scan3A_1034, %get3A_1346, %get3A_1347, %get3A_1348] : memref<2x8x16x128xf32, #tpu.memory_space<vmem>> -> memref<1x8x16x128xf32, #tpu.memory_space<vmem>>
      %get3A_1350 = tpu.memref_squeeze %get3A_1349 : memref<1x8x16x128xf32, #tpu.memory_space<vmem>> -> memref<8x16x128xf32, #tpu.memory_space<vmem>>
      %get3A_1351 = arith.index_cast %and3A_1069 : i32 to index
      %get3A_1352 = arith.index_cast %add3A_1345 : i32 to index
      %get3A_1353 = arith.constant 48 : index
      %get3A_1354 = tpu.vector_load %get3A_1350[%get3A_1351, %get3A_1352, %get3A_1353] {strides = array<i32>} : memref<8x16x128xf32, #tpu.memory_space<vmem>>, vector<1x1x16xf32>,
      %get3A_1355 = vector.shape_cast %get3A_1354 : vector<1x1x16xf32> to vector<16xf32>
      %get3A_1356 = arith.constant 0 : i32
      %get3A_1357 = arith.constant 0 : i32
      %get3A_1358 = tpu.memref_slice %arg6[%scan3A_1035, %get3A_1356, %get3A_1357] : memref<2x64x128xi32, #tpu.memory_space<vmem>> -> memref<1x64x128xi32, #tpu.memory_space<vmem>>
      %get3A_1359 = tpu.memref_squeeze %get3A_1358 : memref<1x64x128xi32, #tpu.memory_space<vmem>> -> memref<64x128xi32, #tpu.memory_space<vmem>>
      %get3A_1360 = arith.index_cast %scan3A_1059 : i32 to index
      %get3A_1361 = arith.constant 48 : index
      %get3A_1362 = tpu.vector_load %get3A_1359[%get3A_1360, %get3A_1361] {strides = array<i32>} : memref<64x128xi32, #tpu.memory_space<vmem>>, vector<1x16xi32>,
      %get3A_1363 = vector.shape_cast %get3A_1362 : vector<1x16xi32> to vector<16xi32>
      %get3A_1364 = arith.constant 0 : i32
      %get3A_1365 = arith.constant 0 : i32
      %get3A_1366 = tpu.memref_slice %arg8[%scan3A_1036, %get3A_1364, %get3A_1365] : memref<2x64x128xf32, #tpu.memory_space<vmem>> -> memref<1x64x128xf32, #tpu.memory_space<vmem>>
      %get3A_1367 = tpu.memref_squeeze %get3A_1366 : memref<1x64x128xf32, #tpu.memory_space<vmem>> -> memref<64x128xf32, #tpu.memory_space<vmem>>
      %get3A_1368 = arith.index_cast %scan3A_1059 : i32 to index
      %get3A_1369 = arith.constant 48 : index
      %get3A_1370 = tpu.vector_load %get3A_1367[%get3A_1368, %get3A_1369] {strides = array<i32>} : memref<64x128xf32, #tpu.memory_space<vmem>>, vector<1x16xf32>,
      %get3A_1371 = vector.shape_cast %get3A_1370 : vector<1x16xf32> to vector<16xf32>
      %sub3A_1372 = arith.subf %get3A_1355, %get3A_1341 : vector<16xf32>
      %neg3A_1373 = arith.constant 0.000000e+00 : f32
      %neg3A_1374 = vector.broadcast %neg3A_1373 : f32 to vector<16xf32>
      %neg3A_1375 = arith.subf %neg3A_1374, %sub3A_1372 : vector<16xf32>
      %min3A_1376 = arith.minimumf %sub3A_1372, %neg3A_1375 : vector<16xf32>
      %exp3A_1377 = math.exp %min3A_1376 : vector<16xf32>
      %mul3A_1378 = arith.constant -0.0174140781 : f32
      %mul3A_1379 = vector.broadcast %mul3A_1378 : f32 to vector<16xf32>
      %mul3A_1380 = arith.mulf %mul3A_1379, %exp3A_1377 : vector<16xf32>
      %add3A_1381 = arith.constant 0.0826912373 : f32
      %add3A_1382 = vector.broadcast %add3A_1381 : f32 to vector<16xf32>
      %add3A_1383 = arith.addf %mul3A_1380, %add3A_1382 : vector<16xf32>
      %mul3A_1384 = arith.mulf %add3A_1383, %exp3A_1377 : vector<16xf32>
      %add3A_1385 = arith.constant -0.190354332 : f32
      %add3A_1386 = vector.broadcast %add3A_1385 : f32 to vector<16xf32>
      %add3A_1387 = arith.addf %mul3A_1384, %add3A_1386 : vector<16xf32>
      %mul3A_1388 = arith.mulf %add3A_1387, %exp3A_1377 : vector<16xf32>
      %add3A_1389 = arith.constant 0.315747321 : f32
      %add3A_1390 = vector.broadcast %add3A_1389 : f32 to vector<16xf32>
      %add3A_1391 = arith.addf %mul3A_1388, %add3A_1390 : vector<16xf32>
      %mul3A_1392 = arith.mulf %add3A_1391, %exp3A_1377 : vector<16xf32>
      %add3A_1393 = arith.constant -0.497373223 : f32
      %add3A_1394 = vector.broadcast %add3A_1393 : f32 to vector<16xf32>
      %add3A_1395 = arith.addf %mul3A_1392, %add3A_1394 : vector<16xf32>
      %mul3A_1396 = arith.mulf %add3A_1395, %exp3A_1377 : vector<16xf32>
      %add3A_1397 = arith.constant 0.99984771 : f32
      %add3A_1398 = vector.broadcast %add3A_1397 : f32 to vector<16xf32>
      %add3A_1399 = arith.addf %mul3A_1396, %add3A_1398 : vector<16xf32>
      %mul3A_1400 = arith.mulf %add3A_1399, %exp3A_1377 : vector<16xf32>
      %add3A_1401 = arith.constant 1.47206504E-6 : f32
      %add3A_1402 = vector.broadcast %add3A_1401 : f32 to vector<16xf32>
      %add3A_1403 = arith.addf %mul3A_1400, %add3A_1402 : vector<16xf32>
      %eq3A_1404 = arith.constant 1 : i32
      %eq3A_1405 = vector.broadcast %eq3A_1404 : i32 to vector<16xi32>
      %eq3A_1406 = arith.cmpi eq, %get3A_1363, %eq3A_1405 : vector<16xi32>
      %select_n3A_1407 = arith.select %eq3A_1406, %neg3A_1375, %sub3A_1372 : vector<16xi1>, vector<16xf32>
      %max3A_1408 = arith.constant 0.000000e+00 : f32
      %max3A_1409 = vector.broadcast %max3A_1408 : f32 to vector<16xf32>
      %max3A_1410 = arith.maximumf %select_n3A_1407, %max3A_1409 : vector<16xf32>
      %add3A_1411 = arith.addf %max3A_1410, %add3A_1403 : vector<16xf32>
      %ne3A_1412 = arith.constant -1 : i32
      %ne3A_1413 = vector.broadcast %ne3A_1412 : i32 to vector<16xi32>
      %ne3A_1414 = arith.cmpi ne, %get3A_1363, %ne3A_1413 : vector<16xi32>
      %jit3A_1415 = arith.constant 0.000000e+00 : f32
      %broadcast_in_dim3A_1416 = vector.broadcast %jit3A_1415 : f32 to vector<16xf32>
      %select_n3A_1417 = arith.select %ne3A_1414, %get3A_1371, %broadcast_in_dim3A_1416 : vector<16xi1>, vector<16xf32>
      %mul3A_1418 = arith.mulf %add3A_1411, %select_n3A_1417 : vector<16xf32>
      %add3A_1419 = arith.addf %scan3A_1063, %mul3A_1418 : vector<16xf32>
      %mul3A_1420 = arith.constant 2 : i32
      %mul3A_1421 = arith.muli %mul3A_1420, %shift_right_logical3A_1068 : i32
      %get3A_1422 = arith.constant 0 : i32
      %get3A_1423 = arith.constant 0 : i32
      %get3A_1424 = arith.constant 0 : i32
      %get3A_1425 = tpu.memref_slice %arg7[%scan3A_1034, %get3A_1422, %get3A_1423, %get3A_1424] : memref<2x8x16x128xf32, #tpu.memory_space<vmem>> -> memref<1x8x16x128xf32, #tpu.memory_space<vmem>>
      %get3A_1426 = tpu.memref_squeeze %get3A_1425 : memref<1x8x16x128xf32, #tpu.memory_space<vmem>> -> memref<8x16x128xf32, #tpu.memory_space<vmem>>
      %get3A_1427 = arith.index_cast %and3A_1069 : i32 to index
      %get3A_1428 = arith.index_cast %mul3A_1421 : i32 to index
      %get3A_1429 = arith.constant 64 : index
      %get3A_1430 = tpu.vector_load %get3A_1426[%get3A_1427, %get3A_1428, %get3A_1429] {strides = array<i32>} : memref<8x16x128xf32, #tpu.memory_space<vmem>>, vector<1x1x16xf32>,
      %get3A_1431 = vector.shape_cast %get3A_1430 : vector<1x1x16xf32> to vector<16xf32>
      %mul3A_1432 = arith.constant 2 : i32
      %mul3A_1433 = arith.muli %mul3A_1432, %shift_right_logical3A_1068 : i32
      %add3A_1434 = arith.constant 1 : i32
      %add3A_1435 = arith.addi %mul3A_1433, %add3A_1434 : i32
      %get3A_1436 = arith.constant 0 : i32
      %get3A_1437 = arith.constant 0 : i32
      %get3A_1438 = arith.constant 0 : i32
      %get3A_1439 = tpu.memref_slice %arg7[%scan3A_1034, %get3A_1436, %get3A_1437, %get3A_1438] : memref<2x8x16x128xf32, #tpu.memory_space<vmem>> -> memref<1x8x16x128xf32, #tpu.memory_space<vmem>>
      %get3A_1440 = tpu.memref_squeeze %get3A_1439 : memref<1x8x16x128xf32, #tpu.memory_space<vmem>> -> memref<8x16x128xf32, #tpu.memory_space<vmem>>
      %get3A_1441 = arith.index_cast %and3A_1069 : i32 to index
      %get3A_1442 = arith.index_cast %add3A_1435 : i32 to index
      %get3A_1443 = arith.constant 64 : index
      %get3A_1444 = tpu.vector_load %get3A_1440[%get3A_1441, %get3A_1442, %get3A_1443] {strides = array<i32>} : memref<8x16x128xf32, #tpu.memory_space<vmem>>, vector<1x1x16xf32>,
      %get3A_1445 = vector.shape_cast %get3A_1444 : vector<1x1x16xf32> to vector<16xf32>
      %get3A_1446 = arith.constant 0 : i32
      %get3A_1447 = arith.constant 0 : i32
      %get3A_1448 = tpu.memref_slice %arg6[%scan3A_1035, %get3A_1446, %get3A_1447] : memref<2x64x128xi32, #tpu.memory_space<vmem>> -> memref<1x64x128xi32, #tpu.memory_space<vmem>>
      %get3A_1449 = tpu.memref_squeeze %get3A_1448 : memref<1x64x128xi32, #tpu.memory_space<vmem>> -> memref<64x128xi32, #tpu.memory_space<vmem>>
      %get3A_1450 = arith.index_cast %scan3A_1059 : i32 to index
      %get3A_1451 = arith.constant 64 : index
      %get3A_1452 = tpu.vector_load %get3A_1449[%get3A_1450, %get3A_1451] {strides = array<i32>} : memref<64x128xi32, #tpu.memory_space<vmem>>, vector<1x16xi32>,
      %get3A_1453 = vector.shape_cast %get3A_1452 : vector<1x16xi32> to vector<16xi32>
      %get3A_1454 = arith.constant 0 : i32
      %get3A_1455 = arith.constant 0 : i32
      %get3A_1456 = tpu.memref_slice %arg8[%scan3A_1036, %get3A_1454, %get3A_1455] : memref<2x64x128xf32, #tpu.memory_space<vmem>> -> memref<1x64x128xf32, #tpu.memory_space<vmem>>
      %get3A_1457 = tpu.memref_squeeze %get3A_1456 : memref<1x64x128xf32, #tpu.memory_space<vmem>> -> memref<64x128xf32, #tpu.memory_space<vmem>>
      %get3A_1458 = arith.index_cast %scan3A_1059 : i32 to index
      %get3A_1459 = arith.constant 64 : index
      %get3A_1460 = tpu.vector_load %get3A_1457[%get3A_1458, %get3A_1459] {strides = array<i32>} : memref<64x128xf32, #tpu.memory_space<vmem>>, vector<1x16xf32>,
      %get3A_1461 = vector.shape_cast %get3A_1460 : vector<1x16xf32> to vector<16xf32>
      %sub3A_1462 = arith.subf %get3A_1445, %get3A_1431 : vector<16xf32>
      %neg3A_1463 = arith.constant 0.000000e+00 : f32
      %neg3A_1464 = vector.broadcast %neg3A_1463 : f32 to vector<16xf32>
      %neg3A_1465 = arith.subf %neg3A_1464, %sub3A_1462 : vector<16xf32>
      %min3A_1466 = arith.minimumf %sub3A_1462, %neg3A_1465 : vector<16xf32>
      %exp3A_1467 = math.exp %min3A_1466 : vector<16xf32>
      %mul3A_1468 = arith.constant -0.0174140781 : f32
      %mul3A_1469 = vector.broadcast %mul3A_1468 : f32 to vector<16xf32>
      %mul3A_1470 = arith.mulf %mul3A_1469, %exp3A_1467 : vector<16xf32>
      %add3A_1471 = arith.constant 0.0826912373 : f32
      %add3A_1472 = vector.broadcast %add3A_1471 : f32 to vector<16xf32>
      %add3A_1473 = arith.addf %mul3A_1470, %add3A_1472 : vector<16xf32>
      %mul3A_1474 = arith.mulf %add3A_1473, %exp3A_1467 : vector<16xf32>
      %add3A_1475 = arith.constant -0.190354332 : f32
      %add3A_1476 = vector.broadcast %add3A_1475 : f32 to vector<16xf32>
      %add3A_1477 = arith.addf %mul3A_1474, %add3A_1476 : vector<16xf32>
      %mul3A_1478 = arith.mulf %add3A_1477, %exp3A_1467 : vector<16xf32>
      %add3A_1479 = arith.constant 0.315747321 : f32
      %add3A_1480 = vector.broadcast %add3A_1479 : f32 to vector<16xf32>
      %add3A_1481 = arith.addf %mul3A_1478, %add3A_1480 : vector<16xf32>
      %mul3A_1482 = arith.mulf %add3A_1481, %exp3A_1467 : vector<16xf32>
      %add3A_1483 = arith.constant -0.497373223 : f32
      %add3A_1484 = vector.broadcast %add3A_1483 : f32 to vector<16xf32>
      %add3A_1485 = arith.addf %mul3A_1482, %add3A_1484 : vector<16xf32>
      %mul3A_1486 = arith.mulf %add3A_1485, %exp3A_1467 : vector<16xf32>
      %add3A_1487 = arith.constant 0.99984771 : f32
      %add3A_1488 = vector.broadcast %add3A_1487 : f32 to vector<16xf32>
      %add3A_1489 = arith.addf %mul3A_1486, %add3A_1488 : vector<16xf32>
      %mul3A_1490 = arith.mulf %add3A_1489, %exp3A_1467 : vector<16xf32>
      %add3A_1491 = arith.constant 1.47206504E-6 : f32
      %add3A_1492 = vector.broadcast %add3A_1491 : f32 to vector<16xf32>
      %add3A_1493 = arith.addf %mul3A_1490, %add3A_1492 : vector<16xf32>
      %eq3A_1494 = arith.constant 1 : i32
      %eq3A_1495 = vector.broadcast %eq3A_1494 : i32 to vector<16xi32>
      %eq3A_1496 = arith.cmpi eq, %get3A_1453, %eq3A_1495 : vector<16xi32>
      %select_n3A_1497 = arith.select %eq3A_1496, %neg3A_1465, %sub3A_1462 : vector<16xi1>, vector<16xf32>
      %max3A_1498 = arith.constant 0.000000e+00 : f32
      %max3A_1499 = vector.broadcast %max3A_1498 : f32 to vector<16xf32>
      %max3A_1500 = arith.maximumf %select_n3A_1497, %max3A_1499 : vector<16xf32>
      %add3A_1501 = arith.addf %max3A_1500, %add3A_1493 : vector<16xf32>
      %ne3A_1502 = arith.constant -1 : i32
      %ne3A_1503 = vector.broadcast %ne3A_1502 : i32 to vector<16xi32>
      %ne3A_1504 = arith.cmpi ne, %get3A_1453, %ne3A_1503 : vector<16xi32>
      %jit3A_1505 = arith.constant 0.000000e+00 : f32
      %broadcast_in_dim3A_1506 = vector.broadcast %jit3A_1505 : f32 to vector<16xf32>
      %select_n3A_1507 = arith.select %ne3A_1504, %get3A_1461, %broadcast_in_dim3A_1506 : vector<16xi1>, vector<16xf32>
      %mul3A_1508 = arith.mulf %add3A_1501, %select_n3A_1507 : vector<16xf32>
      %add3A_1509 = arith.addf %scan3A_1064, %mul3A_1508 : vector<16xf32>
      %mul3A_1510 = arith.constant 2 : i32
      %mul3A_1511 = arith.muli %mul3A_1510, %shift_right_logical3A_1068 : i32
      %get3A_1512 = arith.constant 0 : i32
      %get3A_1513 = arith.constant 0 : i32
      %get3A_1514 = arith.constant 0 : i32
      %get3A_1515 = tpu.memref_slice %arg7[%scan3A_1034, %get3A_1512, %get3A_1513, %get3A_1514] : memref<2x8x16x128xf32, #tpu.memory_space<vmem>> -> memref<1x8x16x128xf32, #tpu.memory_space<vmem>>
      %get3A_1516 = tpu.memref_squeeze %get3A_1515 : memref<1x8x16x128xf32, #tpu.memory_space<vmem>> -> memref<8x16x128xf32, #tpu.memory_space<vmem>>
      %get3A_1517 = arith.index_cast %and3A_1069 : i32 to index
      %get3A_1518 = arith.index_cast %mul3A_1511 : i32 to index
      %get3A_1519 = arith.constant 80 : index
      %get3A_1520 = tpu.vector_load %get3A_1516[%get3A_1517, %get3A_1518, %get3A_1519] {strides = array<i32>} : memref<8x16x128xf32, #tpu.memory_space<vmem>>, vector<1x1x16xf32>,
      %get3A_1521 = vector.shape_cast %get3A_1520 : vector<1x1x16xf32> to vector<16xf32>
      %mul3A_1522 = arith.constant 2 : i32
      %mul3A_1523 = arith.muli %mul3A_1522, %shift_right_logical3A_1068 : i32
      %add3A_1524 = arith.constant 1 : i32
      %add3A_1525 = arith.addi %mul3A_1523, %add3A_1524 : i32
      %get3A_1526 = arith.constant 0 : i32
      %get3A_1527 = arith.constant 0 : i32
      %get3A_1528 = arith.constant 0 : i32
      %get3A_1529 = tpu.memref_slice %arg7[%scan3A_1034, %get3A_1526, %get3A_1527, %get3A_1528] : memref<2x8x16x128xf32, #tpu.memory_space<vmem>> -> memref<1x8x16x128xf32, #tpu.memory_space<vmem>>
      %get3A_1530 = tpu.memref_squeeze %get3A_1529 : memref<1x8x16x128xf32, #tpu.memory_space<vmem>> -> memref<8x16x128xf32, #tpu.memory_space<vmem>>
      %get3A_1531 = arith.index_cast %and3A_1069 : i32 to index
      %get3A_1532 = arith.index_cast %add3A_1525 : i32 to index
      %get3A_1533 = arith.constant 80 : index
      %get3A_1534 = tpu.vector_load %get3A_1530[%get3A_1531, %get3A_1532, %get3A_1533] {strides = array<i32>} : memref<8x16x128xf32, #tpu.memory_space<vmem>>, vector<1x1x16xf32>,
      %get3A_1535 = vector.shape_cast %get3A_1534 : vector<1x1x16xf32> to vector<16xf32>
      %get3A_1536 = arith.constant 0 : i32
      %get3A_1537 = arith.constant 0 : i32
      %get3A_1538 = tpu.memref_slice %arg6[%scan3A_1035, %get3A_1536, %get3A_1537] : memref<2x64x128xi32, #tpu.memory_space<vmem>> -> memref<1x64x128xi32, #tpu.memory_space<vmem>>
      %get3A_1539 = tpu.memref_squeeze %get3A_1538 : memref<1x64x128xi32, #tpu.memory_space<vmem>> -> memref<64x128xi32, #tpu.memory_space<vmem>>
      %get3A_1540 = arith.index_cast %scan3A_1059 : i32 to index
      %get3A_1541 = arith.constant 80 : index
      %get3A_1542 = tpu.vector_load %get3A_1539[%get3A_1540, %get3A_1541] {strides = array<i32>} : memref<64x128xi32, #tpu.memory_space<vmem>>, vector<1x16xi32>,
      %get3A_1543 = vector.shape_cast %get3A_1542 : vector<1x16xi32> to vector<16xi32>
      %get3A_1544 = arith.constant 0 : i32
      %get3A_1545 = arith.constant 0 : i32
      %get3A_1546 = tpu.memref_slice %arg8[%scan3A_1036, %get3A_1544, %get3A_1545] : memref<2x64x128xf32, #tpu.memory_space<vmem>> -> memref<1x64x128xf32, #tpu.memory_space<vmem>>
      %get3A_1547 = tpu.memref_squeeze %get3A_1546 : memref<1x64x128xf32, #tpu.memory_space<vmem>> -> memref<64x128xf32, #tpu.memory_space<vmem>>
      %get3A_1548 = arith.index_cast %scan3A_1059 : i32 to index
      %get3A_1549 = arith.constant 80 : index
      %get3A_1550 = tpu.vector_load %get3A_1547[%get3A_1548, %get3A_1549] {strides = array<i32>} : memref<64x128xf32, #tpu.memory_space<vmem>>, vector<1x16xf32>,
      %get3A_1551 = vector.shape_cast %get3A_1550 : vector<1x16xf32> to vector<16xf32>
      %sub3A_1552 = arith.subf %get3A_1535, %get3A_1521 : vector<16xf32>
      %neg3A_1553 = arith.constant 0.000000e+00 : f32
      %neg3A_1554 = vector.broadcast %neg3A_1553 : f32 to vector<16xf32>
      %neg3A_1555 = arith.subf %neg3A_1554, %sub3A_1552 : vector<16xf32>
      %min3A_1556 = arith.minimumf %sub3A_1552, %neg3A_1555 : vector<16xf32>
      %exp3A_1557 = math.exp %min3A_1556 : vector<16xf32>
      %mul3A_1558 = arith.constant -0.0174140781 : f32
      %mul3A_1559 = vector.broadcast %mul3A_1558 : f32 to vector<16xf32>
      %mul3A_1560 = arith.mulf %mul3A_1559, %exp3A_1557 : vector<16xf32>
      %add3A_1561 = arith.constant 0.0826912373 : f32
      %add3A_1562 = vector.broadcast %add3A_1561 : f32 to vector<16xf32>
      %add3A_1563 = arith.addf %mul3A_1560, %add3A_1562 : vector<16xf32>
      %mul3A_1564 = arith.mulf %add3A_1563, %exp3A_1557 : vector<16xf32>
      %add3A_1565 = arith.constant -0.190354332 : f32
      %add3A_1566 = vector.broadcast %add3A_1565 : f32 to vector<16xf32>
      %add3A_1567 = arith.addf %mul3A_1564, %add3A_1566 : vector<16xf32>
      %mul3A_1568 = arith.mulf %add3A_1567, %exp3A_1557 : vector<16xf32>
      %add3A_1569 = arith.constant 0.315747321 : f32
      %add3A_1570 = vector.broadcast %add3A_1569 : f32 to vector<16xf32>
      %add3A_1571 = arith.addf %mul3A_1568, %add3A_1570 : vector<16xf32>
      %mul3A_1572 = arith.mulf %add3A_1571, %exp3A_1557 : vector<16xf32>
      %add3A_1573 = arith.constant -0.497373223 : f32
      %add3A_1574 = vector.broadcast %add3A_1573 : f32 to vector<16xf32>
      %add3A_1575 = arith.addf %mul3A_1572, %add3A_1574 : vector<16xf32>
      %mul3A_1576 = arith.mulf %add3A_1575, %exp3A_1557 : vector<16xf32>
      %add3A_1577 = arith.constant 0.99984771 : f32
      %add3A_1578 = vector.broadcast %add3A_1577 : f32 to vector<16xf32>
      %add3A_1579 = arith.addf %mul3A_1576, %add3A_1578 : vector<16xf32>
      %mul3A_1580 = arith.mulf %add3A_1579, %exp3A_1557 : vector<16xf32>
      %add3A_1581 = arith.constant 1.47206504E-6 : f32
      %add3A_1582 = vector.broadcast %add3A_1581 : f32 to vector<16xf32>
      %add3A_1583 = arith.addf %mul3A_1580, %add3A_1582 : vector<16xf32>
      %eq3A_1584 = arith.constant 1 : i32
      %eq3A_1585 = vector.broadcast %eq3A_1584 : i32 to vector<16xi32>
      %eq3A_1586 = arith.cmpi eq, %get3A_1543, %eq3A_1585 : vector<16xi32>
      %select_n3A_1587 = arith.select %eq3A_1586, %neg3A_1555, %sub3A_1552 : vector<16xi1>, vector<16xf32>
      %max3A_1588 = arith.constant 0.000000e+00 : f32
      %max3A_1589 = vector.broadcast %max3A_1588 : f32 to vector<16xf32>
      %max3A_1590 = arith.maximumf %select_n3A_1587, %max3A_1589 : vector<16xf32>
      %add3A_1591 = arith.addf %max3A_1590, %add3A_1583 : vector<16xf32>
      %ne3A_1592 = arith.constant -1 : i32
      %ne3A_1593 = vector.broadcast %ne3A_1592 : i32 to vector<16xi32>
      %ne3A_1594 = arith.cmpi ne, %get3A_1543, %ne3A_1593 : vector<16xi32>
      %jit3A_1595 = arith.constant 0.000000e+00 : f32
      %broadcast_in_dim3A_1596 = vector.broadcast %jit3A_1595 : f32 to vector<16xf32>
      %select_n3A_1597 = arith.select %ne3A_1594, %get3A_1551, %broadcast_in_dim3A_1596 : vector<16xi1>, vector<16xf32>
      %mul3A_1598 = arith.mulf %add3A_1591, %select_n3A_1597 : vector<16xf32>
      %add3A_1599 = arith.addf %scan3A_1065, %mul3A_1598 : vector<16xf32>
      %mul3A_1600 = arith.constant 2 : i32
      %mul3A_1601 = arith.muli %mul3A_1600, %shift_right_logical3A_1068 : i32
      %get3A_1602 = arith.constant 0 : i32
      %get3A_1603 = arith.constant 0 : i32
      %get3A_1604 = arith.constant 0 : i32
      %get3A_1605 = tpu.memref_slice %arg7[%scan3A_1034, %get3A_1602, %get3A_1603, %get3A_1604] : memref<2x8x16x128xf32, #tpu.memory_space<vmem>> -> memref<1x8x16x128xf32, #tpu.memory_space<vmem>>
      %get3A_1606 = tpu.memref_squeeze %get3A_1605 : memref<1x8x16x128xf32, #tpu.memory_space<vmem>> -> memref<8x16x128xf32, #tpu.memory_space<vmem>>
      %get3A_1607 = arith.index_cast %and3A_1069 : i32 to index
      %get3A_1608 = arith.index_cast %mul3A_1601 : i32 to index
      %get3A_1609 = arith.constant 96 : index
      %get3A_1610 = tpu.vector_load %get3A_1606[%get3A_1607, %get3A_1608, %get3A_1609] {strides = array<i32>} : memref<8x16x128xf32, #tpu.memory_space<vmem>>, vector<1x1x16xf32>,
      %get3A_1611 = vector.shape_cast %get3A_1610 : vector<1x1x16xf32> to vector<16xf32>
      %mul3A_1612 = arith.constant 2 : i32
      %mul3A_1613 = arith.muli %mul3A_1612, %shift_right_logical3A_1068 : i32
      %add3A_1614 = arith.constant 1 : i32
      %add3A_1615 = arith.addi %mul3A_1613, %add3A_1614 : i32
      %get3A_1616 = arith.constant 0 : i32
      %get3A_1617 = arith.constant 0 : i32
      %get3A_1618 = arith.constant 0 : i32
      %get3A_1619 = tpu.memref_slice %arg7[%scan3A_1034, %get3A_1616, %get3A_1617, %get3A_1618] : memref<2x8x16x128xf32, #tpu.memory_space<vmem>> -> memref<1x8x16x128xf32, #tpu.memory_space<vmem>>
      %get3A_1620 = tpu.memref_squeeze %get3A_1619 : memref<1x8x16x128xf32, #tpu.memory_space<vmem>> -> memref<8x16x128xf32, #tpu.memory_space<vmem>>
      %get3A_1621 = arith.index_cast %and3A_1069 : i32 to index
      %get3A_1622 = arith.index_cast %add3A_1615 : i32 to index
      %get3A_1623 = arith.constant 96 : index
      %get3A_1624 = tpu.vector_load %get3A_1620[%get3A_1621, %get3A_1622, %get3A_1623] {strides = array<i32>} : memref<8x16x128xf32, #tpu.memory_space<vmem>>, vector<1x1x16xf32>,
      %get3A_1625 = vector.shape_cast %get3A_1624 : vector<1x1x16xf32> to vector<16xf32>
      %get3A_1626 = arith.constant 0 : i32
      %get3A_1627 = arith.constant 0 : i32
      %get3A_1628 = tpu.memref_slice %arg6[%scan3A_1035, %get3A_1626, %get3A_1627] : memref<2x64x128xi32, #tpu.memory_space<vmem>> -> memref<1x64x128xi32, #tpu.memory_space<vmem>>
      %get3A_1629 = tpu.memref_squeeze %get3A_1628 : memref<1x64x128xi32, #tpu.memory_space<vmem>> -> memref<64x128xi32, #tpu.memory_space<vmem>>
      %get3A_1630 = arith.index_cast %scan3A_1059 : i32 to index
      %get3A_1631 = arith.constant 96 : index
      %get3A_1632 = tpu.vector_load %get3A_1629[%get3A_1630, %get3A_1631] {strides = array<i32>} : memref<64x128xi32, #tpu.memory_space<vmem>>, vector<1x16xi32>,
      %get3A_1633 = vector.shape_cast %get3A_1632 : vector<1x16xi32> to vector<16xi32>
      %get3A_1634 = arith.constant 0 : i32
      %get3A_1635 = arith.constant 0 : i32
      %get3A_1636 = tpu.memref_slice %arg8[%scan3A_1036, %get3A_1634, %get3A_1635] : memref<2x64x128xf32, #tpu.memory_space<vmem>> -> memref<1x64x128xf32, #tpu.memory_space<vmem>>
      %get3A_1637 = tpu.memref_squeeze %get3A_1636 : memref<1x64x128xf32, #tpu.memory_space<vmem>> -> memref<64x128xf32, #tpu.memory_space<vmem>>
      %get3A_1638 = arith.index_cast %scan3A_1059 : i32 to index
      %get3A_1639 = arith.constant 96 : index
      %get3A_1640 = tpu.vector_load %get3A_1637[%get3A_1638, %get3A_1639] {strides = array<i32>} : memref<64x128xf32, #tpu.memory_space<vmem>>, vector<1x16xf32>,
      %get3A_1641 = vector.shape_cast %get3A_1640 : vector<1x16xf32> to vector<16xf32>
      %sub3A_1642 = arith.subf %get3A_1625, %get3A_1611 : vector<16xf32>
      %neg3A_1643 = arith.constant 0.000000e+00 : f32
      %neg3A_1644 = vector.broadcast %neg3A_1643 : f32 to vector<16xf32>
      %neg3A_1645 = arith.subf %neg3A_1644, %sub3A_1642 : vector<16xf32>
      %min3A_1646 = arith.minimumf %sub3A_1642, %neg3A_1645 : vector<16xf32>
      %exp3A_1647 = math.exp %min3A_1646 : vector<16xf32>
      %mul3A_1648 = arith.constant -0.0174140781 : f32
      %mul3A_1649 = vector.broadcast %mul3A_1648 : f32 to vector<16xf32>
      %mul3A_1650 = arith.mulf %mul3A_1649, %exp3A_1647 : vector<16xf32>
      %add3A_1651 = arith.constant 0.0826912373 : f32
      %add3A_1652 = vector.broadcast %add3A_1651 : f32 to vector<16xf32>
      %add3A_1653 = arith.addf %mul3A_1650, %add3A_1652 : vector<16xf32>
      %mul3A_1654 = arith.mulf %add3A_1653, %exp3A_1647 : vector<16xf32>
      %add3A_1655 = arith.constant -0.190354332 : f32
      %add3A_1656 = vector.broadcast %add3A_1655 : f32 to vector<16xf32>
      %add3A_1657 = arith.addf %mul3A_1654, %add3A_1656 : vector<16xf32>
      %mul3A_1658 = arith.mulf %add3A_1657, %exp3A_1647 : vector<16xf32>
      %add3A_1659 = arith.constant 0.315747321 : f32
      %add3A_1660 = vector.broadcast %add3A_1659 : f32 to vector<16xf32>
      %add3A_1661 = arith.addf %mul3A_1658, %add3A_1660 : vector<16xf32>
      %mul3A_1662 = arith.mulf %add3A_1661, %exp3A_1647 : vector<16xf32>
      %add3A_1663 = arith.constant -0.497373223 : f32
      %add3A_1664 = vector.broadcast %add3A_1663 : f32 to vector<16xf32>
      %add3A_1665 = arith.addf %mul3A_1662, %add3A_1664 : vector<16xf32>
      %mul3A_1666 = arith.mulf %add3A_1665, %exp3A_1647 : vector<16xf32>
      %add3A_1667 = arith.constant 0.99984771 : f32
      %add3A_1668 = vector.broadcast %add3A_1667 : f32 to vector<16xf32>
      %add3A_1669 = arith.addf %mul3A_1666, %add3A_1668 : vector<16xf32>
      %mul3A_1670 = arith.mulf %add3A_1669, %exp3A_1647 : vector<16xf32>
      %add3A_1671 = arith.constant 1.47206504E-6 : f32
      %add3A_1672 = vector.broadcast %add3A_1671 : f32 to vector<16xf32>
      %add3A_1673 = arith.addf %mul3A_1670, %add3A_1672 : vector<16xf32>
      %eq3A_1674 = arith.constant 1 : i32
      %eq3A_1675 = vector.broadcast %eq3A_1674 : i32 to vector<16xi32>
      %eq3A_1676 = arith.cmpi eq, %get3A_1633, %eq3A_1675 : vector<16xi32>
      %select_n3A_1677 = arith.select %eq3A_1676, %neg3A_1645, %sub3A_1642 : vector<16xi1>, vector<16xf32>
      %max3A_1678 = arith.constant 0.000000e+00 : f32
      %max3A_1679 = vector.broadcast %max3A_1678 : f32 to vector<16xf32>
      %max3A_1680 = arith.maximumf %select_n3A_1677, %max3A_1679 : vector<16xf32>
      %add3A_1681 = arith.addf %max3A_1680, %add3A_1673 : vector<16xf32>
      %ne3A_1682 = arith.constant -1 : i32
      %ne3A_1683 = vector.broadcast %ne3A_1682 : i32 to vector<16xi32>
      %ne3A_1684 = arith.cmpi ne, %get3A_1633, %ne3A_1683 : vector<16xi32>
      %jit3A_1685 = arith.constant 0.000000e+00 : f32
      %broadcast_in_dim3A_1686 = vector.broadcast %jit3A_1685 : f32 to vector<16xf32>
      %select_n3A_1687 = arith.select %ne3A_1684, %get3A_1641, %broadcast_in_dim3A_1686 : vector<16xi1>, vector<16xf32>
      %mul3A_1688 = arith.mulf %add3A_1681, %select_n3A_1687 : vector<16xf32>
      %add3A_1689 = arith.addf %scan3A_1066, %mul3A_1688 : vector<16xf32>
      %mul3A_1690 = arith.constant 2 : i32
      %mul3A_1691 = arith.muli %mul3A_1690, %shift_right_logical3A_1068 : i32
      %get3A_1692 = arith.constant 0 : i32
      %get3A_1693 = arith.constant 0 : i32
      %get3A_1694 = arith.constant 0 : i32
      %get3A_1695 = tpu.memref_slice %arg7[%scan3A_1034, %get3A_1692, %get3A_1693, %get3A_1694] : memref<2x8x16x128xf32, #tpu.memory_space<vmem>> -> memref<1x8x16x128xf32, #tpu.memory_space<vmem>>
      %get3A_1696 = tpu.memref_squeeze %get3A_1695 : memref<1x8x16x128xf32, #tpu.memory_space<vmem>> -> memref<8x16x128xf32, #tpu.memory_space<vmem>>
      %get3A_1697 = arith.index_cast %and3A_1069 : i32 to index
      %get3A_1698 = arith.index_cast %mul3A_1691 : i32 to index
      %get3A_1699 = arith.constant 112 : index
      %get3A_1700 = tpu.vector_load %get3A_1696[%get3A_1697, %get3A_1698, %get3A_1699] {strides = array<i32>} : memref<8x16x128xf32, #tpu.memory_space<vmem>>, vector<1x1x16xf32>,
      %get3A_1701 = vector.shape_cast %get3A_1700 : vector<1x1x16xf32> to vector<16xf32>
      %mul3A_1702 = arith.constant 2 : i32
      %mul3A_1703 = arith.muli %mul3A_1702, %shift_right_logical3A_1068 : i32
      %add3A_1704 = arith.constant 1 : i32
      %add3A_1705 = arith.addi %mul3A_1703, %add3A_1704 : i32
      %get3A_1706 = arith.constant 0 : i32
      %get3A_1707 = arith.constant 0 : i32
      %get3A_1708 = arith.constant 0 : i32
      %get3A_1709 = tpu.memref_slice %arg7[%scan3A_1034, %get3A_1706, %get3A_1707, %get3A_1708] : memref<2x8x16x128xf32, #tpu.memory_space<vmem>> -> memref<1x8x16x128xf32, #tpu.memory_space<vmem>>
      %get3A_1710 = tpu.memref_squeeze %get3A_1709 : memref<1x8x16x128xf32, #tpu.memory_space<vmem>> -> memref<8x16x128xf32, #tpu.memory_space<vmem>>
      %get3A_1711 = arith.index_cast %and3A_1069 : i32 to index
      %get3A_1712 = arith.index_cast %add3A_1705 : i32 to index
      %get3A_1713 = arith.constant 112 : index
      %get3A_1714 = tpu.vector_load %get3A_1710[%get3A_1711, %get3A_1712, %get3A_1713] {strides = array<i32>} : memref<8x16x128xf32, #tpu.memory_space<vmem>>, vector<1x1x16xf32>,
      %get3A_1715 = vector.shape_cast %get3A_1714 : vector<1x1x16xf32> to vector<16xf32>
      %get3A_1716 = arith.constant 0 : i32
      %get3A_1717 = arith.constant 0 : i32
      %get3A_1718 = tpu.memref_slice %arg6[%scan3A_1035, %get3A_1716, %get3A_1717] : memref<2x64x128xi32, #tpu.memory_space<vmem>> -> memref<1x64x128xi32, #tpu.memory_space<vmem>>
      %get3A_1719 = tpu.memref_squeeze %get3A_1718 : memref<1x64x128xi32, #tpu.memory_space<vmem>> -> memref<64x128xi32, #tpu.memory_space<vmem>>
      %get3A_1720 = arith.index_cast %scan3A_1059 : i32 to index
      %get3A_1721 = arith.constant 112 : index
      %get3A_1722 = tpu.vector_load %get3A_1719[%get3A_1720, %get3A_1721] {strides = array<i32>} : memref<64x128xi32, #tpu.memory_space<vmem>>, vector<1x16xi32>,
      %get3A_1723 = vector.shape_cast %get3A_1722 : vector<1x16xi32> to vector<16xi32>
      %get3A_1724 = arith.constant 0 : i32
      %get3A_1725 = arith.constant 0 : i32
      %get3A_1726 = tpu.memref_slice %arg8[%scan3A_1036, %get3A_1724, %get3A_1725] : memref<2x64x128xf32, #tpu.memory_space<vmem>> -> memref<1x64x128xf32, #tpu.memory_space<vmem>>
      %get3A_1727 = tpu.memref_squeeze %get3A_1726 : memref<1x64x128xf32, #tpu.memory_space<vmem>> -> memref<64x128xf32, #tpu.memory_space<vmem>>
      %get3A_1728 = arith.index_cast %scan3A_1059 : i32 to index
      %get3A_1729 = arith.constant 112 : index
      %get3A_1730 = tpu.vector_load %get3A_1727[%get3A_1728, %get3A_1729] {strides = array<i32>} : memref<64x128xf32, #tpu.memory_space<vmem>>, vector<1x16xf32>,
      %get3A_1731 = vector.shape_cast %get3A_1730 : vector<1x16xf32> to vector<16xf32>
      %sub3A_1732 = arith.subf %get3A_1715, %get3A_1701 : vector<16xf32>
      %neg3A_1733 = arith.constant 0.000000e+00 : f32
      %neg3A_1734 = vector.broadcast %neg3A_1733 : f32 to vector<16xf32>
      %neg3A_1735 = arith.subf %neg3A_1734, %sub3A_1732 : vector<16xf32>
      %min3A_1736 = arith.minimumf %sub3A_1732, %neg3A_1735 : vector<16xf32>
      %exp3A_1737 = math.exp %min3A_1736 : vector<16xf32>
      %mul3A_1738 = arith.constant -0.0174140781 : f32
      %mul3A_1739 = vector.broadcast %mul3A_1738 : f32 to vector<16xf32>
      %mul3A_1740 = arith.mulf %mul3A_1739, %exp3A_1737 : vector<16xf32>
      %add3A_1741 = arith.constant 0.0826912373 : f32
      %add3A_1742 = vector.broadcast %add3A_1741 : f32 to vector<16xf32>
      %add3A_1743 = arith.addf %mul3A_1740, %add3A_1742 : vector<16xf32>
      %mul3A_1744 = arith.mulf %add3A_1743, %exp3A_1737 : vector<16xf32>
      %add3A_1745 = arith.constant -0.190354332 : f32
      %add3A_1746 = vector.broadcast %add3A_1745 : f32 to vector<16xf32>
      %add3A_1747 = arith.addf %mul3A_1744, %add3A_1746 : vector<16xf32>
      %mul3A_1748 = arith.mulf %add3A_1747, %exp3A_1737 : vector<16xf32>
      %add3A_1749 = arith.constant 0.315747321 : f32
      %add3A_1750 = vector.broadcast %add3A_1749 : f32 to vector<16xf32>
      %add3A_1751 = arith.addf %mul3A_1748, %add3A_1750 : vector<16xf32>
      %mul3A_1752 = arith.mulf %add3A_1751, %exp3A_1737 : vector<16xf32>
      %add3A_1753 = arith.constant -0.497373223 : f32
      %add3A_1754 = vector.broadcast %add3A_1753 : f32 to vector<16xf32>
      %add3A_1755 = arith.addf %mul3A_1752, %add3A_1754 : vector<16xf32>
      %mul3A_1756 = arith.mulf %add3A_1755, %exp3A_1737 : vector<16xf32>
      %add3A_1757 = arith.constant 0.99984771 : f32
      %add3A_1758 = vector.broadcast %add3A_1757 : f32 to vector<16xf32>
      %add3A_1759 = arith.addf %mul3A_1756, %add3A_1758 : vector<16xf32>
      %mul3A_1760 = arith.mulf %add3A_1759, %exp3A_1737 : vector<16xf32>
      %add3A_1761 = arith.constant 1.47206504E-6 : f32
      %add3A_1762 = vector.broadcast %add3A_1761 : f32 to vector<16xf32>
      %add3A_1763 = arith.addf %mul3A_1760, %add3A_1762 : vector<16xf32>
      %eq3A_1764 = arith.constant 1 : i32
      %eq3A_1765 = vector.broadcast %eq3A_1764 : i32 to vector<16xi32>
      %eq3A_1766 = arith.cmpi eq, %get3A_1723, %eq3A_1765 : vector<16xi32>
      %select_n3A_1767 = arith.select %eq3A_1766, %neg3A_1735, %sub3A_1732 : vector<16xi1>, vector<16xf32>
      %max3A_1768 = arith.constant 0.000000e+00 : f32
      %max3A_1769 = vector.broadcast %max3A_1768 : f32 to vector<16xf32>
      %max3A_1770 = arith.maximumf %select_n3A_1767, %max3A_1769 : vector<16xf32>
      %add3A_1771 = arith.addf %max3A_1770, %add3A_1763 : vector<16xf32>
      %ne3A_1772 = arith.constant -1 : i32
      %ne3A_1773 = vector.broadcast %ne3A_1772 : i32 to vector<16xi32>
      %ne3A_1774 = arith.cmpi ne, %get3A_1723, %ne3A_1773 : vector<16xi32>
      %jit3A_1775 = arith.constant 0.000000e+00 : f32
      %broadcast_in_dim3A_1776 = vector.broadcast %jit3A_1775 : f32 to vector<16xf32>
      %select_n3A_1777 = arith.select %ne3A_1774, %get3A_1731, %broadcast_in_dim3A_1776 : vector<16xi1>, vector<16xf32>
      %mul3A_1778 = arith.mulf %add3A_1771, %select_n3A_1777 : vector<16xf32>
      %add3A_1779 = arith.addf %scan3A_1067, %mul3A_1778 : vector<16xf32>
      scf.yield %add3A_1149, %add3A_1239, %add3A_1329, %add3A_1419, %add3A_1509, %add3A_1599, %add3A_1689, %add3A_1779 : vector<16xf32>, vector<16xf32>, vector<16xf32>, vector<16xf32>, vector<16xf32>, vector<16xf32>, vector<16xf32>, vector<16xf32>
    }
    %scan3A_1042 = arith.constant 64 : i32
    %add3A_1043 = arith.addf %scan3A_1041#0, %scan3A_1041#1 : vector<16xf32>
    %add3A_1044 = arith.addf %scan3A_1041#2, %scan3A_1041#3 : vector<16xf32>
    %add3A_1045 = arith.addf %scan3A_1041#4, %scan3A_1041#5 : vector<16xf32>
    %add3A_1046 = arith.addf %scan3A_1041#6, %scan3A_1041#7 : vector<16xf32>
    %add3A_1047 = arith.addf %add3A_1043, %add3A_1044 : vector<16xf32>
    %add3A_1048 = arith.addf %add3A_1045, %add3A_1046 : vector<16xf32>
    %add3A_1049 = arith.addf %add3A_1047, %add3A_1048 : vector<16xf32>
    %swap3A = arith.constant 0 : index
    %swap3A_1050 = tpu.vector_load %arg9[%swap3A] {strides = array<i32>} : memref<16xf32, #tpu.memory_space<vmem>>, vector<16xf32>,
    %swap3A_1051 = vector.shape_cast %swap3A_1050 : vector<16xf32> to vector<16xf32>
    %swap3A_1052 = vector.shape_cast %add3A_1049 : vector<16xf32> to vector<16xf32>
    tpu.vector_store %arg9[%swap3A], %swap3A_1052 {strides = array<i32>} : memref<16xf32, #tpu.memory_space<vmem>>, vector<16xf32>,
    %mul3A_1053 = arith.constant 16 : i32
    %mul3A_1054 = arith.muli %add3A, %mul3A_1053 : i32
    %dma_start3A_1055 = tpu.memref_slice %arg5[%mul3A_1054] : memref<512xf32, #tpu.memory_space<hbm>> -> memref<16xf32, #tpu.memory_space<hbm>>
    %dma_start3A_1056 = tpu.memref_slice %arg5[%mul3A_1054] : memref<512xf32, #tpu.memory_space<hbm>> -> memref<16xf32, #tpu.memory_space<hbm>>
    tpu.enqueue_dma source(%arg9 : memref<16xf32, #tpu.memory_space<vmem>>) target(%dma_start3A_1056 : memref<16xf32, #tpu.memory_space<hbm>>) target_semaphore(%arg12 : memref<!tpu.dma_semaphore, #tpu.memory_space<semaphore_mem>>)
    %dma_wait3A_1057 = tpu.memref_slice %arg5[%mul3A_1054] : memref<512xf32, #tpu.memory_space<hbm>> -> memref<16xf32, #tpu.memory_space<hbm>>
    %dma_wait3A_1058 = tpu.memref_slice %arg5[%mul3A_1054] : memref<512xf32, #tpu.memory_space<hbm>> -> memref<16xf32, #tpu.memory_space<hbm>>
    tpu.wait_dma2 semaphore(%arg12 : memref<!tpu.dma_semaphore, #tpu.memory_space<semaphore_mem>>) src(%arg9 : memref<16xf32, #tpu.memory_space<vmem>>) dst(%dma_wait3A_1058 : memref<16xf32, #tpu.memory_space<hbm>>)
    return
  }
}

module attributes {stable_mosaic.version = 14 : i64} {
  func.func @_tc_body(%arg0: i32, %arg1: memref<8x8192xi32, #tpu.memory_space<vmem>>, %arg2: memref<8x128x128xf32, #tpu.memory_space<vmem>>, %arg3: memref<8x8192xf32, #tpu.memory_space<vmem>>, %arg4: memref<1x1xf32, #tpu.memory_space<smem>>, %arg5: memref<8x128xf32, #tpu.memory_space<vmem>>) attributes {dimension_semantics = [#tpu.dimension_semantics<arbitrary>], iteration_bounds = array<i64: 24>, scalar_prefetch = 0 : i64, scratch_operands = 1 : i64, tpu.core_type = #tpu.core_type<tc>, window_params = [{transform_indices = @transform_0, window_bounds = array<i64: 8, 8192>}, {transform_indices = @transform_1, window_bounds = array<i64: 8, 128, 128>}, {transform_indices = @transform_2, window_bounds = array<i64: 8, 8192>}, {transform_indices = @transform_3, window_bounds = array<i64: 1, 1>}]} {
    %eq3A = arith.constant 0 : i32
    %eq3A_0 = arith.cmpi eq, %arg0, %eq3A : i32
    %convert_element_type3A = arith.extui %eq3A_0 : i1 to i32
    %cond3A = arith.constant 0 : i32
    %cond3A_1 = arith.cmpi ne, %convert_element_type3A, %cond3A : i32
    scf.if %cond3A_1 {
      %broadcast_in_dim3A_359 = arith.constant 0.000000e+00 : f32
      %broadcast_in_dim3A_360 = vector.broadcast %broadcast_in_dim3A_359 : f32 to vector<8x128xf32>
      %swap3A_361 = arith.constant 0 : index
      %swap3A_362 = arith.constant 0 : index
      %swap3A_363 = vector.load %arg5[%swap3A_361, %swap3A_362] : memref<8x128xf32, #tpu.memory_space<vmem>>, vector<8x128xf32>
      tpu.vector_store %arg5[%swap3A_361, %swap3A_362], %broadcast_in_dim3A_360 {strides = array<i32>} : memref<8x128xf32, #tpu.memory_space<vmem>>, vector<8x128xf32>,
    } else {
    }
    %get3A = arith.constant 0 : index
    %get3A_2 = arith.constant 0 : index
    %get3A_3 = arith.constant 0 : index
    %get3A_4 = tpu.strided_load %arg2[%get3A, %get3A_2, %get3A_3] {strides = array<i32: 1, 2, 1>} : memref<8x128x128xf32, #tpu.memory_space<vmem>>, vector<8x8x128xf32>
    %get3A_5 = arith.constant 0 : index
    %get3A_6 = arith.constant 1 : index
    %get3A_7 = arith.constant 0 : index
    %get3A_8 = tpu.strided_load %arg2[%get3A_5, %get3A_6, %get3A_7] {strides = array<i32: 1, 2, 1>} : memref<8x128x128xf32, #tpu.memory_space<vmem>>, vector<8x8x128xf32>
    %get3A_9 = arith.constant 0 : index
    %get3A_10 = arith.constant 0 : index
    %get3A_11 = vector.load %arg1[%get3A_9, %get3A_10] : memref<8x8192xi32, #tpu.memory_space<vmem>>, vector<8x1024xi32>
    %reshape3A = vector.shape_cast %get3A_11 : vector<8x1024xi32> to vector<8x8x128xi32>
    %get3A_12 = arith.constant 0 : index
    %get3A_13 = arith.constant 0 : index
    %get3A_14 = vector.load %arg3[%get3A_12, %get3A_13] : memref<8x8192xf32, #tpu.memory_space<vmem>>, vector<8x1024xf32>
    %reshape3A_15 = vector.shape_cast %get3A_14 : vector<8x1024xf32> to vector<8x8x128xf32>
    %sub3A = arith.subf %get3A_8, %get3A_4 : vector<8x8x128xf32>
    %abs3A = math.absf %sub3A : vector<8x8x128xf32>
    %neg3A = arith.constant 0.000000e+00 : f32
    %neg3A_16 = vector.broadcast %neg3A : f32 to vector<8x8x128xf32>
    %neg3A_17 = arith.subf %neg3A_16, %abs3A : vector<8x8x128xf32>
    %exp3A = math.exp %neg3A_17 : vector<8x8x128xf32>
    %log1p3A = math.log1p %exp3A : vector<8x8x128xf32>
    %max3A = arith.constant 0.000000e+00 : f32
    %max3A_18 = vector.broadcast %max3A : f32 to vector<8x8x128xf32>
    %max3A_19 = arith.maximumf %sub3A, %max3A_18 : vector<8x8x128xf32>
    %convert_element_type3A_20 = arith.sitofp %reshape3A : vector<8x8x128xi32> to vector<8x8x128xf32>
    %mul3A = arith.mulf %convert_element_type3A_20, %sub3A : vector<8x8x128xf32>
    %sub3A_21 = arith.subf %max3A_19, %mul3A : vector<8x8x128xf32>
    %add3A = arith.addf %sub3A_21, %log1p3A : vector<8x8x128xf32>
    %ne3A = arith.constant -1 : i32
    %ne3A_22 = vector.broadcast %ne3A : i32 to vector<8x8x128xi32>
    %ne3A_23 = arith.cmpi ne, %reshape3A, %ne3A_22 : vector<8x8x128xi32>
    %jit3A = arith.constant 0.000000e+00 : f32
    %broadcast_in_dim3A = vector.broadcast %jit3A : f32 to vector<8x8x128xf32>
    %select_n3A = arith.select %ne3A_23, %reshape3A_15, %broadcast_in_dim3A : vector<8x8x128xi1>, vector<8x8x128xf32>
    %get3A_24 = arith.constant 0 : index
    %get3A_25 = arith.constant 0 : index
    %get3A_26 = vector.load %arg5[%get3A_24, %get3A_25] : memref<8x128xf32, #tpu.memory_space<vmem>>, vector<8x128xf32>
    %mul3A_27 = arith.mulf %add3A, %select_n3A : vector<8x8x128xf32>
    %reduce_sum3A = arith.constant dense<0.000000e+00> : vector<8x128xf32>
    %reduce_sum3A_28 = vector.multi_reduction <add>, %mul3A_27, %reduce_sum3A [1] : vector<8x8x128xf32> to vector<8x128xf32>
    %add3A_29 = arith.addf %get3A_26, %reduce_sum3A_28 : vector<8x128xf32>
    %swap3A = arith.constant 0 : index
    %swap3A_30 = arith.constant 0 : index
    %swap3A_31 = vector.load %arg5[%swap3A, %swap3A_30] : memref<8x128xf32, #tpu.memory_space<vmem>>, vector<8x128xf32>
    tpu.vector_store %arg5[%swap3A, %swap3A_30], %add3A_29 {strides = array<i32>} : memref<8x128xf32, #tpu.memory_space<vmem>>, vector<8x128xf32>,
    %get3A_32 = arith.constant 0 : index
    %get3A_33 = arith.constant 16 : index
    %get3A_34 = arith.constant 0 : index
    %get3A_35 = tpu.strided_load %arg2[%get3A_32, %get3A_33, %get3A_34] {strides = array<i32: 1, 2, 1>} : memref<8x128x128xf32, #tpu.memory_space<vmem>>, vector<8x8x128xf32>
    %get3A_36 = arith.constant 0 : index
    %get3A_37 = arith.constant 17 : index
    %get3A_38 = arith.constant 0 : index
    %get3A_39 = tpu.strided_load %arg2[%get3A_36, %get3A_37, %get3A_38] {strides = array<i32: 1, 2, 1>} : memref<8x128x128xf32, #tpu.memory_space<vmem>>, vector<8x8x128xf32>
    %get3A_40 = arith.constant 0 : index
    %get3A_41 = arith.constant 1024 : index
    %get3A_42 = vector.load %arg1[%get3A_40, %get3A_41] : memref<8x8192xi32, #tpu.memory_space<vmem>>, vector<8x1024xi32>
    %reshape3A_43 = vector.shape_cast %get3A_42 : vector<8x1024xi32> to vector<8x8x128xi32>
    %get3A_44 = arith.constant 0 : index
    %get3A_45 = arith.constant 1024 : index
    %get3A_46 = vector.load %arg3[%get3A_44, %get3A_45] : memref<8x8192xf32, #tpu.memory_space<vmem>>, vector<8x1024xf32>
    %reshape3A_47 = vector.shape_cast %get3A_46 : vector<8x1024xf32> to vector<8x8x128xf32>
    %sub3A_48 = arith.subf %get3A_39, %get3A_35 : vector<8x8x128xf32>
    %abs3A_49 = math.absf %sub3A_48 : vector<8x8x128xf32>
    %neg3A_50 = arith.constant 0.000000e+00 : f32
    %neg3A_51 = vector.broadcast %neg3A_50 : f32 to vector<8x8x128xf32>
    %neg3A_52 = arith.subf %neg3A_51, %abs3A_49 : vector<8x8x128xf32>
    %exp3A_53 = math.exp %neg3A_52 : vector<8x8x128xf32>
    %log1p3A_54 = math.log1p %exp3A_53 : vector<8x8x128xf32>
    %max3A_55 = arith.constant 0.000000e+00 : f32
    %max3A_56 = vector.broadcast %max3A_55 : f32 to vector<8x8x128xf32>
    %max3A_57 = arith.maximumf %sub3A_48, %max3A_56 : vector<8x8x128xf32>
    %convert_element_type3A_58 = arith.sitofp %reshape3A_43 : vector<8x8x128xi32> to vector<8x8x128xf32>
    %mul3A_59 = arith.mulf %convert_element_type3A_58, %sub3A_48 : vector<8x8x128xf32>
    %sub3A_60 = arith.subf %max3A_57, %mul3A_59 : vector<8x8x128xf32>
    %add3A_61 = arith.addf %sub3A_60, %log1p3A_54 : vector<8x8x128xf32>
    %ne3A_62 = arith.constant -1 : i32
    %ne3A_63 = vector.broadcast %ne3A_62 : i32 to vector<8x8x128xi32>
    %ne3A_64 = arith.cmpi ne, %reshape3A_43, %ne3A_63 : vector<8x8x128xi32>
    %jit3A_65 = arith.constant 0.000000e+00 : f32
    %broadcast_in_dim3A_66 = vector.broadcast %jit3A_65 : f32 to vector<8x8x128xf32>
    %select_n3A_67 = arith.select %ne3A_64, %reshape3A_47, %broadcast_in_dim3A_66 : vector<8x8x128xi1>, vector<8x8x128xf32>
    %get3A_68 = arith.constant 0 : index
    %get3A_69 = arith.constant 0 : index
    %get3A_70 = vector.load %arg5[%get3A_68, %get3A_69] : memref<8x128xf32, #tpu.memory_space<vmem>>, vector<8x128xf32>
    %mul3A_71 = arith.mulf %add3A_61, %select_n3A_67 : vector<8x8x128xf32>
    %reduce_sum3A_72 = arith.constant dense<0.000000e+00> : vector<8x128xf32>
    %reduce_sum3A_73 = vector.multi_reduction <add>, %mul3A_71, %reduce_sum3A_72 [1] : vector<8x8x128xf32> to vector<8x128xf32>
    %add3A_74 = arith.addf %get3A_70, %reduce_sum3A_73 : vector<8x128xf32>
    %swap3A_75 = arith.constant 0 : index
    %swap3A_76 = arith.constant 0 : index
    %swap3A_77 = vector.load %arg5[%swap3A_75, %swap3A_76] : memref<8x128xf32, #tpu.memory_space<vmem>>, vector<8x128xf32>
    tpu.vector_store %arg5[%swap3A_75, %swap3A_76], %add3A_74 {strides = array<i32>} : memref<8x128xf32, #tpu.memory_space<vmem>>, vector<8x128xf32>,
    %get3A_78 = arith.constant 0 : index
    %get3A_79 = arith.constant 32 : index
    %get3A_80 = arith.constant 0 : index
    %get3A_81 = tpu.strided_load %arg2[%get3A_78, %get3A_79, %get3A_80] {strides = array<i32: 1, 2, 1>} : memref<8x128x128xf32, #tpu.memory_space<vmem>>, vector<8x8x128xf32>
    %get3A_82 = arith.constant 0 : index
    %get3A_83 = arith.constant 33 : index
    %get3A_84 = arith.constant 0 : index
    %get3A_85 = tpu.strided_load %arg2[%get3A_82, %get3A_83, %get3A_84] {strides = array<i32: 1, 2, 1>} : memref<8x128x128xf32, #tpu.memory_space<vmem>>, vector<8x8x128xf32>
    %get3A_86 = arith.constant 0 : index
    %get3A_87 = arith.constant 2048 : index
    %get3A_88 = vector.load %arg1[%get3A_86, %get3A_87] : memref<8x8192xi32, #tpu.memory_space<vmem>>, vector<8x1024xi32>
    %reshape3A_89 = vector.shape_cast %get3A_88 : vector<8x1024xi32> to vector<8x8x128xi32>
    %get3A_90 = arith.constant 0 : index
    %get3A_91 = arith.constant 2048 : index
    %get3A_92 = vector.load %arg3[%get3A_90, %get3A_91] : memref<8x8192xf32, #tpu.memory_space<vmem>>, vector<8x1024xf32>
    %reshape3A_93 = vector.shape_cast %get3A_92 : vector<8x1024xf32> to vector<8x8x128xf32>
    %sub3A_94 = arith.subf %get3A_85, %get3A_81 : vector<8x8x128xf32>
    %abs3A_95 = math.absf %sub3A_94 : vector<8x8x128xf32>
    %neg3A_96 = arith.constant 0.000000e+00 : f32
    %neg3A_97 = vector.broadcast %neg3A_96 : f32 to vector<8x8x128xf32>
    %neg3A_98 = arith.subf %neg3A_97, %abs3A_95 : vector<8x8x128xf32>
    %exp3A_99 = math.exp %neg3A_98 : vector<8x8x128xf32>
    %log1p3A_100 = math.log1p %exp3A_99 : vector<8x8x128xf32>
    %max3A_101 = arith.constant 0.000000e+00 : f32
    %max3A_102 = vector.broadcast %max3A_101 : f32 to vector<8x8x128xf32>
    %max3A_103 = arith.maximumf %sub3A_94, %max3A_102 : vector<8x8x128xf32>
    %convert_element_type3A_104 = arith.sitofp %reshape3A_89 : vector<8x8x128xi32> to vector<8x8x128xf32>
    %mul3A_105 = arith.mulf %convert_element_type3A_104, %sub3A_94 : vector<8x8x128xf32>
    %sub3A_106 = arith.subf %max3A_103, %mul3A_105 : vector<8x8x128xf32>
    %add3A_107 = arith.addf %sub3A_106, %log1p3A_100 : vector<8x8x128xf32>
    %ne3A_108 = arith.constant -1 : i32
    %ne3A_109 = vector.broadcast %ne3A_108 : i32 to vector<8x8x128xi32>
    %ne3A_110 = arith.cmpi ne, %reshape3A_89, %ne3A_109 : vector<8x8x128xi32>
    %jit3A_111 = arith.constant 0.000000e+00 : f32
    %broadcast_in_dim3A_112 = vector.broadcast %jit3A_111 : f32 to vector<8x8x128xf32>
    %select_n3A_113 = arith.select %ne3A_110, %reshape3A_93, %broadcast_in_dim3A_112 : vector<8x8x128xi1>, vector<8x8x128xf32>
    %get3A_114 = arith.constant 0 : index
    %get3A_115 = arith.constant 0 : index
    %get3A_116 = vector.load %arg5[%get3A_114, %get3A_115] : memref<8x128xf32, #tpu.memory_space<vmem>>, vector<8x128xf32>
    %mul3A_117 = arith.mulf %add3A_107, %select_n3A_113 : vector<8x8x128xf32>
    %reduce_sum3A_118 = arith.constant dense<0.000000e+00> : vector<8x128xf32>
    %reduce_sum3A_119 = vector.multi_reduction <add>, %mul3A_117, %reduce_sum3A_118 [1] : vector<8x8x128xf32> to vector<8x128xf32>
    %add3A_120 = arith.addf %get3A_116, %reduce_sum3A_119 : vector<8x128xf32>
    %swap3A_121 = arith.constant 0 : index
    %swap3A_122 = arith.constant 0 : index
    %swap3A_123 = vector.load %arg5[%swap3A_121, %swap3A_122] : memref<8x128xf32, #tpu.memory_space<vmem>>, vector<8x128xf32>
    tpu.vector_store %arg5[%swap3A_121, %swap3A_122], %add3A_120 {strides = array<i32>} : memref<8x128xf32, #tpu.memory_space<vmem>>, vector<8x128xf32>,
    %get3A_124 = arith.constant 0 : index
    %get3A_125 = arith.constant 48 : index
    %get3A_126 = arith.constant 0 : index
    %get3A_127 = tpu.strided_load %arg2[%get3A_124, %get3A_125, %get3A_126] {strides = array<i32: 1, 2, 1>} : memref<8x128x128xf32, #tpu.memory_space<vmem>>, vector<8x8x128xf32>
    %get3A_128 = arith.constant 0 : index
    %get3A_129 = arith.constant 49 : index
    %get3A_130 = arith.constant 0 : index
    %get3A_131 = tpu.strided_load %arg2[%get3A_128, %get3A_129, %get3A_130] {strides = array<i32: 1, 2, 1>} : memref<8x128x128xf32, #tpu.memory_space<vmem>>, vector<8x8x128xf32>
    %get3A_132 = arith.constant 0 : index
    %get3A_133 = arith.constant 3072 : index
    %get3A_134 = vector.load %arg1[%get3A_132, %get3A_133] : memref<8x8192xi32, #tpu.memory_space<vmem>>, vector<8x1024xi32>
    %reshape3A_135 = vector.shape_cast %get3A_134 : vector<8x1024xi32> to vector<8x8x128xi32>
    %get3A_136 = arith.constant 0 : index
    %get3A_137 = arith.constant 3072 : index
    %get3A_138 = vector.load %arg3[%get3A_136, %get3A_137] : memref<8x8192xf32, #tpu.memory_space<vmem>>, vector<8x1024xf32>
    %reshape3A_139 = vector.shape_cast %get3A_138 : vector<8x1024xf32> to vector<8x8x128xf32>
    %sub3A_140 = arith.subf %get3A_131, %get3A_127 : vector<8x8x128xf32>
    %abs3A_141 = math.absf %sub3A_140 : vector<8x8x128xf32>
    %neg3A_142 = arith.constant 0.000000e+00 : f32
    %neg3A_143 = vector.broadcast %neg3A_142 : f32 to vector<8x8x128xf32>
    %neg3A_144 = arith.subf %neg3A_143, %abs3A_141 : vector<8x8x128xf32>
    %exp3A_145 = math.exp %neg3A_144 : vector<8x8x128xf32>
    %log1p3A_146 = math.log1p %exp3A_145 : vector<8x8x128xf32>
    %max3A_147 = arith.constant 0.000000e+00 : f32
    %max3A_148 = vector.broadcast %max3A_147 : f32 to vector<8x8x128xf32>
    %max3A_149 = arith.maximumf %sub3A_140, %max3A_148 : vector<8x8x128xf32>
    %convert_element_type3A_150 = arith.sitofp %reshape3A_135 : vector<8x8x128xi32> to vector<8x8x128xf32>
    %mul3A_151 = arith.mulf %convert_element_type3A_150, %sub3A_140 : vector<8x8x128xf32>
    %sub3A_152 = arith.subf %max3A_149, %mul3A_151 : vector<8x8x128xf32>
    %add3A_153 = arith.addf %sub3A_152, %log1p3A_146 : vector<8x8x128xf32>
    %ne3A_154 = arith.constant -1 : i32
    %ne3A_155 = vector.broadcast %ne3A_154 : i32 to vector<8x8x128xi32>
    %ne3A_156 = arith.cmpi ne, %reshape3A_135, %ne3A_155 : vector<8x8x128xi32>
    %jit3A_157 = arith.constant 0.000000e+00 : f32
    %broadcast_in_dim3A_158 = vector.broadcast %jit3A_157 : f32 to vector<8x8x128xf32>
    %select_n3A_159 = arith.select %ne3A_156, %reshape3A_139, %broadcast_in_dim3A_158 : vector<8x8x128xi1>, vector<8x8x128xf32>
    %get3A_160 = arith.constant 0 : index
    %get3A_161 = arith.constant 0 : index
    %get3A_162 = vector.load %arg5[%get3A_160, %get3A_161] : memref<8x128xf32, #tpu.memory_space<vmem>>, vector<8x128xf32>
    %mul3A_163 = arith.mulf %add3A_153, %select_n3A_159 : vector<8x8x128xf32>
    %reduce_sum3A_164 = arith.constant dense<0.000000e+00> : vector<8x128xf32>
    %reduce_sum3A_165 = vector.multi_reduction <add>, %mul3A_163, %reduce_sum3A_164 [1] : vector<8x8x128xf32> to vector<8x128xf32>
    %add3A_166 = arith.addf %get3A_162, %reduce_sum3A_165 : vector<8x128xf32>
    %swap3A_167 = arith.constant 0 : index
    %swap3A_168 = arith.constant 0 : index
    %swap3A_169 = vector.load %arg5[%swap3A_167, %swap3A_168] : memref<8x128xf32, #tpu.memory_space<vmem>>, vector<8x128xf32>
    tpu.vector_store %arg5[%swap3A_167, %swap3A_168], %add3A_166 {strides = array<i32>} : memref<8x128xf32, #tpu.memory_space<vmem>>, vector<8x128xf32>,
    %get3A_170 = arith.constant 0 : index
    %get3A_171 = arith.constant 64 : index
    %get3A_172 = arith.constant 0 : index
    %get3A_173 = tpu.strided_load %arg2[%get3A_170, %get3A_171, %get3A_172] {strides = array<i32: 1, 2, 1>} : memref<8x128x128xf32, #tpu.memory_space<vmem>>, vector<8x8x128xf32>
    %get3A_174 = arith.constant 0 : index
    %get3A_175 = arith.constant 65 : index
    %get3A_176 = arith.constant 0 : index
    %get3A_177 = tpu.strided_load %arg2[%get3A_174, %get3A_175, %get3A_176] {strides = array<i32: 1, 2, 1>} : memref<8x128x128xf32, #tpu.memory_space<vmem>>, vector<8x8x128xf32>
    %get3A_178 = arith.constant 0 : index
    %get3A_179 = arith.constant 4096 : index
    %get3A_180 = vector.load %arg1[%get3A_178, %get3A_179] : memref<8x8192xi32, #tpu.memory_space<vmem>>, vector<8x1024xi32>
    %reshape3A_181 = vector.shape_cast %get3A_180 : vector<8x1024xi32> to vector<8x8x128xi32>
    %get3A_182 = arith.constant 0 : index
    %get3A_183 = arith.constant 4096 : index
    %get3A_184 = vector.load %arg3[%get3A_182, %get3A_183] : memref<8x8192xf32, #tpu.memory_space<vmem>>, vector<8x1024xf32>
    %reshape3A_185 = vector.shape_cast %get3A_184 : vector<8x1024xf32> to vector<8x8x128xf32>
    %sub3A_186 = arith.subf %get3A_177, %get3A_173 : vector<8x8x128xf32>
    %abs3A_187 = math.absf %sub3A_186 : vector<8x8x128xf32>
    %neg3A_188 = arith.constant 0.000000e+00 : f32
    %neg3A_189 = vector.broadcast %neg3A_188 : f32 to vector<8x8x128xf32>
    %neg3A_190 = arith.subf %neg3A_189, %abs3A_187 : vector<8x8x128xf32>
    %exp3A_191 = math.exp %neg3A_190 : vector<8x8x128xf32>
    %log1p3A_192 = math.log1p %exp3A_191 : vector<8x8x128xf32>
    %max3A_193 = arith.constant 0.000000e+00 : f32
    %max3A_194 = vector.broadcast %max3A_193 : f32 to vector<8x8x128xf32>
    %max3A_195 = arith.maximumf %sub3A_186, %max3A_194 : vector<8x8x128xf32>
    %convert_element_type3A_196 = arith.sitofp %reshape3A_181 : vector<8x8x128xi32> to vector<8x8x128xf32>
    %mul3A_197 = arith.mulf %convert_element_type3A_196, %sub3A_186 : vector<8x8x128xf32>
    %sub3A_198 = arith.subf %max3A_195, %mul3A_197 : vector<8x8x128xf32>
    %add3A_199 = arith.addf %sub3A_198, %log1p3A_192 : vector<8x8x128xf32>
    %ne3A_200 = arith.constant -1 : i32
    %ne3A_201 = vector.broadcast %ne3A_200 : i32 to vector<8x8x128xi32>
    %ne3A_202 = arith.cmpi ne, %reshape3A_181, %ne3A_201 : vector<8x8x128xi32>
    %jit3A_203 = arith.constant 0.000000e+00 : f32
    %broadcast_in_dim3A_204 = vector.broadcast %jit3A_203 : f32 to vector<8x8x128xf32>
    %select_n3A_205 = arith.select %ne3A_202, %reshape3A_185, %broadcast_in_dim3A_204 : vector<8x8x128xi1>, vector<8x8x128xf32>
    %get3A_206 = arith.constant 0 : index
    %get3A_207 = arith.constant 0 : index
    %get3A_208 = vector.load %arg5[%get3A_206, %get3A_207] : memref<8x128xf32, #tpu.memory_space<vmem>>, vector<8x128xf32>
    %mul3A_209 = arith.mulf %add3A_199, %select_n3A_205 : vector<8x8x128xf32>
    %reduce_sum3A_210 = arith.constant dense<0.000000e+00> : vector<8x128xf32>
    %reduce_sum3A_211 = vector.multi_reduction <add>, %mul3A_209, %reduce_sum3A_210 [1] : vector<8x8x128xf32> to vector<8x128xf32>
    %add3A_212 = arith.addf %get3A_208, %reduce_sum3A_211 : vector<8x128xf32>
    %swap3A_213 = arith.constant 0 : index
    %swap3A_214 = arith.constant 0 : index
    %swap3A_215 = vector.load %arg5[%swap3A_213, %swap3A_214] : memref<8x128xf32, #tpu.memory_space<vmem>>, vector<8x128xf32>
    tpu.vector_store %arg5[%swap3A_213, %swap3A_214], %add3A_212 {strides = array<i32>} : memref<8x128xf32, #tpu.memory_space<vmem>>, vector<8x128xf32>,
    %get3A_216 = arith.constant 0 : index
    %get3A_217 = arith.constant 80 : index
    %get3A_218 = arith.constant 0 : index
    %get3A_219 = tpu.strided_load %arg2[%get3A_216, %get3A_217, %get3A_218] {strides = array<i32: 1, 2, 1>} : memref<8x128x128xf32, #tpu.memory_space<vmem>>, vector<8x8x128xf32>
    %get3A_220 = arith.constant 0 : index
    %get3A_221 = arith.constant 81 : index
    %get3A_222 = arith.constant 0 : index
    %get3A_223 = tpu.strided_load %arg2[%get3A_220, %get3A_221, %get3A_222] {strides = array<i32: 1, 2, 1>} : memref<8x128x128xf32, #tpu.memory_space<vmem>>, vector<8x8x128xf32>
    %get3A_224 = arith.constant 0 : index
    %get3A_225 = arith.constant 5120 : index
    %get3A_226 = vector.load %arg1[%get3A_224, %get3A_225] : memref<8x8192xi32, #tpu.memory_space<vmem>>, vector<8x1024xi32>
    %reshape3A_227 = vector.shape_cast %get3A_226 : vector<8x1024xi32> to vector<8x8x128xi32>
    %get3A_228 = arith.constant 0 : index
    %get3A_229 = arith.constant 5120 : index
    %get3A_230 = vector.load %arg3[%get3A_228, %get3A_229] : memref<8x8192xf32, #tpu.memory_space<vmem>>, vector<8x1024xf32>
    %reshape3A_231 = vector.shape_cast %get3A_230 : vector<8x1024xf32> to vector<8x8x128xf32>
    %sub3A_232 = arith.subf %get3A_223, %get3A_219 : vector<8x8x128xf32>
    %abs3A_233 = math.absf %sub3A_232 : vector<8x8x128xf32>
    %neg3A_234 = arith.constant 0.000000e+00 : f32
    %neg3A_235 = vector.broadcast %neg3A_234 : f32 to vector<8x8x128xf32>
    %neg3A_236 = arith.subf %neg3A_235, %abs3A_233 : vector<8x8x128xf32>
    %exp3A_237 = math.exp %neg3A_236 : vector<8x8x128xf32>
    %log1p3A_238 = math.log1p %exp3A_237 : vector<8x8x128xf32>
    %max3A_239 = arith.constant 0.000000e+00 : f32
    %max3A_240 = vector.broadcast %max3A_239 : f32 to vector<8x8x128xf32>
    %max3A_241 = arith.maximumf %sub3A_232, %max3A_240 : vector<8x8x128xf32>
    %convert_element_type3A_242 = arith.sitofp %reshape3A_227 : vector<8x8x128xi32> to vector<8x8x128xf32>
    %mul3A_243 = arith.mulf %convert_element_type3A_242, %sub3A_232 : vector<8x8x128xf32>
    %sub3A_244 = arith.subf %max3A_241, %mul3A_243 : vector<8x8x128xf32>
    %add3A_245 = arith.addf %sub3A_244, %log1p3A_238 : vector<8x8x128xf32>
    %ne3A_246 = arith.constant -1 : i32
    %ne3A_247 = vector.broadcast %ne3A_246 : i32 to vector<8x8x128xi32>
    %ne3A_248 = arith.cmpi ne, %reshape3A_227, %ne3A_247 : vector<8x8x128xi32>
    %jit3A_249 = arith.constant 0.000000e+00 : f32
    %broadcast_in_dim3A_250 = vector.broadcast %jit3A_249 : f32 to vector<8x8x128xf32>
    %select_n3A_251 = arith.select %ne3A_248, %reshape3A_231, %broadcast_in_dim3A_250 : vector<8x8x128xi1>, vector<8x8x128xf32>
    %get3A_252 = arith.constant 0 : index
    %get3A_253 = arith.constant 0 : index
    %get3A_254 = vector.load %arg5[%get3A_252, %get3A_253] : memref<8x128xf32, #tpu.memory_space<vmem>>, vector<8x128xf32>
    %mul3A_255 = arith.mulf %add3A_245, %select_n3A_251 : vector<8x8x128xf32>
    %reduce_sum3A_256 = arith.constant dense<0.000000e+00> : vector<8x128xf32>
    %reduce_sum3A_257 = vector.multi_reduction <add>, %mul3A_255, %reduce_sum3A_256 [1] : vector<8x8x128xf32> to vector<8x128xf32>
    %add3A_258 = arith.addf %get3A_254, %reduce_sum3A_257 : vector<8x128xf32>
    %swap3A_259 = arith.constant 0 : index
    %swap3A_260 = arith.constant 0 : index
    %swap3A_261 = vector.load %arg5[%swap3A_259, %swap3A_260] : memref<8x128xf32, #tpu.memory_space<vmem>>, vector<8x128xf32>
    tpu.vector_store %arg5[%swap3A_259, %swap3A_260], %add3A_258 {strides = array<i32>} : memref<8x128xf32, #tpu.memory_space<vmem>>, vector<8x128xf32>,
    %get3A_262 = arith.constant 0 : index
    %get3A_263 = arith.constant 96 : index
    %get3A_264 = arith.constant 0 : index
    %get3A_265 = tpu.strided_load %arg2[%get3A_262, %get3A_263, %get3A_264] {strides = array<i32: 1, 2, 1>} : memref<8x128x128xf32, #tpu.memory_space<vmem>>, vector<8x8x128xf32>
    %get3A_266 = arith.constant 0 : index
    %get3A_267 = arith.constant 97 : index
    %get3A_268 = arith.constant 0 : index
    %get3A_269 = tpu.strided_load %arg2[%get3A_266, %get3A_267, %get3A_268] {strides = array<i32: 1, 2, 1>} : memref<8x128x128xf32, #tpu.memory_space<vmem>>, vector<8x8x128xf32>
    %get3A_270 = arith.constant 0 : index
    %get3A_271 = arith.constant 6144 : index
    %get3A_272 = vector.load %arg1[%get3A_270, %get3A_271] : memref<8x8192xi32, #tpu.memory_space<vmem>>, vector<8x1024xi32>
    %reshape3A_273 = vector.shape_cast %get3A_272 : vector<8x1024xi32> to vector<8x8x128xi32>
    %get3A_274 = arith.constant 0 : index
    %get3A_275 = arith.constant 6144 : index
    %get3A_276 = vector.load %arg3[%get3A_274, %get3A_275] : memref<8x8192xf32, #tpu.memory_space<vmem>>, vector<8x1024xf32>
    %reshape3A_277 = vector.shape_cast %get3A_276 : vector<8x1024xf32> to vector<8x8x128xf32>
    %sub3A_278 = arith.subf %get3A_269, %get3A_265 : vector<8x8x128xf32>
    %abs3A_279 = math.absf %sub3A_278 : vector<8x8x128xf32>
    %neg3A_280 = arith.constant 0.000000e+00 : f32
    %neg3A_281 = vector.broadcast %neg3A_280 : f32 to vector<8x8x128xf32>
    %neg3A_282 = arith.subf %neg3A_281, %abs3A_279 : vector<8x8x128xf32>
    %exp3A_283 = math.exp %neg3A_282 : vector<8x8x128xf32>
    %log1p3A_284 = math.log1p %exp3A_283 : vector<8x8x128xf32>
    %max3A_285 = arith.constant 0.000000e+00 : f32
    %max3A_286 = vector.broadcast %max3A_285 : f32 to vector<8x8x128xf32>
    %max3A_287 = arith.maximumf %sub3A_278, %max3A_286 : vector<8x8x128xf32>
    %convert_element_type3A_288 = arith.sitofp %reshape3A_273 : vector<8x8x128xi32> to vector<8x8x128xf32>
    %mul3A_289 = arith.mulf %convert_element_type3A_288, %sub3A_278 : vector<8x8x128xf32>
    %sub3A_290 = arith.subf %max3A_287, %mul3A_289 : vector<8x8x128xf32>
    %add3A_291 = arith.addf %sub3A_290, %log1p3A_284 : vector<8x8x128xf32>
    %ne3A_292 = arith.constant -1 : i32
    %ne3A_293 = vector.broadcast %ne3A_292 : i32 to vector<8x8x128xi32>
    %ne3A_294 = arith.cmpi ne, %reshape3A_273, %ne3A_293 : vector<8x8x128xi32>
    %jit3A_295 = arith.constant 0.000000e+00 : f32
    %broadcast_in_dim3A_296 = vector.broadcast %jit3A_295 : f32 to vector<8x8x128xf32>
    %select_n3A_297 = arith.select %ne3A_294, %reshape3A_277, %broadcast_in_dim3A_296 : vector<8x8x128xi1>, vector<8x8x128xf32>
    %get3A_298 = arith.constant 0 : index
    %get3A_299 = arith.constant 0 : index
    %get3A_300 = vector.load %arg5[%get3A_298, %get3A_299] : memref<8x128xf32, #tpu.memory_space<vmem>>, vector<8x128xf32>
    %mul3A_301 = arith.mulf %add3A_291, %select_n3A_297 : vector<8x8x128xf32>
    %reduce_sum3A_302 = arith.constant dense<0.000000e+00> : vector<8x128xf32>
    %reduce_sum3A_303 = vector.multi_reduction <add>, %mul3A_301, %reduce_sum3A_302 [1] : vector<8x8x128xf32> to vector<8x128xf32>
    %add3A_304 = arith.addf %get3A_300, %reduce_sum3A_303 : vector<8x128xf32>
    %swap3A_305 = arith.constant 0 : index
    %swap3A_306 = arith.constant 0 : index
    %swap3A_307 = vector.load %arg5[%swap3A_305, %swap3A_306] : memref<8x128xf32, #tpu.memory_space<vmem>>, vector<8x128xf32>
    tpu.vector_store %arg5[%swap3A_305, %swap3A_306], %add3A_304 {strides = array<i32>} : memref<8x128xf32, #tpu.memory_space<vmem>>, vector<8x128xf32>,
    %get3A_308 = arith.constant 0 : index
    %get3A_309 = arith.constant 112 : index
    %get3A_310 = arith.constant 0 : index
    %get3A_311 = tpu.strided_load %arg2[%get3A_308, %get3A_309, %get3A_310] {strides = array<i32: 1, 2, 1>} : memref<8x128x128xf32, #tpu.memory_space<vmem>>, vector<8x8x128xf32>
    %get3A_312 = arith.constant 0 : index
    %get3A_313 = arith.constant 113 : index
    %get3A_314 = arith.constant 0 : index
    %get3A_315 = tpu.strided_load %arg2[%get3A_312, %get3A_313, %get3A_314] {strides = array<i32: 1, 2, 1>} : memref<8x128x128xf32, #tpu.memory_space<vmem>>, vector<8x8x128xf32>
    %get3A_316 = arith.constant 0 : index
    %get3A_317 = arith.constant 7168 : index
    %get3A_318 = vector.load %arg1[%get3A_316, %get3A_317] : memref<8x8192xi32, #tpu.memory_space<vmem>>, vector<8x1024xi32>
    %reshape3A_319 = vector.shape_cast %get3A_318 : vector<8x1024xi32> to vector<8x8x128xi32>
    %get3A_320 = arith.constant 0 : index
    %get3A_321 = arith.constant 7168 : index
    %get3A_322 = vector.load %arg3[%get3A_320, %get3A_321] : memref<8x8192xf32, #tpu.memory_space<vmem>>, vector<8x1024xf32>
    %reshape3A_323 = vector.shape_cast %get3A_322 : vector<8x1024xf32> to vector<8x8x128xf32>
    %sub3A_324 = arith.subf %get3A_315, %get3A_311 : vector<8x8x128xf32>
    %abs3A_325 = math.absf %sub3A_324 : vector<8x8x128xf32>
    %neg3A_326 = arith.constant 0.000000e+00 : f32
    %neg3A_327 = vector.broadcast %neg3A_326 : f32 to vector<8x8x128xf32>
    %neg3A_328 = arith.subf %neg3A_327, %abs3A_325 : vector<8x8x128xf32>
    %exp3A_329 = math.exp %neg3A_328 : vector<8x8x128xf32>
    %log1p3A_330 = math.log1p %exp3A_329 : vector<8x8x128xf32>
    %max3A_331 = arith.constant 0.000000e+00 : f32
    %max3A_332 = vector.broadcast %max3A_331 : f32 to vector<8x8x128xf32>
    %max3A_333 = arith.maximumf %sub3A_324, %max3A_332 : vector<8x8x128xf32>
    %convert_element_type3A_334 = arith.sitofp %reshape3A_319 : vector<8x8x128xi32> to vector<8x8x128xf32>
    %mul3A_335 = arith.mulf %convert_element_type3A_334, %sub3A_324 : vector<8x8x128xf32>
    %sub3A_336 = arith.subf %max3A_333, %mul3A_335 : vector<8x8x128xf32>
    %add3A_337 = arith.addf %sub3A_336, %log1p3A_330 : vector<8x8x128xf32>
    %ne3A_338 = arith.constant -1 : i32
    %ne3A_339 = vector.broadcast %ne3A_338 : i32 to vector<8x8x128xi32>
    %ne3A_340 = arith.cmpi ne, %reshape3A_319, %ne3A_339 : vector<8x8x128xi32>
    %jit3A_341 = arith.constant 0.000000e+00 : f32
    %broadcast_in_dim3A_342 = vector.broadcast %jit3A_341 : f32 to vector<8x8x128xf32>
    %select_n3A_343 = arith.select %ne3A_340, %reshape3A_323, %broadcast_in_dim3A_342 : vector<8x8x128xi1>, vector<8x8x128xf32>
    %get3A_344 = arith.constant 0 : index
    %get3A_345 = arith.constant 0 : index
    %get3A_346 = vector.load %arg5[%get3A_344, %get3A_345] : memref<8x128xf32, #tpu.memory_space<vmem>>, vector<8x128xf32>
    %mul3A_347 = arith.mulf %add3A_337, %select_n3A_343 : vector<8x8x128xf32>
    %reduce_sum3A_348 = arith.constant dense<0.000000e+00> : vector<8x128xf32>
    %reduce_sum3A_349 = vector.multi_reduction <add>, %mul3A_347, %reduce_sum3A_348 [1] : vector<8x8x128xf32> to vector<8x128xf32>
    %add3A_350 = arith.addf %get3A_346, %reduce_sum3A_349 : vector<8x128xf32>
    %swap3A_351 = arith.constant 0 : index
    %swap3A_352 = arith.constant 0 : index
    %swap3A_353 = vector.load %arg5[%swap3A_351, %swap3A_352] : memref<8x128xf32, #tpu.memory_space<vmem>>, vector<8x128xf32>
    tpu.vector_store %arg5[%swap3A_351, %swap3A_352], %add3A_350 {strides = array<i32>} : memref<8x128xf32, #tpu.memory_space<vmem>>, vector<8x128xf32>,
    %eq3A_354 = arith.constant 23 : i32
    %eq3A_355 = arith.cmpi eq, %arg0, %eq3A_354 : i32
    %convert_element_type3A_356 = arith.extui %eq3A_355 : i1 to i32
    %cond3A_357 = arith.constant 0 : i32
    %cond3A_358 = arith.cmpi ne, %convert_element_type3A_356, %cond3A_357 : i32
    scf.if %cond3A_358 {
      %get3A_359 = arith.constant 0 : index
      %get3A_360 = arith.constant 0 : index
      %get3A_361 = vector.load %arg5[%get3A_359, %get3A_360] : memref<8x128xf32, #tpu.memory_space<vmem>>, vector<8x128xf32>
      %reduce_sum3A_362 = vector.shape_cast %get3A_361 : vector<8x128xf32> to vector<1x8x128xf32>
      %reduce_sum3A_363 = arith.constant dense<0.000000e+00> : vector<1xf32>
      %reduce_sum3A_364 = vector.multi_reduction <add>, %reduce_sum3A_362, %reduce_sum3A_363 [1, 2] : vector<1x8x128xf32> to vector<1xf32>
      %reduce_sum3A_365 = vector.shape_cast %reduce_sum3A_364 : vector<1xf32> to vector<1x1x1xf32>
      %reduce_sum3A_366 = vector.extract %reduce_sum3A_365[0, 0, 0] : f32 from vector<1x1x1xf32>
      %swap3A_367 = arith.constant 0 : index
      %swap3A_368 = arith.constant 0 : index
      %swap3A_369 = memref.load %arg4[%swap3A_367, %swap3A_368] : memref<1x1xf32, #tpu.memory_space<smem>>
      memref.store %reduce_sum3A_366, %arg4[%swap3A_367, %swap3A_368] : memref<1x1xf32, #tpu.memory_space<smem>>
    } else {
    }
    return
  }
  func.func @transform_0(%arg0: i32) -> (i32, i32) {
    %add3A = arith.constant 8 : i32
    %add3A_0 = arith.addi %arg0, %add3A : i32
    %c0_i32 = arith.constant 0 : i32
    %c0_i32_1 = arith.constant 0 : i32
    return %c0_i32, %add3A_0 : i32, i32
  }
  func.func @transform_1(%arg0: i32) -> (i32, i32, i32) {
    %add3A = arith.constant 8 : i32
    %add3A_0 = arith.addi %arg0, %add3A : i32
    %c0_i32 = arith.constant 0 : i32
    %c0_i32_1 = arith.constant 0 : i32
    %c0_i32_2 = arith.constant 0 : i32
    return %c0_i32, %add3A_0, %c0_i32_1 : i32, i32, i32
  }
  func.func @transform_2(%arg0: i32) -> (i32, i32) {
    %add3A = arith.constant 8 : i32
    %add3A_0 = arith.addi %arg0, %add3A : i32
    %c0_i32 = arith.constant 0 : i32
    %c0_i32_1 = arith.constant 0 : i32
    return %c0_i32, %add3A_0 : i32, i32
  }
  func.func @transform_3(%arg0: i32) -> (i32, i32) {
    %c0_i32 = arith.constant 0 : i32
    %c0_i32_0 = arith.constant 0 : i32
    %c0_i32_1 = arith.constant 0 : i32
    return %c0_i32, %c0_i32_0 : i32, i32
  }
}

</mosaic_0001>

<sc_bundles>
// kernel: kernel.4.cloned.1.call-start
scs
__scs_entry_jumppad:
0x0: {  	(pc) =	sbr.rel $0x88, $3  }
0x1: {  	(tag) =	ssettag $0x0;
	lr =	simm.s32 $0x1  }
0x2: {  	[smem:$0x3F9E] =	sst lr;
	_ =	strace $0xD0000000  }
0x3: {  	_ = 	snop  }
0x4: {  	_ = 	snop  }
0x5: {  	_ = 	snop  }
0x6: {  	_ = 	snop  }
0x7: {  	_ = 	snop  }
__scs_overlays_trampoline_lowered:
0x8: {  	[smem:$0x3FAD] =	sst s0  }
0x9: {  	[smem:$0x3FAE] =	sst s1  }
0xa: {  	[smem:$0x3FAF] =	sst s2  }
0xb: {  	[smem:$0x3FB0] =	sst s3  }
0xc: {  	[smem:$0x3FB1] =	sst s4  }
0xd: {  	[smem:$0x3FB2] =	sst s5  }
0xe: {  	[smem:$0x3FB3] =	sst s6  }
0xf: {  	[smem:$0x3FB4] =	sst s7  }
0x10: {  	[smem:$0x3FB5] =	sst s8  }
0x11: {  	[smem:$0x3FB6] =	sst s9;
	s0 =	simm.s32 @!p0 $0x0  }
0x12: {  	s1 =	sld [smem:$0x3F9C];
	s0 =	simm.s32 @p0 $0x1  }
0x13: {  	[smem:$0x3FB7] =	sst s0;
	s0 =	simm.s32 @!p1 $0x0  }
0x14: {  	s2 =	sld [smem:$0x3F9B];
	s0 =	simm.s32 @p1 $0x1  }
0x15: {  	[smem:$0x3FB8] =	sst s0;
	s0 =	simm.s32 @!p2 $0x0  }
0x16: {  	s3 =	sld [smem:$0x3FDB];
	s0 =	simm.s32 @p2 $0x1  }
0x17: {  	s4 =	simm.s32 $0x1BF5;
	[smem:$0x3FBA] =	sst s0  }
0x18: {  	s0 =	sld [smem:$0x3F9D];
	_ =	swait.ge [sflag:s4], $0x0  }
0x19: {  	s7 =	sld [smem:$0x3F9E]  }
0x1a: {  	s8 =	sadd.s32 $0xFFFFE003, lr  }
0x1b: {  	s9 =	sadd.s32 $0xFFFFFEF7, lr;
	s5 =	simm.s32 $0xFFFFFFFF;
	p2 =	slt.u32 s8, $0xFFFFF086  }
0x1c: {  	p1 =	slt.u32 s9, $0xF7A;
	s5 =	simm.s32 @!p2 $0x0  }
0x1d: {  	s5 =	simm.s32 @p1 $0x1;
	p0 =	seq.s32 s7, s2  }
0x1e: {  	s7 =	smul.u32 @!p0 $0xF7A, s2;
	p2 =	seq.s32 @!p0 s5, $0x0  }
0x1f: {  	s9 =	smul.u32 $0xF7A, s1;
	s8 =	simm.s32 @!p0 $0x1BF5;
	p2 =	por !p2, p0  }
0x20: {  	[sflag:s8] =	ssyncset.s32 @!p0 $0xFFFFF086;
	s6 =	sadd.s32 @!p0 s3, s7;
	s7 =	simm.s32 @!p0 $0x108  }
0x21: {  	s3 =	sadd.s32 s3, s9;
	s6 =	sadd.s32 @!p0 $0x88, s6;
	s7 =	simm.s32 @p2 $0x1082  }
0x22: {  	[simem:s7], [sflag:s8] =	dma.local @!p0 [hbm:s6], $0xF7A  }
0x23: {  	s9 =	sor.u32 $0xD0000000, s2;
	s6 =	simm.s32 $0x108;
	_ =	swait.ge @!p0 [sflag:s8], $0x0  }
0x24: {  	s3 =	sadd.s32 $0x88, s3;
	s6 =	simm.s32 @!p1 $0x1082;
	[sflag:s4] =	ssyncset.s32 $0xFFFFF086  }
0x25: {  	[simem:s6], [sflag:s4] =	dma.local [hbm:s3], $0xF7A  }
0x26: {  	[smem:$0x3F9E] =	sst s1;
	(tag) =	ssettag s2;
	_ =	strace s9  }
0x27: {  	s1 =	sld [smem:$0x3FAE]  }
0x28: {  	s2 =	sld [smem:$0x3FAF]  }
0x29: {  	s4 =	sld [smem:$0x3FB1]  }
0x2a: {  	p0 =	seq.s32 s5, $0x0;
	s5 =	sld [smem:$0x3FB2]  }
0x2b: {  	s6 =	sld [smem:$0x3FB3]  }
0x2c: {  	s7 =	sld [smem:$0x3FB4]  }
0x2d: {  	s3 =	simm.s32 $0x108;
	s8 =	sld [smem:$0x3FB5]  }
0x2e: {  	s3 =	simm.s32 @!p0 $0x1082;
	s9 =	sld [smem:$0x3FB6]  }
0x2f: {  	lr =	sadd.s32 s0, s3;
	s0 =	sld [smem:$0x3FAD]  }
0x30: {  	s3 =	sld [smem:$0x3FB0]  }
0x31: {  	[smem:$0x3FB9] =	sst s10  }
0x32: {  	s10 =	sld [smem:$0x3FB7];
	_ =	sdelay $0x3  }
0x33: {  	p0 =	seq.s32 s10, $0x1;
	s10 =	sld [smem:$0x3FB9];
	_ =	sdelay $0x3  }
0x34: {  	[smem:$0x3FB9] =	sst s10  }
0x35: {  	s10 =	sld [smem:$0x3FB8];
	_ =	sdelay $0x3  }
0x36: {  	p1 =	seq.s32 s10, $0x1;
	s10 =	sld [smem:$0x3FB9];
	_ =	sdelay $0x3  }
0x37: {  	[smem:$0x3FB9] =	sst s10  }
0x38: {  	s10 =	sld [smem:$0x3FBA]  }
0x39: {  	_ = 	snop;
	(pc) =	sbr.ind lr, $3  }
0x3a: {  	_ = 	snop  }
0x3b: {  	_ = 	snop  }
0x3c: {  	p2 =	seq.s32 s10, $0x1;
	s10 =	sld [smem:$0x3FB9]  }
0x3d: {  	_ =	shalt  }
0x3e: {  	_ =	shalt  }
0x3f: {  	_ =	shalt  }
0x40: {  	_ =	shalt  }
0x41: {  	_ =	shalt  }
0x42: {  	_ =	shalt  }
0x43: {  	_ =	shalt  }
0x44: {  	_ =	shalt  }
0x45: {  	_ =	shalt  }
0x46: {  	_ =	shalt  }
0x47: {  	_ =	shalt  }
0x48: {  	_ =	shalt  }
0x49: {  	_ =	shalt  }
0x4a: {  	_ =	shalt  }
0x4b: {  	_ =	shalt  }
0x4c: {  	_ =	shalt  }
0x4d: {  	_ =	shalt  }
0x4e: {  	_ =	shalt  }
0x4f: {  	_ =	shalt  }
0x50: {  	_ =	shalt  }
0x51: {  	_ =	shalt  }
0x52: {  	_ =	shalt  }
0x53: {  	_ =	shalt  }
0x54: {  	_ =	shalt  }
0x55: {  	_ =	shalt  }
0x56: {  	_ =	shalt  }
0x57: {  	_ =	shalt  }
0x58: {  	_ =	shalt  }
0x59: {  	_ =	shalt  }
0x5a: {  	_ =	shalt  }
0x5b: {  	_ =	shalt  }
0x5c: {  	_ =	shalt  }
0x5d: {  	_ =	shalt  }
0x5e: {  	_ =	shalt  }
0x5f: {  	_ =	shalt  }
0x60: {  	_ =	shalt  }
0x61: {  	_ =	shalt  }
0x62: {  	_ =	shalt  }
0x63: {  	_ =	shalt  }
0x64: {  	_ =	shalt  }
0x65: {  	_ =	shalt  }
0x66: {  	_ =	shalt  }
0x67: {  	_ =	shalt  }
0x68: {  	_ =	shalt  }
0x69: {  	_ =	shalt  }
0x6a: {  	_ =	shalt  }
0x6b: {  	_ =	shalt  }
0x6c: {  	_ =	shalt  }
0x6d: {  	_ =	shalt  }
0x6e: {  	_ =	shalt  }
0x6f: {  	_ =	shalt  }
0x70: {  	_ =	shalt  }
0x71: {  	_ =	shalt  }
0x72: {  	_ =	shalt  }
0x73: {  	_ =	shalt  }
0x74: {  	_ =	shalt  }
0x75: {  	_ =	shalt  }
0x76: {  	_ =	shalt  }
0x77: {  	_ =	shalt  }
0x78: {  	_ =	shalt  }
0x79: {  	_ =	shalt  }
0x7a: {  	_ =	shalt  }
0x7b: {  	_ =	shalt  }
0x7c: {  	_ =	shalt  }
0x7d: {  	_ =	shalt  }
0x7e: {  	_ =	shalt  }
0x7f: {  	_ =	shalt  }
0x80: {  	_ =	shalt  }
0x81: {  	_ =	shalt  }
0x82: {  	_ =	shalt  }
0x83: {  	_ =	shalt  }
0x84: {  	_ =	shalt  }
0x85: {  	_ =	shalt  }
0x86: {  	_ =	shalt  }
0x87: {  	_ =	shalt  }
.Lfunc_end0:
.L_simem_size_0:
called_computation_lowered:
.L_overlay_start_0:
0x88: {  	s2 =	sld [smem:$0x3FD9]  }
0x89: {  	s3 =	sld [smem:$0x3FFE];
	_ =	sdelay $0x1  }
0x8a: {  	s1 =	srdreg.scid  }
0x8b: {  	s0 =	sand.u32 $0x1, s1  }
0x8c: {  	s17 =	sshll.u32 s0, $0xA;
	s2 =	sadd.s32 s3, s2  }
0x8d: {  	s2 =	sadd.s32 s2, s17  }
0x8e: {  	[smem:$0x3FC5] =	sst s2  }
0x8f: {  	_ = 	snop  }
0x90: {  	s2 =	sld [smem:$0x3FC9]  }
0x91: {  	s18 =	sld [smem:$0x3FC8]  }
0x92: {  	s4 =	sld [smem:$0x3FC7];
	(tm) =	ssettm $0x1  }
0x93: {  	s5 =	sld [smem:$0x3FFB];
	_ =	sdelay $0x3  }
0x94: {  	_ =	strace s5  }
0x95: {  	s5 =	sld [smem:$0x3FFC];
	_ =	sdelay $0x3  }
0x96: {  	_ =	strace s5  }
0x97: {  	s5 =	sld [smem:$0x3FFD];
	_ =	sdelay $0x3  }
0x98: {  	_ =	strace s5  }
0x99: {  	_ =	strace $0x8FFFFFFF  }
0x9a: {  	s19 =	sld [smem:$0x3FDB];
	_ =	sdelay $0x1  }
0x9b: {  	s6 =	simm.s32 $_scs_section_size  }
0x9c: {  	s7 =	simm.s32 $_size__tile_overlayer_lowered;
	s8 =	simm.s32 $_tile_overlayer_lowered  }
0x9d: {  	s22 =	simm.s32 $0x1BFF;
	s21 =	sshll.u32 s8, $0x1;
	s5 =	sadd.s32 s6, s19  }
0x9e: {  	s9 =	simm.s32 $0x0;
	s20 =	sshll.u32 s7, $0x1;
	s7 =	sadd.s32 s21, s5  }
0x9f: {  	[timem:s9], [sflag:s22] =	dma.local [hbm:s7], s20  }
0xa0: {  	_ =	swait.ge [sflag:s22], s20  }
0xa1: {  	s6 =	ssub.s32 $0x0, s20;
	[sflag:s22] =	ssyncset.done $0x0  }
0xa2: {  	[sflag:s22] =	ssyncadd.s32 s6;
	_ =	sdelay $0x1  }
0xa3: {  	s23 =	simm.s32 $0x1B8B  }
0xa4: {  	_ =	swait.ge [sflag:s23], $0x1  }
0xa5: {  	[sflag:s23] =	ssyncset.done $0x0  }
0xa6: {  	s25 =	simm.s32 $0x1B8E;
	s24 =	sld [smem:$0x3FFE];
	[sflag:s23] =	ssyncadd.s32 $0xFFFFFFFF  }
0xa7: {  	s26 =	simm.s32 $execute0_lowered;
	[smem:$0x3FD2] =	sst s25  }
0xa8: {  	s7 =	sshll.u32 s26, $0x1;
	_ =	strace $0x80000046;
	[dreg:$0x1] =	wrdreg $0xFFFFFFFF  }
0xa9: {  	s28 =	simm.s32 $_size_execute0_lowered;
	s5 =	sadd.s32 s5, s7;
	[dreg:$0x0] =	wrdreg $0x0  }
0xaa: {  	s7 =	sshll.u32 s28, $0x1;
	[dreg:$0x2] =	wrdreg s5  }
0xab: {  	[dreg:$0x3] =	wrdreg s7  }
0xac: {  	[dreg:$0x4] =	wrdreg $0xC0  }
0xad: {  	_ =	task [dreg:s9], $0x5FFFF  }
0xae: {  	[dreg:$0x1] =	wrdreg $0xFFFFFFFF  }
0xaf: {  	[dreg:$0x0] =	wrdreg $0x60  }
0xb0: {  	[dreg:$0x2] =	wrdreg s2  }
0xb1: {  	[dreg:$0x3] =	wrdreg s18  }
0xb2: {  	[dreg:$0x4] =	wrdreg s4  }
0xb3: {  	[dreg:$0x5] =	wrdreg s24  }
0xb4: {  	[dreg:$0x6] =	wrdreg $0x9  }
0xb5: {  	_ =	task.clear_ibuf [dreg:s9], $0x7FFFF;
	_ =	strace $0x90000046  }
0xb6: {  	s29 =	simm.s32 $0x9;
	_ =	strace $0x80000048  }
0xb7: {  	_ =	swait.ge [sflag:s29], $0x1  }
0xb8: {  	[sflag:s29] =	ssyncadd.s32 $0xFFFFFFFF  }
0xb9: {  	_ =	strace $0x90000048  }
0xba: {  	_ =	sfence  }
0xbb: {  	s30 =	sld [smem:$0x0];
	_ =	sdelay $0x2  }
0xbc: {  	s31 =	sshll.u32 s1, $0xD;
	s1 =	sshrl.u32 s1, $0x2  }
0xbd: {  	s3 =	sand.u32 $0x4000, s31;
	s1 =	sadd.s32 s1, s30  }
0xbe: {  	s0 =	sor.u32 s3, s0;
	s1 =	sshll.u32 s1, $0x11  }
0xbf: {  	s0 =	sor.u32 s1, s0  }
0xc0: {  	s0 =	sadd.s32 $0x8F2B, s0  }
0xc1: {  	[sflag:s0] =	ssyncadd.remote.s32 $0x1  }
0xc2: {  	_ =	sfence.sel $0xFFFF  }
0xc3: {  	[dreg:$0x0] =	wrdreg $0xFFFFFFFF;
	(pc) =	sbr.abs _section_cstart, $3  }
0xc4: {  	[dreg:$0x1] =	wrdreg $0xFFFFFFFF  }
0xc5: {  	_ =	task.clear_ibuf [dreg:s9], $0x2FFFF;
	_ =	strace $0x9FFFFFFF  }
0xc6: {  	(tm) =	ssettm $0x7FFFFFFF  }
0xc7: {  	_ =	shalt  }
tec
execute0_lowered:
.L_overlay_start_1:
0x0: {  	(tag) =	ssettag $0x1  }
0x1: {  	s0 =	rddreg [dreg:$0x0]  }
0x2: {  	s1 =	rddreg [dreg:$0x1]  }
0x3: {  	s2 =	srdreg.scid;
	s3 =	rddreg [dreg:$0x2]  }
0x4: {  	s5 =	rddreg [dreg:$0x3];
	s7 =	stileid.u32;
	s29 =	simm.s32 $0x1  }
0x5: {  	s30 =	simm.s32 $0x2;
	s4 =	sand.u32 $0x1, s2;
	s2 =	simm.s32 $0x0  }
0x6: {  	s16 =	sadd.s32 $0x10000, s1;
	s17 =	sadd.s32 $0x20000, s1;
	s18 =	sadd.s32 $0x30000, s1  }
0x7: {  	s19 =	sadd.s32 $0x40000, s1;
	s20 =	sadd.s32 $0x50000, s1;
	s21 =	sadd.s32 $0x60000, s1  }
0x8: {  	s22 =	sadd.s32 $0x70000, s1;
	s6 =	sshll.u32 s4, $0x4;
	s4 =	ssub.s32 $0x2, s4  }
0x9: {  	[smem:$0x7FF] =	sst s2;
	s6 =	sor.u32 s7, s6;
	s25 =	sshrl.u32 s4, $0x1  }
0xa: {  	_ =	strace $0x80000047;
	s7 =	sshll.u32 s6, $0x1;
	s24 =	ssub.s32 s4, s25  }
0xb: {  	s11 =	sshll.u32 s6, $0x4;
	s26 =	sshll.u32 s6, $0xB;
	s14 =	sshll.u32 s6, $0x9  }
0xc: {  	s23 =	sadd.s32 s7, s5;
	s28 =	sadd.s32 s0, s26;
	s4 =	sadd.s32 s3, s26  }
0xd: {  	s5 =	sadd.s32 s1, s14;
	s6 =	sadd.s32 s14, s16;
	s7 =	sadd.s32 s14, s17  }
0xe: {  	s8 =	sadd.s32 s14, s18;
	s9 =	sadd.s32 s14, s19;
	s10 =	sadd.s32 s14, s20  }
0xf: {  	s13 =	sor.u32 $0x8, s11;
	s24 =	smax.u32 s24, $0x1;
	[dreg:$0x5] =	wrdreg s28  }
0x10: {  	[dreg:$0x6] =	wrdreg s4;
	s12 =	sshll.u32 s13, $0x7;
	s31 =	sshll.u32 s13, $0x5  }
0x11: {  	s13 =	sadd.s32 s14, s21;
	s14 =	sadd.s32 s14, s22;
	s23 =	sadd.s32 $0x400, s23  }
0x12: {  	s11 =	sadd.s32 s0, s12;
	s12 =	sadd.s32 s3, s12;
	s15 =	sadd.s32 s1, s31  }
0x13: {  	s16 =	sadd.s32 s31, s16;
	s17 =	sadd.s32 s31, s17;
	s18 =	sadd.s32 s31, s18  }
0x14: {  	s19 =	sadd.s32 s31, s19;
	s20 =	sadd.s32 s31, s20;
	s21 =	sadd.s32 s31, s21  }
0x15: {  	s22 =	sadd.s32 s31, s22;
	s0 =	simm.s32 $0x3;
	s1 =	simm.s32 $0x0  }
.LBB2_1:
0x16: {  	s3 =	rddreg [dreg:$0x5]  }
0x17: {  	[tilespmem:s2], [sflag:$0x1] =	stream.linear.gather [hbm4b:s3+s2], $0x2000, $0x38;
	[tilespmem:$0x10080] =	vst v63  }
0x18: {  	s26 =	rddreg [dreg:$0x6];
	s4 =	simm.s32 $0xC000  }
0x19: {  	[tilespmem:s4], [sflag:$0x1] =	stream.linear.gather [hbm4b:s26+s2], $0x2000, $0x38;
	[tilespmem:$0x10080] =	vst v63  }
0x1a: {  	s4 =	simm.s32 $0x4000  }
0x1b: {  	[tilespmem:s4], [sflag:$0x1] =	stream.linear.gather [hbm4b:s5+s2], $0x800, $0x38;
	[tilespmem:$0x10080] =	vst v63  }
0x1c: {  	s25 =	simm.s32 $0x4800  }
0x1d: {  	[tilespmem:s25], [sflag:$0x1] =	stream.linear.gather [hbm4b:s6+s2], $0x800, $0x38;
	[tilespmem:$0x10080] =	vst v63  }
0x1e: {  	s26 =	simm.s32 $0x5000  }
0x1f: {  	[tilespmem:s26], [sflag:$0x1] =	stream.linear.gather [hbm4b:s7+s2], $0x800, $0x38;
	[tilespmem:$0x10080] =	vst v63  }
0x20: {  	s4 =	simm.s32 $0x5800  }
0x21: {  	[tilespmem:s4], [sflag:$0x1] =	stream.linear.gather [hbm4b:s8+s2], $0x800, $0x38;
	[tilespmem:$0x10080] =	vst v63  }
0x22: {  	s25 =	simm.s32 $0x6000  }
0x23: {  	[tilespmem:s25], [sflag:$0x1] =	stream.linear.gather [hbm4b:s9+s2], $0x800, $0x38;
	[tilespmem:$0x10080] =	vst v63  }
0x24: {  	s26 =	simm.s32 $0x6800  }
0x25: {  	[tilespmem:s26], [sflag:$0x1] =	stream.linear.gather [hbm4b:s10+s2], $0x800, $0x38;
	[tilespmem:$0x10080] =	vst v63  }
0x26: {  	s4 =	simm.s32 $0x7000  }
0x27: {  	[tilespmem:s4], [sflag:$0x1] =	stream.linear.gather [hbm4b:s13+s2], $0x800, $0x38;
	[tilespmem:$0x10080] =	vst v63  }
0x28: {  	s25 =	simm.s32 $0x7800  }
0x29: {  	[tilespmem:s25], [sflag:$0x1] =	stream.linear.gather [hbm4b:s14+s2], $0x800, $0x38;
	[tilespmem:$0x10080] =	vst v63  }
0x2a: {  	s26 =	simm.s32 $0x2000  }
0x2b: {  	[tilespmem:s26], [sflag:$0x2] =	stream.linear.gather [hbm4b:s11+s2], $0x2000, $0x38;
	[tilespmem:$0x10080] =	vst v63  }
0x2c: {  	s4 =	simm.s32 $0xE000  }
0x2d: {  	[tilespmem:s4], [sflag:$0x2] =	stream.linear.gather [hbm4b:s12+s2], $0x2000, $0x38;
	[tilespmem:$0x10080] =	vst v63  }
0x2e: {  	s25 =	simm.s32 $0x8000  }
0x2f: {  	[tilespmem:s25], [sflag:$0x2] =	stream.linear.gather [hbm4b:s15+s2], $0x800, $0x38;
	[tilespmem:$0x10080] =	vst v63  }
0x30: {  	s26 =	simm.s32 $0x8800  }
0x31: {  	[tilespmem:s26], [sflag:$0x2] =	stream.linear.gather [hbm4b:s16+s2], $0x800, $0x38;
	[tilespmem:$0x10080] =	vst v63  }
0x32: {  	s4 =	simm.s32 $0x9000  }
0x33: {  	[tilespmem:s4], [sflag:$0x2] =	stream.linear.gather [hbm4b:s17+s2], $0x800, $0x38;
	[tilespmem:$0x10080] =	vst v63  }
0x34: {  	s25 =	simm.s32 $0x9800  }
0x35: {  	[tilespmem:s25], [sflag:$0x2] =	stream.linear.gather [hbm4b:s18+s2], $0x800, $0x38;
	[tilespmem:$0x10080] =	vst v63  }
0x36: {  	s26 =	simm.s32 $0xA000  }
0x37: {  	[tilespmem:s26], [sflag:$0x2] =	stream.linear.gather [hbm4b:s19+s2], $0x800, $0x38;
	[tilespmem:$0x10080] =	vst v63  }
0x38: {  	s4 =	simm.s32 $0xA800  }
0x39: {  	[tilespmem:s4], [sflag:$0x2] =	stream.linear.gather [hbm4b:s20+s2], $0x800, $0x38;
	[tilespmem:$0x10080] =	vst v63  }
0x3a: {  	s25 =	simm.s32 $0xB000  }
0x3b: {  	[tilespmem:s25], [sflag:$0x2] =	stream.linear.gather [hbm4b:s21+s2], $0x800, $0x38;
	[tilespmem:$0x10080] =	vst v63  }
0x3c: {  	s26 =	simm.s32 $0xB800  }
0x3d: {  	[tilespmem:s26], [sflag:$0x2] =	stream.linear.gather [hbm4b:s22+s2], $0x800, $0x38;
	[tilespmem:$0x10080] =	vst v63  }
0x3e: {  	_ =	swait.ge [sflag:s29], $0x2000  }
0x3f: {  	[sflag:s29] =	ssyncset.done $0x0  }
0x40: {  	[sflag:s29] =	ssyncadd.s32 $0xFFFFE000  }
0x41: {  	_ =	swait.ge [sflag:s29], $0x2000  }
0x42: {  	[sflag:s29] =	ssyncset.done $0x0  }
0x43: {  	[sflag:s29] =	ssyncadd.s32 $0xFFFFE000  }
0x44: {  	_ =	swait.ge [sflag:s29], $0x800  }
0x45: {  	[sflag:s29] =	ssyncset.done $0x0  }
0x46: {  	[sflag:s29] =	ssyncadd.s32 $0xFFFFF800  }
0x47: {  	_ =	swait.ge [sflag:s29], $0x800  }
0x48: {  	[sflag:s29] =	ssyncset.done $0x0  }
0x49: {  	[sflag:s29] =	ssyncadd.s32 $0xFFFFF800  }
0x4a: {  	_ =	swait.ge [sflag:s29], $0x800  }
0x4b: {  	[sflag:s29] =	ssyncset.done $0x0  }
0x4c: {  	[sflag:s29] =	ssyncadd.s32 $0xFFFFF800  }
0x4d: {  	_ =	swait.ge [sflag:s29], $0x800  }
0x4e: {  	[sflag:s29] =	ssyncset.done $0x0  }
0x4f: {  	[sflag:s29] =	ssyncadd.s32 $0xFFFFF800  }
0x50: {  	_ =	swait.ge [sflag:s29], $0x800  }
0x51: {  	[sflag:s29] =	ssyncset.done $0x0  }
0x52: {  	[sflag:s29] =	ssyncadd.s32 $0xFFFFF800  }
0x53: {  	_ =	swait.ge [sflag:s29], $0x800  }
0x54: {  	[sflag:s29] =	ssyncset.done $0x0  }
0x55: {  	[sflag:s29] =	ssyncadd.s32 $0xFFFFF800  }
0x56: {  	_ =	swait.ge [sflag:s29], $0x800  }
0x57: {  	[sflag:s29] =	ssyncset.done $0x0  }
0x58: {  	[sflag:s29] =	ssyncadd.s32 $0xFFFFF800  }
0x59: {  	_ =	swait.ge [sflag:s29], $0x800  }
0x5a: {  	s4 =	sand.u32 $0x3800, s2;
	s25 =	sand.u32 $0x700, s2;
	[sflag:s29] =	ssyncset.done $0x0  }
0x5b: {  	s3 =	sor.u32 s25, s4;
	[sflag:s29] =	ssyncadd.s32 $0xFFFFF800  }
0x5c: {  	v0 =	vld [tilespmem:s3+$0x4070]  }
0x5d: {  	v1 =	vld [tilespmem:s3+$0x40F0]  }
0x5e: {  	v2 =	vld [tilespmem:s3+$0x4000]  }
0x5f: {  	v3 =	vld [tilespmem:s3+$0x4080]  }
0x60: {  	v6 =	vld [tilespmem:s3+$0x4010]  }
0x61: {  	v7 =	vld [tilespmem:s3+$0x4090]  }
0x62: {  	v8 =	vld [tilespmem:s3+$0x4020]  }
0x63: {  	v9 =	vld [tilespmem:s3+$0x4030]  }
0x64: {  	s26 =	simm.s32 $0x40;
	v10 =	vld [tilespmem:s3+$0x40B0]  }
0x65: {  	v33 =	vld [tilespmem:s26+$0x30]  }
0x66: {  	v63 =	vld [tilespmem:s26+$0xFFFFFFE0]  }
0x67: {  	v40 =	vld [tilespmem:s26+$0xFFFFFFF0]  }
0x68: {  	v41 =	vld [tilespmem:s26+$0x0]  }
0x69: {  	v35 =	vld [tilespmem:s26+$0x10]  }
0x6a: {  	v16 =	vsub.f32 v1, v0;
	v0 =	vld [tilespmem:s3+$0x40A0]  }
0x6b: {  	v36 =	vld [tilespmem:s26+$0x20];
	v4 =	vsub.f32 v3, v2;
	v1 =	vsub.f32 v7, v6  }
0x6c: {  	v11 =	vld [tilespmem:s3+$0x4040];
	vm0 =	veq.s32 v33, $0x1;
	vm2 =	veq.s32 v63, $0x1;
	v3 =	vsub.f32 $0.0e+00, v16  }
0x6d: {  	v12 =	vld [tilespmem:s3+$0x40C0];
	vm3 =	veq.s32 v40, $0x1;
	vm4 =	veq.s32 v41, $0x1;
	v5 =	vsub.f32 $0.0e+00, v4  }
0x6e: {  	v13 =	vld [tilespmem:s3+$0x40D0];
	vm5 =	veq.s32 v35, $0x1;
	v7 =	vsub.f32 $0.0e+00, v1;
	v2 =	vmin.f32 v16, v3  }
0x6f: {  	v6 =	vmul.f32 $1.442695020e+00, v2;
	v2 =	vsub.f32 v0, v8;
	v0 =	vld [tilespmem:s3+$0x4050];
	v8 =	vmin.f32 v4, v5  }
0x70: {  	vm6 =	veq.s32 v36, $0x1;
	v17 =	vmin.f32 v1, v7;
	v14 =	vmul.f32 $1.442695020e+00, v8  }
0x71: {  	v15 =	vld [tilespmem:s3+$0x4060];
	(erf) = vpow2.f32 v6;
	v8 =	vsub.f32 $0.0e+00, v2;
	v6 =	vsub.f32 v10, v9  }
0x72: {  	v18 =	vld [tilespmem:s3+$0x40E0];
	vm12 =	veq.s32 v63, $0xFFFFFFFF;
	v10 =	vmul.f32 $1.442695020e+00, v17;
	v9 =	vsub.f32 v12, v11  }
0x73: {  	(erf) = vpow2.f32 v14;
	v14 =	vmin.f32 v2, v8;
	v11 =	vsub.f32 $0.0e+00, v6  }
0x74: {  	(erf) = vpow2.f32 v10;
	v12 =	vmul.f32 $1.442695020e+00, v14;
	v10 =	vsub.f32 v13, v0  }
0x75: {  	v3 =	vsel vm0, v3, v16;
	vm0 =	veq.s32 v33, $0xFFFFFFFF;
	v13 =	vsub.f32 $0.0e+00, v9  }
0x76: {  	v0 =	vmin.f32 v6, v11;
	(erf) = vpow2.f32 v12;
	v14 =	vsub.f32 $0.0e+00, v10  }
0x77: {  	v12 =	vsub.f32 v18, v15;
	v0 =	vmul.f32 $1.442695020e+00, v0;
	v15 =	vmin.f32 v9, v13  }
0x78: {  	v3 =	vmax.f32 v3, $0.0e+00;
	v2 =	vsel vm2, v8, v2;
	v17 =	vmul.f32 $1.442695020e+00, v15  }
0x79: {  	v18 =	vmin.f32 v10, v14;
	v15 =	vsub.f32 $0.0e+00, v12;
	(erf) = vpow2.f32 v0  }
0x7a: {  	vm2 =	veq.s32 v41, $0xFFFFFFFF;
	v2 =	vmax.f32 v2, $0.0e+00;
	v0 =	vmul.f32 $1.442695020e+00, v18;
	v19 =	vpop (erf)  }
0x7b: {  	v20 =	vmin.f32 v12, v15;
	(erf) = vpow2.f32 v17;
	v18 =	vmul.f32 $1.741407810e-02, v19  }
0x7c: {  	v6 =	vsel vm3, v11, v6;
	v17 =	vpop (erf);
	v20 =	vmul.f32 $1.442695020e+00, v20;
	(erf) = vpow2.f32 v0  }
0x7d: {  	vm3 =	veq.s32 v35, $0xFFFFFFFF;
	v21 =	vpop (erf);
	v0 =	vsub.f32 $8.269123730e-02, v18;
	v18 =	vmul.f32 $1.741407810e-02, v17  }
0x7e: {  	v9 =	vsel vm4, v13, v9;
	(erf) = vpow2.f32 v20;
	v20 =	vmul.f32 $1.741407810e-02, v21  }
0x7f: {  	v6 =	vmax.f32 v6, $0.0e+00;
	v9 =	vmax.f32 v9, $0.0e+00;
	v10 =	vsel vm5, v14, v10  }
0x80: {  	v0 =	vmul.f32 v0, v19;
	v18 =	vsub.f32 $8.269123730e-02, v18;
	v22 =	vpop (erf);
	v20 =	vsub.f32 $8.269123730e-02, v20  }
0x81: {  	v10 =	vmax.f32 v10, $0.0e+00;
	v12 =	vsel vm6, v15, v12;
	v23 =	vmul.f32 $1.741407810e-02, v22  }
0x82: {  	v0 =	vadd.f32 $-1.903543320e-01, v0;
	v18 =	vmul.f32 v18, v17;
	v24 =	vpop (erf);
	v20 =	vmul.f32 v20, v21  }
0x83: {  	v12 =	vmax.f32 v12, $0.0e+00;
	v23 =	vsub.f32 $8.269123730e-02, v23;
	v26 =	vmul.f32 $1.741407810e-02, v24  }
0x84: {  	v25 =	vmul.f32 v0, v19;
	v18 =	vadd.f32 $-1.903543320e-01, v18;
	v27 =	vpop (erf);
	v20 =	vadd.f32 $-1.903543320e-01, v20  }
0x85: {  	v23 =	vmul.f32 v23, v22;
	v28 =	vpop (erf);
	v26 =	vsub.f32 $8.269123730e-02, v26;
	v29 =	vmul.f32 $1.741407810e-02, v27  }
0x86: {  	v25 =	vadd.f32 $3.157473210e-01, v25;
	v18 =	vmul.f32 v18, v17;
	v30 =	vmul.f32 $1.741407810e-02, v28  }
0x87: {  	v20 =	vmul.f32 v20, v21;
	v23 =	vadd.f32 $-1.903543320e-01, v23;
	v29 =	vsub.f32 $8.269123730e-02, v29  }
0x88: {  	v31 =	vpop (erf);
	v26 =	vmul.f32 v26, v24;
	v25 =	vmul.f32 v25, v19;
	v30 =	vsub.f32 $8.269123730e-02, v30  }
0x89: {  	v32 =	vmul.f32 $1.741407810e-02, v31;
	v18 =	vadd.f32 $3.157473210e-01, v18;
	v20 =	vadd.f32 $3.157473210e-01, v20  }
0x8a: {  	v23 =	vmul.f32 v23, v22;
	v29 =	vmul.f32 v29, v27;
	v25 =	vadd.f32 $-4.973732230e-01, v25  }
0x8b: {  	v26 =	vadd.f32 $-1.903543320e-01, v26;
	v30 =	vmul.f32 v30, v28;
	v32 =	vsub.f32 $8.269123730e-02, v32  }
0x8c: {  	v16 =	vmul.f32 v18, v17;
	v29 =	vadd.f32 $-1.903543320e-01, v29;
	v25 =	vmul.f32 v25, v19  }
0x8d: {  	v23 =	vadd.f32 $3.157473210e-01, v23;
	v30 =	vadd.f32 $-1.903543320e-01, v30;
	v32 =	vmul.f32 v32, v31  }
0x8e: {  	v26 =	vmul.f32 v26, v24;
	v16 =	vadd.f32 $-4.973732230e-01, v16;
	v25 =	vadd.f32 $9.998477100e-01, v25  }
0x8f: {  	s25 =	simm.s32 $0xC040;
	v29 =	vmul.f32 v29, v27;
	v32 =	vadd.f32 $-1.903543320e-01, v32;
	v30 =	vmul.f32 v30, v28  }
0x90: {  	v34 =	vld [tilespmem:s25+$0x30];
	v16 =	vmul.f32 v16, v17;
	v19 =	vmul.f32 v25, v19;
	v25 =	vadd.f32 $3.157473210e-01, v26  }
0x91: {  	v26 =	vadd.f32 $3.157473210e-01, v29;
	v29 =	vmul.f32 v32, v31;
	v18 =	vadd.f32 $3.157473210e-01, v30  }
0x92: {  	v44 =	vld [tilespmem:s25+$0x10];
	v0 =	vimm.f32 $0.0e+00;
	v16 =	vadd.f32 $9.998477100e-01, v16;
	v19 =	vadd.f32 $1.472065040e-06, v19  }
0x93: {  	v30 =	vld [tilespmem:s26+$0xFFFFFFD0];
	v29 =	vadd.f32 $3.157473210e-01, v29;
	v25 =	vmul.f32 v25, v24;
	v18 =	vmul.f32 v18, v28  }
0x94: {  	v16 =	vmul.f32 v16, v17;
	v3 =	vadd.f32 v19, v3;
	v19 =	vmul.f32 v20, v21  }
0x95: {  	v20 =	vmul.f32 v23, v22;
	v23 =	vsel vm0, $0x0, v34;
	v29 =	vmul.f32 v29, v31  }
0x96: {  	s4 =	simm.s32 $0x20;
	v25 =	vadd.f32 $-4.973732230e-01, v25;
	v3 =	vmul.f32 v3, v23;
	v23 =	vmul.f32 v26, v27;
	v26 =	vld [tilespmem:s26+$0xFFFFFFC0];
	s26 =	simm.s32 $0x800  }
0x97: {  	s3 =	sand.u32 $0x700, s4;
	v18 =	vadd.f32 $-4.973732230e-01, v18;
	v16 =	vadd.f32 $1.472065040e-06, v16;
	v34 =	vsel vm3, $0x0, v44;
	s26 =	sand.u32 $0x3800, s26  }
0x98: {  	vm1 =	veq.s32 v30, $0x1;
	v19 =	vadd.f32 $-4.973732230e-01, v19;
	v20 =	vadd.f32 $-4.973732230e-01, v20;
	s3 =	sor.u32 s3, s26  }
0x99: {  	v29 =	vadd.f32 $-4.973732230e-01, v29;
	v25 =	vmul.f32 v25, v24;
	v18 =	vmul.f32 v18, v28;
	v8 =	vld [tilespmem:s3+$0x4070]  }
0x9a: {  	v1 =	vsel vm1, v7, v1;
	v23 =	vadd.f32 $-4.973732230e-01, v23;
	v19 =	vmul.f32 v19, v21;
	v11 =	vld [tilespmem:s3+$0x40F0]  }
0x9b: {  	v3 =	vadd.f32 v3, v0;
	v20 =	vmul.f32 v20, v22;
	v18 =	vadd.f32 $9.998477100e-01, v18;
	v13 =	vld [tilespmem:s3+$0x4000]  }
0x9c: {  	v25 =	vadd.f32 $9.998477100e-01, v25;
	v14 =	vld [tilespmem:s3+$0x4080];
	v19 =	vadd.f32 $9.998477100e-01, v19;
	v23 =	vmul.f32 v23, v27  }
0x9d: {  	v29 =	vmul.f32 v29, v31;
	s26 =	simm.s32 $0xC0;
	v15 =	vld [tilespmem:s3+$0x4010];
	v20 =	vadd.f32 $9.998477100e-01, v20;
	v18 =	vmul.f32 v18, v28  }
0x9e: {  	v41 =	vld [tilespmem:s26+$0x30];
	vm0 =	veq.s32 v26, $0x1;
	v17 =	vadd.f32 $9.998477100e-01, v23;
	v19 =	vmul.f32 v19, v21  }
0x9f: {  	v20 =	vmul.f32 v20, v22;
	v21 =	vadd.f32 $9.998477100e-01, v29;
	v23 =	vld [tilespmem:s25+$0xFFFFFFC0];
	v4 =	vsel vm0, v5, v4  }
0xa0: {  	v22 =	vmul.f32 v25, v24;
	v24 =	vld [tilespmem:s25+$0xFFFFFFD0];
	v18 =	vadd.f32 $1.472065040e-06, v18;
	v4 =	vmax.f32 v4, $0.0e+00  }
0xa1: {  	v25 =	vld [tilespmem:s25+$0xFFFFFFE0];
	v17 =	vmul.f32 v17, v27;
	v19 =	vadd.f32 $1.472065040e-06, v19;
	v20 =	vadd.f32 $1.472065040e-06, v20  }
0xa2: {  	v1 =	vmax.f32 v1, $0.0e+00;
	v5 =	vld [tilespmem:s25+$0xFFFFFFF0];
	v7 =	vadd.f32 $1.472065040e-06, v22;
	v4 =	vadd.f32 v16, v4  }
0xa3: {  	vm11 =	veq.s32 v30, $0xFFFFFFFF;
	v16 =	vld [tilespmem:s3+$0x4090];
	v17 =	vadd.f32 $1.472065040e-06, v17;
	v1 =	vadd.f32 v19, v1  }
0xa4: {  	vm1 =	veq.s32 v26, $0xFFFFFFFF;
	v22 =	vld [tilespmem:s3+$0x4020];
	v2 =	vadd.f32 v20, v2;
	v19 =	vsub.f32 v11, v8  }
0xa5: {  	v21 =	vmul.f32 v21, v31;
	v6 =	vadd.f32 v7, v6;
	v7 =	vld [tilespmem:s3+$0x40A0];
	v27 =	vadd.f32 v17, v9  }
0xa6: {  	vm0 =	veq.s32 v40, $0xFFFFFFFF;
	v8 =	vld [tilespmem:s3+$0x4030];
	v9 =	vsub.f32 v14, v13;
	v20 =	vsub.f32 $0.0e+00, v19  }
0xa7: {  	v28 =	vadd.f32 v18, v10;
	v21 =	vadd.f32 $1.472065040e-06, v21;
	v11 =	vld [tilespmem:s3+$0x40B0];
	v30 =	vsel vm1, $0x0, v23  }
0xa8: {  	v18 =	vld [tilespmem:s3+$0x40C0];
	v10 =	vsub.f32 v16, v15;
	v13 =	vsub.f32 $0.0e+00, v9;
	v14 =	vmin.f32 v19, v20  }
0xa9: {  	vm1 =	veq.s32 v36, $0xFFFFFFFF;
	v29 =	vadd.f32 v21, v12;
	v12 =	vld [tilespmem:s3+$0x4040];
	v15 =	vmul.f32 $1.442695020e+00, v14  }
0xaa: {  	v16 =	vsub.f32 $0.0e+00, v10;
	v14 =	vsub.f32 v7, v22;
	v7 =	vld [tilespmem:s3+$0x4050];
	v17 =	vmin.f32 v9, v13  }
0xab: {  	v24 =	vsel vm11, $0x0, v24;
	v22 =	vld [tilespmem:s3+$0x40D0];
	v21 =	vmul.f32 $1.442695020e+00, v17;
	(erf) = vpow2.f32 v15  }
0xac: {  	v31 =	vld [tilespmem:s3+$0x40E0];
	v23 =	vmin.f32 v10, v16;
	v17 =	vsub.f32 $0.0e+00, v14;
	v15 =	vsub.f32 v11, v8  }
0xad: {  	v43 =	vsel vm12, $0x0, v25;
	v5 =	vsel vm0, $0x0, v5;
	v8 =	vld [tilespmem:s3+$0x4060];
	v11 =	vmul.f32 $1.442695020e+00, v23  }
0xae: {  	(erf) = vpow2.f32 v21;
	v23 =	vmin.f32 v14, v17;
	v21 =	vsub.f32 $0.0e+00, v15  }
0xaf: {  	vm0 =	veq.s32 v41, $0x1;
	v18 =	vsub.f32 v18, v12;
	v12 =	vmul.f32 $1.442695020e+00, v23  }
0xb0: {  	(erf) = vpow2.f32 v11;
	v23 =	vsub.f32 v22, v7;
	v11 =	vmin.f32 v15, v21  }
0xb1: {  	v4 =	vmul.f32 v4, v30;
	v25 =	vsub.f32 $0.0e+00, v18;
	v7 =	vmul.f32 $1.442695020e+00, v11  }
0xb2: {  	v42 =	vld [tilespmem:s25+$0x0];
	(erf) = vpow2.f32 v12;
	v26 =	vsub.f32 $0.0e+00, v23;
	v11 =	vsub.f32 v31, v8  }
0xb3: {  	v24 =	vmul.f32 v1, v24;
	v12 =	vmin.f32 v18, v25;
	(erf) = vpow2.f32 v7  }
0xb4: {  	v8 =	vld [tilespmem:s25+$0x20];
	v7 =	vmul.f32 $1.442695020e+00, v12;
	v31 =	vmin.f32 v23, v26;
	v12 =	vsub.f32 $0.0e+00, v11  }
0xb5: {  	v1 =	vadd.f32 v4, v0;
	v19 =	vsel vm0, v20, v19;
	v31 =	vmul.f32 $1.442695020e+00, v31;
	v45 =	vpop (erf)  }
0xb6: {  	v30 =	vmin.f32 v11, v12;
	(erf) = vpow2.f32 v7;
	v46 =	vmul.f32 $1.741407810e-02, v45  }
0xb7: {  	vm0 =	veq.s32 v41, $0xFFFFFFFF;
	v22 =	vsel vm2, $0x0, v42;
	v7 =	vmul.f32 $1.442695020e+00, v30;
	v47 =	vpop (erf)  }
0xb8: {  	(erf) = vpow2.f32 v31;
	v30 =	vsub.f32 $8.269123730e-02, v46;
	v48 =	vmul.f32 $1.741407810e-02, v47  }
0xb9: {  	v31 =	vsel vm1, $0x0, v8;
	v8 =	vmul.f32 v2, v43;
	v37 =	vpop (erf);
	(erf) = vpow2.f32 v7  }
0xba: {  	v7 =	vmul.f32 v6, v5;
	v4 =	vmul.f32 v30, v45;
	v2 =	vsub.f32 $8.269123730e-02, v48  }
0xbb: {  	v19 =	vmax.f32 v19, $0.0e+00;
	v6 =	vmul.f32 v27, v22;
	v30 =	vmul.f32 $1.741407810e-02, v37;
	v49 =	vpop (erf)  }
0xbc: {  	v5 =	vmul.f32 $1.741407810e-02, v49;
	v50 =	vadd.f32 $-1.903543320e-01, v4;
	v2 =	vmul.f32 v2, v47;
	v27 =	vpop (erf)  }
0xbd: {  	v22 =	vsub.f32 $8.269123730e-02, v30;
	v4 =	vmul.f32 v28, v34;
	v30 =	vmul.f32 $1.741407810e-02, v27  }
0xbe: {  	v28 =	vsub.f32 $8.269123730e-02, v5;
	v5 =	vmul.f32 v29, v31;
	v51 =	vmul.f32 v50, v45  }
0xbf: {  	v52 =	vadd.f32 $-1.903543320e-01, v2;
	v22 =	vmul.f32 v22, v37;
	v2 =	vadd.f32 v24, v0;
	v31 =	vpop (erf)  }
0xc0: {  	v24 =	vmul.f32 v28, v49;
	v30 =	vsub.f32 $8.269123730e-02, v30;
	v54 =	vmul.f32 $1.741407810e-02, v31  }
0xc1: {  	v28 =	vadd.f32 $3.157473210e-01, v51;
	v29 =	vmul.f32 v52, v47;
	v22 =	vadd.f32 $-1.903543320e-01, v22;
	v53 =	vpop (erf)  }
0xc2: {  	v38 =	vmul.f32 $1.741407810e-02, v53;
	v24 =	vadd.f32 $-1.903543320e-01, v24;
	v30 =	vmul.f32 v30, v27  }
0xc3: {  	v39 =	vpop (erf);
	v35 =	vsub.f32 $8.269123730e-02, v54;
	v28 =	vmul.f32 v28, v45;
	v22 =	vmul.f32 v22, v37  }
0xc4: {  	v40 =	vmul.f32 $1.741407810e-02, v39;
	v29 =	vadd.f32 $3.157473210e-01, v29;
	v38 =	vsub.f32 $8.269123730e-02, v38  }
0xc5: {  	v35 =	vmul.f32 v35, v31;
	v30 =	vadd.f32 $-1.903543320e-01, v30;
	v28 =	vadd.f32 $-4.973732230e-01, v28  }
0xc6: {  	v24 =	vmul.f32 v24, v49;
	v40 =	vsub.f32 $8.269123730e-02, v40;
	v22 =	vadd.f32 $3.157473210e-01, v22  }
0xc7: {  	v20 =	vmul.f32 v29, v47;
	v38 =	vmul.f32 v38, v53;
	v35 =	vadd.f32 $-1.903543320e-01, v35  }
0xc8: {  	v30 =	vmul.f32 v30, v27;
	v24 =	vadd.f32 $3.157473210e-01, v24;
	v28 =	vmul.f32 v28, v45  }
0xc9: {  	v40 =	vmul.f32 v40, v39;
	v22 =	vmul.f32 v22, v37;
	v20 =	vadd.f32 $-4.973732230e-01, v20  }
0xca: {  	v38 =	vadd.f32 $-1.903543320e-01, v38;
	v35 =	vmul.f32 v35, v31;
	v30 =	vadd.f32 $3.157473210e-01, v30  }
0xcb: {  	v24 =	vmul.f32 v24, v49;
	v28 =	vadd.f32 $9.998477100e-01, v28;
	v40 =	vadd.f32 $-1.903543320e-01, v40  }
0xcc: {  	s25 =	simm.s32 $0xC0C0;
	v22 =	vadd.f32 $-4.973732230e-01, v22;
	v38 =	vmul.f32 v38, v53;
	v55 =	vadd.f32 $3.157473210e-01, v35  }
0xcd: {  	v42 =	vld [tilespmem:s25+$0x30];
	v30 =	vmul.f32 v30, v27;
	v24 =	vadd.f32 $-4.973732230e-01, v24;
	v28 =	vmul.f32 v28, v45  }
0xce: {  	v56 =	vmul.f32 v40, v39;
	v57 =	vmul.f32 v22, v37;
	v29 =	vadd.f32 $3.157473210e-01, v38  }
0xcf: {  	v32 =	vmul.f32 v55, v31;
	v30 =	vadd.f32 $-4.973732230e-01, v30;
	v28 =	vadd.f32 $1.472065040e-06, v28  }
0xd0: {  	v22 =	vld [tilespmem:s26+$0xFFFFFFE0];
	v58 =	vmul.f32 v24, v49;
	v35 =	vadd.f32 $3.157473210e-01, v56;
	v38 =	vadd.f32 $9.998477100e-01, v57  }
0xd1: {  	v24 =	vld [tilespmem:s26+$0xFFFFFFF0];
	v29 =	vmul.f32 v29, v53;
	v32 =	vadd.f32 $-4.973732230e-01, v32;
	v30 =	vmul.f32 v30, v27  }
0xd2: {  	v40 =	vadd.f32 $9.998477100e-01, v58;
	v19 =	vadd.f32 v28, v19;
	v28 =	vsel vm0, $0x0, v42  }
0xd3: {  	v35 =	vmul.f32 v35, v39;
	v37 =	vmul.f32 v38, v37;
	v29 =	vadd.f32 $-4.973732230e-01, v29  }
0xd4: {  	v60 =	vmul.f32 v32, v31;
	v30 =	vadd.f32 $9.998477100e-01, v30;
	v33 =	vmul.f32 v40, v49  }
0xd5: {  	vm3 =	veq.s32 v22, $0x1;
	v28 =	vmul.f32 v19, v28;
	v35 =	vadd.f32 $-4.973732230e-01, v35  }
0xd6: {  	v32 =	vld [tilespmem:s26+$0x20];
	vm13 =	veq.s32 v24, $0x1;
	v48 =	vsel vm3, v17, v14;
	v14 =	vimm.f32 $0.0e+00  }
0xd7: {  	v19 =	vld [tilespmem:s26+$0xFFFFFFC0];
	v43 =	vmul.f32 v29, v53;
	v61 =	vadd.f32 $9.998477100e-01, v60;
	v27 =	vmul.f32 v30, v27  }
0xd8: {  	v29 =	vld [tilespmem:s26+$0x10];
	v3 =	vadd.f32 v28, v3;
	v28 =	vmul.f32 v20, v47;
	v35 =	vmul.f32 v35, v39  }
0xd9: {  	v44 =	vadd.f32 $1.472065040e-06, v33;
	v21 =	vsel vm13, v21, v15;
	v20 =	vld [tilespmem:s26+$0xFFFFFFD0];
	v62 =	vadd.f32 $9.998477100e-01, v43  }
0xda: {  	v41 =	vld [tilespmem:s25+$0x20];
	v30 =	vmul.f32 v61, v31;
	v59 =	vadd.f32 $9.998477100e-01, v28;
	v35 =	vadd.f32 $9.998477100e-01, v35  }
0xdb: {  	v43 =	vadd.f32 $1.472065040e-06, v37;
	v28 =	vld [tilespmem:s26+$0x0];
	vm0 =	veq.s32 v32, $0x1;
	v31 =	vmul.f32 v62, v53  }
0xdc: {  	v34 =	vld [tilespmem:s25+$0xFFFFFFD0];
	vm1 =	veq.s32 v19, $0x1;
	v36 =	vmul.f32 v59, v47;
	v63 =	vmul.f32 v35, v39  }
0xdd: {  	v38 =	vld [tilespmem:s25+$0x10];
	vm15 =	veq.s32 v29, $0x1;
	v46 =	vsel vm1, v13, v9;
	v39 =	vadd.f32 $1.472065040e-06, v30  }
0xde: {  	v40 =	vld [tilespmem:s25+$0x0];
	v13 =	vimm.f32 $0.0e+00;
	v9 =	vimm.f32 $0.0e+00;
	vm2 =	veq.s32 v20, $0x1  }
0xdf: {  	s28 =	simm.s32 $0x1000;
	s4 =	simm.s32 $0x40;
	v37 =	vld [tilespmem:s25+$0xFFFFFFF0];
	v17 =	vadd.f32 $1.472065040e-06, v31;
	v15 =	vsel vm15, v26, v23;
	v42 =	vadd.f32 $1.472065040e-06, v36  }
0xe0: {  	s31 =	sand.u32 $0x3800, s28;
	s3 =	sand.u32 $0x700, s4;
	v35 =	vld [tilespmem:s25+$0xFFFFFFC0];
	v47 =	vsel vm2, v16, v10;
	v16 =	vadd.f32 $1.472065040e-06, v27;
	vm14 =	veq.s32 v28, $0x1  }
0xe1: {  	s3 =	sor.u32 s3, s31;
	s31 =	simm.s32 $0x60;
	v36 =	vld [tilespmem:s25+$0xFFFFFFE0];
	v45 =	vadd.f32 $1.472065040e-06, v63;
	v10 =	vimm.f32 $0.0e+00;
	v18 =	vsel vm14, v25, v18  }
.LBB2_2:
0xe2: {  	p0 =	sne.s32 s31, $0x7E0;
	v23 =	vld [tilespmem:s3+$0x4070];
	v25 =	vmax.f32 v46, $0.0e+00;
	v26 =	vmax.f32 v47, $0.0e+00;
	v11 =	vsel vm0, v12, v11  }
0xe3: {  	v27 =	vmax.f32 v48, $0.0e+00;
	v21 =	vmax.f32 v21, $0.0e+00;
	v18 =	vmax.f32 v18, $0.0e+00;
	v12 =	vld [tilespmem:s3+$0x40F0]  }
0xe4: {  	v15 =	vmax.f32 v15, $0.0e+00;
	v42 =	vadd.f32 v42, v25;
	v11 =	vmax.f32 v11, $0.0e+00;
	v30 =	vld [tilespmem:s3+$0x4000]  }
0xe5: {  	vm0 =	veq.s32 v19, $0xFFFFFFFF;
	v19 =	vadd.f32 v43, v26;
	v44 =	vadd.f32 v44, v27;
	v25 =	vld [tilespmem:s3+$0x4080]  }
0xe6: {  	vm1 =	veq.s32 v20, $0xFFFFFFFF;
	v20 =	vadd.f32 v16, v21;
	v46 =	vadd.f32 v39, v18;
	v26 =	vld [tilespmem:s3+$0x4010]  }
0xe7: {  	vm2 =	veq.s32 v22, $0xFFFFFFFF;
	v22 =	vadd.f32 v17, v15;
	v47 =	vadd.f32 v45, v11;
	v16 =	vld [tilespmem:s3+$0x4090]  }
0xe8: {  	vm3 =	veq.s32 v24, $0xFFFFFFFF;
	vm4 =	veq.s32 v28, $0xFFFFFFFF;
	v11 =	vld [tilespmem:s3+$0x4020];
	v39 =	vsub.f32 v12, v23  }
0xe9: {  	vm5 =	veq.s32 v32, $0xFFFFFFFF;
	v24 =	vsel vm0, $0x0, v35;
	vm0 =	veq.s32 v29, $0xFFFFFFFF;
	v12 =	vld [tilespmem:s3+$0x40A0]  }
0xea: {  	v28 =	vsel vm1, $0x0, v34;
	v15 =	vsub.f32 v25, v30;
	v21 =	vld [tilespmem:s3+$0x4030];
	v29 =	vsub.f32 $0.0e+00, v39  }
0xeb: {  	v32 =	vsel vm2, $0x0, v36;
	v34 =	vsel vm3, $0x0, v37;
	v35 =	vsel vm4, $0x0, v40;
	v27 =	vld [tilespmem:s3+$0x40B0]  }
0xec: {  	v17 =	vsub.f32 $0.0e+00, v15;
	v16 =	vsub.f32 v16, v26;
	v30 =	vld [tilespmem:s3+$0x4040];
	v18 =	vmin.f32 v39, v29  }
0xed: {  	v37 =	vsel vm5, $0x0, v41;
	v36 =	vsel vm0, $0x0, v38;
	v31 =	vld [tilespmem:s3+$0x40C0];
	v25 =	vmul.f32 $1.442695020e+00, v18  }
0xee: {  	v26 =	vmin.f32 v15, v17;
	v23 =	vsub.f32 $0.0e+00, v16;
	v18 =	vsub.f32 v12, v11;
	v11 =	vld [tilespmem:s3+$0x4050]  }
0xef: {  	v0 =	vadd.f32 v8, v0;
	v12 =	vmul.f32 $1.442695020e+00, v26;
	v33 =	vld [tilespmem:s3+$0x40D0];
	(erf) = vpow2.f32 v25  }
0xf0: {  	v8 =	vmin.f32 v16, v23;
	v25 =	vsub.f32 $0.0e+00, v18;
	v21 =	vsub.f32 v27, v21;
	v38 =	vld [tilespmem:s3+$0x4060]  }
0xf1: {  	v14 =	vadd.f32 v7, v14;
	v8 =	vmul.f32 $1.442695020e+00, v8;
	v40 =	vld [tilespmem:s3+$0x40E0];
	(erf) = vpow2.f32 v12  }
0xf2: {  	v7 =	vmin.f32 v18, v25;
	v26 =	vsub.f32 $0.0e+00, v21;
	v27 =	vsub.f32 v31, v30  }
0xf3: {  	v13 =	vadd.f32 v6, v13;
	v7 =	vmul.f32 $1.442695020e+00, v7;
	(erf) = vpow2.f32 v8  }
0xf4: {  	v6 =	vmin.f32 v21, v26;
	v30 =	vsub.f32 $0.0e+00, v27;
	v31 =	vsub.f32 v33, v11  }
0xf5: {  	v10 =	vadd.f32 v4, v10;
	v6 =	vmul.f32 $1.442695020e+00, v6;
	(erf) = vpow2.f32 v7  }
0xf6: {  	v4 =	vmin.f32 v27, v30;
	v33 =	vsub.f32 $0.0e+00, v31;
	v11 =	vsub.f32 v40, v38  }
0xf7: {  	v9 =	vadd.f32 v5, v9;
	v4 =	vmul.f32 $1.442695020e+00, v4;
	(erf) = vpow2.f32 v6  }
0xf8: {  	v6 =	vmul.f32 v42, v24;
	v5 =	vmin.f32 v31, v33;
	v12 =	vsub.f32 $0.0e+00, v11;
	v38 =	vpop (erf)  }
0xf9: {  	v5 =	vmul.f32 $1.442695020e+00, v5;
	v7 =	vmul.f32 $1.741407810e-02, v38  }
0xfa: {  	v8 =	vmin.f32 v11, v12;
	v42 =	vpop (erf);
	(erf) = vpow2.f32 v4;
	v4 =	vmul.f32 v19, v28  }
0xfb: {  	v19 =	vmul.f32 $1.442695020e+00, v8;
	v7 =	vsub.f32 $8.269123730e-02, v7;
	(erf) = vpow2.f32 v5  }
0xfc: {  	v1 =	vadd.f32 v6, v1;
	v5 =	vmul.f32 $1.741407810e-02, v42;
	v8 =	vmul.f32 v44, v32;
	v43 =	vpop (erf)  }
0xfd: {  	v2 =	vadd.f32 v4, v2;
	v6 =	vmul.f32 v7, v38;
	(erf) = vpow2.f32 v19  }
0xfe: {  	v4 =	vsub.f32 $8.269123730e-02, v5;
	v5 =	vmul.f32 $1.741407810e-02, v43;
	v7 =	vmul.f32 v20, v34;
	v44 =	vpop (erf)  }
0xff: {  	v19 =	vmul.f32 $1.741407810e-02, v44;
	v20 =	vadd.f32 $-1.903543320e-01, v6;
	v6 =	vmul.f32 v46, v35  }
0x100: {  	v24 =	vmul.f32 v4, v42;
	v5 =	vsub.f32 $8.269123730e-02, v5;
	v4 =	vmul.f32 v22, v36;
	v45 =	vpop (erf)  }
0x101: {  	v19 =	vsub.f32 $8.269123730e-02, v19;
	v22 =	vmul.f32 $1.741407810e-02, v45;
	v20 =	vmul.f32 v20, v38  }
0x102: {  	v24 =	vadd.f32 $-1.903543320e-01, v24;
	v28 =	vmul.f32 v5, v43;
	v5 =	vmul.f32 v47, v37  }
0x103: {  	v19 =	vmul.f32 v19, v44;
	v22 =	vsub.f32 $8.269123730e-02, v22;
	v20 =	vadd.f32 $3.157473210e-01, v20;
	v46 =	vpop (erf)  }
0x104: {  	v24 =	vmul.f32 v24, v42;
	v28 =	vadd.f32 $-1.903543320e-01, v28;
	v32 =	vmul.f32 $1.741407810e-02, v46;
	v47 =	vpop (erf)  }
0x105: {  	v19 =	vadd.f32 $-1.903543320e-01, v19;
	v34 =	vmul.f32 $1.741407810e-02, v47;
	v20 =	vmul.f32 v20, v38  }
0x106: {  	v28 =	vmul.f32 v28, v43;
	v22 =	vmul.f32 v22, v45;
	v32 =	vsub.f32 $8.269123730e-02, v32;
	v48 =	vpop (erf)  }
0x107: {  	v34 =	vsub.f32 $8.269123730e-02, v34;
	v35 =	vmul.f32 $1.741407810e-02, v48;
	v20 =	vadd.f32 $-4.973732230e-01, v20  }
0x108: {  	s26 =	sadd.s32 $0x80, s26;
	v36 =	vmul.f32 v19, v44;
	v22 =	vadd.f32 $-1.903543320e-01, v22;
	v32 =	vmul.f32 v32, v46  }
0x109: {  	v34 =	vmul.f32 v34, v47;
	v35 =	vsub.f32 $8.269123730e-02, v35;
	v37 =	vld [tilespmem:s26+$0x30];
	v40 =	vmul.f32 v20, v38  }
0x10a: {  	v41 =	vadd.f32 $3.157473210e-01, v24;
	v49 =	vmul.f32 v22, v45;
	v19 =	vld [tilespmem:s26+$0xFFFFFFC0];
	v24 =	vadd.f32 $-1.903543320e-01, v32  }
0x10b: {  	v20 =	vld [tilespmem:s26+$0xFFFFFFD0];
	v32 =	vadd.f32 $-1.903543320e-01, v34;
	v34 =	vmul.f32 v35, v48;
	v35 =	vadd.f32 $9.998477100e-01, v40  }
0x10c: {  	s25 =	sadd.s32 $0x80, s25;
	v36 =	vadd.f32 $3.157473210e-01, v36;
	v40 =	vadd.f32 $3.157473210e-01, v28;
	v22 =	vld [tilespmem:s26+$0xFFFFFFE0];
	v28 =	vmul.f32 v24, v46  }
0x10d: {  	v32 =	vmul.f32 v32, v47;
	v34 =	vadd.f32 $-1.903543320e-01, v34;
	v50 =	vld [tilespmem:s25+$0x30];
	v35 =	vmul.f32 v35, v38  }
0x10e: {  	v38 =	vadd.f32 $3.157473210e-01, v49;
	v24 =	vld [tilespmem:s26+$0xFFFFFFF0];
	v49 =	vadd.f32 $3.157473210e-01, v28;
	vm0 =	veq.s32 v37, $0x1  }
0x10f: {  	v28 =	vld [tilespmem:s26+$0x0];
	v34 =	vmul.f32 v34, v48;
	v35 =	vadd.f32 $1.472065040e-06, v35;
	v39 =	vsel vm0, v29, v39  }
0x110: {  	v41 =	vmul.f32 v41, v42;
	v51 =	vadd.f32 $3.157473210e-01, v32;
	v29 =	vld [tilespmem:s26+$0x10];
	v39 =	vmax.f32 v39, $0.0e+00  }
0x111: {  	vm0 =	veq.s32 v37, $0xFFFFFFFF;
	v32 =	vld [tilespmem:s26+$0x20];
	v52 =	vadd.f32 $3.157473210e-01, v34;
	v39 =	vadd.f32 v35, v39  }
0x112: {  	v37 =	vmul.f32 v40, v43;
	v40 =	vmul.f32 v36, v44;
	v35 =	vld [tilespmem:s25+$0xFFFFFFC0];
	v36 =	vsel vm0, $0x0, v50  }
0x113: {  	v41 =	vadd.f32 $-4.973732230e-01, v41;
	v38 =	vmul.f32 v38, v45;
	v34 =	vld [tilespmem:s25+$0xFFFFFFD0];
	v39 =	vmul.f32 v39, v36  }
0x114: {  	v49 =	vmul.f32 v49, v46;
	v51 =	vmul.f32 v51, v47;
	v50 =	vadd.f32 $-4.973732230e-01, v37;
	v36 =	vld [tilespmem:s25+$0xFFFFFFE0]  }
0x115: {  	v53 =	vadd.f32 $-4.973732230e-01, v40;
	v52 =	vmul.f32 v52, v48;
	v37 =	vld [tilespmem:s25+$0xFFFFFFF0];
	v3 =	vadd.f32 v39, v3  }
0x116: {  	v49 =	vadd.f32 $-4.973732230e-01, v49;
	v39 =	vmul.f32 v41, v42;
	v41 =	vadd.f32 $-4.973732230e-01, v38;
	v40 =	vld [tilespmem:s25+$0x0]  }
0x117: {  	v51 =	vadd.f32 $-4.973732230e-01, v51;
	v50 =	vmul.f32 v50, v43;
	v52 =	vadd.f32 $-4.973732230e-01, v52;
	v38 =	vld [tilespmem:s25+$0x10]  }
0x118: {  	v53 =	vmul.f32 v53, v44;
	v39 =	vadd.f32 $9.998477100e-01, v39;
	v54 =	vmul.f32 v41, v45;
	v41 =	vld [tilespmem:s25+$0x20]  }
0x119: {  	v49 =	vmul.f32 v49, v46;
	v51 =	vmul.f32 v51, v47;
	v50 =	vadd.f32 $9.998477100e-01, v50  }
0x11a: {  	v53 =	vadd.f32 $9.998477100e-01, v53;
	v52 =	vmul.f32 v52, v48;
	v54 =	vadd.f32 $9.998477100e-01, v54  }
0x11b: {  	v39 =	vmul.f32 v39, v42;
	v42 =	vadd.f32 $9.998477100e-01, v49;
	v49 =	vadd.f32 $9.998477100e-01, v51  }
0x11c: {  	v44 =	vmul.f32 v53, v44;
	v43 =	vmul.f32 v50, v43;
	v50 =	vadd.f32 $9.998477100e-01, v52  }
0x11d: {  	vm1 =	veq.s32 v19, $0x1;
	v45 =	vmul.f32 v54, v45;
	v51 =	vmul.f32 v42, v46  }
0x11e: {  	vm2 =	veq.s32 v20, $0x1;
	v49 =	vmul.f32 v49, v47;
	v50 =	vmul.f32 v50, v48  }
0x11f: {  	vm3 =	veq.s32 v22, $0x1;
	vm4 =	veq.s32 v24, $0x1;
	vm5 =	veq.s32 v28, $0x1  }
.Ltmp0:
0x120: {  	vm6 =	veq.s32 v29, $0x1;
	vm0 =	veq.s32 v32, $0x1;
	v42 =	vadd.f32 $1.472065040e-06, v39;
	(pc) =	sbr.rel @p0 .LBB2_2-.Ltmp0, $4  }
0x121: {  	v44 =	vadd.f32 $1.472065040e-06, v44;
	v43 =	vadd.f32 $1.472065040e-06, v43;
	v46 =	vsel vm1, v17, v15  }
0x122: {  	s28 =	sadd.s32 $0x800, s28;
	v47 =	vsel vm2, v23, v16;
	v16 =	vadd.f32 $1.472065040e-06, v45;
	v39 =	vadd.f32 $1.472065040e-06, v51  }
0x123: {  	s4 =	sand.u32 $0x700, s31;
	s3 =	sand.u32 $0x3800, s28;
	v48 =	vsel vm3, v25, v18;
	v17 =	vadd.f32 $1.472065040e-06, v49;
	v45 =	vadd.f32 $1.472065040e-06, v50  }
0x124: {  	s31 =	sadd.s32 $0x20, s31;
	s3 =	sor.u32 s4, s3;
	v21 =	vsel vm4, v26, v21;
	v18 =	vsel vm5, v30, v27;
	v15 =	vsel vm6, v33, v31  }
0x125: {  	v23 =	vld [tilespmem:s3+$0x4070]  }
0x126: {  	v25 =	vld [tilespmem:s3+$0x40F0];
	_ =	sdelay $0x4  }
0x127: {  	v49 =	vsub.f32 v25, v23;
	_ =	sdelay $0x1  }
0x128: {  	v50 =	vsub.f32 $0.0e+00, v49  }
0x129: {  	v26 =	vld [tilespmem:s3+$0x4000]  }
0x12a: {  	v27 =	vld [tilespmem:s3+$0x4080];
	v23 =	vmin.f32 v49, v50  }
0x12b: {  	v11 =	vsel vm0, v12, v11;
	vm0 =	veq.s32 v19, $0xFFFFFFFF;
	v19 =	vld [tilespmem:s3+$0x40A0];
	v23 =	vmul.f32 $1.442695020e+00, v23  }
0x12c: {  	v12 =	vmax.f32 v48, $0.0e+00;
	v21 =	vmax.f32 v21, $0.0e+00;
	vm1 =	veq.s32 v20, $0xFFFFFFFF;
	v20 =	vld [tilespmem:s3+$0x4030]  }
0x12d: {  	v18 =	vmax.f32 v18, $0.0e+00;
	v33 =	vadd.f32 v44, v12;
	v12 =	vld [tilespmem:s3+$0x4010];
	(erf) = vpow2.f32 v23  }
0x12e: {  	v15 =	vmax.f32 v15, $0.0e+00;
	vm2 =	veq.s32 v22, $0xFFFFFFFF;
	v54 =	vadd.f32 v16, v21;
	v16 =	vld [tilespmem:s3+$0x4090]  }
0x12f: {  	vm3 =	veq.s32 v24, $0xFFFFFFFF;
	vm4 =	veq.s32 v28, $0xFFFFFFFF;
	v39 =	vadd.f32 v39, v18;
	v18 =	vld [tilespmem:s3+$0x4020]  }
0x130: {  	vm5 =	veq.s32 v32, $0xFFFFFFFF;
	v0 =	vadd.f32 v8, v0;
	v7 =	vadd.f32 v7, v14;
	v21 =	vld [tilespmem:s3+$0x40B0]  }
0x131: {  	v6 =	vadd.f32 v6, v13;
	v10 =	vadd.f32 v4, v10;
	v11 =	vmax.f32 v11, $0.0e+00  }
0x132: {  	v52 =	vadd.f32 v17, v15;
	v22 =	vsel vm0, $0x0, v35;
	vm0 =	veq.s32 v29, $0xFFFFFFFF  }
0x133: {  	v28 =	vsel vm1, $0x0, v34;
	v56 =	vsel vm2, $0x0, v36;
	v44 =	vadd.f32 v45, v11  }
0x134: {  	v24 =	vld [tilespmem:s3+$0x4040];
	v57 =	vsel vm3, $0x0, v37;
	v11 =	vsub.f32 v27, v26;
	v12 =	vsub.f32 v16, v12  }
0x135: {  	v58 =	vsel vm4, $0x0, v40;
	v26 =	vld [tilespmem:s3+$0x40C0];
	v16 =	vsub.f32 v19, v18;
	v18 =	vsub.f32 v21, v20  }
0x136: {  	v41 =	vsel vm5, $0x0, v41;
	v38 =	vsel vm0, $0x0, v38;
	v15 =	vsub.f32 $0.0e+00, v11;
	v55 =	vpop (erf)  }
0x137: {  	v30 =	vld [tilespmem:s3+$0x4050];
	v25 =	vmax.f32 v47, $0.0e+00;
	v20 =	vsub.f32 $0.0e+00, v18;
	v17 =	vmul.f32 $1.741407810e-02, v55  }
0x138: {  	v31 =	vld [tilespmem:s3+$0x40D0];
	v25 =	vadd.f32 v43, v25;
	v19 =	vsub.f32 $0.0e+00, v16;
	v29 =	vmin.f32 v11, v15  }
0x139: {  	v59 =	vld [tilespmem:s3+$0x40E0];
	v13 =	vmin.f32 v18, v20;
	v27 =	vsub.f32 $8.269123730e-02, v17;
	v17 =	vsub.f32 $0.0e+00, v12  }
0x13a: {  	v21 =	vld [tilespmem:s3+$0x4060];
	v29 =	vmul.f32 $1.442695020e+00, v29;
	v14 =	vsub.f32 v26, v24;
	v13 =	vmul.f32 $1.442695020e+00, v13  }
0x13b: {  	s26 =	sadd.s32 $0x80, s26;
	v23 =	vmax.f32 v46, $0.0e+00;
	v8 =	vmul.f32 v27, v55;
	v27 =	vmin.f32 v12, v17  }
0x13c: {  	v60 =	vld [tilespmem:s26+$0x30];
	(erf) = vpow2.f32 v29;
	v29 =	vmin.f32 v16, v19;
	v27 =	vmul.f32 $1.442695020e+00, v27  }
0x13d: {  	v26 =	vsub.f32 $0.0e+00, v14;
	v23 =	vadd.f32 v42, v23;
	v24 =	vmul.f32 $1.442695020e+00, v29  }
0x13e: {  	v8 =	vadd.f32 $-1.903543320e-01, v8;
	(erf) = vpow2.f32 v27;
	v27 =	vsub.f32 v31, v30  }
0x13f: {  	v34 =	vld [tilespmem:s26+$0x20];
	v61 =	vmul.f32 v23, v22;
	(erf) = vpow2.f32 v24;
	v24 =	vsub.f32 v59, v21  }
0x140: {  	v23 =	vld [tilespmem:s26+$0xFFFFFFE0];
	v8 =	vmul.f32 v8, v55;
	v21 =	vmin.f32 v14, v26;
	v32 =	vsub.f32 $0.0e+00, v27  }
0x141: {  	vm0 =	veq.s32 v60, $0x1;
	v29 =	vmul.f32 $1.442695020e+00, v21;
	v31 =	vsub.f32 $0.0e+00, v24  }
0x142: {  	v22 =	vld [tilespmem:s26+$0xFFFFFFD0];
	(erf) = vpow2.f32 v13;
	v8 =	vadd.f32 $3.157473210e-01, v8;
	v13 =	vmin.f32 v27, v32  }
0x143: {  	(erf) = vpow2.f32 v29;
	v13 =	vmul.f32 $1.442695020e+00, v13;
	v30 =	vmin.f32 v24, v31  }
0x144: {  	s4 =	sadd.s32 $0x80, s25;
	vm6 =	veq.s32 v34, $0x1;
	v8 =	vmul.f32 v8, v55;
	v4 =	vmul.f32 $1.442695020e+00, v30  }
0x145: {  	v62 =	vld [tilespmem:s4+$0x30];
	vm14 =	veq.s32 v34, $0xFFFFFFFF;
	vm2 =	veq.s32 v23, $0x1;
	(erf) = vpow2.f32 v13  }
0x146: {  	v35 =	vld [tilespmem:s4+$0xFFFFFFC0];
	v16 =	vsel vm2, v19, v16;
	v63 =	vpop (erf);
	v8 =	vadd.f32 $-4.973732230e-01, v8;
	(erf) = vpow2.f32 v4  }
0x147: {  	v36 =	vld [tilespmem:s4+$0xFFFFFFD0];
	vm1 =	veq.s32 v22, $0x1;
	vm2 =	veq.s32 v23, $0xFFFFFFFF;
	v16 =	vmax.f32 v16, $0.0e+00  }
0x148: {  	v37 =	vld [tilespmem:s4+$0xFFFFFFE0];
	v30 =	vmul.f32 v8, v55;
	v8 =	vadd.f32 v5, v9;
	v5 =	vmul.f32 v25, v28  }
0x149: {  	v12 =	vsel vm1, v17, v12;
	v21 =	vld [tilespmem:s26+$0xFFFFFFC0];
	v13 =	vmul.f32 $1.741407810e-02, v63;
	v4 =	vadd.f32 v61, v1;
	v48 =	vpop (erf)  }
0x14a: {  	v29 =	vld [tilespmem:s26+$0xFFFFFFF0];
	v9 =	vmul.f32 v33, v56;
	v45 =	vpop (erf);
	v25 =	vadd.f32 $9.998477100e-01, v30;
	v1 =	vadd.f32 v5, v2  }
0x14b: {  	v33 =	vld [tilespmem:s26+$0x10];
	v5 =	vsub.f32 $8.269123730e-02, v13;
	v13 =	vmul.f32 $1.741407810e-02, v48;
	v53 =	vmul.f32 $1.741407810e-02, v45  }
0x14c: {  	v30 =	vld [tilespmem:s26+$0x0];
	v28 =	vmul.f32 v25, v55;
	v25 =	vmul.f32 v54, v57;
	v54 =	vsel vm0, v50, v49;
	v50 =	vpop (erf)  }
0x14d: {  	vm1 =	veq.s32 v22, $0xFFFFFFFF;
	v12 =	vmax.f32 v12, $0.0e+00;
	v2 =	vmul.f32 v39, v58;
	v58 =	vld [tilespmem:s4+$0x0];
	v51 =	vpop (erf)  }
0x14e: {  	v24 =	vsel vm6, v31, v24;
	v55 =	vsub.f32 $8.269123730e-02, v13;
	v13 =	vmul.f32 v52, v38;
	v38 =	vld [tilespmem:s4+$0xFFFFFFF0];
	v52 =	vpop (erf)  }
0x14f: {  	vm3 =	veq.s32 v29, $0x1;
	vm0 =	veq.s32 v60, $0xFFFFFFFF;
	v42 =	vsub.f32 $8.269123730e-02, v53;
	v60 =	vld [tilespmem:s4+$0x10];
	v53 =	vpop (erf)  }
0x150: {  	v24 =	vmax.f32 v24, $0.0e+00;
	v18 =	vsel vm3, v20, v18;
	v40 =	vsel vm0, $0x0, v62;
	v62 =	vld [tilespmem:s4+$0x20];
	_ =	swait.ge [sflag:s30], $0x2000  }
0x151: {  	vm3 =	veq.s32 v29, $0xFFFFFFFF;
	v18 =	vmax.f32 v18, $0.0e+00;
	v0 =	vadd.f32 v9, v0;
	[sflag:s30] =	ssyncset.done $0x0  }
0x152: {  	v5 =	vmul.f32 v5, v63;
	v2 =	vadd.f32 v2, v6;
	v56 =	vmax.f32 v54, $0.0e+00;
	[sflag:s30] =	ssyncadd.s32 $0xFFFFE000  }
0x153: {  	v57 =	vmul.f32 $1.741407810e-02, v50;
	vm0 =	veq.s32 v21, $0x1;
	vm12 =	veq.s32 v33, $0x1;
	_ =	swait.ge [sflag:s30], $0x2000  }
0x154: {  	v28 =	vadd.f32 $1.472065040e-06, v28;
	v59 =	vadd.f32 $-1.903543320e-01, v5;
	v49 =	vmul.f32 v55, v48;
	[sflag:s30] =	ssyncset.done $0x0  }
0x155: {  	v61 =	vmul.f32 $1.741407810e-02, v51;
	v42 =	vmul.f32 v42, v45;
	v11 =	vsel vm0, v15, v11;
	[sflag:s30] =	ssyncadd.s32 $0xFFFFE000  }
0x156: {  	v20 =	vsel vm12, v32, v27;
	vm0 =	veq.s32 v21, $0xFFFFFFFF;
	v25 =	vadd.f32 v25, v7;
	_ =	swait.ge [sflag:s30], $0x800  }
0x157: {  	v43 =	vsub.f32 $8.269123730e-02, v57;
	vm11 =	veq.s32 v30, $0x1;
	v11 =	vmax.f32 v11, $0.0e+00;
	[sflag:s30] =	ssyncset.done $0x0  }
0x158: {  	v28 =	vadd.f32 v28, v56;
	v54 =	vmul.f32 $1.741407810e-02, v52;
	v46 =	vmul.f32 v59, v63;
	[sflag:s30] =	ssyncadd.s32 $0xFFFFF800  }
0x159: {  	v49 =	vadd.f32 $-1.903543320e-01, v49;
	v42 =	vadd.f32 $-1.903543320e-01, v42;
	v14 =	vsel vm11, v26, v14;
	_ =	swait.ge [sflag:s30], $0x800  }
0x15a: {  	v43 =	vmul.f32 v43, v50;
	v14 =	vmax.f32 v14, $0.0e+00;
	v5 =	vmul.f32 v28, v40;
	[sflag:s30] =	ssyncset.done $0x0  }
0x15b: {  	v28 =	vmul.f32 v44, v41;
	v44 =	vsub.f32 $8.269123730e-02, v61;
	v54 =	vsub.f32 $8.269123730e-02, v54;
	[sflag:s30] =	ssyncadd.s32 $0xFFFFF800  }
0x15c: {  	v49 =	vmul.f32 v49, v48;
	v46 =	vadd.f32 $3.157473210e-01, v46;
	v42 =	vmul.f32 v42, v45;
	_ =	swait.ge [sflag:s30], $0x800  }
0x15d: {  	v43 =	vadd.f32 $-1.903543320e-01, v43;
	v5 =	vadd.f32 v5, v3;
	v44 =	vmul.f32 v44, v51;
	[sflag:s30] =	ssyncset.done $0x0  }
0x15e: {  	v3 =	vmul.f32 $1.741407810e-02, v53;
	v54 =	vmul.f32 v54, v52;
	v49 =	vadd.f32 $3.157473210e-01, v49;
	[sflag:s30] =	ssyncadd.s32 $0xFFFFF800  }
0x15f: {  	v42 =	vadd.f32 $3.157473210e-01, v42;
	v46 =	vmul.f32 v46, v63;
	v44 =	vadd.f32 $-1.903543320e-01, v44;
	_ =	swait.ge [sflag:s30], $0x800  }
0x160: {  	v43 =	vmul.f32 v43, v50;
	v3 =	vsub.f32 $8.269123730e-02, v3;
	v49 =	vmul.f32 v49, v48;
	[sflag:s30] =	ssyncset.done $0x0  }
0x161: {  	v54 =	vadd.f32 $-1.903543320e-01, v54;
	v42 =	vmul.f32 v42, v45;
	v44 =	vmul.f32 v44, v51;
	[sflag:s30] =	ssyncadd.s32 $0xFFFFF800  }
0x162: {  	v46 =	vadd.f32 $-4.973732230e-01, v46;
	v43 =	vadd.f32 $3.157473210e-01, v43;
	v3 =	vmul.f32 v3, v53;
	_ =	swait.ge [sflag:s30], $0x800  }
0x163: {  	v54 =	vmul.f32 v54, v52;
	v49 =	vadd.f32 $-4.973732230e-01, v49;
	v44 =	vadd.f32 $3.157473210e-01, v44;
	[sflag:s30] =	ssyncset.done $0x0  }
0x164: {  	v42 =	vadd.f32 $-4.973732230e-01, v42;
	v46 =	vmul.f32 v46, v63;
	v43 =	vmul.f32 v43, v50;
	[sflag:s30] =	ssyncadd.s32 $0xFFFFF800  }
0x165: {  	v3 =	vadd.f32 $-1.903543320e-01, v3;
	v54 =	vadd.f32 $3.157473210e-01, v54;
	v44 =	vmul.f32 v44, v51;
	_ =	swait.ge [sflag:s30], $0x800  }
0x166: {  	v49 =	vmul.f32 v49, v48;
	v42 =	vmul.f32 v42, v45;
	v46 =	vadd.f32 $9.998477100e-01, v46;
	[sflag:s30] =	ssyncset.done $0x0  }
0x167: {  	v43 =	vadd.f32 $-4.973732230e-01, v43;
	v3 =	vmul.f32 v3, v53;
	v44 =	vadd.f32 $-4.973732230e-01, v44;
	[sflag:s30] =	ssyncadd.s32 $0xFFFFF800  }
0x168: {  	v54 =	vmul.f32 v54, v52;
	v49 =	vadd.f32 $9.998477100e-01, v49;
	v42 =	vadd.f32 $9.998477100e-01, v42;
	_ =	swait.ge [sflag:s30], $0x800  }
0x169: {  	v46 =	vmul.f32 v46, v63;
	v3 =	vadd.f32 $3.157473210e-01, v3;
	v44 =	vmul.f32 v44, v51;
	[sflag:s30] =	ssyncset.done $0x0  }
0x16a: {  	v43 =	vmul.f32 v43, v50;
	v54 =	vadd.f32 $-4.973732230e-01, v54;
	v48 =	vmul.f32 v49, v48;
	[sflag:s30] =	ssyncadd.s32 $0xFFFFF800  }
0x16b: {  	s25 =	simm.s32 $0x0;
	v42 =	vmul.f32 v42, v45;
	v3 =	vmul.f32 v3, v53;
	v44 =	vadd.f32 $9.998477100e-01, v44;
	_ =	swait.ge [sflag:s30], $0x800  }
0x16c: {  	s3 =	sand.u32 $0x700, s25;
	s26 =	sand.u32 $0x3800, s25;
	v46 =	vadd.f32 $1.472065040e-06, v46;
	v43 =	vadd.f32 $9.998477100e-01, v43;
	v54 =	vmul.f32 v54, v52;
	[sflag:s30] =	ssyncset.done $0x0  }
0x16d: {  	s3 =	sor.u32 s3, s26;
	v15 =	vadd.f32 $1.472065040e-06, v48;
	v3 =	vadd.f32 $-4.973732230e-01, v3;
	v44 =	vmul.f32 v44, v51;
	[sflag:s30] =	ssyncadd.s32 $0xFFFFF800  }
0x16e: {  	v26 =	vadd.f32 v46, v11;
	v43 =	vmul.f32 v43, v50;
	v63 =	vadd.f32 $9.998477100e-01, v54;
	v11 =	vld [tilespmem:s3+$0x8070]  }
0x16f: {  	v42 =	vadd.f32 $1.472065040e-06, v42;
	v3 =	vmul.f32 v3, v53;
	v54 =	vadd.f32 $1.472065040e-06, v44;
	v21 =	vld [tilespmem:s3+$0x80F0]  }
0x170: {  	v27 =	vadd.f32 v15, v12;
	v17 =	vadd.f32 $1.472065040e-06, v43;
	v52 =	vmul.f32 v63, v52;
	v12 =	vld [tilespmem:s3+$0x8000]  }
0x171: {  	v20 =	vmax.f32 v20, $0.0e+00;
	v3 =	vadd.f32 $9.998477100e-01, v3;
	v55 =	vadd.f32 v54, v14;
	v14 =	vld [tilespmem:s3+$0x8080]  }
0x172: {  	vm13 =	veq.s32 v30, $0xFFFFFFFF;
	v31 =	vadd.f32 v42, v16;
	v19 =	vadd.f32 $1.472065040e-06, v52;
	v16 =	vld [tilespmem:s3+$0x8010]  }
0x173: {  	v29 =	vsel vm13, $0x0, v58;
	v22 =	vadd.f32 v17, v18;
	v3 =	vmul.f32 v3, v53;
	v18 =	vld [tilespmem:s3+$0x8090]  }
0x174: {  	v58 =	vsel vm14, $0x0, v62;
	v17 =	vsel vm0, $0x0, v35;
	v56 =	vadd.f32 v19, v20;
	v20 =	vld [tilespmem:s3+$0x8020]  }
0x175: {  	s4 =	simm.s32 $0x2070;
	vm0 =	veq.s32 v33, $0xFFFFFFFF;
	v6 =	vmul.f32 v26, v17;
	v3 =	vadd.f32 $1.472065040e-06, v3;
	v30 =	vld [tilespmem:s3+$0x80A0]  }
0x176: {  	v28 =	vadd.f32 v28, v8;
	v33 =	vsel vm0, $0x0, v60;
	v19 =	vsel vm1, $0x0, v36;
	v53 =	vld [tilespmem:s4+$0x0]  }
0x177: {  	v6 =	vadd.f32 v6, v4;
	v27 =	vmul.f32 v27, v19;
	v3 =	vadd.f32 v3, v24;
	v57 =	vld [tilespmem:s3+$0x8030]  }
0x178: {  	v24 =	vsel vm3, $0x0, v38;
	v7 =	vld [tilespmem:s3+$0x80B0];
	v15 =	vsub.f32 v21, v11;
	v11 =	vsub.f32 v14, v12  }
0x179: {  	v33 =	vmul.f32 v56, v33;
	v24 =	vmul.f32 v22, v24;
	v17 =	vld [tilespmem:s3+$0x80C0];
	v9 =	vsub.f32 v18, v16  }
0x17a: {  	v21 =	vsel vm2, $0x0, v37;
	v18 =	vld [tilespmem:s3+$0x8040];
	v23 =	vsub.f32 $0.0e+00, v15;
	v12 =	vsub.f32 $0.0e+00, v11  }
0x17b: {  	vm0 =	veq.s32 v53, $0x1;
	v31 =	vmul.f32 v31, v21;
	v16 =	vsub.f32 $0.0e+00, v9  }
0x17c: {  	v60 =	vld [tilespmem:s3+$0x80D0];
	v14 =	vmin.f32 v15, v23;
	v59 =	vmin.f32 v11, v12;
	v15 =	vsel vm0, v23, v15  }
0x17d: {  	vm0 =	veq.s32 v53, $0xFFFFFFFF;
	v26 =	vmul.f32 $1.442695020e+00, v14;
	v14 =	vsub.f32 v30, v20;
	v20 =	vld [tilespmem:s3+$0x8050]  }
0x17e: {  	v30 =	vadd.f32 v13, v10;
	v36 =	vmul.f32 $1.442695020e+00, v59;
	v10 =	vsub.f32 v7, v57;
	v59 =	vld [tilespmem:s4+$0xFFFFFFC0]  }
0x17f: {  	v17 =	vsub.f32 v17, v18;
	v15 =	vmax.f32 v15, $0.0e+00;
	v13 =	vsub.f32 $0.0e+00, v14  }
0x180: {  	v7 =	vld [tilespmem:s3+$0x8060];
	(erf) = vpow2.f32 v26;
	v26 =	vmin.f32 v9, v16;
	v8 =	vsub.f32 $0.0e+00, v10  }
0x181: {  	v19 =	vmul.f32 $1.442695020e+00, v26;
	v26 =	vld [tilespmem:s3+$0x80E0];
	(erf) = vpow2.f32 v36;
	v61 =	vmin.f32 v14, v13  }
0x182: {  	v62 =	vmin.f32 v10, v8;
	v21 =	vmul.f32 $1.442695020e+00, v61;
	v18 =	vsub.f32 v60, v20;
	v60 =	vld [tilespmem:s4+$0xFFFFFFD0]  }
0x183: {  	(erf) = vpow2.f32 v19;
	v19 =	vsub.f32 $0.0e+00, v17;
	v61 =	vld [tilespmem:s4+$0xFFFFFFE0];
	vm3 =	veq.s32 v59, $0x1  }
0x184: {  	v34 =	vmul.f32 $1.442695020e+00, v62;
	v62 =	vld [tilespmem:s4+$0xFFFFFFF0];
	vm12 =	veq.s32 v59, $0xFFFFFFFF;
	v8 =	vsel vm3, v8, v10  }
0x185: {  	(erf) = vpow2.f32 v21;
	v21 =	vsub.f32 $0.0e+00, v18;
	v8 =	vmax.f32 v8, $0.0e+00  }
0x186: {  	v20 =	vsub.f32 v26, v7;
	v26 =	vmul.f32 v55, v29;
	v7 =	vmin.f32 v17, v19  }
0x187: {  	(erf) = vpow2.f32 v34;
	v7 =	vmul.f32 $1.442695020e+00, v7;
	v29 =	vmin.f32 v18, v21  }
0x188: {  	v22 =	vsub.f32 $0.0e+00, v20;
	v4 =	vmul.f32 $1.442695020e+00, v29;
	v2 =	vadd.f32 v26, v2  }
0x189: {  	vm15 =	veq.s32 v60, $0x1;
	vm9 =	veq.s32 v61, $0x1;
	vm10 =	veq.s32 v62, $0x1  }
0x18a: {  	v63 =	vpop (erf);
	(erf) = vpow2.f32 v7;
	v7 =	vadd.f32 v27, v1;
	v27 =	vmul.f32 v3, v58  }
0x18b: {  	v3 =	vadd.f32 v24, v25;
	v10 =	vsel vm15, v19, v17;
	v29 =	vmul.f32 $1.741407810e-02, v63  }
0x18c: {  	v58 =	vld [tilespmem:s4+$0xFFFFFFB0];
	v17 =	vsel vm9, v21, v18;
	v44 =	vmin.f32 v20, v22;
	v36 =	vpop (erf);
	(erf) = vpow2.f32 v4  }
0x18d: {  	v34 =	vmul.f32 $1.442695020e+00, v44;
	v1 =	vmul.f32 $1.741407810e-02, v36;
	v29 =	vsub.f32 $8.269123730e-02, v29  }
0x18e: {  	v4 =	vadd.f32 v31, v0;
	v19 =	vsel vm10, v22, v20;
	v10 =	vmax.f32 v10, $0.0e+00;
	v31 =	vpop (erf)  }
0x18f: {  	(erf) = vpow2.f32 v34;
	v24 =	vsub.f32 $8.269123730e-02, v1;
	v25 =	vmul.f32 $1.741407810e-02, v31  }
0x190: {  	v17 =	vmax.f32 v17, $0.0e+00;
	v1 =	vadd.f32 v33, v30;
	v0 =	vmul.f32 v29, v63  }
0x191: {  	vm2 =	veq.s32 v58, $0x1;
	v24 =	vmul.f32 v24, v36;
	v25 =	vsub.f32 $8.269123730e-02, v25;
	v29 =	vpop (erf)  }
0x192: {  	v13 =	vsel vm2, v13, v14;
	v0 =	vadd.f32 $-1.903543320e-01, v0;
	v26 =	vmul.f32 $1.741407810e-02, v29;
	v30 =	vpop (erf)  }
0x193: {  	v24 =	vadd.f32 $-1.903543320e-01, v24;
	v25 =	vmul.f32 v25, v31;
	v45 =	vmul.f32 $1.741407810e-02, v30  }
0x194: {  	v46 =	vmul.f32 v0, v63;
	v0 =	vadd.f32 v27, v28;
	v47 =	vpop (erf);
	v26 =	vsub.f32 $8.269123730e-02, v26  }
0x195: {  	v24 =	vmul.f32 v24, v36;
	v25 =	vadd.f32 $-1.903543320e-01, v25;
	v48 =	vmul.f32 $1.741407810e-02, v47;
	v49 =	vpop (erf)  }
0x196: {  	v27 =	vsub.f32 $8.269123730e-02, v45;
	v28 =	vadd.f32 $3.157473210e-01, v46;
	v50 =	vmul.f32 $1.741407810e-02, v49  }
0x197: {  	v26 =	vmul.f32 v26, v29;
	v25 =	vmul.f32 v25, v31;
	v34 =	vsub.f32 $8.269123730e-02, v48  }
0x198: {  	v24 =	vadd.f32 $3.157473210e-01, v24;
	v28 =	vmul.f32 v28, v63;
	v27 =	vmul.f32 v27, v30;
	v51 =	vpop (erf)  }
0x199: {  	v37 =	vsub.f32 $8.269123730e-02, v50;
	v26 =	vadd.f32 $-1.903543320e-01, v26;
	v52 =	vmul.f32 $1.741407810e-02, v51  }
0x19a: {  	v34 =	vmul.f32 v34, v47;
	v25 =	vadd.f32 $3.157473210e-01, v25;
	v23 =	vmul.f32 v24, v36  }
0x19b: {  	v28 =	vadd.f32 $-4.973732230e-01, v28;
	v27 =	vadd.f32 $-1.903543320e-01, v27;
	v37 =	vmul.f32 v37, v49  }
0x19c: {  	v26 =	vmul.f32 v26, v29;
	v39 =	vsub.f32 $8.269123730e-02, v52;
	v34 =	vadd.f32 $-1.903543320e-01, v34  }
0x19d: {  	v25 =	vmul.f32 v25, v31;
	v23 =	vadd.f32 $-4.973732230e-01, v23;
	v28 =	vmul.f32 v28, v63  }
0x19e: {  	v27 =	vmul.f32 v27, v30;
	v37 =	vadd.f32 $-1.903543320e-01, v37;
	v39 =	vmul.f32 v39, v51  }
0x19f: {  	v26 =	vadd.f32 $3.157473210e-01, v26;
	v34 =	vmul.f32 v34, v47;
	v25 =	vadd.f32 $-4.973732230e-01, v25  }
0x1a0: {  	v23 =	vmul.f32 v23, v36;
	v28 =	vadd.f32 $9.998477100e-01, v28;
	v27 =	vadd.f32 $3.157473210e-01, v27  }
0x1a1: {  	v37 =	vmul.f32 v37, v49;
	v39 =	vadd.f32 $-1.903543320e-01, v39;
	v55 =	vadd.f32 $3.157473210e-01, v34  }
0x1a2: {  	s25 =	simm.s32 $0xE070;
	v26 =	vmul.f32 v26, v29;
	v25 =	vmul.f32 v25, v31;
	v23 =	vadd.f32 $9.998477100e-01, v23  }
0x1a3: {  	v54 =	vld [tilespmem:s25+$0x0];
	v28 =	vmul.f32 v28, v63;
	v24 =	vadd.f32 $3.157473210e-01, v37;
	v27 =	vmul.f32 v27, v30  }
0x1a4: {  	v57 =	vld [tilespmem:s4+$0xFFFFFF90];
	v56 =	vmul.f32 v39, v51;
	v26 =	vadd.f32 $-4.973732230e-01, v26;
	v25 =	vadd.f32 $9.998477100e-01, v25  }
0x1a5: {  	v23 =	vmul.f32 v23, v36;
	v28 =	vadd.f32 $1.472065040e-06, v28;
	v24 =	vmul.f32 v24, v49  }
0x1a6: {  	v27 =	vadd.f32 $-4.973732230e-01, v27;
	v34 =	vadd.f32 $3.157473210e-01, v56;
	v26 =	vmul.f32 v26, v29  }
0x1a7: {  	v25 =	vmul.f32 v25, v31;
	v23 =	vadd.f32 $1.472065040e-06, v23;
	v15 =	vadd.f32 v28, v15  }
0x1a8: {  	v28 =	vsel vm0, $0x0, v54;
	v24 =	vadd.f32 $-4.973732230e-01, v24;
	v27 =	vmul.f32 v27, v30  }
0x1a9: {  	v44 =	vld [tilespmem:s25+$0xFFFFFFD0];
	vm0 =	veq.s32 v57, $0x1;
	v34 =	vmul.f32 v34, v51;
	v15 =	vmul.f32 v15, v28  }
0x1aa: {  	s26 =	simm.s32 $0x800;
	s3 =	simm.s32 $0x20;
	v48 =	vld [tilespmem:s25+$0xFFFFFFE0];
	v26 =	vadd.f32 $9.998477100e-01, v26;
	v11 =	vsel vm0, v12, v11;
	v12 =	vadd.f32 $1.472065040e-06, v25  }
0x1ab: {  	s3 =	sand.u32 $0x700, s3;
	v28 =	vmul.f32 v55, v47;
	v24 =	vmul.f32 v24, v49;
	v15 =	vadd.f32 v15, v5;
	v5 =	vld [tilespmem:s4+$0xFFFFFFA0];
	s4 =	sand.u32 $0x3800, s26  }
0x1ac: {  	v63 =	vld [tilespmem:s25+$0xFFFFFFB0];
	v27 =	vadd.f32 $9.998477100e-01, v27;
	v34 =	vadd.f32 $-4.973732230e-01, v34;
	v26 =	vmul.f32 v26, v29;
	s3 =	sor.u32 s3, s4  }
0x1ad: {  	v13 =	vmax.f32 v13, $0.0e+00;
	v28 =	vadd.f32 $-4.973732230e-01, v28;
	v24 =	vadd.f32 $9.998477100e-01, v24;
	v18 =	vld [tilespmem:s3+$0x80F0]  }
0x1ae: {  	v27 =	vmul.f32 v27, v30;
	v34 =	vmul.f32 v34, v51;
	v25 =	vadd.f32 $1.472065040e-06, v26;
	v20 =	vld [tilespmem:s3+$0x8000]  }
0x1af: {  	v11 =	vmax.f32 v11, $0.0e+00;
	v28 =	vmul.f32 v28, v47;
	v24 =	vmul.f32 v24, v49;
	v21 =	vld [tilespmem:s3+$0x8080]  }
0x1b0: {  	v29 =	vadd.f32 $9.998477100e-01, v34;
	v45 =	vadd.f32 v25, v13;
	v13 =	vld [tilespmem:s3+$0x8090];
	vm1 =	veq.s32 v5, $0x1  }
0x1b1: {  	v28 =	vadd.f32 $9.998477100e-01, v28;
	v9 =	vsel vm1, v16, v9;
	v16 =	vadd.f32 $1.472065040e-06, v27;
	v27 =	vld [tilespmem:s3+$0x8070]  }
0x1b2: {  	v11 =	vadd.f32 v23, v11;
	v25 =	vld [tilespmem:s3+$0x8020];
	v14 =	vadd.f32 $1.472065040e-06, v24;
	v29 =	vmul.f32 v29, v51  }
0x1b3: {  	vm3 =	veq.s32 v5, $0xFFFFFFFF;
	v5 =	vld [tilespmem:s3+$0x80A0];
	v28 =	vmul.f32 v28, v47;
	v9 =	vmax.f32 v9, $0.0e+00  }
0x1b4: {  	v19 =	vmax.f32 v19, $0.0e+00;
	v24 =	vadd.f32 $1.472065040e-06, v29;
	v9 =	vadd.f32 v12, v9;
	v12 =	vld [tilespmem:s3+$0x8010]  }
0x1b5: {  	vm11 =	veq.s32 v58, $0xFFFFFFFF;
	v30 =	vld [tilespmem:s25+$0xFFFFFF90];
	v26 =	vadd.f32 $1.472065040e-06, v28;
	v8 =	vadd.f32 v16, v8  }
0x1b6: {  	vm2 =	veq.s32 v61, $0xFFFFFFFF;
	v16 =	vsub.f32 v21, v20;
	v20 =	vld [tilespmem:s3+$0x80B0];
	v22 =	vsub.f32 v18, v27  }
0x1b7: {  	v52 =	vsel vm2, $0x0, v48;
	v28 =	vld [tilespmem:s3+$0x80C0];
	v24 =	vadd.f32 v24, v19;
	v27 =	vadd.f32 v14, v17  }
0x1b8: {  	vm0 =	veq.s32 v57, $0xFFFFFFFF;
	v14 =	vld [tilespmem:s3+$0x8030];
	v18 =	vsub.f32 v5, v25;
	v23 =	vsub.f32 $0.0e+00, v22  }
0x1b9: {  	v33 =	vsel vm11, $0x0, v63;
	v19 =	vsub.f32 $0.0e+00, v16;
	v17 =	vsub.f32 v13, v12;
	v12 =	vld [tilespmem:s3+$0x8040]  }
0x1ba: {  	v31 =	vld [tilespmem:s25+$0xFFFFFFA0];
	v10 =	vadd.f32 v26, v10;
	v25 =	vsub.f32 $0.0e+00, v18;
	v13 =	vmin.f32 v22, v23  }
0x1bb: {  	v46 =	vld [tilespmem:s3+$0x80D0];
	v26 =	vmin.f32 v16, v19;
	v21 =	vsub.f32 $0.0e+00, v17;
	v13 =	vmul.f32 $1.442695020e+00, v13  }
0x1bc: {  	v30 =	vsel vm0, $0x0, v30;
	v5 =	vld [tilespmem:s3+$0x8050];
	v26 =	vmul.f32 $1.442695020e+00, v26;
	v29 =	vmin.f32 v18, v25  }
0x1bd: {  	v50 =	vld [tilespmem:s25+$0xFFFFFFF0];
	v20 =	vsub.f32 v20, v14;
	(erf) = vpow2.f32 v13;
	v13 =	vmin.f32 v17, v21  }
0x1be: {  	v47 =	vld [tilespmem:s3+$0x80E0];
	v28 =	vsub.f32 v28, v12;
	v13 =	vmul.f32 $1.442695020e+00, v13;
	(erf) = vpow2.f32 v26  }
0x1bf: {  	vm0 =	veq.s32 v62, $0xFFFFFFFF;
	vm1 =	veq.s32 v60, $0xFFFFFFFF;
	v14 =	vld [tilespmem:s3+$0x8060];
	v49 =	vmul.f32 $1.442695020e+00, v29  }
0x1c0: {  	v26 =	vsub.f32 $0.0e+00, v20;
	v29 =	vsub.f32 $0.0e+00, v28;
	(erf) = vpow2.f32 v13  }
0x1c1: {  	s26 =	simm.s32 $0x20F0;
	v31 =	vsel vm3, $0x0, v31;
	v11 =	vmul.f32 v11, v30;
	v32 =	vsub.f32 v46, v5  }
0x1c2: {  	v63 =	vld [tilespmem:s26+$0x0];
	v30 =	vsel vm0, $0x0, v50;
	v13 =	vmin.f32 v20, v26;
	v51 =	vmin.f32 v28, v29  }
0x1c3: {  	v39 =	vsub.f32 $0.0e+00, v32;
	v5 =	vmul.f32 $1.442695020e+00, v13;
	v34 =	vmul.f32 $1.442695020e+00, v51  }
0x1c4: {  	v35 =	vsel vm1, $0x0, v44;
	(erf) = vpow2.f32 v49;
	v13 =	vsub.f32 v47, v14  }
0x1c5: {  	v9 =	vmul.f32 v9, v31;
	(erf) = vpow2.f32 v5;
	v5 =	vmin.f32 v32, v39  }
0x1c6: {  	v43 =	vld [tilespmem:s25+$0xFFFFFFC0];
	v10 =	vmul.f32 v10, v35;
	v14 =	vsub.f32 $0.0e+00, v13;
	v5 =	vmul.f32 $1.442695020e+00, v5;
	v53 =	vpop (erf)  }
0x1c7: {  	vm0 =	veq.s32 v63, $0x1;
	(erf) = vpow2.f32 v34;
	v54 =	vmul.f32 $1.741407810e-02, v53;
	v34 =	vpop (erf)  }
0x1c8: {  	v55 =	vmin.f32 v13, v14;
	(erf) = vpow2.f32 v5;
	v56 =	vmul.f32 $1.741407810e-02, v34  }
0x1c9: {  	v31 =	vmul.f32 $1.442695020e+00, v55;
	v5 =	vadd.f32 v11, v6;
	v40 =	vsub.f32 $8.269123730e-02, v54;
	v36 =	vpop (erf)  }
0x1ca: {  	v6 =	vadd.f32 v9, v7;
	v7 =	vsub.f32 $8.269123730e-02, v56;
	v9 =	vmul.f32 $1.741407810e-02, v36  }
0x1cb: {  	v12 =	vsel vm12, $0x0, v43;
	(erf) = vpow2.f32 v31;
	v57 =	vmul.f32 v40, v53  }
0x1cc: {  	v12 =	vmul.f32 v8, v12;
	v7 =	vmul.f32 v7, v34;
	v58 =	vsub.f32 $8.269123730e-02, v9  }
0x1cd: {  	v11 =	vmul.f32 v45, v33;
	v9 =	vmul.f32 v27, v52;
	v40 =	vpop (erf);
	v31 =	vadd.f32 $-1.903543320e-01, v57  }
0x1ce: {  	v8 =	vmul.f32 $1.741407810e-02, v40;
	v35 =	vpop (erf);
	v7 =	vadd.f32 $-1.903543320e-01, v7;
	v33 =	vmul.f32 v58, v36  }
0x1cf: {  	v22 =	vsel vm0, v23, v22;
	v59 =	vmul.f32 $1.741407810e-02, v35;
	v31 =	vmul.f32 v31, v53  }
0x1d0: {  	v37 =	vpop (erf);
	v27 =	vsub.f32 $8.269123730e-02, v8;
	v8 =	vmul.f32 v24, v30;
	v7 =	vmul.f32 v7, v34  }
0x1d1: {  	v60 =	vmul.f32 $1.741407810e-02, v37;
	v41 =	vpop (erf);
	v30 =	vadd.f32 $3.157473210e-01, v31;
	v31 =	vadd.f32 $-1.903543320e-01, v33  }
0x1d2: {  	v61 =	vmul.f32 $1.741407810e-02, v41;
	v24 =	vmul.f32 v27, v40;
	v27 =	vsub.f32 $8.269123730e-02, v59  }
0x1d3: {  	vm0 =	veq.s32 v63, $0xFFFFFFFF;
	v33 =	vsub.f32 $8.269123730e-02, v60;
	v7 =	vadd.f32 $3.157473210e-01, v7  }
0x1d4: {  	v43 =	vpop (erf);
	v30 =	vmul.f32 v30, v53;
	v31 =	vmul.f32 v31, v36;
	v42 =	vsub.f32 $8.269123730e-02, v61  }
0x1d5: {  	v62 =	vmul.f32 $1.741407810e-02, v43;
	v24 =	vadd.f32 $-1.903543320e-01, v24;
	v27 =	vmul.f32 v27, v35  }
0x1d6: {  	v33 =	vmul.f32 v33, v37;
	v7 =	vmul.f32 v7, v34;
	v30 =	vadd.f32 $-4.973732230e-01, v30  }
0x1d7: {  	v42 =	vmul.f32 v42, v41;
	v44 =	vsub.f32 $8.269123730e-02, v62;
	v31 =	vadd.f32 $3.157473210e-01, v31  }
0x1d8: {  	v24 =	vmul.f32 v24, v40;
	v27 =	vadd.f32 $-1.903543320e-01, v27;
	v33 =	vadd.f32 $-1.903543320e-01, v33  }
0x1d9: {  	v50 =	vadd.f32 $-4.973732230e-01, v7;
	v30 =	vmul.f32 v30, v53;
	v44 =	vmul.f32 v44, v43  }
0x1da: {  	v42 =	vadd.f32 $-1.903543320e-01, v42;
	v27 =	vmul.f32 v27, v35;
	v24 =	vadd.f32 $3.157473210e-01, v24  }
0x1db: {  	s25 =	simm.s32 $0xE0F0;
	v33 =	vmul.f32 v33, v37;
	v30 =	vadd.f32 $9.998477100e-01, v30;
	v44 =	vadd.f32 $-1.903543320e-01, v44  }
0x1dc: {  	v48 =	vld [tilespmem:s25+$0x0];
	v42 =	vmul.f32 v42, v41;
	v27 =	vadd.f32 $3.157473210e-01, v27;
	v24 =	vmul.f32 v24, v40  }
0x1dd: {  	v33 =	vadd.f32 $3.157473210e-01, v33;
	v30 =	vmul.f32 v30, v53;
	v49 =	vmul.f32 v44, v43  }
0x1de: {  	v23 =	vadd.f32 $3.157473210e-01, v42;
	v27 =	vmul.f32 v27, v35;
	v52 =	vadd.f32 $-4.973732230e-01, v24  }
0x1df: {  	v22 =	vmax.f32 v22, $0.0e+00;
	v24 =	vld [tilespmem:s26+$0xFFFFFFB0];
	v30 =	vadd.f32 $1.472065040e-06, v30;
	v38 =	vadd.f32 $3.157473210e-01, v49  }
0x1e0: {  	v51 =	vmul.f32 v23, v41;
	v23 =	vld [tilespmem:s26+$0xFFFFFFA0];
	v53 =	vadd.f32 $-4.973732230e-01, v27;
	v44 =	vmul.f32 v52, v40  }
0x1e1: {  	v22 =	vadd.f32 v30, v22;
	v30 =	vmul.f32 v31, v36;
	v31 =	vsel vm0, $0x0, v48  }
0x1e2: {  	v38 =	vmul.f32 v38, v43;
	v42 =	vmul.f32 v53, v35;
	v44 =	vadd.f32 $9.998477100e-01, v44  }
0x1e3: {  	v27 =	vld [tilespmem:s26+$0xFFFFFFC0];
	v7 =	vmul.f32 v22, v31;
	v30 =	vadd.f32 $-4.973732230e-01, v30;
	v31 =	vmul.f32 v33, v37  }
0x1e4: {  	v33 =	vadd.f32 $-4.973732230e-01, v51;
	v38 =	vadd.f32 $-4.973732230e-01, v38;
	vm3 =	veq.s32 v24, $0x1  }
0x1e5: {  	v42 =	vadd.f32 $9.998477100e-01, v42;
	v40 =	vmul.f32 v44, v40;
	vm2 =	veq.s32 v23, $0x1  }
0x1e6: {  	v22 =	vld [tilespmem:s26+$0xFFFFFF90];
	v46 =	vsel vm3, v25, v18;
	v7 =	vadd.f32 v7, v15;
	v15 =	vmul.f32 v50, v34  }
0x1e7: {  	v31 =	vadd.f32 $-4.973732230e-01, v31;
	v54 =	vmul.f32 v30, v36;
	v30 =	vld [tilespmem:s26+$0xFFFFFFD0];
	v56 =	vmul.f32 v33, v41  }
0x1e8: {  	v38 =	vmul.f32 v38, v43;
	v33 =	vld [tilespmem:s26+$0xFFFFFFF0];
	vm13 =	veq.s32 v27, $0x1;
	v60 =	vmul.f32 v42, v35  }
0x1e9: {  	v20 =	vsel vm13, v26, v20;
	v15 =	vadd.f32 $9.998477100e-01, v15;
	v45 =	vadd.f32 $9.998477100e-01, v54  }
0x1ea: {  	v35 =	vld [tilespmem:s25+$0xFFFFFF90];
	v55 =	vmul.f32 v31, v37;
	v58 =	vadd.f32 $9.998477100e-01, v56;
	v59 =	vadd.f32 $9.998477100e-01, v38  }
0x1eb: {  	v31 =	vld [tilespmem:s26+$0xFFFFFFE0];
	vm1 =	veq.s32 v22, $0x1;
	v15 =	vmul.f32 v15, v34;
	v45 =	vmul.f32 v45, v36  }
0x1ec: {  	v38 =	vld [tilespmem:s25+$0xFFFFFFE0];
	v57 =	vadd.f32 $9.998477100e-01, v55;
	v62 =	vmul.f32 v58, v41;
	v63 =	vmul.f32 v59, v43  }
0x1ed: {  	v34 =	vld [tilespmem:s25+$0xFFFFFFA0];
	v44 =	vsel vm1, v19, v16;
	vm14 =	veq.s32 v30, $0x1;
	vm0 =	veq.s32 v33, $0x1  }
0x1ee: {  	v36 =	vld [tilespmem:s25+$0xFFFFFFB0];
	v61 =	vmul.f32 v57, v37;
	v42 =	vadd.f32 $1.472065040e-06, v15;
	v43 =	vadd.f32 $1.472065040e-06, v45  }
0x1ef: {  	s28 =	simm.s32 $0x1000;
	s3 =	simm.s32 $0x40;
	v41 =	vld [tilespmem:s25+$0xFFFFFFD0];
	v15 =	vadd.f32 $1.472065040e-06, v40;
	v45 =	vsel vm2, v21, v17;
	v17 =	vadd.f32 $1.472065040e-06, v60  }
0x1f0: {  	s4 =	sand.u32 $0x3800, s28;
	s3 =	sand.u32 $0x700, s3;
	v37 =	vld [tilespmem:s25+$0xFFFFFFC0];
	v21 =	vadd.f32 $1.472065040e-06, v62;
	v18 =	vadd.f32 $1.472065040e-06, v63;
	vm15 =	veq.s32 v31, $0x1  }
0x1f1: {  	s31 =	simm.s32 $0x60;
	s3 =	sor.u32 s3, s4;
	v40 =	vld [tilespmem:s25+$0xFFFFFFF0];
	v25 =	vsel vm14, v29, v28;
	v16 =	vadd.f32 $1.472065040e-06, v61;
	v19 =	vsel vm15, v39, v32  }
.LBB2_4:
0x1f2: {  	p0 =	sne.s32 s31, $0x7E0;
	v26 =	vld [tilespmem:s3+$0x8070];
	v28 =	vmax.f32 v44, $0.0e+00;
	v29 =	vmax.f32 v45, $0.0e+00;
	v13 =	vsel vm0, v14, v13  }
0x1f3: {  	v32 =	vmax.f32 v46, $0.0e+00;
	v20 =	vmax.f32 v20, $0.0e+00;
	v25 =	vmax.f32 v25, $0.0e+00;
	v14 =	vld [tilespmem:s3+$0x80F0]  }
0x1f4: {  	v19 =	vmax.f32 v19, $0.0e+00;
	v42 =	vadd.f32 v42, v28;
	v13 =	vmax.f32 v13, $0.0e+00;
	v44 =	vld [tilespmem:s3+$0x8000]  }
0x1f5: {  	vm0 =	veq.s32 v22, $0xFFFFFFFF;
	v22 =	vadd.f32 v43, v29;
	v45 =	vadd.f32 v15, v32;
	v28 =	vld [tilespmem:s3+$0x8080]  }
0x1f6: {  	vm1 =	veq.s32 v23, $0xFFFFFFFF;
	v23 =	vadd.f32 v17, v20;
	v46 =	vadd.f32 v16, v25;
	v29 =	vld [tilespmem:s3+$0x8010]  }
0x1f7: {  	vm2 =	veq.s32 v24, $0xFFFFFFFF;
	v24 =	vadd.f32 v21, v19;
	v47 =	vadd.f32 v18, v13;
	v16 =	vld [tilespmem:s3+$0x8090]  }
0x1f8: {  	vm3 =	veq.s32 v27, $0xFFFFFFFF;
	vm4 =	veq.s32 v30, $0xFFFFFFFF;
	v13 =	vld [tilespmem:s3+$0x8020];
	v39 =	vsub.f32 v14, v26  }
0x1f9: {  	vm5 =	veq.s32 v33, $0xFFFFFFFF;
	v27 =	vsel vm0, $0x0, v35;
	vm0 =	veq.s32 v31, $0xFFFFFFFF;
	v14 =	vld [tilespmem:s3+$0x80A0]  }
0x1fa: {  	v30 =	vsel vm1, $0x0, v34;
	v15 =	vsub.f32 v28, v44;
	v19 =	vld [tilespmem:s3+$0x8030];
	v31 =	vsub.f32 $0.0e+00, v39  }
0x1fb: {  	v33 =	vsel vm2, $0x0, v36;
	v34 =	vsel vm3, $0x0, v37;
	v35 =	vsel vm4, $0x0, v41;
	v25 =	vld [tilespmem:s3+$0x80B0]  }
0x1fc: {  	v17 =	vsub.f32 $0.0e+00, v15;
	v16 =	vsub.f32 v16, v29;
	v26 =	vld [tilespmem:s3+$0x8040];
	v18 =	vmin.f32 v39, v31  }
0x1fd: {  	v37 =	vsel vm5, $0x0, v40;
	v36 =	vsel vm0, $0x0, v38;
	v28 =	vld [tilespmem:s3+$0x80C0];
	v21 =	vmul.f32 $1.442695020e+00, v18  }
0x1fe: {  	v29 =	vmin.f32 v15, v17;
	v20 =	vsub.f32 $0.0e+00, v16;
	v18 =	vsub.f32 v14, v13;
	v13 =	vld [tilespmem:s3+$0x8050]  }
0x1ff: {  	v4 =	vadd.f32 v11, v4;
	v14 =	vmul.f32 $1.442695020e+00, v29;
	v29 =	vld [tilespmem:s3+$0x80D0];
	(erf) = vpow2.f32 v21  }
0x200: {  	v11 =	vmin.f32 v16, v20;
	v21 =	vsub.f32 $0.0e+00, v18;
	v19 =	vsub.f32 v25, v19;
	v38 =	vld [tilespmem:s3+$0x8060]  }
0x201: {  	v3 =	vadd.f32 v12, v3;
	v11 =	vmul.f32 $1.442695020e+00, v11;
	v40 =	vld [tilespmem:s3+$0x80E0];
	(erf) = vpow2.f32 v14  }
0x202: {  	v12 =	vmin.f32 v18, v21;
	v25 =	vsub.f32 $0.0e+00, v19;
	v26 =	vsub.f32 v28, v26  }
0x203: {  	v2 =	vadd.f32 v10, v2;
	v12 =	vmul.f32 $1.442695020e+00, v12;
	(erf) = vpow2.f32 v11  }
0x204: {  	v10 =	vmin.f32 v19, v25;
	v28 =	vsub.f32 $0.0e+00, v26;
	v29 =	vsub.f32 v29, v13  }
0x205: {  	v1 =	vadd.f32 v9, v1;
	v10 =	vmul.f32 $1.442695020e+00, v10;
	(erf) = vpow2.f32 v12  }
0x206: {  	v9 =	vmin.f32 v26, v28;
	v32 =	vsub.f32 $0.0e+00, v29;
	v13 =	vsub.f32 v40, v38  }
0x207: {  	v0 =	vadd.f32 v8, v0;
	v9 =	vmul.f32 $1.442695020e+00, v9;
	(erf) = vpow2.f32 v10  }
0x208: {  	v10 =	vmul.f32 v42, v27;
	v8 =	vmin.f32 v29, v32;
	v14 =	vsub.f32 $0.0e+00, v13;
	v38 =	vpop (erf)  }
0x209: {  	v8 =	vmul.f32 $1.442695020e+00, v8;
	v11 =	vmul.f32 $1.741407810e-02, v38  }
0x20a: {  	v12 =	vmin.f32 v13, v14;
	v42 =	vpop (erf);
	(erf) = vpow2.f32 v9;
	v9 =	vmul.f32 v22, v30  }
0x20b: {  	v12 =	vmul.f32 $1.442695020e+00, v12;
	v22 =	vsub.f32 $8.269123730e-02, v11;
	(erf) = vpow2.f32 v8  }
0x20c: {  	v5 =	vadd.f32 v10, v5;
	v8 =	vmul.f32 $1.741407810e-02, v42;
	v11 =	vmul.f32 v45, v33;
	v43 =	vpop (erf)  }
0x20d: {  	v6 =	vadd.f32 v9, v6;
	v10 =	vmul.f32 v22, v38;
	(erf) = vpow2.f32 v12  }
0x20e: {  	v8 =	vsub.f32 $8.269123730e-02, v8;
	v9 =	vmul.f32 $1.741407810e-02, v43;
	v12 =	vmul.f32 v23, v34;
	v44 =	vpop (erf)  }
0x20f: {  	v22 =	vmul.f32 $1.741407810e-02, v44;
	v23 =	vadd.f32 $-1.903543320e-01, v10;
	v10 =	vmul.f32 v46, v35  }
0x210: {  	v8 =	vmul.f32 v8, v42;
	v27 =	vsub.f32 $8.269123730e-02, v9;
	v9 =	vmul.f32 v24, v36;
	v45 =	vpop (erf)  }
0x211: {  	v22 =	vsub.f32 $8.269123730e-02, v22;
	v24 =	vmul.f32 $1.741407810e-02, v45;
	v23 =	vmul.f32 v23, v38  }
0x212: {  	v30 =	vadd.f32 $-1.903543320e-01, v8;
	v27 =	vmul.f32 v27, v43;
	v8 =	vmul.f32 v47, v37  }
0x213: {  	v22 =	vmul.f32 v22, v44;
	v24 =	vsub.f32 $8.269123730e-02, v24;
	v23 =	vadd.f32 $3.157473210e-01, v23;
	v46 =	vpop (erf)  }
0x214: {  	v30 =	vmul.f32 v30, v42;
	v27 =	vadd.f32 $-1.903543320e-01, v27;
	v33 =	vmul.f32 $1.741407810e-02, v46;
	v47 =	vpop (erf)  }
0x215: {  	v22 =	vadd.f32 $-1.903543320e-01, v22;
	v34 =	vmul.f32 $1.741407810e-02, v47;
	v23 =	vmul.f32 v23, v38  }
0x216: {  	v27 =	vmul.f32 v27, v43;
	v24 =	vmul.f32 v24, v45;
	v33 =	vsub.f32 $8.269123730e-02, v33;
	v48 =	vpop (erf)  }
0x217: {  	v34 =	vsub.f32 $8.269123730e-02, v34;
	v35 =	vmul.f32 $1.741407810e-02, v48;
	v23 =	vadd.f32 $-4.973732230e-01, v23  }
0x218: {  	s26 =	sadd.s32 $0x80, s26;
	v36 =	vmul.f32 v22, v44;
	v24 =	vadd.f32 $-1.903543320e-01, v24;
	v33 =	vmul.f32 v33, v46  }
0x219: {  	v34 =	vmul.f32 v34, v47;
	v35 =	vsub.f32 $8.269123730e-02, v35;
	v37 =	vld [tilespmem:s26+$0x0];
	v40 =	vmul.f32 v23, v38  }
0x21a: {  	v41 =	vadd.f32 $3.157473210e-01, v30;
	v30 =	vmul.f32 v24, v45;
	v22 =	vld [tilespmem:s26+$0xFFFFFF90];
	v33 =	vadd.f32 $-1.903543320e-01, v33  }
0x21b: {  	v23 =	vld [tilespmem:s26+$0xFFFFFFA0];
	v34 =	vadd.f32 $-1.903543320e-01, v34;
	v35 =	vmul.f32 v35, v48;
	v40 =	vadd.f32 $9.998477100e-01, v40  }
0x21c: {  	s25 =	sadd.s32 $0x80, s25;
	v49 =	vadd.f32 $3.157473210e-01, v27;
	v36 =	vadd.f32 $3.157473210e-01, v36;
	v24 =	vld [tilespmem:s26+$0xFFFFFFB0];
	v33 =	vmul.f32 v33, v46  }
0x21d: {  	v34 =	vmul.f32 v34, v47;
	v35 =	vadd.f32 $-1.903543320e-01, v35;
	v50 =	vld [tilespmem:s25+$0x0];
	v38 =	vmul.f32 v40, v38  }
0x21e: {  	v40 =	vadd.f32 $3.157473210e-01, v30;
	v27 =	vld [tilespmem:s26+$0xFFFFFFC0];
	v51 =	vadd.f32 $3.157473210e-01, v33;
	vm0 =	veq.s32 v37, $0x1  }
0x21f: {  	v30 =	vld [tilespmem:s26+$0xFFFFFFD0];
	v35 =	vmul.f32 v35, v48;
	v38 =	vadd.f32 $1.472065040e-06, v38;
	v33 =	vsel vm0, v31, v39  }
0x220: {  	v39 =	vmul.f32 v41, v42;
	v41 =	vadd.f32 $3.157473210e-01, v34;
	v31 =	vld [tilespmem:s26+$0xFFFFFFE0];
	v34 =	vmax.f32 v33, $0.0e+00  }
0x221: {  	vm0 =	veq.s32 v37, $0xFFFFFFFF;
	v33 =	vld [tilespmem:s26+$0xFFFFFFF0];
	v52 =	vadd.f32 $3.157473210e-01, v35;
	v38 =	vadd.f32 v38, v34  }
0x222: {  	v37 =	vmul.f32 v49, v43;
	v49 =	vmul.f32 v36, v44;
	v35 =	vld [tilespmem:s25+$0xFFFFFF90];
	v36 =	vsel vm0, $0x0, v50  }
0x223: {  	v40 =	vmul.f32 v40, v45;
	v39 =	vadd.f32 $-4.973732230e-01, v39;
	v34 =	vld [tilespmem:s25+$0xFFFFFFA0];
	v38 =	vmul.f32 v38, v36  }
0x224: {  	v51 =	vmul.f32 v51, v46;
	v53 =	vmul.f32 v41, v47;
	v50 =	vadd.f32 $-4.973732230e-01, v37;
	v36 =	vld [tilespmem:s25+$0xFFFFFFB0]  }
0x225: {  	v49 =	vadd.f32 $-4.973732230e-01, v49;
	v52 =	vmul.f32 v52, v48;
	v37 =	vld [tilespmem:s25+$0xFFFFFFC0];
	v7 =	vadd.f32 v38, v7  }
0x226: {  	v40 =	vadd.f32 $-4.973732230e-01, v40;
	v51 =	vadd.f32 $-4.973732230e-01, v51;
	v39 =	vmul.f32 v39, v42;
	v41 =	vld [tilespmem:s25+$0xFFFFFFD0]  }
0x227: {  	v53 =	vadd.f32 $-4.973732230e-01, v53;
	v50 =	vmul.f32 v50, v43;
	v52 =	vadd.f32 $-4.973732230e-01, v52;
	v38 =	vld [tilespmem:s25+$0xFFFFFFE0]  }
0x228: {  	v49 =	vmul.f32 v49, v44;
	v54 =	vmul.f32 v40, v45;
	v39 =	vadd.f32 $9.998477100e-01, v39;
	v40 =	vld [tilespmem:s25+$0xFFFFFFF0]  }
0x229: {  	v51 =	vmul.f32 v51, v46;
	v53 =	vmul.f32 v53, v47;
	v50 =	vadd.f32 $9.998477100e-01, v50  }
0x22a: {  	v49 =	vadd.f32 $9.998477100e-01, v49;
	v54 =	vadd.f32 $9.998477100e-01, v54;
	v52 =	vmul.f32 v52, v48  }
0x22b: {  	v39 =	vmul.f32 v39, v42;
	v42 =	vadd.f32 $9.998477100e-01, v51;
	v51 =	vadd.f32 $9.998477100e-01, v53  }
0x22c: {  	v49 =	vmul.f32 v49, v44;
	v43 =	vmul.f32 v50, v43;
	v44 =	vadd.f32 $9.998477100e-01, v52  }
0x22d: {  	vm1 =	veq.s32 v22, $0x1;
	v50 =	vmul.f32 v54, v45;
	v46 =	vmul.f32 v42, v46  }
0x22e: {  	vm2 =	veq.s32 v23, $0x1;
	v47 =	vmul.f32 v51, v47;
	v48 =	vmul.f32 v44, v48  }
0x22f: {  	vm3 =	veq.s32 v24, $0x1;
	vm4 =	veq.s32 v27, $0x1;
	vm5 =	veq.s32 v30, $0x1  }
.Ltmp1:
0x230: {  	vm6 =	veq.s32 v31, $0x1;
	vm0 =	veq.s32 v33, $0x1;
	v42 =	vadd.f32 $1.472065040e-06, v39;
	(pc) =	sbr.rel @p0 .LBB2_4-.Ltmp1, $4  }
0x231: {  	v43 =	vadd.f32 $1.472065040e-06, v43;
	v44 =	vsel vm1, v17, v15;
	v15 =	vadd.f32 $1.472065040e-06, v49  }
0x232: {  	s28 =	sadd.s32 $0x800, s28;
	v45 =	vsel vm2, v20, v16;
	v17 =	vadd.f32 $1.472065040e-06, v50;
	v16 =	vadd.f32 $1.472065040e-06, v46  }
0x233: {  	s4 =	sand.u32 $0x700, s31;
	s3 =	sand.u32 $0x3800, s28;
	v46 =	vsel vm3, v21, v18;
	v21 =	vadd.f32 $1.472065040e-06, v47;
	v18 =	vadd.f32 $1.472065040e-06, v48  }
0x234: {  	s31 =	sadd.s32 $0x20, s31;
	s3 =	sor.u32 s4, s3;
	v20 =	vsel vm4, v25, v19;
	v25 =	vsel vm5, v28, v26;
	v19 =	vsel vm6, v32, v29  }
0x235: {  	v28 =	vmax.f32 v44, $0.0e+00  }
0x236: {  	v26 =	vld [tilespmem:s3+$0x8070];
	v29 =	vmax.f32 v45, $0.0e+00;
	v13 =	vsel vm0, v14, v13;
	v32 =	vmax.f32 v46, $0.0e+00  }
0x237: {  	v60 =	vld [tilespmem:s3+$0x80F0];
	v20 =	vmax.f32 v20, $0.0e+00;
	v25 =	vmax.f32 v25, $0.0e+00;
	v19 =	vmax.f32 v19, $0.0e+00  }
0x238: {  	v39 =	vld [tilespmem:s3+$0x8000];
	vm14 =	veq.s32 v22, $0xFFFFFFFF;
	vm1 =	veq.s32 v23, $0xFFFFFFFF;
	vm2 =	veq.s32 v24, $0xFFFFFFFF  }
0x239: {  	v61 =	vld [tilespmem:s3+$0x8080];
	vm3 =	veq.s32 v27, $0xFFFFFFFF;
	v4 =	vadd.f32 v11, v4;
	v3 =	vadd.f32 v12, v3  }
0x23a: {  	v62 =	vld [tilespmem:s3+$0x8010];
	vm4 =	veq.s32 v30, $0xFFFFFFFF;
	v2 =	vadd.f32 v10, v2;
	v1 =	vadd.f32 v9, v1  }
0x23b: {  	v63 =	vld [tilespmem:s3+$0x8090];
	vm15 =	veq.s32 v31, $0xFFFFFFFF;
	v0 =	vadd.f32 v8, v0;
	v42 =	vadd.f32 v42, v28  }
0x23c: {  	v48 =	vld [tilespmem:s3+$0x8020];
	vm5 =	veq.s32 v33, $0xFFFFFFFF;
	v29 =	vadd.f32 v43, v29;
	v32 =	vadd.f32 v15, v32  }
0x23d: {  	v49 =	vld [tilespmem:s3+$0x80A0];
	v13 =	vmax.f32 v13, $0.0e+00;
	v43 =	vadd.f32 v17, v20;
	v23 =	vadd.f32 v16, v25  }
0x23e: {  	v51 =	vld [tilespmem:s3+$0x8030];
	v45 =	vadd.f32 v21, v19;
	v50 =	vsel vm14, $0x0, v35;
	v28 =	vsub.f32 v60, v26  }
0x23f: {  	v57 =	vld [tilespmem:s3+$0x80B0];
	v52 =	vsel vm1, $0x0, v34;
	v31 =	vsel vm2, $0x0, v36;
	v46 =	vadd.f32 v18, v13  }
0x240: {  	v58 =	vld [tilespmem:s3+$0x8040];
	v33 =	vsel vm3, $0x0, v37;
	v13 =	vsub.f32 v61, v39;
	v27 =	vsub.f32 $0.0e+00, v28  }
0x241: {  	v53 =	vld [tilespmem:s3+$0x80D0];
	v34 =	vsel vm4, $0x0, v41;
	v44 =	vsel vm15, $0x0, v38;
	v14 =	vsub.f32 v63, v62  }
0x242: {  	v55 =	vld [tilespmem:s3+$0x8060];
	v40 =	vsel vm5, $0x0, v40;
	v15 =	vsub.f32 $0.0e+00, v13;
	v59 =	vmin.f32 v28, v27  }
0x243: {  	v56 =	vld [tilespmem:s3+$0x80E0];
	v8 =	vmul.f32 v32, v31;
	v17 =	vsub.f32 $0.0e+00, v14;
	v61 =	vmul.f32 $1.442695020e+00, v59  }
0x244: {  	v9 =	vmul.f32 v43, v33;
	v60 =	vld [tilespmem:s3+$0x80C0];
	v16 =	vsub.f32 v49, v48;
	v62 =	vmin.f32 v13, v15  }
0x245: {  	v63 =	vld [tilespmem:s3+$0x8050];
	v54 =	vmin.f32 v14, v17;
	v35 =	vmul.f32 $1.442695020e+00, v62;
	(erf) = vpow2.f32 v61  }
0x246: {  	v10 =	vmul.f32 v23, v34;
	v18 =	vsub.f32 v57, v51;
	v25 =	vmul.f32 $1.442695020e+00, v54  }
0x247: {  	v23 =	vmul.f32 v45, v44;
	v19 =	vsub.f32 $0.0e+00, v16;
	(erf) = vpow2.f32 v35  }
0x248: {  	v12 =	vsub.f32 v56, v55;
	v20 =	vsub.f32 $0.0e+00, v18;
	(erf) = vpow2.f32 v25  }
0x249: {  	v26 =	vmul.f32 v42, v50;
	v57 =	vmin.f32 v16, v19;
	v21 =	vsub.f32 v60, v58  }
0x24a: {  	v58 =	vmul.f32 $1.442695020e+00, v57;
	v59 =	vmin.f32 v18, v20;
	v11 =	vsub.f32 v53, v63  }
0x24b: {  	v50 =	vmul.f32 v29, v52;
	v22 =	vsub.f32 $0.0e+00, v21;
	v25 =	vmul.f32 $1.442695020e+00, v59  }
0x24c: {  	v4 =	vadd.f32 v8, v4;
	v24 =	vsub.f32 $0.0e+00, v11;
	(erf) = vpow2.f32 v58  }
0x24d: {  	v60 =	vmin.f32 v21, v22;
	(erf) = vpow2.f32 v25;
	v25 =	vsub.f32 $0.0e+00, v12  }
0x24e: {  	s26 =	sadd.s32 $0x80, s26;
	v3 =	vadd.f32 v9, v3;
	v62 =	vmin.f32 v11, v24;
	v61 =	vmul.f32 $1.442695020e+00, v60;
	v63 =	vpop (erf)  }
0x24f: {  	v47 =	vmul.f32 $1.442695020e+00, v62;
	v62 =	vld [tilespmem:s26+$0x0];
	v49 =	vmin.f32 v12, v25;
	v48 =	vmul.f32 $1.741407810e-02, v63  }
0x250: {  	v2 =	vadd.f32 v10, v2;
	v51 =	vmul.f32 $1.442695020e+00, v49;
	(erf) = vpow2.f32 v61;
	v29 =	vpop (erf)  }
0x251: {  	(erf) = vpow2.f32 v47;
	v52 =	vmul.f32 $1.741407810e-02, v29;
	v31 =	vpop (erf);
	v35 =	vsub.f32 $8.269123730e-02, v48  }
0x252: {  	s28 =	sadd.s32 $0x80, s25;
	v1 =	vadd.f32 v23, v1;
	(erf) = vpow2.f32 v51;
	v55 =	vmul.f32 $1.741407810e-02, v31  }
0x253: {  	v5 =	vadd.f32 v26, v5;
	v48 =	vld [tilespmem:s28+$0x0];
	v54 =	vsub.f32 $8.269123730e-02, v52;
	v53 =	vmul.f32 v35, v63  }
0x254: {  	v6 =	vadd.f32 v50, v6;
	vm8 =	veq.s32 v62, $0x1;
	v32 =	vsub.f32 $8.269123730e-02, v55  }
0x255: {  	v27 =	vsel vm8, v27, v28;
	v30 =	vmul.f32 v54, v29;
	v26 =	vadd.f32 $-1.903543320e-01, v53  }
0x256: {  	vm9 =	veq.s32 v62, $0xFFFFFFFF;
	v27 =	vmax.f32 v27, $0.0e+00;
	v35 =	vpop (erf);
	v32 =	vmul.f32 v32, v31  }
0x257: {  	v56 =	vmul.f32 $1.741407810e-02, v35;
	v34 =	vpop (erf);
	v30 =	vadd.f32 $-1.903543320e-01, v30;
	v57 =	vmul.f32 v26, v63  }
0x258: {  	v51 =	vsel vm9, $0x0, v48;
	v58 =	vmul.f32 $1.741407810e-02, v34;
	v26 =	vmul.f32 v46, v40  }
0x259: {  	v39 =	vpop (erf);
	v32 =	vadd.f32 $-1.903543320e-01, v32;
	v33 =	vsub.f32 $8.269123730e-02, v56;
	v30 =	vmul.f32 v30, v29  }
0x25a: {  	v59 =	vmul.f32 $1.741407810e-02, v39;
	v41 =	vpop (erf);
	v37 =	vadd.f32 $3.157473210e-01, v57;
	v38 =	vsub.f32 $8.269123730e-02, v58  }
0x25b: {  	v60 =	vmul.f32 $1.741407810e-02, v41;
	v43 =	vpop (erf);
	v32 =	vmul.f32 v32, v31;
	v0 =	vadd.f32 v26, v0  }
0x25c: {  	v56 =	vld [tilespmem:s26+$0xFFFFFFA0];
	v33 =	vmul.f32 v33, v35;
	v40 =	vsub.f32 $8.269123730e-02, v59;
	v61 =	vmul.f32 $1.741407810e-02, v43  }
0x25d: {  	v57 =	vld [tilespmem:s26+$0xFFFFFFB0];
	v30 =	vadd.f32 $3.157473210e-01, v30;
	v37 =	vmul.f32 v37, v63;
	v42 =	vsub.f32 $8.269123730e-02, v60  }
0x25e: {  	v58 =	vld [tilespmem:s26+$0xFFFFFFC0];
	v38 =	vmul.f32 v38, v34;
	v32 =	vadd.f32 $3.157473210e-01, v32;
	v33 =	vadd.f32 $-1.903543320e-01, v33  }
0x25f: {  	v40 =	vmul.f32 v40, v39;
	v44 =	vsub.f32 $8.269123730e-02, v61;
	v30 =	vmul.f32 v30, v29  }
0x260: {  	v59 =	vld [tilespmem:s26+$0xFFFFFFD0];
	v37 =	vadd.f32 $-4.973732230e-01, v37;
	v38 =	vadd.f32 $-1.903543320e-01, v38;
	v42 =	vmul.f32 v42, v41  }
0x261: {  	v32 =	vmul.f32 v32, v31;
	vm11 =	veq.s32 v56, $0x1;
	v33 =	vmul.f32 v33, v35  }
0x262: {  	v40 =	vadd.f32 $-1.903543320e-01, v40;
	v44 =	vmul.f32 v44, v43;
	v30 =	vadd.f32 $-4.973732230e-01, v30  }
0x263: {  	vm12 =	veq.s32 v57, $0x1;
	vm13 =	veq.s32 v58, $0x1;
	v14 =	vsel vm11, v17, v14  }
0x264: {  	v60 =	vld [tilespmem:s26+$0xFFFFFFE0];
	vm11 =	veq.s32 v57, $0xFFFFFFFF;
	v37 =	vmul.f32 v37, v63;
	v42 =	vadd.f32 $-1.903543320e-01, v42  }
0x265: {  	v38 =	vmul.f32 v38, v34;
	v32 =	vadd.f32 $-4.973732230e-01, v32;
	vm14 =	veq.s32 v59, $0x1  }
0x266: {  	v61 =	vld [tilespmem:s26+$0xFFFFFFF0];
	v16 =	vsel vm12, v19, v16;
	v18 =	vsel vm13, v20, v18;
	v14 =	vmax.f32 v14, $0.0e+00  }
0x267: {  	vm12 =	veq.s32 v58, $0xFFFFFFFF;
	vm13 =	veq.s32 v59, $0xFFFFFFFF;
	v33 =	vadd.f32 $3.157473210e-01, v33  }
0x268: {  	v40 =	vmul.f32 v40, v39;
	v44 =	vadd.f32 $-1.903543320e-01, v44;
	v54 =	vmul.f32 v30, v29  }
0x269: {  	vm15 =	veq.s32 v60, $0x1;
	v16 =	vmax.f32 v16, $0.0e+00;
	v18 =	vmax.f32 v18, $0.0e+00  }
0x26a: {  	v37 =	vadd.f32 $9.998477100e-01, v37;
	v38 =	vadd.f32 $3.157473210e-01, v38;
	v32 =	vmul.f32 v32, v31  }
0x26b: {  	vm6 =	veq.s32 v61, $0x1;
	v11 =	vsel vm15, v24, v11;
	vm15 =	veq.s32 v61, $0xFFFFFFFF  }
0x26c: {  	v44 =	vmul.f32 v44, v43;
	v49 =	vadd.f32 $3.157473210e-01, v40;
	v33 =	vmul.f32 v33, v35  }
0x26d: {  	v12 =	vsel vm6, v25, v12;
	v11 =	vmax.f32 v11, $0.0e+00;
	v36 =	vmul.f32 v37, v63  }
0x26e: {  	v63 =	vmul.f32 v42, v41;
	v38 =	vmul.f32 v38, v34;
	v32 =	vadd.f32 $9.998477100e-01, v32  }
0x26f: {  	v40 =	vld [tilespmem:s26+$0xFFFFFF90];
	v12 =	vmax.f32 v12, $0.0e+00;
	v50 =	vadd.f32 $3.157473210e-01, v44;
	v28 =	vmul.f32 v49, v39  }
0x270: {  	v33 =	vadd.f32 $-4.973732230e-01, v33;
	v49 =	vsel vm14, v22, v21;
	v36 =	vadd.f32 $1.472065040e-06, v36  }
0x271: {  	vm14 =	veq.s32 v60, $0xFFFFFFFF;
	v37 =	vadd.f32 $3.157473210e-01, v63;
	v55 =	vadd.f32 $-4.973732230e-01, v38  }
0x272: {  	v31 =	vmul.f32 v32, v31;
	v20 =	vmax.f32 v49, $0.0e+00;
	v53 =	vmul.f32 v50, v43  }
0x273: {  	v48 =	vld [tilespmem:s28+$0xFFFFFFA0];
	v28 =	vadd.f32 $-4.973732230e-01, v28;
	v33 =	vmul.f32 v33, v35;
	v27 =	vadd.f32 v36, v27  }
0x274: {  	v52 =	vmul.f32 v37, v41;
	v30 =	vmul.f32 v55, v34;
	vm10 =	veq.s32 v40, $0x1  }
0x275: {  	vm9 =	veq.s32 v40, $0xFFFFFFFF;
	v37 =	vadd.f32 $-4.973732230e-01, v53;
	v28 =	vmul.f32 v28, v39  }
0x276: {  	v50 =	vld [tilespmem:s28+$0xFFFFFFB0];
	v33 =	vadd.f32 $9.998477100e-01, v33;
	v13 =	vsel vm10, v15, v13;
	vm10 =	veq.s32 v56, $0xFFFFFFFF  }
0x277: {  	v27 =	vmul.f32 v27, v51;
	v36 =	vadd.f32 $-4.973732230e-01, v52;
	v30 =	vadd.f32 $9.998477100e-01, v30  }
0x278: {  	v53 =	vld [tilespmem:s28+$0xFFFFFFE0];
	v13 =	vmax.f32 v13, $0.0e+00;
	v57 =	vsel vm10, $0x0, v48;
	v37 =	vmul.f32 v37, v43  }
0x279: {  	v28 =	vadd.f32 $9.998477100e-01, v28;
	v62 =	vmul.f32 v33, v35;
	v7 =	vadd.f32 v27, v7  }
0x27a: {  	v51 =	vld [tilespmem:s28+$0xFFFFFFC0];
	v27 =	vadd.f32 $9.998477100e-01, v54;
	v36 =	vmul.f32 v36, v41;
	v30 =	vmul.f32 v30, v34  }
0x27b: {  	v52 =	vld [tilespmem:s28+$0xFFFFFFD0];
	v21 =	vsel vm11, $0x0, v50;
	v63 =	vadd.f32 $9.998477100e-01, v37;
	v28 =	vmul.f32 v28, v39  }
0x27c: {  	v37 =	vadd.f32 $1.472065040e-06, v31;
	v39 =	vadd.f32 $1.472065040e-06, v62;
	v27 =	vmul.f32 v27, v29  }
0x27d: {  	v54 =	vld [tilespmem:s28+$0xFFFFFFF0];
	v36 =	vadd.f32 $9.998477100e-01, v36;
	v25 =	vsel vm14, $0x0, v53;
	v28 =	vadd.f32 $1.472065040e-06, v28  }
0x27e: {  	v33 =	vmul.f32 v63, v43;
	v14 =	vadd.f32 v37, v14;
	v16 =	vadd.f32 v39, v16  }
0x27f: {  	v43 =	vld [tilespmem:s28+$0xFFFFFF90];
	v22 =	vsel vm12, $0x0, v51;
	v36 =	vmul.f32 v36, v41;
	v27 =	vadd.f32 $1.472065040e-06, v27  }
0x280: {  	v24 =	vsel vm13, $0x0, v52;
	v41 =	vadd.f32 $1.472065040e-06, v30;
	v33 =	vadd.f32 $1.472065040e-06, v33  }
0x281: {  	v55 =	vadd.f32 v28, v20;
	v59 =	vmul.f32 v14, v57;
	v47 =	vadd.f32 $1.472065040e-06, v36  }
0x282: {  	v15 =	vsel vm15, $0x0, v54;
	v13 =	vadd.f32 v27, v13;
	v17 =	vadd.f32 v41, v18  }
0x283: {  	v60 =	vmul.f32 v16, v21;
	v12 =	vadd.f32 v33, v12;
	v6 =	vadd.f32 v59, v6  }
0x284: {  	v62 =	vmul.f32 v55, v24;
	v11 =	vadd.f32 v47, v11;
	v56 =	vsel vm9, $0x0, v43  }
0x285: {  	v4 =	vadd.f32 v60, v4;
	v61 =	vmul.f32 v17, v22;
	v58 =	vmul.f32 v13, v56  }
0x286: {  	v12 =	vmul.f32 v12, v15;
	v2 =	vadd.f32 v62, v2;
	v11 =	vmul.f32 v11, v25  }
0x287: {  	v3 =	vadd.f32 v61, v3;
	v5 =	vadd.f32 v58, v5  }
0x288: {  	v0 =	vadd.f32 v12, v0;
	v1 =	vadd.f32 v11, v1  }
0x289: {  	v3 =	vadd.f32 v3, v4;
	v5 =	vadd.f32 v6, v5  }
0x28a: {  	v0 =	vadd.f32 v7, v0;
	v1 =	vadd.f32 v1, v2;
	_ =	sdelay $0x1  }
0x28b: {  	v63 =	vadd.f32 v3, v5;
	v0 =	vadd.f32 v0, v1;
	_ =	sdelay $0x1  }
0x28c: {  	s1 =	sadd.s32 $0x1, s1;
	v0 =	vadd.f32 v0, v63  }
0x28d: {  	p0 =	sne.s32 s1, s24  }
.Ltmp2:
0x28e: {  	s31 =	simm.s32 $0x10000;
	[tilespmem:$0x10000] =	vst v0;
	(pc) =	sbr.rel @p0 .LBB2_1-.Ltmp2, $4  }
0x28f: {  	[hbm4b:s23+s2] =	stream.linear.scatter [tilespmem:s31], [sflag:$0x3], $0x10, $0x38;
	[tilespmem:$0x10080] =	vst v63  }
0x290: {  	_ =	swait.ge [sflag:s0], $0x10  }
0x291: {  	[sflag:s0] =	ssyncset.done $0x0  }
0x292: {  	[sflag:s0] =	ssyncadd.s32 $0xFFFFFFF0  }
0x293: {  	_ =	sfence.sel $0x180000  }
0x294: {  	[bflag:$0x0] =	sbarrier.arrive $0xFFFF  }
0x295: {  	_ =	strace $0x90000047  }
0x296: {  	s0 =	stileid.u32;
	[bflag:$0x2] =	sbarrier.arrive $0xFFFF  }
0x297: {  	p0 =	sne.s32 s0, $0x0;
	s0 =	rddreg [dreg:$0x4]  }
0x298: {  	s0 =	sadd.s32 @!p0 $0x100000, s0  }
0x299: {  	[sflag:s0] =	ssyncadd.tile.s32 @!p0 $0x1;
	_ =	shalt  }
.Lfunc_end2:
_tile_overlayer_lowered:
.L_overlay_start_2:
0x29a: {  	(tag) =	ssettag $0x2  }
0x29b: {  	s0 =	rddreg [dreg:$0x0];
	s2 =	stileid.u32  }
0x29c: {  	s1 =	rddreg [dreg:$0x1];
	p0 =	sne.s32 s2, $0x0  }
0x29d: {  	s3 =	rddreg [dreg:$0x2];
	[bflag:$0x3] =	sbarrier.arrive $0xFFFF;
	s2 =	simm.s32 @!p0 $0x1C04  }
0x29e: {  	[timem:s3], [sflag:s2] =	dma.local @!p0 [hbm:s0], s1  }
0x29f: {  	s0 =	simm.s32 @!p0 $0x4  }
0x2a0: {  	_ =	swait.ge @!p0 [sflag:s0], s1  }
0x2a1: {  	s1 =	ssub.s32 @!p0 $0x0, s1;
	[sflag:s0] =	ssyncset.done @!p0 $0x0  }
0x2a2: {  	[sflag:s0] =	ssyncadd.s32 @!p0 s1  }
0x2a3: {  	[bflag:$0x3] =	sbarrier.arrive $0xFFFF  }
0x2a4: {  	_ =	shalt  }

</sc_bundles>
